<compile_context>
chip_gen: v7x
topology: tpu7x:2x2x1
jax: 0.10.2.dev20260603
libtpu: 0.0.44.dev20260713+nightly
codegen_flags: <defaults>
</compile_context>

<pallas_src>
import functools
import math

import jax
import jax.numpy as jnp
import numpy as np
from jax import lax
from jax.experimental import pallas as pl
from jax.experimental.pallas import tpu as pltpu
from jax.experimental.pallas import tpu_sc as plsc

_B = 8
_N = 4096
_S = 1024
_K = 32
_D = 128
_W = 256
_XO = 128
_OUT_DIM = 256
_IN_DIM = 3
_SIGMA = 0.26
_BASELINE = 0.1
_SCALING = 10.0
_EPS = 1e-06
_PAD = 16

_fd = math.ceil(_OUT_DIM / _IN_DIM)
_FEAT_NUM = _fd * _IN_DIM
_OUT_IDX_NP = np.linspace(0, _FEAT_NUM - 1, _OUT_DIM).astype(np.int32)
_FEAT_VAL_NP = np.linspace(-1.0, 1.0, _fd + 2)[1:-1].astype(np.float32)
_SELID_NP = (_OUT_IDX_NP // _fd).astype(np.int32).reshape(1, _OUT_DIM)
_FVSEL_NP = _FEAT_VAL_NP[_OUT_IDX_NP % _fd].astype(np.float32).reshape(1, _OUT_DIM)
_SEL01_NP = np.zeros((_PAD, _OUT_DIM), np.float32)
_SEL01_NP[_SELID_NP[0], np.arange(_OUT_DIM)] = 1.0


def _fps_body(xs_ref, ys_ref, zs_ref, idx_ref):
    xs = xs_ref[...]
    ys = ys_ref[...]
    zs = zs_ref[...]
    lane = lax.broadcasted_iota(jnp.int32, (_B, _N), 1)
    lane_s = lax.broadcasted_iota(jnp.int32, (_B, _S), 1)
    rowoff = lax.broadcasted_iota(jnp.int32, (_B, _S), 0) * _N

    def step(t, carry):
        dist, far, acc = carry
        acc = jnp.where(lane_s == t, jnp.broadcast_to(far, (_B, _S)), acc)
        oh = lane == far
        cx = jnp.sum(jnp.where(oh, xs, 0.0), axis=1, keepdims=True)
        cy = jnp.sum(jnp.where(oh, ys, 0.0), axis=1, keepdims=True)
        cz = jnp.sum(jnp.where(oh, zs, 0.0), axis=1, keepdims=True)
        dx = xs - cx
        dy = ys - cy
        dz = zs - cz
        d = (dx * dx + dy * dy) + dz * dz
        dist = jnp.minimum(dist, d)
        far = jnp.argmax(dist, axis=1).astype(jnp.int32)[:, None]
        return dist, far, acc

    dist0 = xs * 0.0 + 1e10
    far0 = (xs[:, 0:1] * 0.0).astype(jnp.int32)
    acc0 = (xs[:, :_S] * 0.0).astype(jnp.int32)
    _, _, acc = lax.fori_loop(0, _S, step, (dist0, far0, acc0))
    idx_ref[...] = acc + rowoff


def _fps_call(xs, ys, zs):
    return pl.pallas_call(
        _fps_body,
        out_shape=jax.ShapeDtypeStruct((_B, _S), jnp.int32),
    )(xs, ys, zs)


_TQ = 256


def _knn_body(samp_ref, pt_ref, idx_ref):
    b = pl.program_id(0)
    q = samp_ref[:, _XO:_XO + _PAD]
    p = pt_ref[0]
    mm = lax.dot_general(q, p, (((1,), (0,)), ((), ())),
                         preferred_element_type=jnp.float32)
    qx = q[:, 0:1]
    qy = q[:, 1:2]
    qz = q[:, 2:3]
    qn = (qx * qx + qy * qy) + qz * qz
    px = p[0:1, :]
    py = p[1:2, :]
    pz = p[2:3, :]
    pn = (px * px + py * py) + pz * pz
    d = (-2.0 * mm + qn) + pn

    lane = lax.broadcasted_iota(jnp.int32, (_TQ, _N), 1)
    lane_k = lax.broadcasted_iota(jnp.int32, (_TQ, _K), 1)
    boff = b * _N
    acc = jnp.zeros((_TQ, _K), jnp.int32)
    for k in range(_K):
        il = jnp.argmin(d, axis=1).astype(jnp.int32)[:, None]
        acc = jnp.where(lane_k == k, jnp.broadcast_to(il + boff, (_TQ, _K)), acc)
        d = jnp.where(lane == il, jnp.inf, d)
    idx_ref[0] = jnp.transpose(acc)


def _knn_call(samp, pt):
    grid = (_B, _S // _TQ)
    return pl.pallas_call(
        _knn_body,
        grid=grid,
        in_specs=[
            pl.BlockSpec((_TQ, _W), lambda b, st: (b * (_S // _TQ) + st, 0)),
            pl.BlockSpec((1, _PAD, _N), lambda b, st: (b, 0, 0)),
        ],
        out_specs=pl.BlockSpec((1, _K, _TQ), lambda b, st: (b, 0, st)),
        out_shape=jax.ShapeDtypeStruct((_B, _K, _S), jnp.int32),
    )(samp, pt)


_NC = 2
_NS = 16
_NW = _NC * _NS


def _sc_gather_call(tbl, idx_flat):
    n = idx_flat.shape[0]
    per_w = n // _NW
    chunks = per_w // 128
    mesh = plsc.VectorSubcoreMesh(core_axis_name="c", subcore_axis_name="s")

    @functools.partial(
        pl.kernel,
        out_type=jax.ShapeDtypeStruct((n, _W), jnp.float32),
        mesh=mesh,
        scratch_types=[
            pltpu.VMEM((128,), jnp.int32),
            pltpu.VMEM((128,), jnp.int32),
            pltpu.VMEM((128, _W), jnp.float32),
            pltpu.VMEM((128, _W), jnp.float32),
            pltpu.SemaphoreType.DMA,
            pltpu.SemaphoreType.DMA,
            pltpu.SemaphoreType.DMA,
            pltpu.SemaphoreType.DMA,
        ],
    )
    def k(tbl_hbm, idx_hbm, out_hbm, idx_a, idx_b, rows_a, rows_b,
          sem_a, sem_b, osem_a, osem_b):
        wid = lax.axis_index("s") * _NC + lax.axis_index("c")
        idx_v = (idx_a, idx_b)
        rows_v = (rows_a, rows_b)
        sems = (sem_a, sem_b)
        osems = (osem_a, osem_b)

        def pair(c2, _):
            gathers = []
            for bi in range(2):
                base = wid * per_w + (c2 + bi) * 128
                pltpu.sync_copy(idx_hbm.at[pl.ds(base, 128)], idx_v[bi])
                gathers.append(
                    pltpu.async_copy(tbl_hbm.at[idx_v[bi]], rows_v[bi], sems[bi]))
            outs = []
            for bi in range(2):
                base = wid * per_w + (c2 + bi) * 128
                gathers[bi].wait()
                outs.append(
                    pltpu.async_copy(rows_v[bi], out_hbm.at[pl.ds(base, 128)],
                                     osems[bi]))
            for bi in range(2):
                outs[bi].wait()
            return 0

        lax.fori_loop(0, chunks // 2, lambda i, s: pair(i * 2, s), 0)

    return k(tbl, idx_flat)


_TS = 256


def _stats_body(rk_ref, rs_ref, a_ref, qx_ref, sf_ref, qf_ref):
    st = pl.program_id(1)
    rk = rk_ref[0]
    rs = rs_ref[...]
    xk = rk[:, :, _XO:_XO + _PAD]
    xs = rs[:, _XO:_XO + _PAD]
    fk = rk[:, :, :_D]
    fs = rs[:, :_D]

    xd = xk - xs[None]
    a_part = jnp.sum(xd, axis=1)
    q_part = jnp.sum(xd * xd, axis=1)
    fdiff = fk - fs[None]
    sf_part = jnp.sum(jnp.sum(fdiff, axis=2), axis=1)
    qf_part = jnp.sum(jnp.sum(fdiff * fdiff, axis=2), axis=1)

    @pl.when(st == 0)
    def _():
        a_ref[...] = jnp.zeros_like(a_ref)
        qx_ref[...] = jnp.zeros_like(qx_ref)
        sf_ref[...] = jnp.zeros_like(sf_ref)
        qf_ref[...] = jnp.zeros_like(qf_ref)

    a_ref[...] += a_part[None]
    qx_ref[...] += q_part[None]
    sf_ref[...] += sf_part.reshape(1, 1, _K)
    qf_ref[...] += qf_part.reshape(1, 1, _K)


def _stats_call(rk4, samp):
    grid = (_B, _S // _TS)
    return pl.pallas_call(
        _stats_body,
        grid=grid,
        in_specs=[
            pl.BlockSpec((1, _K, _TS, _W), lambda b, st: (b, 0, st, 0)),
            pl.BlockSpec((_TS, _W), lambda b, st: (b * (_S // _TS) + st, 0)),
        ],
        out_specs=[
            pl.BlockSpec((1, _K, _PAD), lambda b, st: (b, 0, 0)),
            pl.BlockSpec((1, _K, _PAD), lambda b, st: (b, 0, 0)),
            pl.BlockSpec((1, 1, _K), lambda b, st: (b, 0, 0)),
            pl.BlockSpec((1, 1, _K), lambda b, st: (b, 0, 0)),
        ],
        out_shape=[
            jax.ShapeDtypeStruct((_B, _K, _PAD), jnp.float32),
            jax.ShapeDtypeStruct((_B, _K, _PAD), jnp.float32),
            jax.ShapeDtypeStruct((_B, 1, _K), jnp.float32),
            jax.ShapeDtypeStruct((_B, 1, _K), jnp.float32),
        ],
    )(rk4, samp)


_TM = 256


def _erf_approx(x):
    ax = jnp.abs(x)
    t = 1.0 / (1.0 + 0.3275911 * ax)
    poly = t * (0.254829592 + t * (-0.284496736 + t * (1.421413741
        + t * (-1.453152027 + t * 1.061405429))))
    y = 1.0 - poly * jnp.exp(-ax * ax)
    return jnp.sign(x) * y


def _gelu_exact(x):
    return 0.5 * x * (1.0 + _erf_approx(x * np.float32(1.0 / math.sqrt(2.0))))


def _main_body(rk_ref, rs_ref, a_ref, qx_ref, sf_ref, qf_ref,
               fv_ref, sel_ref, o_ref):
    a = a_ref[...]
    qx = qx_ref[...]
    nx = np.float32(_B * _S * _IN_DIM)
    sum_a = jnp.sum(jnp.sum(a, axis=0), axis=1, keepdims=True)
    sum_q = jnp.sum(jnp.sum(qx, axis=0), axis=1, keepdims=True)
    var_x = (sum_q - sum_a * sum_a / nx) / (nx - 1.0)
    std_x = jnp.maximum(jnp.sqrt(jnp.maximum(var_x, 0.0)), 1e-05)
    inv_x = 1.0 / std_x

    sk = np.float32(_S * _K)
    an = a * inv_x[None]
    qn = qx * (inv_x * inv_x)[None]
    sum_bd = jnp.sum(an, axis=1)
    ssq_bd = jnp.sum(qn, axis=1)
    var_bd = (ssq_bd - sum_bd * sum_bd / sk) / (sk - 1.0)
    gs = jnp.sum(jnp.sqrt(jnp.maximum(var_bd, 0.0))) / np.float32(_B * _IN_DIM)
    sigma = _SIGMA * (1.0 + gs)
    r = 1.0 / (sigma + _EPS)
    blend = 1.0 / (1.0 + jnp.exp(-(gs - _BASELINE) * _SCALING))
    one_m_blend = 1.0 - blend

    nf = np.float32(_B * _S * _D)
    sum_f = jnp.sum(sf_ref[...], axis=0)
    sum_qf = jnp.sum(qf_ref[...], axis=0)
    var_f = (sum_qf - sum_f * sum_f / nf) / (nf - 1.0)
    std_f = jnp.maximum(jnp.sqrt(jnp.maximum(var_f, 0.0)), 1e-05)
    inv_f = 1.0 / std_f

    fv = fv_ref[...]
    rs = rs_ref[...]
    fs = rs[:, :_D]
    xs = rs[:, _XO:_XO + _PAD]

    neg_inf = np.float32(-np.inf)
    sel01 = sel_ref[...]
    rfv = fv * r
    mc = sel01 * (one_m_blend * jnp.cos(rfv))
    ms = sel01 * (one_m_blend * jnp.sin(rfv))
    dn = (((1,), (0,)), ((), ()))
    s_acc = [jnp.zeros((_TM, _D), jnp.float32) for _ in range(2)]
    m_acc = [jnp.full((_TM, _D), neg_inf, jnp.float32) for _ in range(2)]
    for k in range(_K):
        row = rk_ref[0, k]
        xn = (row[:, _XO:_XO + _PAD] - xs) * inv_x[k:k + 1, 0:1]
        rx = xn * r
        crx = jnp.cos(rx)
        srx = jnp.sin(rx)
        t = lax.dot_general(rx, sel01, dn,
                            preferred_element_type=jnp.float32) - rfv
        cospart = (lax.dot_general(crx, mc, dn, preferred_element_type=jnp.float32)
                   + lax.dot_general(srx, ms, dn, preferred_element_type=jnp.float32))
        pe_full = blend * jnp.exp(-0.5 * (t * t)) + cospart
        for half in range(2):
            pe = pe_full[:, half * _D:(half + 1) * _D]
            if half == 0:
                fc = (row[:, :_D] - fs) * inv_f[0:1, k:k + 1]
            else:
                fc = fs
            w = (fc + pe) * pe
            s_acc[half] = s_acc[half] + w
            m_acc[half] = jnp.maximum(m_acc[half], w)
    for half in range(2):
        agg = s_acc[half] * np.float32(1.0 / _K) + m_acc[half]
        o_ref[0, :, half * _D:(half + 1) * _D] = _gelu_exact(agg)


def _main_call(rk4, samp, a, qx, sf, qf):
    grid = (_B, _S // _TM)
    fv = jnp.asarray(_FVSEL_NP)
    sel01 = jnp.asarray(_SEL01_NP)
    return pl.pallas_call(
        _main_body,
        grid=grid,
        in_specs=[
            pl.BlockSpec((1, _K, _TM, _W), lambda b, st: (b, 0, st, 0)),
            pl.BlockSpec((_TM, _W), lambda b, st: (b * (_S // _TM) + st, 0)),
            pl.BlockSpec((_B, _K, _PAD), lambda b, st: (0, 0, 0)),
            pl.BlockSpec((_B, _K, _PAD), lambda b, st: (0, 0, 0)),
            pl.BlockSpec((_B, 1, _K), lambda b, st: (0, 0, 0)),
            pl.BlockSpec((_B, 1, _K), lambda b, st: (0, 0, 0)),
            pl.BlockSpec((1, _OUT_DIM), lambda b, st: (0, 0)),
            pl.BlockSpec((_PAD, _OUT_DIM), lambda b, st: (0, 0)),
        ],
        out_specs=pl.BlockSpec((1, _TM, _OUT_DIM), lambda b, st: (b, st, 0)),
        out_shape=jax.ShapeDtypeStruct((_B, _S, _OUT_DIM), jnp.float32),
    )(rk4, samp, a, qx, sf, qf, fv, sel01)


def kernel(xyz, feat):
    xs = xyz[:, :, 0]
    ys = xyz[:, :, 1]
    zs = xyz[:, :, 2]
    xyzp = jnp.pad(xyz, ((0, 0), (0, 0), (0, _PAD - _IN_DIM)))
    pt = jnp.transpose(xyzp, (0, 2, 1))
    tbl = jnp.concatenate(
        [feat, jnp.pad(xyz, ((0, 0), (0, 0), (0, _W - _D - _IN_DIM)))],
        axis=-1).reshape(_B * _N, _W)

    fps_idx = _fps_call(xs, ys, zs)
    samp = _sc_gather_call(tbl, fps_idx.reshape(-1))
    idx_t = _knn_call(samp, pt)
    samp = _sc_gather_call(tbl, fps_idx.reshape(-1))
    idx_t = _knn_call(samp, pt)
    rows_k = _sc_gather_call(tbl, idx_t.reshape(-1))
    rk4 = rows_k.reshape(_B, _K, _S, _W)
    a, qx, sf, qf = _stats_call(rk4, samp)
    return _main_call(rk4, samp, a, qx, sf, qf)

# --- scband reference (transcript-rebuilt; emitter-appended) ---
"""Pipeline reference for scband-adaptive-encoder-cls-91233695301835 (READ-ONLY COPY).

The authoritative reference and input builder live on the scoring server;
editing this copy changes nothing except your own understanding.
"""

import jax, jax.numpy as jnp
import numpy as np
import math

S = 1024
K = 32
OUT_DIM = 256
IN_DIM = 3
SIGMA = 0.26
BASELINE = 0.1
SCALING = 10.0
EPS = 1e-06

_feat_dim = math.ceil(OUT_DIM / IN_DIM)
FEAT_NUM = _feat_dim * IN_DIM
OUT_IDX = np.linspace(0, FEAT_NUM - 1, OUT_DIM).astype(np.int32)
FEAT_VAL = np.linspace(-1.0, 1.0, _feat_dim + 2)[1:-1].reshape(1, -1).astype(np.float32)


def setup_inputs(seed: int = 0):
    key = jax.random.key(seed)
    k1, k2 = jax.random.split(key)
    xyz = jax.random.uniform(k1, (8, 4096, 3), dtype=jnp.float32)
    feat = jax.random.normal(k2, (8, 4096, 128), dtype=jnp.float32)
    return {"xyz": xyz, "feat": feat}


def _index_points(points, idx):
    # points: [B, N, C]; idx: [B, S] or [B, S, K]
    return jax.vmap(lambda p, i: p[i])(points, idx)


def _square_distance(src, dst):
    dist = -2.0 * jnp.matmul(src, jnp.transpose(dst, (0, 2, 1)))
    dist = dist + jnp.sum(src ** 2, -1)[:, :, None]
    dist = dist + jnp.sum(dst ** 2, -1)[:, None, :]
    return dist


def _fps(xyz, s):
    # furthest point sampling, deterministic start at index 0 (matches pointnet2 CUDA op)
    B, N, _ = xyz.shape
    def step(carry, _):
        dist, farthest = carry
        centroid = jnp.take_along_axis(xyz, farthest[:, None, None], axis=1)
        d = jnp.sum((xyz - centroid) ** 2, axis=-1)
        dist = jnp.minimum(dist, d)
        nxt = jnp.argmax(dist, axis=-1).astype(jnp.int32)
        return (dist, nxt), farthest
    init = (jnp.full((B, N), 1e10, dtype=xyz.dtype), jnp.zeros((B,), dtype=jnp.int32))
    (_, _), idxs = jax.lax.scan(step, init, None, length=s)
    return jnp.transpose(idxs)  # [B, S]


def _normalize(center, knn, with_center=True):
    if with_center:
        c = center[:, :, None, :]
        std = jnp.clip(jnp.std(knn - c, axis=(0, 1, 3), keepdims=True, ddof=1), 1e-05, None)
        return (knn - c) / std
    else:
        std = jnp.clip(jnp.std(knn, axis=(0, 1), keepdims=True, ddof=1), 1e-05, None)
        return knn / std


def _adaptive_embed(x):
    # x: [B, S, K, 3]
    B = x.shape[0]
    global_std = jnp.mean(jnp.std(x.reshape(B, -1, IN_DIM), axis=1, ddof=1))
    sigma = SIGMA * (1.0 + global_std)
    blend = jax.nn.sigmoid((global_std - BASELINE) * SCALING)
    fv = jnp.asarray(FEAT_VAL)
    embeds = []
    for i in range(IN_DIM):
        tmp = x[..., i:i + 1] - fv
        rbf = jnp.exp(-0.5 * (tmp / (sigma + EPS)) ** 2)
        cosine = jnp.cos(tmp / (sigma + EPS))
        embeds.append(blend * rbf + (1.0 - blend) * cosine)
    pe = jnp.concatenate(embeds, axis=-1)
    return jnp.take(pe, jnp.asarray(OUT_IDX), axis=-1)


def _forward(xyz, feat):
    fps_idx = _fps(jax.lax.stop_gradient(xyz), S)
    xyz_sampled = _index_points(xyz, fps_idx)
    feat_sampled = _index_points(feat, fps_idx)
    sqr = _square_distance(xyz_sampled, xyz)
    _, idx_knn = jax.lax.top_k(-sqr, K)
    xyz_knn = _index_points(xyz, idx_knn)
    feat_knn = _index_points(feat, idx_knn)
    xyz_knn = _normalize(xyz_sampled, xyz_knn, with_center=True)
    feat_knn = _normalize(feat_sampled, feat_knn, with_center=True)
    b, s, k, d = feat_knn.shape
    feat_knn = jnp.concatenate([feat_knn, jnp.broadcast_to(feat_sampled[:, :, None, :], (b, s, k, d))], axis=-1)
    pe = _adaptive_embed(xyz_knn)
    w = (feat_knn + pe) * pe
    agg = jnp.mean(w, axis=-2) + jnp.max(w, axis=-2)
    return jax.nn.gelu(agg, approximate=False)


def reference(xyz, feat):
    return _forward(xyz, feat)

if __name__ == "__main__":
    import jax
    _d = setup_inputs()
    print(jax.jit(kernel)(*tuple(_d.values())))

</pallas_src>

<mosaic_0001>
#map = affine_map<(d0, d1) -> (0, 0)>
#map1 = affine_map<(d0, d1) -> (0)>
module attributes {stable_mosaic.version = 14 : i64} {
  func.func @k(%arg0: i32, %arg1: i32, %arg2: memref<32768x256xf32, #tpu.memory_space<hbm>>, %arg3: memref<262144xi32, #tpu.memory_space<hbm>>, %arg4: memref<262144x256xf32, #tpu.memory_space<hbm>>, %arg5: memref<128xi32, #tpu.memory_space<vmem>>, %arg6: memref<128xi32, #tpu.memory_space<vmem>>, %arg7: memref<128x256xf32, #tpu.memory_space<vmem>>, %arg8: memref<128x256xf32, #tpu.memory_space<vmem>>, %arg9: memref<!tpu.dma_semaphore, #tpu.memory_space<semaphore_mem>>, %arg10: memref<!tpu.dma_semaphore, #tpu.memory_space<semaphore_mem>>, %arg11: memref<!tpu.dma_semaphore, #tpu.memory_space<semaphore_mem>>, %arg12: memref<!tpu.dma_semaphore, #tpu.memory_space<semaphore_mem>>) attributes {dimension_semantics = [#tpu.dimension_semantics<core_parallel>, #tpu.dimension_semantics<subcore_parallel>], iteration_bounds = array<i64: 2, 16>, scalar_prefetch = 0 : i64, scratch_operands = 8 : i64, tpu.core_type = #tpu.core_type<sc_vector_subcore>, window_params = [{transform_indices = #map}, {transform_indices = #map1}, {transform_indices = #map}]} {
    %mul3A = arith.constant 2 : i32
    %mul3A_0 = arith.muli %arg1, %mul3A : i32
    %add3A = arith.addi %mul3A_0, %arg0 : i32
    %scan3A = arith.constant 0 : i32
    %scan3A_1 = arith.constant 0 : i32
    %scan3A_2 = arith.constant 32 : i32
    %scan3A_3 = arith.addi %scan3A_1, %scan3A_2 : i32
    %scan3A_4 = arith.constant 1 : i32
    %scan3A_5 = scf.for %scan3A_7 = %scan3A_1 to %scan3A_3 step %scan3A_4 iter_args(%scan3A_8 = %scan3A) -> (i32)  : i32 {
      %mul3A_9 = arith.constant 2 : i32
      %mul3A_10 = arith.muli %scan3A_7, %mul3A_9 : i32
      %mul3A_11 = arith.constant 8192 : i32
      %mul3A_12 = arith.muli %add3A, %mul3A_11 : i32
      %add3A_13 = arith.constant 0 : i32
      %add3A_14 = arith.addi %mul3A_10, %add3A_13 : i32
      %mul3A_15 = arith.constant 128 : i32
      %mul3A_16 = arith.muli %add3A_14, %mul3A_15 : i32
      %add3A_17 = arith.addi %mul3A_12, %mul3A_16 : i32
      "tpu.region"() ({
        %run_scoped3A = tpu.sem_alloc : memref<!tpu.dma_semaphore, #tpu.memory_space<semaphore_mem>>
        %dma_start3A_66 = tpu.memref_slice %arg3[%add3A_17] : memref<262144xi32, #tpu.memory_space<hbm>> -> memref<128xi32, #tpu.memory_space<hbm>>
        %dma_start3A_67 = tpu.memref_slice %arg3[%add3A_17] : memref<262144xi32, #tpu.memory_space<hbm>> -> memref<128xi32, #tpu.memory_space<hbm>>
        tpu.enqueue_dma source(%dma_start3A_67 : memref<128xi32, #tpu.memory_space<hbm>>) target(%arg5 : memref<128xi32, #tpu.memory_space<vmem>>) target_semaphore(%run_scoped3A : memref<!tpu.dma_semaphore, #tpu.memory_space<semaphore_mem>>)
        %dma_wait3A_68 = tpu.memref_slice %arg3[%add3A_17] : memref<262144xi32, #tpu.memory_space<hbm>> -> memref<128xi32, #tpu.memory_space<hbm>>
        %dma_wait3A_69 = tpu.memref_slice %arg3[%add3A_17] : memref<262144xi32, #tpu.memory_space<hbm>> -> memref<128xi32, #tpu.memory_space<hbm>>
        tpu.wait_dma2 semaphore(%run_scoped3A : memref<!tpu.dma_semaphore, #tpu.memory_space<semaphore_mem>>) src(%dma_wait3A_69 : memref<128xi32, #tpu.memory_space<hbm>>) dst(%arg5 : memref<128xi32, #tpu.memory_space<vmem>>)
        tpu.yield
      }) : () -> ()
      %dma_start3A = arith.constant 0 : i32
      %dma_start3A_18 = arith.constant 0 : i32
      %dma_start3A_19 = tpu.memref_slice %arg2[%dma_start3A, %dma_start3A_18] : memref<32768x256xf32, #tpu.memory_space<hbm>> -> memref<32768x256xf32, #tpu.memory_space<hbm>>
      tpu.enqueue_indirect_dma source(%dma_start3A_19 : memref<32768x256xf32, #tpu.memory_space<hbm>>) target(%arg7 : memref<128x256xf32, #tpu.memory_space<vmem>>) offsets(%arg5 : memref<128xi32, #tpu.memory_space<vmem>>) semaphore(%arg9 : memref<!tpu.dma_semaphore, #tpu.memory_space<semaphore_mem>>)
      %mul3A_20 = arith.constant 8192 : i32
      %mul3A_21 = arith.muli %add3A, %mul3A_20 : i32
      %add3A_22 = arith.constant 1 : i32
      %add3A_23 = arith.addi %mul3A_10, %add3A_22 : i32
      %mul3A_24 = arith.constant 128 : i32
      %mul3A_25 = arith.muli %add3A_23, %mul3A_24 : i32
      %add3A_26 = arith.addi %mul3A_21, %mul3A_25 : i32
      "tpu.region"() ({
        %run_scoped3A = tpu.sem_alloc : memref<!tpu.dma_semaphore, #tpu.memory_space<semaphore_mem>>
        %dma_start3A_66 = tpu.memref_slice %arg3[%add3A_26] : memref<262144xi32, #tpu.memory_space<hbm>> -> memref<128xi32, #tpu.memory_space<hbm>>
        %dma_start3A_67 = tpu.memref_slice %arg3[%add3A_26] : memref<262144xi32, #tpu.memory_space<hbm>> -> memref<128xi32, #tpu.memory_space<hbm>>
        tpu.enqueue_dma source(%dma_start3A_67 : memref<128xi32, #tpu.memory_space<hbm>>) target(%arg6 : memref<128xi32, #tpu.memory_space<vmem>>) target_semaphore(%run_scoped3A : memref<!tpu.dma_semaphore, #tpu.memory_space<semaphore_mem>>)
        %dma_wait3A_68 = tpu.memref_slice %arg3[%add3A_26] : memref<262144xi32, #tpu.memory_space<hbm>> -> memref<128xi32, #tpu.memory_space<hbm>>
        %dma_wait3A_69 = tpu.memref_slice %arg3[%add3A_26] : memref<262144xi32, #tpu.memory_space<hbm>> -> memref<128xi32, #tpu.memory_space<hbm>>
        tpu.wait_dma2 semaphore(%run_scoped3A : memref<!tpu.dma_semaphore, #tpu.memory_space<semaphore_mem>>) src(%dma_wait3A_69 : memref<128xi32, #tpu.memory_space<hbm>>) dst(%arg6 : memref<128xi32, #tpu.memory_space<vmem>>)
        tpu.yield
      }) : () -> ()
      %dma_start3A_27 = arith.constant 0 : i32
      %dma_start3A_28 = arith.constant 0 : i32
      %dma_start3A_29 = tpu.memref_slice %arg2[%dma_start3A_27, %dma_start3A_28] : memref<32768x256xf32, #tpu.memory_space<hbm>> -> memref<32768x256xf32, #tpu.memory_space<hbm>>
      tpu.enqueue_indirect_dma source(%dma_start3A_29 : memref<32768x256xf32, #tpu.memory_space<hbm>>) target(%arg8 : memref<128x256xf32, #tpu.memory_space<vmem>>) offsets(%arg6 : memref<128xi32, #tpu.memory_space<vmem>>) semaphore(%arg10 : memref<!tpu.dma_semaphore, #tpu.memory_space<semaphore_mem>>)
      %mul3A_30 = arith.constant 8192 : i32
      %mul3A_31 = arith.muli %add3A, %mul3A_30 : i32
      %add3A_32 = arith.constant 0 : i32
      %add3A_33 = arith.addi %mul3A_10, %add3A_32 : i32
      %mul3A_34 = arith.constant 128 : i32
      %mul3A_35 = arith.muli %add3A_33, %mul3A_34 : i32
      %add3A_36 = arith.addi %mul3A_31, %mul3A_35 : i32
      %dma_wait3A = arith.constant 0 : i32
      %dma_wait3A_37 = arith.constant 0 : i32
      %dma_wait3A_38 = tpu.memref_slice %arg2[%dma_wait3A, %dma_wait3A_37] : memref<32768x256xf32, #tpu.memory_space<hbm>> -> memref<32768x256xf32, #tpu.memory_space<hbm>>
      tpu.wait_indirect_dma semaphore(%arg9 : memref<!tpu.dma_semaphore, #tpu.memory_space<semaphore_mem>>) src(%dma_wait3A_38 : memref<32768x256xf32, #tpu.memory_space<hbm>>) dst(%arg7 : memref<128x256xf32, #tpu.memory_space<vmem>>)
      %dma_start3A_39 = arith.constant 0 : i32
      %dma_start3A_40 = tpu.memref_slice %arg4[%add3A_36, %dma_start3A_39] : memref<262144x256xf32, #tpu.memory_space<hbm>> -> memref<128x256xf32, #tpu.memory_space<hbm>>
      %dma_start3A_41 = arith.constant 0 : i32
      %dma_start3A_42 = tpu.memref_slice %arg4[%add3A_36, %dma_start3A_41] : memref<262144x256xf32, #tpu.memory_space<hbm>> -> memref<128x256xf32, #tpu.memory_space<hbm>>
      tpu.enqueue_dma source(%arg7 : memref<128x256xf32, #tpu.memory_space<vmem>>) target(%dma_start3A_42 : memref<128x256xf32, #tpu.memory_space<hbm>>) target_semaphore(%arg11 : memref<!tpu.dma_semaphore, #tpu.memory_space<semaphore_mem>>)
      %mul3A_43 = arith.constant 8192 : i32
      %mul3A_44 = arith.muli %add3A, %mul3A_43 : i32
      %add3A_45 = arith.constant 1 : i32
      %add3A_46 = arith.addi %mul3A_10, %add3A_45 : i32
      %mul3A_47 = arith.constant 128 : i32
      %mul3A_48 = arith.muli %add3A_46, %mul3A_47 : i32
      %add3A_49 = arith.addi %mul3A_44, %mul3A_48 : i32
      %dma_wait3A_50 = arith.constant 0 : i32
      %dma_wait3A_51 = arith.constant 0 : i32
      %dma_wait3A_52 = tpu.memref_slice %arg2[%dma_wait3A_50, %dma_wait3A_51] : memref<32768x256xf32, #tpu.memory_space<hbm>> -> memref<32768x256xf32, #tpu.memory_space<hbm>>
      tpu.wait_indirect_dma semaphore(%arg10 : memref<!tpu.dma_semaphore, #tpu.memory_space<semaphore_mem>>) src(%dma_wait3A_52 : memref<32768x256xf32, #tpu.memory_space<hbm>>) dst(%arg8 : memref<128x256xf32, #tpu.memory_space<vmem>>)
      %dma_start3A_53 = arith.constant 0 : i32
      %dma_start3A_54 = tpu.memref_slice %arg4[%add3A_49, %dma_start3A_53] : memref<262144x256xf32, #tpu.memory_space<hbm>> -> memref<128x256xf32, #tpu.memory_space<hbm>>
      %dma_start3A_55 = arith.constant 0 : i32
      %dma_start3A_56 = tpu.memref_slice %arg4[%add3A_49, %dma_start3A_55] : memref<262144x256xf32, #tpu.memory_space<hbm>> -> memref<128x256xf32, #tpu.memory_space<hbm>>
      tpu.enqueue_dma source(%arg8 : memref<128x256xf32, #tpu.memory_space<vmem>>) target(%dma_start3A_56 : memref<128x256xf32, #tpu.memory_space<hbm>>) target_semaphore(%arg12 : memref<!tpu.dma_semaphore, #tpu.memory_space<semaphore_mem>>)
      %dma_wait3A_57 = arith.constant 0 : i32
      %dma_wait3A_58 = tpu.memref_slice %arg4[%add3A_36, %dma_wait3A_57] : memref<262144x256xf32, #tpu.memory_space<hbm>> -> memref<128x256xf32, #tpu.memory_space<hbm>>
      %dma_wait3A_59 = arith.constant 0 : i32
      %dma_wait3A_60 = tpu.memref_slice %arg4[%add3A_36, %dma_wait3A_59] : memref<262144x256xf32, #tpu.memory_space<hbm>> -> memref<128x256xf32, #tpu.memory_space<hbm>>
      tpu.wait_dma2 semaphore(%arg11 : memref<!tpu.dma_semaphore, #tpu.memory_space<semaphore_mem>>) src(%arg7 : memref<128x256xf32, #tpu.memory_space<vmem>>) dst(%dma_wait3A_60 : memref<128x256xf32, #tpu.memory_space<hbm>>)
      %dma_wait3A_61 = arith.constant 0 : i32
      %dma_wait3A_62 = tpu.memref_slice %arg4[%add3A_49, %dma_wait3A_61] : memref<262144x256xf32, #tpu.memory_space<hbm>> -> memref<128x256xf32, #tpu.memory_space<hbm>>
      %dma_wait3A_63 = arith.constant 0 : i32
      %dma_wait3A_64 = tpu.memref_slice %arg4[%add3A_49, %dma_wait3A_63] : memref<262144x256xf32, #tpu.memory_space<hbm>> -> memref<128x256xf32, #tpu.memory_space<hbm>>
      tpu.wait_dma2 semaphore(%arg12 : memref<!tpu.dma_semaphore, #tpu.memory_space<semaphore_mem>>) src(%arg8 : memref<128x256xf32, #tpu.memory_space<vmem>>) dst(%dma_wait3A_64 : memref<128x256xf32, #tpu.memory_space<hbm>>)
      %scan3A_65 = arith.constant 0 : i32
      scf.yield %scan3A_65 : i32
    }
    %scan3A_6 = arith.constant 32 : i32
    return
  }
}

#map = affine_map<(d0, d1) -> (0, 0)>
#map1 = affine_map<(d0, d1) -> (0)>
module attributes {stable_mosaic.version = 14 : i64} {
  func.func @k(%arg0: i32, %arg1: i32, %arg2: memref<32768x256xf32, #tpu.memory_space<hbm>>, %arg3: memref<8192xi32, #tpu.memory_space<hbm>>, %arg4: memref<8192x256xf32, #tpu.memory_space<hbm>>, %arg5: memref<128xi32, #tpu.memory_space<vmem>>, %arg6: memref<128xi32, #tpu.memory_space<vmem>>, %arg7: memref<128x256xf32, #tpu.memory_space<vmem>>, %arg8: memref<128x256xf32, #tpu.memory_space<vmem>>, %arg9: memref<!tpu.dma_semaphore, #tpu.memory_space<semaphore_mem>>, %arg10: memref<!tpu.dma_semaphore, #tpu.memory_space<semaphore_mem>>, %arg11: memref<!tpu.dma_semaphore, #tpu.memory_space<semaphore_mem>>, %arg12: memref<!tpu.dma_semaphore, #tpu.memory_space<semaphore_mem>>) attributes {dimension_semantics = [#tpu.dimension_semantics<core_parallel>, #tpu.dimension_semantics<subcore_parallel>], iteration_bounds = array<i64: 2, 16>, scalar_prefetch = 0 : i64, scratch_operands = 8 : i64, tpu.core_type = #tpu.core_type<sc_vector_subcore>, window_params = [{transform_indices = #map}, {transform_indices = #map1}, {transform_indices = #map}]} {
    %mul3A = arith.constant 2 : i32
    %mul3A_0 = arith.muli %arg1, %mul3A : i32
    %add3A = arith.addi %mul3A_0, %arg0 : i32
    %scan3A = arith.constant 0 : i32
    %scan3A_1 = arith.constant 0 : i32
    %mul3A_2 = arith.constant 2 : i32
    %mul3A_3 = arith.muli %scan3A_1, %mul3A_2 : i32
    %mul3A_4 = arith.constant 256 : i32
    %mul3A_5 = arith.muli %add3A, %mul3A_4 : i32
    %add3A_6 = arith.constant 0 : i32
    %add3A_7 = arith.addi %mul3A_3, %add3A_6 : i32
    %mul3A_8 = arith.constant 128 : i32
    %mul3A_9 = arith.muli %add3A_7, %mul3A_8 : i32
    %add3A_10 = arith.addi %mul3A_5, %mul3A_9 : i32
    "tpu.region"() ({
      %run_scoped3A = tpu.sem_alloc : memref<!tpu.dma_semaphore, #tpu.memory_space<semaphore_mem>>
      %dma_start3A_60 = tpu.memref_slice %arg3[%add3A_10] : memref<8192xi32, #tpu.memory_space<hbm>> -> memref<128xi32, #tpu.memory_space<hbm>>
      %dma_start3A_61 = tpu.memref_slice %arg3[%add3A_10] : memref<8192xi32, #tpu.memory_space<hbm>> -> memref<128xi32, #tpu.memory_space<hbm>>
      tpu.enqueue_dma source(%dma_start3A_61 : memref<128xi32, #tpu.memory_space<hbm>>) target(%arg5 : memref<128xi32, #tpu.memory_space<vmem>>) target_semaphore(%run_scoped3A : memref<!tpu.dma_semaphore, #tpu.memory_space<semaphore_mem>>)
      %dma_wait3A_62 = tpu.memref_slice %arg3[%add3A_10] : memref<8192xi32, #tpu.memory_space<hbm>> -> memref<128xi32, #tpu.memory_space<hbm>>
      %dma_wait3A_63 = tpu.memref_slice %arg3[%add3A_10] : memref<8192xi32, #tpu.memory_space<hbm>> -> memref<128xi32, #tpu.memory_space<hbm>>
      tpu.wait_dma2 semaphore(%run_scoped3A : memref<!tpu.dma_semaphore, #tpu.memory_space<semaphore_mem>>) src(%dma_wait3A_63 : memref<128xi32, #tpu.memory_space<hbm>>) dst(%arg5 : memref<128xi32, #tpu.memory_space<vmem>>)
      tpu.yield
    }) : () -> ()
    %dma_start3A = arith.constant 0 : i32
    %dma_start3A_11 = arith.constant 0 : i32
    %dma_start3A_12 = tpu.memref_slice %arg2[%dma_start3A, %dma_start3A_11] : memref<32768x256xf32, #tpu.memory_space<hbm>> -> memref<32768x256xf32, #tpu.memory_space<hbm>>
    tpu.enqueue_indirect_dma source(%dma_start3A_12 : memref<32768x256xf32, #tpu.memory_space<hbm>>) target(%arg7 : memref<128x256xf32, #tpu.memory_space<vmem>>) offsets(%arg5 : memref<128xi32, #tpu.memory_space<vmem>>) semaphore(%arg9 : memref<!tpu.dma_semaphore, #tpu.memory_space<semaphore_mem>>)
    %mul3A_13 = arith.constant 256 : i32
    %mul3A_14 = arith.muli %add3A, %mul3A_13 : i32
    %add3A_15 = arith.constant 1 : i32
    %add3A_16 = arith.addi %mul3A_3, %add3A_15 : i32
    %mul3A_17 = arith.constant 128 : i32
    %mul3A_18 = arith.muli %add3A_16, %mul3A_17 : i32
    %add3A_19 = arith.addi %mul3A_14, %mul3A_18 : i32
    "tpu.region"() ({
      %run_scoped3A = tpu.sem_alloc : memref<!tpu.dma_semaphore, #tpu.memory_space<semaphore_mem>>
      %dma_start3A_60 = tpu.memref_slice %arg3[%add3A_19] : memref<8192xi32, #tpu.memory_space<hbm>> -> memref<128xi32, #tpu.memory_space<hbm>>
      %dma_start3A_61 = tpu.memref_slice %arg3[%add3A_19] : memref<8192xi32, #tpu.memory_space<hbm>> -> memref<128xi32, #tpu.memory_space<hbm>>
      tpu.enqueue_dma source(%dma_start3A_61 : memref<128xi32, #tpu.memory_space<hbm>>) target(%arg6 : memref<128xi32, #tpu.memory_space<vmem>>) target_semaphore(%run_scoped3A : memref<!tpu.dma_semaphore, #tpu.memory_space<semaphore_mem>>)
      %dma_wait3A_62 = tpu.memref_slice %arg3[%add3A_19] : memref<8192xi32, #tpu.memory_space<hbm>> -> memref<128xi32, #tpu.memory_space<hbm>>
      %dma_wait3A_63 = tpu.memref_slice %arg3[%add3A_19] : memref<8192xi32, #tpu.memory_space<hbm>> -> memref<128xi32, #tpu.memory_space<hbm>>
      tpu.wait_dma2 semaphore(%run_scoped3A : memref<!tpu.dma_semaphore, #tpu.memory_space<semaphore_mem>>) src(%dma_wait3A_63 : memref<128xi32, #tpu.memory_space<hbm>>) dst(%arg6 : memref<128xi32, #tpu.memory_space<vmem>>)
      tpu.yield
    }) : () -> ()
    %dma_start3A_20 = arith.constant 0 : i32
    %dma_start3A_21 = arith.constant 0 : i32
    %dma_start3A_22 = tpu.memref_slice %arg2[%dma_start3A_20, %dma_start3A_21] : memref<32768x256xf32, #tpu.memory_space<hbm>> -> memref<32768x256xf32, #tpu.memory_space<hbm>>
    tpu.enqueue_indirect_dma source(%dma_start3A_22 : memref<32768x256xf32, #tpu.memory_space<hbm>>) target(%arg8 : memref<128x256xf32, #tpu.memory_space<vmem>>) offsets(%arg6 : memref<128xi32, #tpu.memory_space<vmem>>) semaphore(%arg10 : memref<!tpu.dma_semaphore, #tpu.memory_space<semaphore_mem>>)
    %mul3A_23 = arith.constant 256 : i32
    %mul3A_24 = arith.muli %add3A, %mul3A_23 : i32
    %add3A_25 = arith.constant 0 : i32
    %add3A_26 = arith.addi %mul3A_3, %add3A_25 : i32
    %mul3A_27 = arith.constant 128 : i32
    %mul3A_28 = arith.muli %add3A_26, %mul3A_27 : i32
    %add3A_29 = arith.addi %mul3A_24, %mul3A_28 : i32
    %dma_wait3A = arith.constant 0 : i32
    %dma_wait3A_30 = arith.constant 0 : i32
    %dma_wait3A_31 = tpu.memref_slice %arg2[%dma_wait3A, %dma_wait3A_30] : memref<32768x256xf32, #tpu.memory_space<hbm>> -> memref<32768x256xf32, #tpu.memory_space<hbm>>
    tpu.wait_indirect_dma semaphore(%arg9 : memref<!tpu.dma_semaphore, #tpu.memory_space<semaphore_mem>>) src(%dma_wait3A_31 : memref<32768x256xf32, #tpu.memory_space<hbm>>) dst(%arg7 : memref<128x256xf32, #tpu.memory_space<vmem>>)
    %dma_start3A_32 = arith.constant 0 : i32
    %dma_start3A_33 = tpu.memref_slice %arg4[%add3A_29, %dma_start3A_32] : memref<8192x256xf32, #tpu.memory_space<hbm>> -> memref<128x256xf32, #tpu.memory_space<hbm>>
    %dma_start3A_34 = arith.constant 0 : i32
    %dma_start3A_35 = tpu.memref_slice %arg4[%add3A_29, %dma_start3A_34] : memref<8192x256xf32, #tpu.memory_space<hbm>> -> memref<128x256xf32, #tpu.memory_space<hbm>>
    tpu.enqueue_dma source(%arg7 : memref<128x256xf32, #tpu.memory_space<vmem>>) target(%dma_start3A_35 : memref<128x256xf32, #tpu.memory_space<hbm>>) target_semaphore(%arg11 : memref<!tpu.dma_semaphore, #tpu.memory_space<semaphore_mem>>)
    %mul3A_36 = arith.constant 256 : i32
    %mul3A_37 = arith.muli %add3A, %mul3A_36 : i32
    %add3A_38 = arith.constant 1 : i32
    %add3A_39 = arith.addi %mul3A_3, %add3A_38 : i32
    %mul3A_40 = arith.constant 128 : i32
    %mul3A_41 = arith.muli %add3A_39, %mul3A_40 : i32
    %add3A_42 = arith.addi %mul3A_37, %mul3A_41 : i32
    %dma_wait3A_43 = arith.constant 0 : i32
    %dma_wait3A_44 = arith.constant 0 : i32
    %dma_wait3A_45 = tpu.memref_slice %arg2[%dma_wait3A_43, %dma_wait3A_44] : memref<32768x256xf32, #tpu.memory_space<hbm>> -> memref<32768x256xf32, #tpu.memory_space<hbm>>
    tpu.wait_indirect_dma semaphore(%arg10 : memref<!tpu.dma_semaphore, #tpu.memory_space<semaphore_mem>>) src(%dma_wait3A_45 : memref<32768x256xf32, #tpu.memory_space<hbm>>) dst(%arg8 : memref<128x256xf32, #tpu.memory_space<vmem>>)
    %dma_start3A_46 = arith.constant 0 : i32
    %dma_start3A_47 = tpu.memref_slice %arg4[%add3A_42, %dma_start3A_46] : memref<8192x256xf32, #tpu.memory_space<hbm>> -> memref<128x256xf32, #tpu.memory_space<hbm>>
    %dma_start3A_48 = arith.constant 0 : i32
    %dma_start3A_49 = tpu.memref_slice %arg4[%add3A_42, %dma_start3A_48] : memref<8192x256xf32, #tpu.memory_space<hbm>> -> memref<128x256xf32, #tpu.memory_space<hbm>>
    tpu.enqueue_dma source(%arg8 : memref<128x256xf32, #tpu.memory_space<vmem>>) target(%dma_start3A_49 : memref<128x256xf32, #tpu.memory_space<hbm>>) target_semaphore(%arg12 : memref<!tpu.dma_semaphore, #tpu.memory_space<semaphore_mem>>)
    %dma_wait3A_50 = arith.constant 0 : i32
    %dma_wait3A_51 = tpu.memref_slice %arg4[%add3A_29, %dma_wait3A_50] : memref<8192x256xf32, #tpu.memory_space<hbm>> -> memref<128x256xf32, #tpu.memory_space<hbm>>
    %dma_wait3A_52 = arith.constant 0 : i32
    %dma_wait3A_53 = tpu.memref_slice %arg4[%add3A_29, %dma_wait3A_52] : memref<8192x256xf32, #tpu.memory_space<hbm>> -> memref<128x256xf32, #tpu.memory_space<hbm>>
    tpu.wait_dma2 semaphore(%arg11 : memref<!tpu.dma_semaphore, #tpu.memory_space<semaphore_mem>>) src(%arg7 : memref<128x256xf32, #tpu.memory_space<vmem>>) dst(%dma_wait3A_53 : memref<128x256xf32, #tpu.memory_space<hbm>>)
    %dma_wait3A_54 = arith.constant 0 : i32
    %dma_wait3A_55 = tpu.memref_slice %arg4[%add3A_42, %dma_wait3A_54] : memref<8192x256xf32, #tpu.memory_space<hbm>> -> memref<128x256xf32, #tpu.memory_space<hbm>>
    %dma_wait3A_56 = arith.constant 0 : i32
    %dma_wait3A_57 = tpu.memref_slice %arg4[%add3A_42, %dma_wait3A_56] : memref<8192x256xf32, #tpu.memory_space<hbm>> -> memref<128x256xf32, #tpu.memory_space<hbm>>
    tpu.wait_dma2 semaphore(%arg12 : memref<!tpu.dma_semaphore, #tpu.memory_space<semaphore_mem>>) src(%arg8 : memref<128x256xf32, #tpu.memory_space<vmem>>) dst(%dma_wait3A_57 : memref<128x256xf32, #tpu.memory_space<hbm>>)
    %scan3A_58 = arith.constant 0 : i32
    %scan3A_59 = arith.constant 1 : i32
    return
  }
}

module attributes {stable_mosaic.version = 14 : i64} {
  func.func @_fps_body(%arg0: memref<8x4096xf32, #tpu.memory_space<vmem>>, %arg1: memref<8x4096xf32, #tpu.memory_space<vmem>>, %arg2: memref<8x4096xf32, #tpu.memory_space<vmem>>, %arg3: memref<8x1024xi32, #tpu.memory_space<vmem>>) attributes {dimension_semantics = [], scalar_prefetch = 0 : i64, scratch_operands = 0 : i64, tpu.core_type = #tpu.core_type<tc>} {
    %get3A = arith.constant 0 : index
    %get3A_0 = arith.constant 0 : index
    %get3A_1 = vector.load %arg0[%get3A, %get3A_0] : memref<8x4096xf32, #tpu.memory_space<vmem>>, vector<8x4096xf32>
    %get3A_2 = arith.constant 0 : index
    %get3A_3 = arith.constant 0 : index
    %get3A_4 = vector.load %arg1[%get3A_2, %get3A_3] : memref<8x4096xf32, #tpu.memory_space<vmem>>, vector<8x4096xf32>
    %get3A_5 = arith.constant 0 : index
    %get3A_6 = arith.constant 0 : index
    %get3A_7 = vector.load %arg2[%get3A_5, %get3A_6] : memref<8x4096xf32, #tpu.memory_space<vmem>>, vector<8x4096xf32>
    %iota3A = tpu.iota {dimensions = array<i32: 1>} : vector<8x4096xi32>
    %iota3A_8 = tpu.iota {dimensions = array<i32: 1>} : vector<8x1024xi32>
    %iota3A_9 = tpu.iota {dimensions = array<i32: 0>} : vector<8x1024xi32>
    %mul3A = arith.constant 4096 : i32
    %mul3A_10 = vector.broadcast %mul3A : i32 to vector<8x1024xi32>
    %mul3A_11 = arith.muli %iota3A_9, %mul3A_10 : vector<8x1024xi32>
    %mul3A_12 = arith.constant 0.000000e+00 : f32
    %mul3A_13 = vector.broadcast %mul3A_12 : f32 to vector<8x4096xf32>
    %mul3A_14 = arith.mulf %get3A_1, %mul3A_13 : vector<8x4096xf32>
    %add3A = arith.constant 1.000000e+10 : f32
    %add3A_15 = vector.broadcast %add3A : f32 to vector<8x4096xf32>
    %add3A_16 = arith.addf %mul3A_14, %add3A_15 : vector<8x4096xf32>
    %slice3A = vector.extract_strided_slice %get3A_1 {offsets = [0, 0], sizes = [8, 1], strides = [1, 1]} : vector<8x4096xf32> to vector<8x1xf32>
    %mul3A_17 = arith.constant 0.000000e+00 : f32
    %mul3A_18 = vector.broadcast %mul3A_17 : f32 to vector<8x1xf32>
    %mul3A_19 = arith.mulf %slice3A, %mul3A_18 : vector<8x1xf32>
    %convert_element_type3A = arith.fptosi %mul3A_19 : vector<8x1xf32> to vector<8x1xi32>
    %slice3A_20 = vector.extract_strided_slice %get3A_1 {offsets = [0, 0], sizes = [8, 1024], strides = [1, 1]} : vector<8x4096xf32> to vector<8x1024xf32>
    %mul3A_21 = arith.constant 0.000000e+00 : f32
    %mul3A_22 = vector.broadcast %mul3A_21 : f32 to vector<8x1024xf32>
    %mul3A_23 = arith.mulf %slice3A_20, %mul3A_22 : vector<8x1024xf32>
    %convert_element_type3A_24 = arith.fptosi %mul3A_23 : vector<8x1024xf32> to vector<8x1024xi32>
    %scan3A = arith.constant 0 : i32
    %scan3A_25 = arith.constant 1024 : i32
    %scan3A_26 = arith.addi %scan3A, %scan3A_25 : i32
    %scan3A_27 = arith.constant 1 : i32
    %scan3A_28:3 = scf.for %scan3A_33 = %scan3A to %scan3A_26 step %scan3A_27 iter_args(%scan3A_34 = %add3A_16, %scan3A_35 = %convert_element_type3A, %scan3A_36 = %convert_element_type3A_24) -> (vector<8x4096xf32>, vector<8x1xi32>, vector<8x1024xi32>)  : i32 {
      %eq3A = vector.broadcast %scan3A_33 : i32 to vector<8x1024xi32>
      %eq3A_37 = arith.cmpi eq, %iota3A_8, %eq3A : vector<8x1024xi32>
      %broadcast_in_dim3A = vector.shape_cast %scan3A_35 : vector<8x1xi32> to vector<8x1xi32>
      %broadcast_in_dim3A_38 = vector.broadcast %broadcast_in_dim3A : vector<8x1xi32> to vector<8x1024xi32>
      %select_n3A = arith.select %eq3A_37, %broadcast_in_dim3A_38, %scan3A_36 : vector<8x1024xi1>, vector<8x1024xi32>
      %eq3A_39 = vector.broadcast %scan3A_35 : vector<8x1xi32> to vector<8x4096xi32>
      %eq3A_40 = arith.cmpi eq, %iota3A, %eq3A_39 : vector<8x4096xi32>
      %jit3A = arith.constant 0.000000e+00 : f32
      %broadcast_in_dim3A_41 = vector.broadcast %jit3A : f32 to vector<8x4096xf32>
      %select_n3A_42 = arith.select %eq3A_40, %get3A_1, %broadcast_in_dim3A_41 : vector<8x4096xi1>, vector<8x4096xf32>
      %reduce_sum3A = arith.constant dense<0.000000e+00> : vector<8xf32>
      %reduce_sum3A_43 = vector.multi_reduction <add>, %select_n3A_42, %reduce_sum3A [1] : vector<8x4096xf32> to vector<8xf32>
      %broadcast_in_dim3A_44 = vector.shape_cast %reduce_sum3A_43 : vector<8xf32> to vector<8x1xf32>
      %jit3A_45 = arith.constant 0.000000e+00 : f32
      %broadcast_in_dim3A_46 = vector.broadcast %jit3A_45 : f32 to vector<8x4096xf32>
      %select_n3A_47 = arith.select %eq3A_40, %get3A_4, %broadcast_in_dim3A_46 : vector<8x4096xi1>, vector<8x4096xf32>
      %reduce_sum3A_48 = arith.constant dense<0.000000e+00> : vector<8xf32>
      %reduce_sum3A_49 = vector.multi_reduction <add>, %select_n3A_47, %reduce_sum3A_48 [1] : vector<8x4096xf32> to vector<8xf32>
      %broadcast_in_dim3A_50 = vector.shape_cast %reduce_sum3A_49 : vector<8xf32> to vector<8x1xf32>
      %jit3A_51 = arith.constant 0.000000e+00 : f32
      %broadcast_in_dim3A_52 = vector.broadcast %jit3A_51 : f32 to vector<8x4096xf32>
      %select_n3A_53 = arith.select %eq3A_40, %get3A_7, %broadcast_in_dim3A_52 : vector<8x4096xi1>, vector<8x4096xf32>
      %reduce_sum3A_54 = arith.constant dense<0.000000e+00> : vector<8xf32>
      %reduce_sum3A_55 = vector.multi_reduction <add>, %select_n3A_53, %reduce_sum3A_54 [1] : vector<8x4096xf32> to vector<8xf32>
      %broadcast_in_dim3A_56 = vector.shape_cast %reduce_sum3A_55 : vector<8xf32> to vector<8x1xf32>
      %sub3A = vector.broadcast %broadcast_in_dim3A_44 : vector<8x1xf32> to vector<8x4096xf32>
      %sub3A_57 = arith.subf %get3A_1, %sub3A : vector<8x4096xf32>
      %sub3A_58 = vector.broadcast %broadcast_in_dim3A_50 : vector<8x1xf32> to vector<8x4096xf32>
      %sub3A_59 = arith.subf %get3A_4, %sub3A_58 : vector<8x4096xf32>
      %sub3A_60 = vector.broadcast %broadcast_in_dim3A_56 : vector<8x1xf32> to vector<8x4096xf32>
      %sub3A_61 = arith.subf %get3A_7, %sub3A_60 : vector<8x4096xf32>
      %mul3A_62 = arith.mulf %sub3A_57, %sub3A_57 : vector<8x4096xf32>
      %mul3A_63 = arith.mulf %sub3A_59, %sub3A_59 : vector<8x4096xf32>
      %add3A_64 = arith.addf %mul3A_62, %mul3A_63 : vector<8x4096xf32>
      %mul3A_65 = arith.mulf %sub3A_61, %sub3A_61 : vector<8x4096xf32>
      %add3A_66 = arith.addf %add3A_64, %mul3A_65 : vector<8x4096xf32>
      %min3A = arith.minimumf %scan3A_34, %add3A_66 : vector<8x4096xf32>
      %argmax3A = tpu.reduce_index %min3A {axis = 1 : i32, kind = #tpu.reduction_kind<arg_max>} : vector<8x4096xf32> -> vector<8xi32>
      %broadcast_in_dim3A_67 = vector.shape_cast %argmax3A : vector<8xi32> to vector<8x1xi32>
      scf.yield %min3A, %broadcast_in_dim3A_67, %select_n3A : vector<8x4096xf32>, vector<8x1xi32>, vector<8x1024xi32>
    }
    %scan3A_29 = arith.constant 1024 : i32
    %add3A_30 = arith.addi %scan3A_28#2, %mul3A_11 : vector<8x1024xi32>
    %swap3A = arith.constant 0 : index
    %swap3A_31 = arith.constant 0 : index
    %swap3A_32 = vector.load %arg3[%swap3A, %swap3A_31] : memref<8x1024xi32, #tpu.memory_space<vmem>>, vector<8x1024xi32>
    tpu.vector_store %arg3[%swap3A, %swap3A_31], %add3A_30 {strides = array<i32>} : memref<8x1024xi32, #tpu.memory_space<vmem>>, vector<8x1024xi32>,
    return
  }
}

module attributes {stable_mosaic.version = 14 : i64} {
  func.func @_knn_body(%arg0: i32, %arg1: i32, %arg2: memref<256x256xf32, #tpu.memory_space<vmem>>, %arg3: memref<1x16x4096xf32, #tpu.memory_space<vmem>>, %arg4: memref<1x32x256xi32, #tpu.memory_space<vmem>>) attributes {dimension_semantics = [#tpu.dimension_semantics<arbitrary>, #tpu.dimension_semantics<arbitrary>], iteration_bounds = array<i64: 8, 4>, scalar_prefetch = 0 : i64, scratch_operands = 0 : i64, tpu.core_type = #tpu.core_type<tc>, window_params = [{transform_indices = @transform_0, window_bounds = array<i64: 256, 256>}, {transform_indices = @transform_1, window_bounds = array<i64: 1, 16, 4096>}, {transform_indices = @transform_2, window_bounds = array<i64: 1, 32, 256>}]} {
    %get3A = arith.constant 0 : index
    %get3A_0 = arith.constant 128 : index
    %get3A_1 = vector.load %arg2[%get3A, %get3A_0] : memref<256x256xf32, #tpu.memory_space<vmem>>, vector<256x16xf32>
    %get3A_2 = arith.constant 0 : index
    %get3A_3 = arith.constant 0 : index
    %get3A_4 = arith.constant 0 : index
    %get3A_5 = vector.load %arg3[%get3A_2, %get3A_3, %get3A_4] : memref<1x16x4096xf32, #tpu.memory_space<vmem>>, vector<1x16x4096xf32>
    %get3A_6 = vector.shape_cast %get3A_5 : vector<1x16x4096xf32> to vector<16x4096xf32>
    %dot_general3A = arith.constant dense<0.000000e+00> : vector<256x4096xf32>
    %dot_general3A_7 = tpu.matmul %get3A_1, %get3A_6, %dot_general3A {dimension_numbers = #tpu.dot_dimension_numbers<[1], [0], [0], [1], [0, 0, 1, 1], [], []>, transpose_lhs_hint = false} : vector<256x16xf32>, vector<16x4096xf32>, vector<256x4096xf32> -> vector<256x4096xf32>
    %slice3A = vector.extract_strided_slice %get3A_1 {offsets = [0, 0], sizes = [256, 1], strides = [1, 1]} : vector<256x16xf32> to vector<256x1xf32>
    %slice3A_8 = vector.extract_strided_slice %get3A_1 {offsets = [0, 1], sizes = [256, 1], strides = [1, 1]} : vector<256x16xf32> to vector<256x1xf32>
    %slice3A_9 = vector.extract_strided_slice %get3A_1 {offsets = [0, 2], sizes = [256, 1], strides = [1, 1]} : vector<256x16xf32> to vector<256x1xf32>
    %mul3A = arith.mulf %slice3A, %slice3A : vector<256x1xf32>
    %mul3A_10 = arith.mulf %slice3A_8, %slice3A_8 : vector<256x1xf32>
    %add3A = arith.addf %mul3A, %mul3A_10 : vector<256x1xf32>
    %mul3A_11 = arith.mulf %slice3A_9, %slice3A_9 : vector<256x1xf32>
    %add3A_12 = arith.addf %add3A, %mul3A_11 : vector<256x1xf32>
    %slice3A_13 = vector.extract_strided_slice %get3A_6 {offsets = [0, 0], sizes = [1, 4096], strides = [1, 1]} : vector<16x4096xf32> to vector<1x4096xf32>
    %slice3A_14 = vector.extract_strided_slice %get3A_6 {offsets = [1, 0], sizes = [1, 4096], strides = [1, 1]} : vector<16x4096xf32> to vector<1x4096xf32>
    %slice3A_15 = vector.extract_strided_slice %get3A_6 {offsets = [2, 0], sizes = [1, 4096], strides = [1, 1]} : vector<16x4096xf32> to vector<1x4096xf32>
    %mul3A_16 = arith.mulf %slice3A_13, %slice3A_13 : vector<1x4096xf32>
    %mul3A_17 = arith.mulf %slice3A_14, %slice3A_14 : vector<1x4096xf32>
    %add3A_18 = arith.addf %mul3A_16, %mul3A_17 : vector<1x4096xf32>
    %mul3A_19 = arith.mulf %slice3A_15, %slice3A_15 : vector<1x4096xf32>
    %add3A_20 = arith.addf %add3A_18, %mul3A_19 : vector<1x4096xf32>
    %mul3A_21 = arith.constant -2.000000e+00 : f32
    %mul3A_22 = vector.broadcast %mul3A_21 : f32 to vector<256x4096xf32>
    %mul3A_23 = arith.mulf %mul3A_22, %dot_general3A_7 : vector<256x4096xf32>
    %add3A_24 = vector.broadcast %add3A_12 : vector<256x1xf32> to vector<256x4096xf32>
    %add3A_25 = arith.addf %mul3A_23, %add3A_24 : vector<256x4096xf32>
    %add3A_26 = vector.broadcast %add3A_20 : vector<1x4096xf32> to vector<256x4096xf32>
    %add3A_27 = arith.addf %add3A_25, %add3A_26 : vector<256x4096xf32>
    %iota3A = tpu.iota {dimensions = array<i32: 1>} : vector<256x4096xi32>
    %iota3A_28 = tpu.iota {dimensions = array<i32: 1>} : vector<256x32xi32>
    %mul3A_29 = arith.constant 4096 : i32
    %mul3A_30 = arith.muli %arg0, %mul3A_29 : i32
    %broadcast_in_dim3A = arith.constant 0 : i32
    %broadcast_in_dim3A_31 = vector.broadcast %broadcast_in_dim3A : i32 to vector<256x32xi32>
    %argmin3A = tpu.reduce_index %add3A_27 {axis = 1 : i32, kind = #tpu.reduction_kind<arg_min>} : vector<256x4096xf32> -> vector<256xi32>
    %broadcast_in_dim3A_32 = vector.shape_cast %argmin3A : vector<256xi32> to vector<256x1xi32>
    %eq3A = arith.constant 0 : i32
    %eq3A_33 = vector.broadcast %eq3A : i32 to vector<256x32xi32>
    %eq3A_34 = arith.cmpi eq, %iota3A_28, %eq3A_33 : vector<256x32xi32>
    %add3A_35 = vector.broadcast %mul3A_30 : i32 to vector<256x1xi32>
    %add3A_36 = arith.addi %broadcast_in_dim3A_32, %add3A_35 : vector<256x1xi32>
    %broadcast_in_dim3A_37 = vector.shape_cast %add3A_36 : vector<256x1xi32> to vector<256x1xi32>
    %broadcast_in_dim3A_38 = vector.broadcast %broadcast_in_dim3A_37 : vector<256x1xi32> to vector<256x32xi32>
    %select_n3A = arith.select %eq3A_34, %broadcast_in_dim3A_38, %broadcast_in_dim3A_31 : vector<256x32xi1>, vector<256x32xi32>
    %eq3A_39 = vector.broadcast %broadcast_in_dim3A_32 : vector<256x1xi32> to vector<256x4096xi32>
    %eq3A_40 = arith.cmpi eq, %iota3A, %eq3A_39 : vector<256x4096xi32>
    %jit3A = arith.constant 0x7F800000 : f32
    %broadcast_in_dim3A_41 = vector.broadcast %jit3A : f32 to vector<256x4096xf32>
    %select_n3A_42 = arith.select %eq3A_40, %broadcast_in_dim3A_41, %add3A_27 : vector<256x4096xi1>, vector<256x4096xf32>
    %argmin3A_43 = tpu.reduce_index %select_n3A_42 {axis = 1 : i32, kind = #tpu.reduction_kind<arg_min>} : vector<256x4096xf32> -> vector<256xi32>
    %broadcast_in_dim3A_44 = vector.shape_cast %argmin3A_43 : vector<256xi32> to vector<256x1xi32>
    %eq3A_45 = arith.constant 1 : i32
    %eq3A_46 = vector.broadcast %eq3A_45 : i32 to vector<256x32xi32>
    %eq3A_47 = arith.cmpi eq, %iota3A_28, %eq3A_46 : vector<256x32xi32>
    %add3A_48 = vector.broadcast %mul3A_30 : i32 to vector<256x1xi32>
    %add3A_49 = arith.addi %broadcast_in_dim3A_44, %add3A_48 : vector<256x1xi32>
    %broadcast_in_dim3A_50 = vector.shape_cast %add3A_49 : vector<256x1xi32> to vector<256x1xi32>
    %broadcast_in_dim3A_51 = vector.broadcast %broadcast_in_dim3A_50 : vector<256x1xi32> to vector<256x32xi32>
    %select_n3A_52 = arith.select %eq3A_47, %broadcast_in_dim3A_51, %select_n3A : vector<256x32xi1>, vector<256x32xi32>
    %eq3A_53 = vector.broadcast %broadcast_in_dim3A_44 : vector<256x1xi32> to vector<256x4096xi32>
    %eq3A_54 = arith.cmpi eq, %iota3A, %eq3A_53 : vector<256x4096xi32>
    %jit3A_55 = arith.constant 0x7F800000 : f32
    %broadcast_in_dim3A_56 = vector.broadcast %jit3A_55 : f32 to vector<256x4096xf32>
    %select_n3A_57 = arith.select %eq3A_54, %broadcast_in_dim3A_56, %select_n3A_42 : vector<256x4096xi1>, vector<256x4096xf32>
    %argmin3A_58 = tpu.reduce_index %select_n3A_57 {axis = 1 : i32, kind = #tpu.reduction_kind<arg_min>} : vector<256x4096xf32> -> vector<256xi32>
    %broadcast_in_dim3A_59 = vector.shape_cast %argmin3A_58 : vector<256xi32> to vector<256x1xi32>
    %eq3A_60 = arith.constant 2 : i32
    %eq3A_61 = vector.broadcast %eq3A_60 : i32 to vector<256x32xi32>
    %eq3A_62 = arith.cmpi eq, %iota3A_28, %eq3A_61 : vector<256x32xi32>
    %add3A_63 = vector.broadcast %mul3A_30 : i32 to vector<256x1xi32>
    %add3A_64 = arith.addi %broadcast_in_dim3A_59, %add3A_63 : vector<256x1xi32>
    %broadcast_in_dim3A_65 = vector.shape_cast %add3A_64 : vector<256x1xi32> to vector<256x1xi32>
    %broadcast_in_dim3A_66 = vector.broadcast %broadcast_in_dim3A_65 : vector<256x1xi32> to vector<256x32xi32>
    %select_n3A_67 = arith.select %eq3A_62, %broadcast_in_dim3A_66, %select_n3A_52 : vector<256x32xi1>, vector<256x32xi32>
    %eq3A_68 = vector.broadcast %broadcast_in_dim3A_59 : vector<256x1xi32> to vector<256x4096xi32>
    %eq3A_69 = arith.cmpi eq, %iota3A, %eq3A_68 : vector<256x4096xi32>
    %jit3A_70 = arith.constant 0x7F800000 : f32
    %broadcast_in_dim3A_71 = vector.broadcast %jit3A_70 : f32 to vector<256x4096xf32>
    %select_n3A_72 = arith.select %eq3A_69, %broadcast_in_dim3A_71, %select_n3A_57 : vector<256x4096xi1>, vector<256x4096xf32>
    %argmin3A_73 = tpu.reduce_index %select_n3A_72 {axis = 1 : i32, kind = #tpu.reduction_kind<arg_min>} : vector<256x4096xf32> -> vector<256xi32>
    %broadcast_in_dim3A_74 = vector.shape_cast %argmin3A_73 : vector<256xi32> to vector<256x1xi32>
    %eq3A_75 = arith.constant 3 : i32
    %eq3A_76 = vector.broadcast %eq3A_75 : i32 to vector<256x32xi32>
    %eq3A_77 = arith.cmpi eq, %iota3A_28, %eq3A_76 : vector<256x32xi32>
    %add3A_78 = vector.broadcast %mul3A_30 : i32 to vector<256x1xi32>
    %add3A_79 = arith.addi %broadcast_in_dim3A_74, %add3A_78 : vector<256x1xi32>
    %broadcast_in_dim3A_80 = vector.shape_cast %add3A_79 : vector<256x1xi32> to vector<256x1xi32>
    %broadcast_in_dim3A_81 = vector.broadcast %broadcast_in_dim3A_80 : vector<256x1xi32> to vector<256x32xi32>
    %select_n3A_82 = arith.select %eq3A_77, %broadcast_in_dim3A_81, %select_n3A_67 : vector<256x32xi1>, vector<256x32xi32>
    %eq3A_83 = vector.broadcast %broadcast_in_dim3A_74 : vector<256x1xi32> to vector<256x4096xi32>
    %eq3A_84 = arith.cmpi eq, %iota3A, %eq3A_83 : vector<256x4096xi32>
    %jit3A_85 = arith.constant 0x7F800000 : f32
    %broadcast_in_dim3A_86 = vector.broadcast %jit3A_85 : f32 to vector<256x4096xf32>
    %select_n3A_87 = arith.select %eq3A_84, %broadcast_in_dim3A_86, %select_n3A_72 : vector<256x4096xi1>, vector<256x4096xf32>
    %argmin3A_88 = tpu.reduce_index %select_n3A_87 {axis = 1 : i32, kind = #tpu.reduction_kind<arg_min>} : vector<256x4096xf32> -> vector<256xi32>
    %broadcast_in_dim3A_89 = vector.shape_cast %argmin3A_88 : vector<256xi32> to vector<256x1xi32>
    %eq3A_90 = arith.constant 4 : i32
    %eq3A_91 = vector.broadcast %eq3A_90 : i32 to vector<256x32xi32>
    %eq3A_92 = arith.cmpi eq, %iota3A_28, %eq3A_91 : vector<256x32xi32>
    %add3A_93 = vector.broadcast %mul3A_30 : i32 to vector<256x1xi32>
    %add3A_94 = arith.addi %broadcast_in_dim3A_89, %add3A_93 : vector<256x1xi32>
    %broadcast_in_dim3A_95 = vector.shape_cast %add3A_94 : vector<256x1xi32> to vector<256x1xi32>
    %broadcast_in_dim3A_96 = vector.broadcast %broadcast_in_dim3A_95 : vector<256x1xi32> to vector<256x32xi32>
    %select_n3A_97 = arith.select %eq3A_92, %broadcast_in_dim3A_96, %select_n3A_82 : vector<256x32xi1>, vector<256x32xi32>
    %eq3A_98 = vector.broadcast %broadcast_in_dim3A_89 : vector<256x1xi32> to vector<256x4096xi32>
    %eq3A_99 = arith.cmpi eq, %iota3A, %eq3A_98 : vector<256x4096xi32>
    %jit3A_100 = arith.constant 0x7F800000 : f32
    %broadcast_in_dim3A_101 = vector.broadcast %jit3A_100 : f32 to vector<256x4096xf32>
    %select_n3A_102 = arith.select %eq3A_99, %broadcast_in_dim3A_101, %select_n3A_87 : vector<256x4096xi1>, vector<256x4096xf32>
    %argmin3A_103 = tpu.reduce_index %select_n3A_102 {axis = 1 : i32, kind = #tpu.reduction_kind<arg_min>} : vector<256x4096xf32> -> vector<256xi32>
    %broadcast_in_dim3A_104 = vector.shape_cast %argmin3A_103 : vector<256xi32> to vector<256x1xi32>
    %eq3A_105 = arith.constant 5 : i32
    %eq3A_106 = vector.broadcast %eq3A_105 : i32 to vector<256x32xi32>
    %eq3A_107 = arith.cmpi eq, %iota3A_28, %eq3A_106 : vector<256x32xi32>
    %add3A_108 = vector.broadcast %mul3A_30 : i32 to vector<256x1xi32>
    %add3A_109 = arith.addi %broadcast_in_dim3A_104, %add3A_108 : vector<256x1xi32>
    %broadcast_in_dim3A_110 = vector.shape_cast %add3A_109 : vector<256x1xi32> to vector<256x1xi32>
    %broadcast_in_dim3A_111 = vector.broadcast %broadcast_in_dim3A_110 : vector<256x1xi32> to vector<256x32xi32>
    %select_n3A_112 = arith.select %eq3A_107, %broadcast_in_dim3A_111, %select_n3A_97 : vector<256x32xi1>, vector<256x32xi32>
    %eq3A_113 = vector.broadcast %broadcast_in_dim3A_104 : vector<256x1xi32> to vector<256x4096xi32>
    %eq3A_114 = arith.cmpi eq, %iota3A, %eq3A_113 : vector<256x4096xi32>
    %jit3A_115 = arith.constant 0x7F800000 : f32
    %broadcast_in_dim3A_116 = vector.broadcast %jit3A_115 : f32 to vector<256x4096xf32>
    %select_n3A_117 = arith.select %eq3A_114, %broadcast_in_dim3A_116, %select_n3A_102 : vector<256x4096xi1>, vector<256x4096xf32>
    %argmin3A_118 = tpu.reduce_index %select_n3A_117 {axis = 1 : i32, kind = #tpu.reduction_kind<arg_min>} : vector<256x4096xf32> -> vector<256xi32>
    %broadcast_in_dim3A_119 = vector.shape_cast %argmin3A_118 : vector<256xi32> to vector<256x1xi32>
    %eq3A_120 = arith.constant 6 : i32
    %eq3A_121 = vector.broadcast %eq3A_120 : i32 to vector<256x32xi32>
    %eq3A_122 = arith.cmpi eq, %iota3A_28, %eq3A_121 : vector<256x32xi32>
    %add3A_123 = vector.broadcast %mul3A_30 : i32 to vector<256x1xi32>
    %add3A_124 = arith.addi %broadcast_in_dim3A_119, %add3A_123 : vector<256x1xi32>
    %broadcast_in_dim3A_125 = vector.shape_cast %add3A_124 : vector<256x1xi32> to vector<256x1xi32>
    %broadcast_in_dim3A_126 = vector.broadcast %broadcast_in_dim3A_125 : vector<256x1xi32> to vector<256x32xi32>
    %select_n3A_127 = arith.select %eq3A_122, %broadcast_in_dim3A_126, %select_n3A_112 : vector<256x32xi1>, vector<256x32xi32>
    %eq3A_128 = vector.broadcast %broadcast_in_dim3A_119 : vector<256x1xi32> to vector<256x4096xi32>
    %eq3A_129 = arith.cmpi eq, %iota3A, %eq3A_128 : vector<256x4096xi32>
    %jit3A_130 = arith.constant 0x7F800000 : f32
    %broadcast_in_dim3A_131 = vector.broadcast %jit3A_130 : f32 to vector<256x4096xf32>
    %select_n3A_132 = arith.select %eq3A_129, %broadcast_in_dim3A_131, %select_n3A_117 : vector<256x4096xi1>, vector<256x4096xf32>
    %argmin3A_133 = tpu.reduce_index %select_n3A_132 {axis = 1 : i32, kind = #tpu.reduction_kind<arg_min>} : vector<256x4096xf32> -> vector<256xi32>
    %broadcast_in_dim3A_134 = vector.shape_cast %argmin3A_133 : vector<256xi32> to vector<256x1xi32>
    %eq3A_135 = arith.constant 7 : i32
    %eq3A_136 = vector.broadcast %eq3A_135 : i32 to vector<256x32xi32>
    %eq3A_137 = arith.cmpi eq, %iota3A_28, %eq3A_136 : vector<256x32xi32>
    %add3A_138 = vector.broadcast %mul3A_30 : i32 to vector<256x1xi32>
    %add3A_139 = arith.addi %broadcast_in_dim3A_134, %add3A_138 : vector<256x1xi32>
    %broadcast_in_dim3A_140 = vector.shape_cast %add3A_139 : vector<256x1xi32> to vector<256x1xi32>
    %broadcast_in_dim3A_141 = vector.broadcast %broadcast_in_dim3A_140 : vector<256x1xi32> to vector<256x32xi32>
    %select_n3A_142 = arith.select %eq3A_137, %broadcast_in_dim3A_141, %select_n3A_127 : vector<256x32xi1>, vector<256x32xi32>
    %eq3A_143 = vector.broadcast %broadcast_in_dim3A_134 : vector<256x1xi32> to vector<256x4096xi32>
    %eq3A_144 = arith.cmpi eq, %iota3A, %eq3A_143 : vector<256x4096xi32>
    %jit3A_145 = arith.constant 0x7F800000 : f32
    %broadcast_in_dim3A_146 = vector.broadcast %jit3A_145 : f32 to vector<256x4096xf32>
    %select_n3A_147 = arith.select %eq3A_144, %broadcast_in_dim3A_146, %select_n3A_132 : vector<256x4096xi1>, vector<256x4096xf32>
    %argmin3A_148 = tpu.reduce_index %select_n3A_147 {axis = 1 : i32, kind = #tpu.reduction_kind<arg_min>} : vector<256x4096xf32> -> vector<256xi32>
    %broadcast_in_dim3A_149 = vector.shape_cast %argmin3A_148 : vector<256xi32> to vector<256x1xi32>
    %eq3A_150 = arith.constant 8 : i32
    %eq3A_151 = vector.broadcast %eq3A_150 : i32 to vector<256x32xi32>
    %eq3A_152 = arith.cmpi eq, %iota3A_28, %eq3A_151 : vector<256x32xi32>
    %add3A_153 = vector.broadcast %mul3A_30 : i32 to vector<256x1xi32>
    %add3A_154 = arith.addi %broadcast_in_dim3A_149, %add3A_153 : vector<256x1xi32>
    %broadcast_in_dim3A_155 = vector.shape_cast %add3A_154 : vector<256x1xi32> to vector<256x1xi32>
    %broadcast_in_dim3A_156 = vector.broadcast %broadcast_in_dim3A_155 : vector<256x1xi32> to vector<256x32xi32>
    %select_n3A_157 = arith.select %eq3A_152, %broadcast_in_dim3A_156, %select_n3A_142 : vector<256x32xi1>, vector<256x32xi32>
    %eq3A_158 = vector.broadcast %broadcast_in_dim3A_149 : vector<256x1xi32> to vector<256x4096xi32>
    %eq3A_159 = arith.cmpi eq, %iota3A, %eq3A_158 : vector<256x4096xi32>
    %jit3A_160 = arith.constant 0x7F800000 : f32
    %broadcast_in_dim3A_161 = vector.broadcast %jit3A_160 : f32 to vector<256x4096xf32>
    %select_n3A_162 = arith.select %eq3A_159, %broadcast_in_dim3A_161, %select_n3A_147 : vector<256x4096xi1>, vector<256x4096xf32>
    %argmin3A_163 = tpu.reduce_index %select_n3A_162 {axis = 1 : i32, kind = #tpu.reduction_kind<arg_min>} : vector<256x4096xf32> -> vector<256xi32>
    %broadcast_in_dim3A_164 = vector.shape_cast %argmin3A_163 : vector<256xi32> to vector<256x1xi32>
    %eq3A_165 = arith.constant 9 : i32
    %eq3A_166 = vector.broadcast %eq3A_165 : i32 to vector<256x32xi32>
    %eq3A_167 = arith.cmpi eq, %iota3A_28, %eq3A_166 : vector<256x32xi32>
    %add3A_168 = vector.broadcast %mul3A_30 : i32 to vector<256x1xi32>
    %add3A_169 = arith.addi %broadcast_in_dim3A_164, %add3A_168 : vector<256x1xi32>
    %broadcast_in_dim3A_170 = vector.shape_cast %add3A_169 : vector<256x1xi32> to vector<256x1xi32>
    %broadcast_in_dim3A_171 = vector.broadcast %broadcast_in_dim3A_170 : vector<256x1xi32> to vector<256x32xi32>
    %select_n3A_172 = arith.select %eq3A_167, %broadcast_in_dim3A_171, %select_n3A_157 : vector<256x32xi1>, vector<256x32xi32>
    %eq3A_173 = vector.broadcast %broadcast_in_dim3A_164 : vector<256x1xi32> to vector<256x4096xi32>
    %eq3A_174 = arith.cmpi eq, %iota3A, %eq3A_173 : vector<256x4096xi32>
    %jit3A_175 = arith.constant 0x7F800000 : f32
    %broadcast_in_dim3A_176 = vector.broadcast %jit3A_175 : f32 to vector<256x4096xf32>
    %select_n3A_177 = arith.select %eq3A_174, %broadcast_in_dim3A_176, %select_n3A_162 : vector<256x4096xi1>, vector<256x4096xf32>
    %argmin3A_178 = tpu.reduce_index %select_n3A_177 {axis = 1 : i32, kind = #tpu.reduction_kind<arg_min>} : vector<256x4096xf32> -> vector<256xi32>
    %broadcast_in_dim3A_179 = vector.shape_cast %argmin3A_178 : vector<256xi32> to vector<256x1xi32>
    %eq3A_180 = arith.constant 10 : i32
    %eq3A_181 = vector.broadcast %eq3A_180 : i32 to vector<256x32xi32>
    %eq3A_182 = arith.cmpi eq, %iota3A_28, %eq3A_181 : vector<256x32xi32>
    %add3A_183 = vector.broadcast %mul3A_30 : i32 to vector<256x1xi32>
    %add3A_184 = arith.addi %broadcast_in_dim3A_179, %add3A_183 : vector<256x1xi32>
    %broadcast_in_dim3A_185 = vector.shape_cast %add3A_184 : vector<256x1xi32> to vector<256x1xi32>
    %broadcast_in_dim3A_186 = vector.broadcast %broadcast_in_dim3A_185 : vector<256x1xi32> to vector<256x32xi32>
    %select_n3A_187 = arith.select %eq3A_182, %broadcast_in_dim3A_186, %select_n3A_172 : vector<256x32xi1>, vector<256x32xi32>
    %eq3A_188 = vector.broadcast %broadcast_in_dim3A_179 : vector<256x1xi32> to vector<256x4096xi32>
    %eq3A_189 = arith.cmpi eq, %iota3A, %eq3A_188 : vector<256x4096xi32>
    %jit3A_190 = arith.constant 0x7F800000 : f32
    %broadcast_in_dim3A_191 = vector.broadcast %jit3A_190 : f32 to vector<256x4096xf32>
    %select_n3A_192 = arith.select %eq3A_189, %broadcast_in_dim3A_191, %select_n3A_177 : vector<256x4096xi1>, vector<256x4096xf32>
    %argmin3A_193 = tpu.reduce_index %select_n3A_192 {axis = 1 : i32, kind = #tpu.reduction_kind<arg_min>} : vector<256x4096xf32> -> vector<256xi32>
    %broadcast_in_dim3A_194 = vector.shape_cast %argmin3A_193 : vector<256xi32> to vector<256x1xi32>
    %eq3A_195 = arith.constant 11 : i32
    %eq3A_196 = vector.broadcast %eq3A_195 : i32 to vector<256x32xi32>
    %eq3A_197 = arith.cmpi eq, %iota3A_28, %eq3A_196 : vector<256x32xi32>
    %add3A_198 = vector.broadcast %mul3A_30 : i32 to vector<256x1xi32>
    %add3A_199 = arith.addi %broadcast_in_dim3A_194, %add3A_198 : vector<256x1xi32>
    %broadcast_in_dim3A_200 = vector.shape_cast %add3A_199 : vector<256x1xi32> to vector<256x1xi32>
    %broadcast_in_dim3A_201 = vector.broadcast %broadcast_in_dim3A_200 : vector<256x1xi32> to vector<256x32xi32>
    %select_n3A_202 = arith.select %eq3A_197, %broadcast_in_dim3A_201, %select_n3A_187 : vector<256x32xi1>, vector<256x32xi32>
    %eq3A_203 = vector.broadcast %broadcast_in_dim3A_194 : vector<256x1xi32> to vector<256x4096xi32>
    %eq3A_204 = arith.cmpi eq, %iota3A, %eq3A_203 : vector<256x4096xi32>
    %jit3A_205 = arith.constant 0x7F800000 : f32
    %broadcast_in_dim3A_206 = vector.broadcast %jit3A_205 : f32 to vector<256x4096xf32>
    %select_n3A_207 = arith.select %eq3A_204, %broadcast_in_dim3A_206, %select_n3A_192 : vector<256x4096xi1>, vector<256x4096xf32>
    %argmin3A_208 = tpu.reduce_index %select_n3A_207 {axis = 1 : i32, kind = #tpu.reduction_kind<arg_min>} : vector<256x4096xf32> -> vector<256xi32>
    %broadcast_in_dim3A_209 = vector.shape_cast %argmin3A_208 : vector<256xi32> to vector<256x1xi32>
    %eq3A_210 = arith.constant 12 : i32
    %eq3A_211 = vector.broadcast %eq3A_210 : i32 to vector<256x32xi32>
    %eq3A_212 = arith.cmpi eq, %iota3A_28, %eq3A_211 : vector<256x32xi32>
    %add3A_213 = vector.broadcast %mul3A_30 : i32 to vector<256x1xi32>
    %add3A_214 = arith.addi %broadcast_in_dim3A_209, %add3A_213 : vector<256x1xi32>
    %broadcast_in_dim3A_215 = vector.shape_cast %add3A_214 : vector<256x1xi32> to vector<256x1xi32>
    %broadcast_in_dim3A_216 = vector.broadcast %broadcast_in_dim3A_215 : vector<256x1xi32> to vector<256x32xi32>
    %select_n3A_217 = arith.select %eq3A_212, %broadcast_in_dim3A_216, %select_n3A_202 : vector<256x32xi1>, vector<256x32xi32>
    %eq3A_218 = vector.broadcast %broadcast_in_dim3A_209 : vector<256x1xi32> to vector<256x4096xi32>
    %eq3A_219 = arith.cmpi eq, %iota3A, %eq3A_218 : vector<256x4096xi32>
    %jit3A_220 = arith.constant 0x7F800000 : f32
    %broadcast_in_dim3A_221 = vector.broadcast %jit3A_220 : f32 to vector<256x4096xf32>
    %select_n3A_222 = arith.select %eq3A_219, %broadcast_in_dim3A_221, %select_n3A_207 : vector<256x4096xi1>, vector<256x4096xf32>
    %argmin3A_223 = tpu.reduce_index %select_n3A_222 {axis = 1 : i32, kind = #tpu.reduction_kind<arg_min>} : vector<256x4096xf32> -> vector<256xi32>
    %broadcast_in_dim3A_224 = vector.shape_cast %argmin3A_223 : vector<256xi32> to vector<256x1xi32>
    %eq3A_225 = arith.constant 13 : i32
    %eq3A_226 = vector.broadcast %eq3A_225 : i32 to vector<256x32xi32>
    %eq3A_227 = arith.cmpi eq, %iota3A_28, %eq3A_226 : vector<256x32xi32>
    %add3A_228 = vector.broadcast %mul3A_30 : i32 to vector<256x1xi32>
    %add3A_229 = arith.addi %broadcast_in_dim3A_224, %add3A_228 : vector<256x1xi32>
    %broadcast_in_dim3A_230 = vector.shape_cast %add3A_229 : vector<256x1xi32> to vector<256x1xi32>
    %broadcast_in_dim3A_231 = vector.broadcast %broadcast_in_dim3A_230 : vector<256x1xi32> to vector<256x32xi32>
    %select_n3A_232 = arith.select %eq3A_227, %broadcast_in_dim3A_231, %select_n3A_217 : vector<256x32xi1>, vector<256x32xi32>
    %eq3A_233 = vector.broadcast %broadcast_in_dim3A_224 : vector<256x1xi32> to vector<256x4096xi32>
    %eq3A_234 = arith.cmpi eq, %iota3A, %eq3A_233 : vector<256x4096xi32>
    %jit3A_235 = arith.constant 0x7F800000 : f32
    %broadcast_in_dim3A_236 = vector.broadcast %jit3A_235 : f32 to vector<256x4096xf32>
    %select_n3A_237 = arith.select %eq3A_234, %broadcast_in_dim3A_236, %select_n3A_222 : vector<256x4096xi1>, vector<256x4096xf32>
    %argmin3A_238 = tpu.reduce_index %select_n3A_237 {axis = 1 : i32, kind = #tpu.reduction_kind<arg_min>} : vector<256x4096xf32> -> vector<256xi32>
    %broadcast_in_dim3A_239 = vector.shape_cast %argmin3A_238 : vector<256xi32> to vector<256x1xi32>
    %eq3A_240 = arith.constant 14 : i32
    %eq3A_241 = vector.broadcast %eq3A_240 : i32 to vector<256x32xi32>
    %eq3A_242 = arith.cmpi eq, %iota3A_28, %eq3A_241 : vector<256x32xi32>
    %add3A_243 = vector.broadcast %mul3A_30 : i32 to vector<256x1xi32>
    %add3A_244 = arith.addi %broadcast_in_dim3A_239, %add3A_243 : vector<256x1xi32>
    %broadcast_in_dim3A_245 = vector.shape_cast %add3A_244 : vector<256x1xi32> to vector<256x1xi32>
    %broadcast_in_dim3A_246 = vector.broadcast %broadcast_in_dim3A_245 : vector<256x1xi32> to vector<256x32xi32>
    %select_n3A_247 = arith.select %eq3A_242, %broadcast_in_dim3A_246, %select_n3A_232 : vector<256x32xi1>, vector<256x32xi32>
    %eq3A_248 = vector.broadcast %broadcast_in_dim3A_239 : vector<256x1xi32> to vector<256x4096xi32>
    %eq3A_249 = arith.cmpi eq, %iota3A, %eq3A_248 : vector<256x4096xi32>
    %jit3A_250 = arith.constant 0x7F800000 : f32
    %broadcast_in_dim3A_251 = vector.broadcast %jit3A_250 : f32 to vector<256x4096xf32>
    %select_n3A_252 = arith.select %eq3A_249, %broadcast_in_dim3A_251, %select_n3A_237 : vector<256x4096xi1>, vector<256x4096xf32>
    %argmin3A_253 = tpu.reduce_index %select_n3A_252 {axis = 1 : i32, kind = #tpu.reduction_kind<arg_min>} : vector<256x4096xf32> -> vector<256xi32>
    %broadcast_in_dim3A_254 = vector.shape_cast %argmin3A_253 : vector<256xi32> to vector<256x1xi32>
    %eq3A_255 = arith.constant 15 : i32
    %eq3A_256 = vector.broadcast %eq3A_255 : i32 to vector<256x32xi32>
    %eq3A_257 = arith.cmpi eq, %iota3A_28, %eq3A_256 : vector<256x32xi32>
    %add3A_258 = vector.broadcast %mul3A_30 : i32 to vector<256x1xi32>
    %add3A_259 = arith.addi %broadcast_in_dim3A_254, %add3A_258 : vector<256x1xi32>
    %broadcast_in_dim3A_260 = vector.shape_cast %add3A_259 : vector<256x1xi32> to vector<256x1xi32>
    %broadcast_in_dim3A_261 = vector.broadcast %broadcast_in_dim3A_260 : vector<256x1xi32> to vector<256x32xi32>
    %select_n3A_262 = arith.select %eq3A_257, %broadcast_in_dim3A_261, %select_n3A_247 : vector<256x32xi1>, vector<256x32xi32>
    %eq3A_263 = vector.broadcast %broadcast_in_dim3A_254 : vector<256x1xi32> to vector<256x4096xi32>
    %eq3A_264 = arith.cmpi eq, %iota3A, %eq3A_263 : vector<256x4096xi32>
    %jit3A_265 = arith.constant 0x7F800000 : f32
    %broadcast_in_dim3A_266 = vector.broadcast %jit3A_265 : f32 to vector<256x4096xf32>
    %select_n3A_267 = arith.select %eq3A_264, %broadcast_in_dim3A_266, %select_n3A_252 : vector<256x4096xi1>, vector<256x4096xf32>
    %argmin3A_268 = tpu.reduce_index %select_n3A_267 {axis = 1 : i32, kind = #tpu.reduction_kind<arg_min>} : vector<256x4096xf32> -> vector<256xi32>
    %broadcast_in_dim3A_269 = vector.shape_cast %argmin3A_268 : vector<256xi32> to vector<256x1xi32>
    %eq3A_270 = arith.constant 16 : i32
    %eq3A_271 = vector.broadcast %eq3A_270 : i32 to vector<256x32xi32>
    %eq3A_272 = arith.cmpi eq, %iota3A_28, %eq3A_271 : vector<256x32xi32>
    %add3A_273 = vector.broadcast %mul3A_30 : i32 to vector<256x1xi32>
    %add3A_274 = arith.addi %broadcast_in_dim3A_269, %add3A_273 : vector<256x1xi32>
    %broadcast_in_dim3A_275 = vector.shape_cast %add3A_274 : vector<256x1xi32> to vector<256x1xi32>
    %broadcast_in_dim3A_276 = vector.broadcast %broadcast_in_dim3A_275 : vector<256x1xi32> to vector<256x32xi32>
    %select_n3A_277 = arith.select %eq3A_272, %broadcast_in_dim3A_276, %select_n3A_262 : vector<256x32xi1>, vector<256x32xi32>
    %eq3A_278 = vector.broadcast %broadcast_in_dim3A_269 : vector<256x1xi32> to vector<256x4096xi32>
    %eq3A_279 = arith.cmpi eq, %iota3A, %eq3A_278 : vector<256x4096xi32>
    %jit3A_280 = arith.constant 0x7F800000 : f32
    %broadcast_in_dim3A_281 = vector.broadcast %jit3A_280 : f32 to vector<256x4096xf32>
    %select_n3A_282 = arith.select %eq3A_279, %broadcast_in_dim3A_281, %select_n3A_267 : vector<256x4096xi1>, vector<256x4096xf32>
    %argmin3A_283 = tpu.reduce_index %select_n3A_282 {axis = 1 : i32, kind = #tpu.reduction_kind<arg_min>} : vector<256x4096xf32> -> vector<256xi32>
    %broadcast_in_dim3A_284 = vector.shape_cast %argmin3A_283 : vector<256xi32> to vector<256x1xi32>
    %eq3A_285 = arith.constant 17 : i32
    %eq3A_286 = vector.broadcast %eq3A_285 : i32 to vector<256x32xi32>
    %eq3A_287 = arith.cmpi eq, %iota3A_28, %eq3A_286 : vector<256x32xi32>
    %add3A_288 = vector.broadcast %mul3A_30 : i32 to vector<256x1xi32>
    %add3A_289 = arith.addi %broadcast_in_dim3A_284, %add3A_288 : vector<256x1xi32>
    %broadcast_in_dim3A_290 = vector.shape_cast %add3A_289 : vector<256x1xi32> to vector<256x1xi32>
    %broadcast_in_dim3A_291 = vector.broadcast %broadcast_in_dim3A_290 : vector<256x1xi32> to vector<256x32xi32>
    %select_n3A_292 = arith.select %eq3A_287, %broadcast_in_dim3A_291, %select_n3A_277 : vector<256x32xi1>, vector<256x32xi32>
    %eq3A_293 = vector.broadcast %broadcast_in_dim3A_284 : vector<256x1xi32> to vector<256x4096xi32>
    %eq3A_294 = arith.cmpi eq, %iota3A, %eq3A_293 : vector<256x4096xi32>
    %jit3A_295 = arith.constant 0x7F800000 : f32
    %broadcast_in_dim3A_296 = vector.broadcast %jit3A_295 : f32 to vector<256x4096xf32>
    %select_n3A_297 = arith.select %eq3A_294, %broadcast_in_dim3A_296, %select_n3A_282 : vector<256x4096xi1>, vector<256x4096xf32>
    %argmin3A_298 = tpu.reduce_index %select_n3A_297 {axis = 1 : i32, kind = #tpu.reduction_kind<arg_min>} : vector<256x4096xf32> -> vector<256xi32>
    %broadcast_in_dim3A_299 = vector.shape_cast %argmin3A_298 : vector<256xi32> to vector<256x1xi32>
    %eq3A_300 = arith.constant 18 : i32
    %eq3A_301 = vector.broadcast %eq3A_300 : i32 to vector<256x32xi32>
    %eq3A_302 = arith.cmpi eq, %iota3A_28, %eq3A_301 : vector<256x32xi32>
    %add3A_303 = vector.broadcast %mul3A_30 : i32 to vector<256x1xi32>
    %add3A_304 = arith.addi %broadcast_in_dim3A_299, %add3A_303 : vector<256x1xi32>
    %broadcast_in_dim3A_305 = vector.shape_cast %add3A_304 : vector<256x1xi32> to vector<256x1xi32>
    %broadcast_in_dim3A_306 = vector.broadcast %broadcast_in_dim3A_305 : vector<256x1xi32> to vector<256x32xi32>
    %select_n3A_307 = arith.select %eq3A_302, %broadcast_in_dim3A_306, %select_n3A_292 : vector<256x32xi1>, vector<256x32xi32>
    %eq3A_308 = vector.broadcast %broadcast_in_dim3A_299 : vector<256x1xi32> to vector<256x4096xi32>
    %eq3A_309 = arith.cmpi eq, %iota3A, %eq3A_308 : vector<256x4096xi32>
    %jit3A_310 = arith.constant 0x7F800000 : f32
    %broadcast_in_dim3A_311 = vector.broadcast %jit3A_310 : f32 to vector<256x4096xf32>
    %select_n3A_312 = arith.select %eq3A_309, %broadcast_in_dim3A_311, %select_n3A_297 : vector<256x4096xi1>, vector<256x4096xf32>
    %argmin3A_313 = tpu.reduce_index %select_n3A_312 {axis = 1 : i32, kind = #tpu.reduction_kind<arg_min>} : vector<256x4096xf32> -> vector<256xi32>
    %broadcast_in_dim3A_314 = vector.shape_cast %argmin3A_313 : vector<256xi32> to vector<256x1xi32>
    %eq3A_315 = arith.constant 19 : i32
    %eq3A_316 = vector.broadcast %eq3A_315 : i32 to vector<256x32xi32>
    %eq3A_317 = arith.cmpi eq, %iota3A_28, %eq3A_316 : vector<256x32xi32>
    %add3A_318 = vector.broadcast %mul3A_30 : i32 to vector<256x1xi32>
    %add3A_319 = arith.addi %broadcast_in_dim3A_314, %add3A_318 : vector<256x1xi32>
    %broadcast_in_dim3A_320 = vector.shape_cast %add3A_319 : vector<256x1xi32> to vector<256x1xi32>
    %broadcast_in_dim3A_321 = vector.broadcast %broadcast_in_dim3A_320 : vector<256x1xi32> to vector<256x32xi32>
    %select_n3A_322 = arith.select %eq3A_317, %broadcast_in_dim3A_321, %select_n3A_307 : vector<256x32xi1>, vector<256x32xi32>
    %eq3A_323 = vector.broadcast %broadcast_in_dim3A_314 : vector<256x1xi32> to vector<256x4096xi32>
    %eq3A_324 = arith.cmpi eq, %iota3A, %eq3A_323 : vector<256x4096xi32>
    %jit3A_325 = arith.constant 0x7F800000 : f32
    %broadcast_in_dim3A_326 = vector.broadcast %jit3A_325 : f32 to vector<256x4096xf32>
    %select_n3A_327 = arith.select %eq3A_324, %broadcast_in_dim3A_326, %select_n3A_312 : vector<256x4096xi1>, vector<256x4096xf32>
    %argmin3A_328 = tpu.reduce_index %select_n3A_327 {axis = 1 : i32, kind = #tpu.reduction_kind<arg_min>} : vector<256x4096xf32> -> vector<256xi32>
    %broadcast_in_dim3A_329 = vector.shape_cast %argmin3A_328 : vector<256xi32> to vector<256x1xi32>
    %eq3A_330 = arith.constant 20 : i32
    %eq3A_331 = vector.broadcast %eq3A_330 : i32 to vector<256x32xi32>
    %eq3A_332 = arith.cmpi eq, %iota3A_28, %eq3A_331 : vector<256x32xi32>
    %add3A_333 = vector.broadcast %mul3A_30 : i32 to vector<256x1xi32>
    %add3A_334 = arith.addi %broadcast_in_dim3A_329, %add3A_333 : vector<256x1xi32>
    %broadcast_in_dim3A_335 = vector.shape_cast %add3A_334 : vector<256x1xi32> to vector<256x1xi32>
    %broadcast_in_dim3A_336 = vector.broadcast %broadcast_in_dim3A_335 : vector<256x1xi32> to vector<256x32xi32>
    %select_n3A_337 = arith.select %eq3A_332, %broadcast_in_dim3A_336, %select_n3A_322 : vector<256x32xi1>, vector<256x32xi32>
    %eq3A_338 = vector.broadcast %broadcast_in_dim3A_329 : vector<256x1xi32> to vector<256x4096xi32>
    %eq3A_339 = arith.cmpi eq, %iota3A, %eq3A_338 : vector<256x4096xi32>
    %jit3A_340 = arith.constant 0x7F800000 : f32
    %broadcast_in_dim3A_341 = vector.broadcast %jit3A_340 : f32 to vector<256x4096xf32>
    %select_n3A_342 = arith.select %eq3A_339, %broadcast_in_dim3A_341, %select_n3A_327 : vector<256x4096xi1>, vector<256x4096xf32>
    %argmin3A_343 = tpu.reduce_index %select_n3A_342 {axis = 1 : i32, kind = #tpu.reduction_kind<arg_min>} : vector<256x4096xf32> -> vector<256xi32>
    %broadcast_in_dim3A_344 = vector.shape_cast %argmin3A_343 : vector<256xi32> to vector<256x1xi32>
    %eq3A_345 = arith.constant 21 : i32
    %eq3A_346 = vector.broadcast %eq3A_345 : i32 to vector<256x32xi32>
    %eq3A_347 = arith.cmpi eq, %iota3A_28, %eq3A_346 : vector<256x32xi32>
    %add3A_348 = vector.broadcast %mul3A_30 : i32 to vector<256x1xi32>
    %add3A_349 = arith.addi %broadcast_in_dim3A_344, %add3A_348 : vector<256x1xi32>
    %broadcast_in_dim3A_350 = vector.shape_cast %add3A_349 : vector<256x1xi32> to vector<256x1xi32>
    %broadcast_in_dim3A_351 = vector.broadcast %broadcast_in_dim3A_350 : vector<256x1xi32> to vector<256x32xi32>
    %select_n3A_352 = arith.select %eq3A_347, %broadcast_in_dim3A_351, %select_n3A_337 : vector<256x32xi1>, vector<256x32xi32>
    %eq3A_353 = vector.broadcast %broadcast_in_dim3A_344 : vector<256x1xi32> to vector<256x4096xi32>
    %eq3A_354 = arith.cmpi eq, %iota3A, %eq3A_353 : vector<256x4096xi32>
    %jit3A_355 = arith.constant 0x7F800000 : f32
    %broadcast_in_dim3A_356 = vector.broadcast %jit3A_355 : f32 to vector<256x4096xf32>
    %select_n3A_357 = arith.select %eq3A_354, %broadcast_in_dim3A_356, %select_n3A_342 : vector<256x4096xi1>, vector<256x4096xf32>
    %argmin3A_358 = tpu.reduce_index %select_n3A_357 {axis = 1 : i32, kind = #tpu.reduction_kind<arg_min>} : vector<256x4096xf32> -> vector<256xi32>
    %broadcast_in_dim3A_359 = vector.shape_cast %argmin3A_358 : vector<256xi32> to vector<256x1xi32>
    %eq3A_360 = arith.constant 22 : i32
    %eq3A_361 = vector.broadcast %eq3A_360 : i32 to vector<256x32xi32>
    %eq3A_362 = arith.cmpi eq, %iota3A_28, %eq3A_361 : vector<256x32xi32>
    %add3A_363 = vector.broadcast %mul3A_30 : i32 to vector<256x1xi32>
    %add3A_364 = arith.addi %broadcast_in_dim3A_359, %add3A_363 : vector<256x1xi32>
    %broadcast_in_dim3A_365 = vector.shape_cast %add3A_364 : vector<256x1xi32> to vector<256x1xi32>
    %broadcast_in_dim3A_366 = vector.broadcast %broadcast_in_dim3A_365 : vector<256x1xi32> to vector<256x32xi32>
    %select_n3A_367 = arith.select %eq3A_362, %broadcast_in_dim3A_366, %select_n3A_352 : vector<256x32xi1>, vector<256x32xi32>
    %eq3A_368 = vector.broadcast %broadcast_in_dim3A_359 : vector<256x1xi32> to vector<256x4096xi32>
    %eq3A_369 = arith.cmpi eq, %iota3A, %eq3A_368 : vector<256x4096xi32>
    %jit3A_370 = arith.constant 0x7F800000 : f32
    %broadcast_in_dim3A_371 = vector.broadcast %jit3A_370 : f32 to vector<256x4096xf32>
    %select_n3A_372 = arith.select %eq3A_369, %broadcast_in_dim3A_371, %select_n3A_357 : vector<256x4096xi1>, vector<256x4096xf32>
    %argmin3A_373 = tpu.reduce_index %select_n3A_372 {axis = 1 : i32, kind = #tpu.reduction_kind<arg_min>} : vector<256x4096xf32> -> vector<256xi32>
    %broadcast_in_dim3A_374 = vector.shape_cast %argmin3A_373 : vector<256xi32> to vector<256x1xi32>
    %eq3A_375 = arith.constant 23 : i32
    %eq3A_376 = vector.broadcast %eq3A_375 : i32 to vector<256x32xi32>
    %eq3A_377 = arith.cmpi eq, %iota3A_28, %eq3A_376 : vector<256x32xi32>
    %add3A_378 = vector.broadcast %mul3A_30 : i32 to vector<256x1xi32>
    %add3A_379 = arith.addi %broadcast_in_dim3A_374, %add3A_378 : vector<256x1xi32>
    %broadcast_in_dim3A_380 = vector.shape_cast %add3A_379 : vector<256x1xi32> to vector<256x1xi32>
    %broadcast_in_dim3A_381 = vector.broadcast %broadcast_in_dim3A_380 : vector<256x1xi32> to vector<256x32xi32>
    %select_n3A_382 = arith.select %eq3A_377, %broadcast_in_dim3A_381, %select_n3A_367 : vector<256x32xi1>, vector<256x32xi32>
    %eq3A_383 = vector.broadcast %broadcast_in_dim3A_374 : vector<256x1xi32> to vector<256x4096xi32>
    %eq3A_384 = arith.cmpi eq, %iota3A, %eq3A_383 : vector<256x4096xi32>
    %jit3A_385 = arith.constant 0x7F800000 : f32
    %broadcast_in_dim3A_386 = vector.broadcast %jit3A_385 : f32 to vector<256x4096xf32>
    %select_n3A_387 = arith.select %eq3A_384, %broadcast_in_dim3A_386, %select_n3A_372 : vector<256x4096xi1>, vector<256x4096xf32>
    %argmin3A_388 = tpu.reduce_index %select_n3A_387 {axis = 1 : i32, kind = #tpu.reduction_kind<arg_min>} : vector<256x4096xf32> -> vector<256xi32>
    %broadcast_in_dim3A_389 = vector.shape_cast %argmin3A_388 : vector<256xi32> to vector<256x1xi32>
    %eq3A_390 = arith.constant 24 : i32
    %eq3A_391 = vector.broadcast %eq3A_390 : i32 to vector<256x32xi32>
    %eq3A_392 = arith.cmpi eq, %iota3A_28, %eq3A_391 : vector<256x32xi32>
    %add3A_393 = vector.broadcast %mul3A_30 : i32 to vector<256x1xi32>
    %add3A_394 = arith.addi %broadcast_in_dim3A_389, %add3A_393 : vector<256x1xi32>
    %broadcast_in_dim3A_395 = vector.shape_cast %add3A_394 : vector<256x1xi32> to vector<256x1xi32>
    %broadcast_in_dim3A_396 = vector.broadcast %broadcast_in_dim3A_395 : vector<256x1xi32> to vector<256x32xi32>
    %select_n3A_397 = arith.select %eq3A_392, %broadcast_in_dim3A_396, %select_n3A_382 : vector<256x32xi1>, vector<256x32xi32>
    %eq3A_398 = vector.broadcast %broadcast_in_dim3A_389 : vector<256x1xi32> to vector<256x4096xi32>
    %eq3A_399 = arith.cmpi eq, %iota3A, %eq3A_398 : vector<256x4096xi32>
    %jit3A_400 = arith.constant 0x7F800000 : f32
    %broadcast_in_dim3A_401 = vector.broadcast %jit3A_400 : f32 to vector<256x4096xf32>
    %select_n3A_402 = arith.select %eq3A_399, %broadcast_in_dim3A_401, %select_n3A_387 : vector<256x4096xi1>, vector<256x4096xf32>
    %argmin3A_403 = tpu.reduce_index %select_n3A_402 {axis = 1 : i32, kind = #tpu.reduction_kind<arg_min>} : vector<256x4096xf32> -> vector<256xi32>
    %broadcast_in_dim3A_404 = vector.shape_cast %argmin3A_403 : vector<256xi32> to vector<256x1xi32>
    %eq3A_405 = arith.constant 25 : i32
    %eq3A_406 = vector.broadcast %eq3A_405 : i32 to vector<256x32xi32>
    %eq3A_407 = arith.cmpi eq, %iota3A_28, %eq3A_406 : vector<256x32xi32>
    %add3A_408 = vector.broadcast %mul3A_30 : i32 to vector<256x1xi32>
    %add3A_409 = arith.addi %broadcast_in_dim3A_404, %add3A_408 : vector<256x1xi32>
    %broadcast_in_dim3A_410 = vector.shape_cast %add3A_409 : vector<256x1xi32> to vector<256x1xi32>
    %broadcast_in_dim3A_411 = vector.broadcast %broadcast_in_dim3A_410 : vector<256x1xi32> to vector<256x32xi32>
    %select_n3A_412 = arith.select %eq3A_407, %broadcast_in_dim3A_411, %select_n3A_397 : vector<256x32xi1>, vector<256x32xi32>
    %eq3A_413 = vector.broadcast %broadcast_in_dim3A_404 : vector<256x1xi32> to vector<256x4096xi32>
    %eq3A_414 = arith.cmpi eq, %iota3A, %eq3A_413 : vector<256x4096xi32>
    %jit3A_415 = arith.constant 0x7F800000 : f32
    %broadcast_in_dim3A_416 = vector.broadcast %jit3A_415 : f32 to vector<256x4096xf32>
    %select_n3A_417 = arith.select %eq3A_414, %broadcast_in_dim3A_416, %select_n3A_402 : vector<256x4096xi1>, vector<256x4096xf32>
    %argmin3A_418 = tpu.reduce_index %select_n3A_417 {axis = 1 : i32, kind = #tpu.reduction_kind<arg_min>} : vector<256x4096xf32> -> vector<256xi32>
    %broadcast_in_dim3A_419 = vector.shape_cast %argmin3A_418 : vector<256xi32> to vector<256x1xi32>
    %eq3A_420 = arith.constant 26 : i32
    %eq3A_421 = vector.broadcast %eq3A_420 : i32 to vector<256x32xi32>
    %eq3A_422 = arith.cmpi eq, %iota3A_28, %eq3A_421 : vector<256x32xi32>
    %add3A_423 = vector.broadcast %mul3A_30 : i32 to vector<256x1xi32>
    %add3A_424 = arith.addi %broadcast_in_dim3A_419, %add3A_423 : vector<256x1xi32>
    %broadcast_in_dim3A_425 = vector.shape_cast %add3A_424 : vector<256x1xi32> to vector<256x1xi32>
    %broadcast_in_dim3A_426 = vector.broadcast %broadcast_in_dim3A_425 : vector<256x1xi32> to vector<256x32xi32>
    %select_n3A_427 = arith.select %eq3A_422, %broadcast_in_dim3A_426, %select_n3A_412 : vector<256x32xi1>, vector<256x32xi32>
    %eq3A_428 = vector.broadcast %broadcast_in_dim3A_419 : vector<256x1xi32> to vector<256x4096xi32>
    %eq3A_429 = arith.cmpi eq, %iota3A, %eq3A_428 : vector<256x4096xi32>
    %jit3A_430 = arith.constant 0x7F800000 : f32
    %broadcast_in_dim3A_431 = vector.broadcast %jit3A_430 : f32 to vector<256x4096xf32>
    %select_n3A_432 = arith.select %eq3A_429, %broadcast_in_dim3A_431, %select_n3A_417 : vector<256x4096xi1>, vector<256x4096xf32>
    %argmin3A_433 = tpu.reduce_index %select_n3A_432 {axis = 1 : i32, kind = #tpu.reduction_kind<arg_min>} : vector<256x4096xf32> -> vector<256xi32>
    %broadcast_in_dim3A_434 = vector.shape_cast %argmin3A_433 : vector<256xi32> to vector<256x1xi32>
    %eq3A_435 = arith.constant 27 : i32
    %eq3A_436 = vector.broadcast %eq3A_435 : i32 to vector<256x32xi32>
    %eq3A_437 = arith.cmpi eq, %iota3A_28, %eq3A_436 : vector<256x32xi32>
    %add3A_438 = vector.broadcast %mul3A_30 : i32 to vector<256x1xi32>
    %add3A_439 = arith.addi %broadcast_in_dim3A_434, %add3A_438 : vector<256x1xi32>
    %broadcast_in_dim3A_440 = vector.shape_cast %add3A_439 : vector<256x1xi32> to vector<256x1xi32>
    %broadcast_in_dim3A_441 = vector.broadcast %broadcast_in_dim3A_440 : vector<256x1xi32> to vector<256x32xi32>
    %select_n3A_442 = arith.select %eq3A_437, %broadcast_in_dim3A_441, %select_n3A_427 : vector<256x32xi1>, vector<256x32xi32>
    %eq3A_443 = vector.broadcast %broadcast_in_dim3A_434 : vector<256x1xi32> to vector<256x4096xi32>
    %eq3A_444 = arith.cmpi eq, %iota3A, %eq3A_443 : vector<256x4096xi32>
    %jit3A_445 = arith.constant 0x7F800000 : f32
    %broadcast_in_dim3A_446 = vector.broadcast %jit3A_445 : f32 to vector<256x4096xf32>
    %select_n3A_447 = arith.select %eq3A_444, %broadcast_in_dim3A_446, %select_n3A_432 : vector<256x4096xi1>, vector<256x4096xf32>
    %argmin3A_448 = tpu.reduce_index %select_n3A_447 {axis = 1 : i32, kind = #tpu.reduction_kind<arg_min>} : vector<256x4096xf32> -> vector<256xi32>
    %broadcast_in_dim3A_449 = vector.shape_cast %argmin3A_448 : vector<256xi32> to vector<256x1xi32>
    %eq3A_450 = arith.constant 28 : i32
    %eq3A_451 = vector.broadcast %eq3A_450 : i32 to vector<256x32xi32>
    %eq3A_452 = arith.cmpi eq, %iota3A_28, %eq3A_451 : vector<256x32xi32>
    %add3A_453 = vector.broadcast %mul3A_30 : i32 to vector<256x1xi32>
    %add3A_454 = arith.addi %broadcast_in_dim3A_449, %add3A_453 : vector<256x1xi32>
    %broadcast_in_dim3A_455 = vector.shape_cast %add3A_454 : vector<256x1xi32> to vector<256x1xi32>
    %broadcast_in_dim3A_456 = vector.broadcast %broadcast_in_dim3A_455 : vector<256x1xi32> to vector<256x32xi32>
    %select_n3A_457 = arith.select %eq3A_452, %broadcast_in_dim3A_456, %select_n3A_442 : vector<256x32xi1>, vector<256x32xi32>
    %eq3A_458 = vector.broadcast %broadcast_in_dim3A_449 : vector<256x1xi32> to vector<256x4096xi32>
    %eq3A_459 = arith.cmpi eq, %iota3A, %eq3A_458 : vector<256x4096xi32>
    %jit3A_460 = arith.constant 0x7F800000 : f32
    %broadcast_in_dim3A_461 = vector.broadcast %jit3A_460 : f32 to vector<256x4096xf32>
    %select_n3A_462 = arith.select %eq3A_459, %broadcast_in_dim3A_461, %select_n3A_447 : vector<256x4096xi1>, vector<256x4096xf32>
    %argmin3A_463 = tpu.reduce_index %select_n3A_462 {axis = 1 : i32, kind = #tpu.reduction_kind<arg_min>} : vector<256x4096xf32> -> vector<256xi32>
    %broadcast_in_dim3A_464 = vector.shape_cast %argmin3A_463 : vector<256xi32> to vector<256x1xi32>
    %eq3A_465 = arith.constant 29 : i32
    %eq3A_466 = vector.broadcast %eq3A_465 : i32 to vector<256x32xi32>
    %eq3A_467 = arith.cmpi eq, %iota3A_28, %eq3A_466 : vector<256x32xi32>
    %add3A_468 = vector.broadcast %mul3A_30 : i32 to vector<256x1xi32>
    %add3A_469 = arith.addi %broadcast_in_dim3A_464, %add3A_468 : vector<256x1xi32>
    %broadcast_in_dim3A_470 = vector.shape_cast %add3A_469 : vector<256x1xi32> to vector<256x1xi32>
    %broadcast_in_dim3A_471 = vector.broadcast %broadcast_in_dim3A_470 : vector<256x1xi32> to vector<256x32xi32>
    %select_n3A_472 = arith.select %eq3A_467, %broadcast_in_dim3A_471, %select_n3A_457 : vector<256x32xi1>, vector<256x32xi32>
    %eq3A_473 = vector.broadcast %broadcast_in_dim3A_464 : vector<256x1xi32> to vector<256x4096xi32>
    %eq3A_474 = arith.cmpi eq, %iota3A, %eq3A_473 : vector<256x4096xi32>
    %jit3A_475 = arith.constant 0x7F800000 : f32
    %broadcast_in_dim3A_476 = vector.broadcast %jit3A_475 : f32 to vector<256x4096xf32>
    %select_n3A_477 = arith.select %eq3A_474, %broadcast_in_dim3A_476, %select_n3A_462 : vector<256x4096xi1>, vector<256x4096xf32>
    %argmin3A_478 = tpu.reduce_index %select_n3A_477 {axis = 1 : i32, kind = #tpu.reduction_kind<arg_min>} : vector<256x4096xf32> -> vector<256xi32>
    %broadcast_in_dim3A_479 = vector.shape_cast %argmin3A_478 : vector<256xi32> to vector<256x1xi32>
    %eq3A_480 = arith.constant 30 : i32
    %eq3A_481 = vector.broadcast %eq3A_480 : i32 to vector<256x32xi32>
    %eq3A_482 = arith.cmpi eq, %iota3A_28, %eq3A_481 : vector<256x32xi32>
    %add3A_483 = vector.broadcast %mul3A_30 : i32 to vector<256x1xi32>
    %add3A_484 = arith.addi %broadcast_in_dim3A_479, %add3A_483 : vector<256x1xi32>
    %broadcast_in_dim3A_485 = vector.shape_cast %add3A_484 : vector<256x1xi32> to vector<256x1xi32>
    %broadcast_in_dim3A_486 = vector.broadcast %broadcast_in_dim3A_485 : vector<256x1xi32> to vector<256x32xi32>
    %select_n3A_487 = arith.select %eq3A_482, %broadcast_in_dim3A_486, %select_n3A_472 : vector<256x32xi1>, vector<256x32xi32>
    %eq3A_488 = vector.broadcast %broadcast_in_dim3A_479 : vector<256x1xi32> to vector<256x4096xi32>
    %eq3A_489 = arith.cmpi eq, %iota3A, %eq3A_488 : vector<256x4096xi32>
    %jit3A_490 = arith.constant 0x7F800000 : f32
    %broadcast_in_dim3A_491 = vector.broadcast %jit3A_490 : f32 to vector<256x4096xf32>
    %select_n3A_492 = arith.select %eq3A_489, %broadcast_in_dim3A_491, %select_n3A_477 : vector<256x4096xi1>, vector<256x4096xf32>
    %argmin3A_493 = tpu.reduce_index %select_n3A_492 {axis = 1 : i32, kind = #tpu.reduction_kind<arg_min>} : vector<256x4096xf32> -> vector<256xi32>
    %broadcast_in_dim3A_494 = vector.shape_cast %argmin3A_493 : vector<256xi32> to vector<256x1xi32>
    %eq3A_495 = arith.constant 31 : i32
    %eq3A_496 = vector.broadcast %eq3A_495 : i32 to vector<256x32xi32>
    %eq3A_497 = arith.cmpi eq, %iota3A_28, %eq3A_496 : vector<256x32xi32>
    %add3A_498 = vector.broadcast %mul3A_30 : i32 to vector<256x1xi32>
    %add3A_499 = arith.addi %broadcast_in_dim3A_494, %add3A_498 : vector<256x1xi32>
    %broadcast_in_dim3A_500 = vector.shape_cast %add3A_499 : vector<256x1xi32> to vector<256x1xi32>
    %broadcast_in_dim3A_501 = vector.broadcast %broadcast_in_dim3A_500 : vector<256x1xi32> to vector<256x32xi32>
    %select_n3A_502 = arith.select %eq3A_497, %broadcast_in_dim3A_501, %select_n3A_487 : vector<256x32xi1>, vector<256x32xi32>
    %transpose3A = tpu.transpose %select_n3A_502, [1, 0] : vector<256x32xi32> -> vector<32x256xi32>
    %swap3A = arith.constant 0 : index
    %swap3A_503 = arith.constant 0 : index
    %swap3A_504 = arith.constant 0 : index
    %swap3A_505 = vector.load %arg4[%swap3A, %swap3A_503, %swap3A_504] : memref<1x32x256xi32, #tpu.memory_space<vmem>>, vector<1x32x256xi32>
    %swap3A_506 = vector.shape_cast %swap3A_505 : vector<1x32x256xi32> to vector<32x256xi32>
    %swap3A_507 = vector.shape_cast %transpose3A : vector<32x256xi32> to vector<1x32x256xi32>
    tpu.vector_store %arg4[%swap3A, %swap3A_503, %swap3A_504], %swap3A_507 {strides = array<i32>} : memref<1x32x256xi32, #tpu.memory_space<vmem>>, vector<1x32x256xi32>,
    return
  }
  func.func @transform_0(%arg0: i32, %arg1: i32) -> (i32, i32) {
    %mul3A = arith.constant 4 : i32
    %mul3A_0 = arith.muli %arg0, %mul3A : i32
    %add3A = arith.addi %mul3A_0, %arg1 : i32
    %c0_i32 = arith.constant 0 : i32
    %c0_i32_1 = arith.constant 0 : i32
    return %add3A, %c0_i32 : i32, i32
  }
  func.func @transform_1(%arg0: i32, %arg1: i32) -> (i32, i32, i32) {
    %c0_i32 = arith.constant 0 : i32
    %c0_i32_0 = arith.constant 0 : i32
    %c0_i32_1 = arith.constant 0 : i32
    return %arg0, %c0_i32, %c0_i32_0 : i32, i32, i32
  }
  func.func @transform_2(%arg0: i32, %arg1: i32) -> (i32, i32, i32) {
    %c0_i32 = arith.constant 0 : i32
    %c0_i32_0 = arith.constant 0 : i32
    return %arg0, %c0_i32, %arg1 : i32, i32, i32
  }
}

module attributes {stable_mosaic.version = 14 : i64} {
  func.func @_stats_body(%arg0: i32, %arg1: i32, %arg2: memref<1x32x256x256xf32, #tpu.memory_space<vmem>>, %arg3: memref<256x256xf32, #tpu.memory_space<vmem>>, %arg4: memref<1x32x16xf32, #tpu.memory_space<vmem>>, %arg5: memref<1x32x16xf32, #tpu.memory_space<vmem>>, %arg6: memref<1x1x32xf32, #tpu.memory_space<vmem>>, %arg7: memref<1x1x32xf32, #tpu.memory_space<vmem>>) attributes {dimension_semantics = [#tpu.dimension_semantics<arbitrary>, #tpu.dimension_semantics<arbitrary>], iteration_bounds = array<i64: 8, 4>, scalar_prefetch = 0 : i64, scratch_operands = 0 : i64, tpu.core_type = #tpu.core_type<tc>, window_params = [{transform_indices = @transform_0, window_bounds = array<i64: 1, 32, 256, 256>}, {transform_indices = @transform_1, window_bounds = array<i64: 256, 256>}, {transform_indices = @transform_2, window_bounds = array<i64: 1, 32, 16>}, {transform_indices = @transform_3, window_bounds = array<i64: 1, 32, 16>}, {transform_indices = @transform_4, window_bounds = array<i64: 1, 1, 32>}, {transform_indices = @transform_5, window_bounds = array<i64: 1, 1, 32>}]} {
    %get3A = arith.constant 0 : index
    %get3A_0 = arith.constant 0 : index
    %get3A_1 = arith.constant 0 : index
    %get3A_2 = arith.constant 0 : index
    %get3A_3 = vector.load %arg2[%get3A, %get3A_0, %get3A_1, %get3A_2] : memref<1x32x256x256xf32, #tpu.memory_space<vmem>>, vector<1x32x256x256xf32>
    %get3A_4 = vector.shape_cast %get3A_3 : vector<1x32x256x256xf32> to vector<32x256x256xf32>
    %get3A_5 = arith.constant 0 : index
    %get3A_6 = arith.constant 0 : index
    %get3A_7 = vector.load %arg3[%get3A_5, %get3A_6] : memref<256x256xf32, #tpu.memory_space<vmem>>, vector<256x256xf32>
    %slice3A = vector.extract_strided_slice %get3A_4 {offsets = [0, 0, 128], sizes = [32, 256, 16], strides = [1, 1, 1]} : vector<32x256x256xf32> to vector<32x256x16xf32>
    %slice3A_8 = vector.extract_strided_slice %get3A_7 {offsets = [0, 128], sizes = [256, 16], strides = [1, 1]} : vector<256x256xf32> to vector<256x16xf32>
    %slice3A_9 = vector.extract_strided_slice %get3A_4 {offsets = [0, 0, 0], sizes = [32, 256, 128], strides = [1, 1, 1]} : vector<32x256x256xf32> to vector<32x256x128xf32>
    %slice3A_10 = vector.extract_strided_slice %get3A_7 {offsets = [0, 0], sizes = [256, 128], strides = [1, 1]} : vector<256x256xf32> to vector<256x128xf32>
    %broadcast_in_dim3A = vector.shape_cast %slice3A_8 : vector<256x16xf32> to vector<1x256x16xf32>
    %sub3A = vector.broadcast %broadcast_in_dim3A : vector<1x256x16xf32> to vector<32x256x16xf32>
    %sub3A_11 = arith.subf %slice3A, %sub3A : vector<32x256x16xf32>
    %reduce_sum3A = arith.constant dense<0.000000e+00> : vector<32x16xf32>
    %reduce_sum3A_12 = vector.multi_reduction <add>, %sub3A_11, %reduce_sum3A [1] : vector<32x256x16xf32> to vector<32x16xf32>
    %mul3A = arith.mulf %sub3A_11, %sub3A_11 : vector<32x256x16xf32>
    %reduce_sum3A_13 = arith.constant dense<0.000000e+00> : vector<32x16xf32>
    %reduce_sum3A_14 = vector.multi_reduction <add>, %mul3A, %reduce_sum3A_13 [1] : vector<32x256x16xf32> to vector<32x16xf32>
    %broadcast_in_dim3A_15 = vector.shape_cast %slice3A_10 : vector<256x128xf32> to vector<1x256x128xf32>
    %sub3A_16 = vector.broadcast %broadcast_in_dim3A_15 : vector<1x256x128xf32> to vector<32x256x128xf32>
    %sub3A_17 = arith.subf %slice3A_9, %sub3A_16 : vector<32x256x128xf32>
    %reduce_sum3A_18 = arith.constant dense<0.000000e+00> : vector<32x256xf32>
    %reduce_sum3A_19 = vector.multi_reduction <add>, %sub3A_17, %reduce_sum3A_18 [2] : vector<32x256x128xf32> to vector<32x256xf32>
    %reduce_sum3A_20 = arith.constant dense<0.000000e+00> : vector<32xf32>
    %reduce_sum3A_21 = vector.multi_reduction <add>, %reduce_sum3A_19, %reduce_sum3A_20 [1] : vector<32x256xf32> to vector<32xf32>
    %mul3A_22 = arith.mulf %sub3A_17, %sub3A_17 : vector<32x256x128xf32>
    %reduce_sum3A_23 = arith.constant dense<0.000000e+00> : vector<32x256xf32>
    %reduce_sum3A_24 = vector.multi_reduction <add>, %mul3A_22, %reduce_sum3A_23 [2] : vector<32x256x128xf32> to vector<32x256xf32>
    %reduce_sum3A_25 = arith.constant dense<0.000000e+00> : vector<32xf32>
    %reduce_sum3A_26 = vector.multi_reduction <add>, %reduce_sum3A_24, %reduce_sum3A_25 [1] : vector<32x256xf32> to vector<32xf32>
    %eq3A = arith.constant 0 : i32
    %eq3A_27 = arith.cmpi eq, %arg1, %eq3A : i32
    %convert_element_type3A = arith.extui %eq3A_27 : i1 to i32
    %cond3A = arith.constant 0 : i32
    %cond3A_28 = arith.cmpi ne, %convert_element_type3A, %cond3A : i32
    scf.if %cond3A_28 {
      %broadcast_in_dim3A_66 = arith.constant 0.000000e+00 : f32
      %broadcast_in_dim3A_67 = vector.broadcast %broadcast_in_dim3A_66 : f32 to vector<1x32x16xf32>
      %swap3A_68 = arith.constant 0 : index
      %swap3A_69 = arith.constant 0 : index
      %swap3A_70 = arith.constant 0 : index
      %swap3A_71 = vector.load %arg4[%swap3A_68, %swap3A_69, %swap3A_70] : memref<1x32x16xf32, #tpu.memory_space<vmem>>, vector<1x32x16xf32>
      tpu.vector_store %arg4[%swap3A_68, %swap3A_69, %swap3A_70], %broadcast_in_dim3A_67 {strides = array<i32>} : memref<1x32x16xf32, #tpu.memory_space<vmem>>, vector<1x32x16xf32>,
      %broadcast_in_dim3A_72 = arith.constant 0.000000e+00 : f32
      %broadcast_in_dim3A_73 = vector.broadcast %broadcast_in_dim3A_72 : f32 to vector<1x32x16xf32>
      %swap3A_74 = arith.constant 0 : index
      %swap3A_75 = arith.constant 0 : index
      %swap3A_76 = arith.constant 0 : index
      %swap3A_77 = vector.load %arg5[%swap3A_74, %swap3A_75, %swap3A_76] : memref<1x32x16xf32, #tpu.memory_space<vmem>>, vector<1x32x16xf32>
      tpu.vector_store %arg5[%swap3A_74, %swap3A_75, %swap3A_76], %broadcast_in_dim3A_73 {strides = array<i32>} : memref<1x32x16xf32, #tpu.memory_space<vmem>>, vector<1x32x16xf32>,
      %broadcast_in_dim3A_78 = arith.constant 0.000000e+00 : f32
      %broadcast_in_dim3A_79 = vector.broadcast %broadcast_in_dim3A_78 : f32 to vector<1x1x32xf32>
      %swap3A_80 = arith.constant 0 : index
      %swap3A_81 = arith.constant 0 : index
      %swap3A_82 = arith.constant 0 : index
      %swap3A_83 = vector.load %arg6[%swap3A_80, %swap3A_81, %swap3A_82] : memref<1x1x32xf32, #tpu.memory_space<vmem>>, vector<1x1x32xf32>
      tpu.vector_store %arg6[%swap3A_80, %swap3A_81, %swap3A_82], %broadcast_in_dim3A_79 {strides = array<i32>} : memref<1x1x32xf32, #tpu.memory_space<vmem>>, vector<1x1x32xf32>,
      %broadcast_in_dim3A_84 = arith.constant 0.000000e+00 : f32
      %broadcast_in_dim3A_85 = vector.broadcast %broadcast_in_dim3A_84 : f32 to vector<1x1x32xf32>
      %swap3A_86 = arith.constant 0 : index
      %swap3A_87 = arith.constant 0 : index
      %swap3A_88 = arith.constant 0 : index
      %swap3A_89 = vector.load %arg7[%swap3A_86, %swap3A_87, %swap3A_88] : memref<1x1x32xf32, #tpu.memory_space<vmem>>, vector<1x1x32xf32>
      tpu.vector_store %arg7[%swap3A_86, %swap3A_87, %swap3A_88], %broadcast_in_dim3A_85 {strides = array<i32>} : memref<1x1x32xf32, #tpu.memory_space<vmem>>, vector<1x1x32xf32>,
    } else {
    }
    %get3A_29 = arith.constant 0 : index
    %get3A_30 = arith.constant 0 : index
    %get3A_31 = arith.constant 0 : index
    %get3A_32 = vector.load %arg4[%get3A_29, %get3A_30, %get3A_31] : memref<1x32x16xf32, #tpu.memory_space<vmem>>, vector<1x32x16xf32>
    %broadcast_in_dim3A_33 = vector.shape_cast %reduce_sum3A_12 : vector<32x16xf32> to vector<1x32x16xf32>
    %add3A = arith.addf %get3A_32, %broadcast_in_dim3A_33 : vector<1x32x16xf32>
    %swap3A = arith.constant 0 : index
    %swap3A_34 = arith.constant 0 : index
    %swap3A_35 = arith.constant 0 : index
    %swap3A_36 = vector.load %arg4[%swap3A, %swap3A_34, %swap3A_35] : memref<1x32x16xf32, #tpu.memory_space<vmem>>, vector<1x32x16xf32>
    tpu.vector_store %arg4[%swap3A, %swap3A_34, %swap3A_35], %add3A {strides = array<i32>} : memref<1x32x16xf32, #tpu.memory_space<vmem>>, vector<1x32x16xf32>,
    %get3A_37 = arith.constant 0 : index
    %get3A_38 = arith.constant 0 : index
    %get3A_39 = arith.constant 0 : index
    %get3A_40 = vector.load %arg5[%get3A_37, %get3A_38, %get3A_39] : memref<1x32x16xf32, #tpu.memory_space<vmem>>, vector<1x32x16xf32>
    %broadcast_in_dim3A_41 = vector.shape_cast %reduce_sum3A_14 : vector<32x16xf32> to vector<1x32x16xf32>
    %add3A_42 = arith.addf %get3A_40, %broadcast_in_dim3A_41 : vector<1x32x16xf32>
    %swap3A_43 = arith.constant 0 : index
    %swap3A_44 = arith.constant 0 : index
    %swap3A_45 = arith.constant 0 : index
    %swap3A_46 = vector.load %arg5[%swap3A_43, %swap3A_44, %swap3A_45] : memref<1x32x16xf32, #tpu.memory_space<vmem>>, vector<1x32x16xf32>
    tpu.vector_store %arg5[%swap3A_43, %swap3A_44, %swap3A_45], %add3A_42 {strides = array<i32>} : memref<1x32x16xf32, #tpu.memory_space<vmem>>, vector<1x32x16xf32>,
    %get3A_47 = arith.constant 0 : index
    %get3A_48 = arith.constant 0 : index
    %get3A_49 = arith.constant 0 : index
    %get3A_50 = vector.load %arg6[%get3A_47, %get3A_48, %get3A_49] : memref<1x1x32xf32, #tpu.memory_space<vmem>>, vector<1x1x32xf32>
    %reshape3A = vector.shape_cast %reduce_sum3A_21 : vector<32xf32> to vector<1x1x32xf32>
    %add3A_51 = arith.addf %get3A_50, %reshape3A : vector<1x1x32xf32>
    %swap3A_52 = arith.constant 0 : index
    %swap3A_53 = arith.constant 0 : index
    %swap3A_54 = arith.constant 0 : index
    %swap3A_55 = vector.load %arg6[%swap3A_52, %swap3A_53, %swap3A_54] : memref<1x1x32xf32, #tpu.memory_space<vmem>>, vector<1x1x32xf32>
    tpu.vector_store %arg6[%swap3A_52, %swap3A_53, %swap3A_54], %add3A_51 {strides = array<i32>} : memref<1x1x32xf32, #tpu.memory_space<vmem>>, vector<1x1x32xf32>,
    %get3A_56 = arith.constant 0 : index
    %get3A_57 = arith.constant 0 : index
    %get3A_58 = arith.constant 0 : index
    %get3A_59 = vector.load %arg7[%get3A_56, %get3A_57, %get3A_58] : memref<1x1x32xf32, #tpu.memory_space<vmem>>, vector<1x1x32xf32>
    %reshape3A_60 = vector.shape_cast %reduce_sum3A_26 : vector<32xf32> to vector<1x1x32xf32>
    %add3A_61 = arith.addf %get3A_59, %reshape3A_60 : vector<1x1x32xf32>
    %swap3A_62 = arith.constant 0 : index
    %swap3A_63 = arith.constant 0 : index
    %swap3A_64 = arith.constant 0 : index
    %swap3A_65 = vector.load %arg7[%swap3A_62, %swap3A_63, %swap3A_64] : memref<1x1x32xf32, #tpu.memory_space<vmem>>, vector<1x1x32xf32>
    tpu.vector_store %arg7[%swap3A_62, %swap3A_63, %swap3A_64], %add3A_61 {strides = array<i32>} : memref<1x1x32xf32, #tpu.memory_space<vmem>>, vector<1x1x32xf32>,
    return
  }
  func.func @transform_0(%arg0: i32, %arg1: i32) -> (i32, i32, i32, i32) {
    %c0_i32 = arith.constant 0 : i32
    %c0_i32_0 = arith.constant 0 : i32
    %c0_i32_1 = arith.constant 0 : i32
    return %arg0, %c0_i32, %arg1, %c0_i32_0 : i32, i32, i32, i32
  }
  func.func @transform_1(%arg0: i32, %arg1: i32) -> (i32, i32) {
    %mul3A = arith.constant 4 : i32
    %mul3A_0 = arith.muli %arg0, %mul3A : i32
    %add3A = arith.addi %mul3A_0, %arg1 : i32
    %c0_i32 = arith.constant 0 : i32
    %c0_i32_1 = arith.constant 0 : i32
    return %add3A, %c0_i32 : i32, i32
  }
  func.func @transform_2(%arg0: i32, %arg1: i32) -> (i32, i32, i32) {
    %c0_i32 = arith.constant 0 : i32
    %c0_i32_0 = arith.constant 0 : i32
    %c0_i32_1 = arith.constant 0 : i32
    return %arg0, %c0_i32, %c0_i32_0 : i32, i32, i32
  }
  func.func @transform_3(%arg0: i32, %arg1: i32) -> (i32, i32, i32) {
    %c0_i32 = arith.constant 0 : i32
    %c0_i32_0 = arith.constant 0 : i32
    %c0_i32_1 = arith.constant 0 : i32
    return %arg0, %c0_i32, %c0_i32_0 : i32, i32, i32
  }
  func.func @transform_4(%arg0: i32, %arg1: i32) -> (i32, i32, i32) {
    %c0_i32 = arith.constant 0 : i32
    %c0_i32_0 = arith.constant 0 : i32
    %c0_i32_1 = arith.constant 0 : i32
    return %arg0, %c0_i32, %c0_i32_0 : i32, i32, i32
  }
  func.func @transform_5(%arg0: i32, %arg1: i32) -> (i32, i32, i32) {
    %c0_i32 = arith.constant 0 : i32
    %c0_i32_0 = arith.constant 0 : i32
    %c0_i32_1 = arith.constant 0 : i32
    return %arg0, %c0_i32, %c0_i32_0 : i32, i32, i32
  }
}

module attributes {stable_mosaic.version = 14 : i64} {
  func.func @_main_body(%arg0: i32, %arg1: i32, %arg2: memref<1x32x256x256xf32, #tpu.memory_space<vmem>>, %arg3: memref<256x256xf32, #tpu.memory_space<vmem>>, %arg4: memref<8x32x16xf32, #tpu.memory_space<vmem>>, %arg5: memref<8x32x16xf32, #tpu.memory_space<vmem>>, %arg6: memref<8x1x32xf32, #tpu.memory_space<vmem>>, %arg7: memref<8x1x32xf32, #tpu.memory_space<vmem>>, %arg8: memref<1x256xf32, #tpu.memory_space<vmem>>, %arg9: memref<16x256xf32, #tpu.memory_space<vmem>>, %arg10: memref<1x256x256xf32, #tpu.memory_space<vmem>>) attributes {dimension_semantics = [#tpu.dimension_semantics<arbitrary>, #tpu.dimension_semantics<arbitrary>], iteration_bounds = array<i64: 8, 4>, scalar_prefetch = 0 : i64, scratch_operands = 0 : i64, tpu.core_type = #tpu.core_type<tc>, window_params = [{transform_indices = @transform_0, window_bounds = array<i64: 1, 32, 256, 256>}, {transform_indices = @transform_1, window_bounds = array<i64: 256, 256>}, {pipeline_mode = #tpu.pipeline_mode<synchronous>, transform_indices = @transform_2, window_bounds = array<i64: 8, 32, 16>}, {pipeline_mode = #tpu.pipeline_mode<synchronous>, transform_indices = @transform_3, window_bounds = array<i64: 8, 32, 16>}, {pipeline_mode = #tpu.pipeline_mode<synchronous>, transform_indices = @transform_4, window_bounds = array<i64: 8, 1, 32>}, {pipeline_mode = #tpu.pipeline_mode<synchronous>, transform_indices = @transform_5, window_bounds = array<i64: 8, 1, 32>}, {pipeline_mode = #tpu.pipeline_mode<synchronous>, transform_indices = @transform_6, window_bounds = array<i64: 1, 256>}, {pipeline_mode = #tpu.pipeline_mode<synchronous>, transform_indices = @transform_7, window_bounds = array<i64: 16, 256>}, {transform_indices = @transform_8, window_bounds = array<i64: 1, 256, 256>}]} {
    %get3A = arith.constant 0 : index
    %get3A_0 = arith.constant 0 : index
    %get3A_1 = arith.constant 0 : index
    %get3A_2 = vector.load %arg4[%get3A, %get3A_0, %get3A_1] : memref<8x32x16xf32, #tpu.memory_space<vmem>>, vector<8x32x16xf32>
    %get3A_3 = arith.constant 0 : index
    %get3A_4 = arith.constant 0 : index
    %get3A_5 = arith.constant 0 : index
    %get3A_6 = vector.load %arg5[%get3A_3, %get3A_4, %get3A_5] : memref<8x32x16xf32, #tpu.memory_space<vmem>>, vector<8x32x16xf32>
    %reduce_sum3A = arith.constant dense<0.000000e+00> : vector<32x16xf32>
    %reduce_sum3A_7 = vector.multi_reduction <add>, %get3A_2, %reduce_sum3A [0] : vector<8x32x16xf32> to vector<32x16xf32>
    %reduce_sum3A_8 = arith.constant dense<0.000000e+00> : vector<32xf32>
    %reduce_sum3A_9 = vector.multi_reduction <add>, %reduce_sum3A_7, %reduce_sum3A_8 [1] : vector<32x16xf32> to vector<32xf32>
    %broadcast_in_dim3A = vector.shape_cast %reduce_sum3A_9 : vector<32xf32> to vector<32x1xf32>
    %reduce_sum3A_10 = arith.constant dense<0.000000e+00> : vector<32x16xf32>
    %reduce_sum3A_11 = vector.multi_reduction <add>, %get3A_6, %reduce_sum3A_10 [0] : vector<8x32x16xf32> to vector<32x16xf32>
    %reduce_sum3A_12 = arith.constant dense<0.000000e+00> : vector<32xf32>
    %reduce_sum3A_13 = vector.multi_reduction <add>, %reduce_sum3A_11, %reduce_sum3A_12 [1] : vector<32x16xf32> to vector<32xf32>
    %broadcast_in_dim3A_14 = vector.shape_cast %reduce_sum3A_13 : vector<32xf32> to vector<32x1xf32>
    %mul3A = arith.mulf %broadcast_in_dim3A, %broadcast_in_dim3A : vector<32x1xf32>
    %div3A = arith.constant 2.457600e+04 : f32
    %div3A_15 = vector.broadcast %div3A : f32 to vector<32x1xf32>
    %div3A_16 = arith.divf %mul3A, %div3A_15 : vector<32x1xf32>
    %sub3A = arith.subf %broadcast_in_dim3A_14, %div3A_16 : vector<32x1xf32>
    %div3A_17 = arith.constant 2.457500e+04 : f32
    %div3A_18 = vector.broadcast %div3A_17 : f32 to vector<32x1xf32>
    %div3A_19 = arith.divf %sub3A, %div3A_18 : vector<32x1xf32>
    %max3A = arith.constant 0.000000e+00 : f32
    %max3A_20 = vector.broadcast %max3A : f32 to vector<32x1xf32>
    %max3A_21 = arith.maximumf %div3A_19, %max3A_20 : vector<32x1xf32>
    %sqrt3A = math.sqrt %max3A_21 : vector<32x1xf32>
    %max3A_22 = arith.constant 9.99999974E-6 : f32
    %max3A_23 = vector.broadcast %max3A_22 : f32 to vector<32x1xf32>
    %max3A_24 = arith.maximumf %sqrt3A, %max3A_23 : vector<32x1xf32>
    %div3A_25 = arith.constant 1.000000e+00 : f32
    %div3A_26 = vector.broadcast %div3A_25 : f32 to vector<32x1xf32>
    %div3A_27 = arith.divf %div3A_26, %max3A_24 : vector<32x1xf32>
    %broadcast_in_dim3A_28 = vector.shape_cast %div3A_27 : vector<32x1xf32> to vector<1x32x1xf32>
    %mul3A_29 = vector.broadcast %broadcast_in_dim3A_28 : vector<1x32x1xf32> to vector<8x32x16xf32>
    %mul3A_30 = arith.mulf %get3A_2, %mul3A_29 : vector<8x32x16xf32>
    %mul3A_31 = arith.mulf %div3A_27, %div3A_27 : vector<32x1xf32>
    %broadcast_in_dim3A_32 = vector.shape_cast %mul3A_31 : vector<32x1xf32> to vector<1x32x1xf32>
    %mul3A_33 = vector.broadcast %broadcast_in_dim3A_32 : vector<1x32x1xf32> to vector<8x32x16xf32>
    %mul3A_34 = arith.mulf %get3A_6, %mul3A_33 : vector<8x32x16xf32>
    %reduce_sum3A_35 = arith.constant dense<0.000000e+00> : vector<8x16xf32>
    %reduce_sum3A_36 = vector.multi_reduction <add>, %mul3A_30, %reduce_sum3A_35 [1] : vector<8x32x16xf32> to vector<8x16xf32>
    %reduce_sum3A_37 = arith.constant dense<0.000000e+00> : vector<8x16xf32>
    %reduce_sum3A_38 = vector.multi_reduction <add>, %mul3A_34, %reduce_sum3A_37 [1] : vector<8x32x16xf32> to vector<8x16xf32>
    %mul3A_39 = arith.mulf %reduce_sum3A_36, %reduce_sum3A_36 : vector<8x16xf32>
    %div3A_40 = arith.constant 3.276800e+04 : f32
    %div3A_41 = vector.broadcast %div3A_40 : f32 to vector<8x16xf32>
    %div3A_42 = arith.divf %mul3A_39, %div3A_41 : vector<8x16xf32>
    %sub3A_43 = arith.subf %reduce_sum3A_38, %div3A_42 : vector<8x16xf32>
    %div3A_44 = arith.constant 3.276700e+04 : f32
    %div3A_45 = vector.broadcast %div3A_44 : f32 to vector<8x16xf32>
    %div3A_46 = arith.divf %sub3A_43, %div3A_45 : vector<8x16xf32>
    %max3A_47 = arith.constant 0.000000e+00 : f32
    %max3A_48 = vector.broadcast %max3A_47 : f32 to vector<8x16xf32>
    %max3A_49 = arith.maximumf %div3A_46, %max3A_48 : vector<8x16xf32>
    %sqrt3A_50 = math.sqrt %max3A_49 : vector<8x16xf32>
    %reduce_sum3A_51 = vector.shape_cast %sqrt3A_50 : vector<8x16xf32> to vector<1x8x16xf32>
    %reduce_sum3A_52 = arith.constant dense<0.000000e+00> : vector<1xf32>
    %reduce_sum3A_53 = vector.multi_reduction <add>, %reduce_sum3A_51, %reduce_sum3A_52 [1, 2] : vector<1x8x16xf32> to vector<1xf32>
    %reduce_sum3A_54 = vector.shape_cast %reduce_sum3A_53 : vector<1xf32> to vector<1x1x1xf32>
    %reduce_sum3A_55 = vector.extract %reduce_sum3A_54[0, 0, 0] : f32 from vector<1x1x1xf32>
    %div3A_56 = arith.constant 2.400000e+01 : f32
    %div3A_57 = arith.divf %reduce_sum3A_55, %div3A_56 : f32
    %add3A = arith.constant 1.000000e+00 : f32
    %add3A_58 = arith.addf %add3A, %div3A_57 : f32
    %mul3A_59 = arith.constant 2.600000e-01 : f32
    %mul3A_60 = arith.mulf %mul3A_59, %add3A_58 : f32
    %add3A_61 = arith.constant 9.99999997E-7 : f32
    %add3A_62 = arith.addf %mul3A_60, %add3A_61 : f32
    %div3A_63 = arith.constant 1.000000e+00 : f32
    %div3A_64 = arith.divf %div3A_63, %add3A_62 : f32
    %sub3A_65 = arith.constant 1.000000e-01 : f32
    %sub3A_66 = arith.subf %div3A_57, %sub3A_65 : f32
    %neg3A = arith.constant 0.000000e+00 : f32
    %neg3A_67 = arith.subf %neg3A, %sub3A_66 : f32
    %mul3A_68 = arith.constant 1.000000e+01 : f32
    %mul3A_69 = arith.mulf %neg3A_67, %mul3A_68 : f32
    %exp3A = math.exp %mul3A_69 : f32
    %add3A_70 = arith.constant 1.000000e+00 : f32
    %add3A_71 = arith.addf %add3A_70, %exp3A : f32
    %div3A_72 = arith.constant 1.000000e+00 : f32
    %div3A_73 = arith.divf %div3A_72, %add3A_71 : f32
    %sub3A_74 = arith.constant 1.000000e+00 : f32
    %sub3A_75 = arith.subf %sub3A_74, %div3A_73 : f32
    %get3A_76 = arith.constant 0 : index
    %get3A_77 = arith.constant 0 : index
    %get3A_78 = arith.constant 0 : index
    %get3A_79 = vector.load %arg6[%get3A_76, %get3A_77, %get3A_78] : memref<8x1x32xf32, #tpu.memory_space<vmem>>, vector<8x1x32xf32>
    %reduce_sum3A_80 = arith.constant dense<0.000000e+00> : vector<1x32xf32>
    %reduce_sum3A_81 = vector.multi_reduction <add>, %get3A_79, %reduce_sum3A_80 [0] : vector<8x1x32xf32> to vector<1x32xf32>
    %get3A_82 = arith.constant 0 : index
    %get3A_83 = arith.constant 0 : index
    %get3A_84 = arith.constant 0 : index
    %get3A_85 = vector.load %arg7[%get3A_82, %get3A_83, %get3A_84] : memref<8x1x32xf32, #tpu.memory_space<vmem>>, vector<8x1x32xf32>
    %reduce_sum3A_86 = arith.constant dense<0.000000e+00> : vector<1x32xf32>
    %reduce_sum3A_87 = vector.multi_reduction <add>, %get3A_85, %reduce_sum3A_86 [0] : vector<8x1x32xf32> to vector<1x32xf32>
    %mul3A_88 = arith.mulf %reduce_sum3A_81, %reduce_sum3A_81 : vector<1x32xf32>
    %div3A_89 = arith.constant 0x49800000 : f32
    %div3A_90 = vector.broadcast %div3A_89 : f32 to vector<1x32xf32>
    %div3A_91 = arith.divf %mul3A_88, %div3A_90 : vector<1x32xf32>
    %sub3A_92 = arith.subf %reduce_sum3A_87, %div3A_91 : vector<1x32xf32>
    %div3A_93 = arith.constant 0x497FFFF0 : f32
    %div3A_94 = vector.broadcast %div3A_93 : f32 to vector<1x32xf32>
    %div3A_95 = arith.divf %sub3A_92, %div3A_94 : vector<1x32xf32>
    %max3A_96 = arith.constant 0.000000e+00 : f32
    %max3A_97 = vector.broadcast %max3A_96 : f32 to vector<1x32xf32>
    %max3A_98 = arith.maximumf %div3A_95, %max3A_97 : vector<1x32xf32>
    %sqrt3A_99 = math.sqrt %max3A_98 : vector<1x32xf32>
    %max3A_100 = arith.constant 9.99999974E-6 : f32
    %max3A_101 = vector.broadcast %max3A_100 : f32 to vector<1x32xf32>
    %max3A_102 = arith.maximumf %sqrt3A_99, %max3A_101 : vector<1x32xf32>
    %div3A_103 = arith.constant 1.000000e+00 : f32
    %div3A_104 = vector.broadcast %div3A_103 : f32 to vector<1x32xf32>
    %div3A_105 = arith.divf %div3A_104, %max3A_102 : vector<1x32xf32>
    %get3A_106 = arith.constant 0 : index
    %get3A_107 = arith.constant 0 : index
    %get3A_108 = vector.load %arg8[%get3A_106, %get3A_107] : memref<1x256xf32, #tpu.memory_space<vmem>>, vector<1x256xf32>
    %get3A_109 = arith.constant 0 : index
    %get3A_110 = arith.constant 0 : index
    %get3A_111 = vector.load %arg3[%get3A_109, %get3A_110] : memref<256x256xf32, #tpu.memory_space<vmem>>, vector<256x256xf32>
    %slice3A = vector.extract_strided_slice %get3A_111 {offsets = [0, 0], sizes = [256, 128], strides = [1, 1]} : vector<256x256xf32> to vector<256x128xf32>
    %slice3A_112 = vector.extract_strided_slice %get3A_111 {offsets = [0, 128], sizes = [256, 16], strides = [1, 1]} : vector<256x256xf32> to vector<256x16xf32>
    %get3A_113 = arith.constant 0 : index
    %get3A_114 = arith.constant 0 : index
    %get3A_115 = vector.load %arg9[%get3A_113, %get3A_114] : memref<16x256xf32, #tpu.memory_space<vmem>>, vector<16x256xf32>
    %mul3A_116 = vector.broadcast %div3A_64 : f32 to vector<1x256xf32>
    %mul3A_117 = arith.mulf %get3A_108, %mul3A_116 : vector<1x256xf32>
    %cos3A = math.cos %mul3A_117 : vector<1x256xf32>
    %mul3A_118 = vector.broadcast %sub3A_75 : f32 to vector<1x256xf32>
    %mul3A_119 = arith.mulf %mul3A_118, %cos3A : vector<1x256xf32>
    %mul3A_120 = vector.broadcast %mul3A_119 : vector<1x256xf32> to vector<16x256xf32>
    %mul3A_121 = arith.mulf %get3A_115, %mul3A_120 : vector<16x256xf32>
    %sin3A = math.sin %mul3A_117 : vector<1x256xf32>
    %mul3A_122 = vector.broadcast %sub3A_75 : f32 to vector<1x256xf32>
    %mul3A_123 = arith.mulf %mul3A_122, %sin3A : vector<1x256xf32>
    %mul3A_124 = vector.broadcast %mul3A_123 : vector<1x256xf32> to vector<16x256xf32>
    %mul3A_125 = arith.mulf %get3A_115, %mul3A_124 : vector<16x256xf32>
    %broadcast_in_dim3A_126 = arith.constant 0.000000e+00 : f32
    %broadcast_in_dim3A_127 = vector.broadcast %broadcast_in_dim3A_126 : f32 to vector<256x128xf32>
    %broadcast_in_dim3A_128 = arith.constant 0.000000e+00 : f32
    %broadcast_in_dim3A_129 = vector.broadcast %broadcast_in_dim3A_128 : f32 to vector<256x128xf32>
    %broadcast_in_dim3A_130 = arith.constant 0xFF800000 : f32
    %broadcast_in_dim3A_131 = vector.broadcast %broadcast_in_dim3A_130 : f32 to vector<256x128xf32>
    %broadcast_in_dim3A_132 = arith.constant 0xFF800000 : f32
    %broadcast_in_dim3A_133 = vector.broadcast %broadcast_in_dim3A_132 : f32 to vector<256x128xf32>
    %get3A_134 = arith.constant 0 : index
    %get3A_135 = arith.constant 0 : index
    %get3A_136 = arith.constant 0 : index
    %get3A_137 = arith.constant 0 : index
    %get3A_138 = vector.load %arg2[%get3A_134, %get3A_135, %get3A_136, %get3A_137] : memref<1x32x256x256xf32, #tpu.memory_space<vmem>>, vector<1x1x256x256xf32>
    %get3A_139 = vector.shape_cast %get3A_138 : vector<1x1x256x256xf32> to vector<256x256xf32>
    %slice3A_140 = vector.extract_strided_slice %get3A_139 {offsets = [0, 128], sizes = [256, 16], strides = [1, 1]} : vector<256x256xf32> to vector<256x16xf32>
    %sub3A_141 = arith.subf %slice3A_140, %slice3A_112 : vector<256x16xf32>
    %slice3A_142 = vector.extract_strided_slice %div3A_27 {offsets = [0, 0], sizes = [1, 1], strides = [1, 1]} : vector<32x1xf32> to vector<1x1xf32>
    %mul3A_143 = vector.broadcast %slice3A_142 : vector<1x1xf32> to vector<256x16xf32>
    %mul3A_144 = arith.mulf %sub3A_141, %mul3A_143 : vector<256x16xf32>
    %mul3A_145 = vector.broadcast %div3A_64 : f32 to vector<256x16xf32>
    %mul3A_146 = arith.mulf %mul3A_144, %mul3A_145 : vector<256x16xf32>
    %cos3A_147 = math.cos %mul3A_146 : vector<256x16xf32>
    %sin3A_148 = math.sin %mul3A_146 : vector<256x16xf32>
    %dot_general3A = arith.constant dense<0.000000e+00> : vector<256x256xf32>
    %dot_general3A_149 = tpu.matmul %mul3A_146, %get3A_115, %dot_general3A {dimension_numbers = #tpu.dot_dimension_numbers<[1], [0], [0], [1], [0, 0, 1, 1], [], []>, transpose_lhs_hint = false} : vector<256x16xf32>, vector<16x256xf32>, vector<256x256xf32> -> vector<256x256xf32>
    %sub3A_150 = vector.broadcast %mul3A_117 : vector<1x256xf32> to vector<256x256xf32>
    %sub3A_151 = arith.subf %dot_general3A_149, %sub3A_150 : vector<256x256xf32>
    %dot_general3A_152 = arith.constant dense<0.000000e+00> : vector<256x256xf32>
    %dot_general3A_153 = tpu.matmul %cos3A_147, %mul3A_121, %dot_general3A_152 {dimension_numbers = #tpu.dot_dimension_numbers<[1], [0], [0], [1], [0, 0, 1, 1], [], []>, transpose_lhs_hint = false} : vector<256x16xf32>, vector<16x256xf32>, vector<256x256xf32> -> vector<256x256xf32>
    %dot_general3A_154 = arith.constant dense<0.000000e+00> : vector<256x256xf32>
    %dot_general3A_155 = tpu.matmul %sin3A_148, %mul3A_125, %dot_general3A_154 {dimension_numbers = #tpu.dot_dimension_numbers<[1], [0], [0], [1], [0, 0, 1, 1], [], []>, transpose_lhs_hint = false} : vector<256x16xf32>, vector<16x256xf32>, vector<256x256xf32> -> vector<256x256xf32>
    %add3A_156 = arith.addf %dot_general3A_153, %dot_general3A_155 : vector<256x256xf32>
    %mul3A_157 = arith.mulf %sub3A_151, %sub3A_151 : vector<256x256xf32>
    %mul3A_158 = arith.constant -5.000000e-01 : f32
    %mul3A_159 = vector.broadcast %mul3A_158 : f32 to vector<256x256xf32>
    %mul3A_160 = arith.mulf %mul3A_159, %mul3A_157 : vector<256x256xf32>
    %exp3A_161 = math.exp %mul3A_160 : vector<256x256xf32>
    %mul3A_162 = vector.broadcast %div3A_73 : f32 to vector<256x256xf32>
    %mul3A_163 = arith.mulf %mul3A_162, %exp3A_161 : vector<256x256xf32>
    %add3A_164 = arith.addf %mul3A_163, %add3A_156 : vector<256x256xf32>
    %slice3A_165 = vector.extract_strided_slice %add3A_164 {offsets = [0, 0], sizes = [256, 128], strides = [1, 1]} : vector<256x256xf32> to vector<256x128xf32>
    %slice3A_166 = vector.extract_strided_slice %get3A_139 {offsets = [0, 0], sizes = [256, 128], strides = [1, 1]} : vector<256x256xf32> to vector<256x128xf32>
    %sub3A_167 = arith.subf %slice3A_166, %slice3A : vector<256x128xf32>
    %slice3A_168 = vector.extract_strided_slice %div3A_105 {offsets = [0, 0], sizes = [1, 1], strides = [1, 1]} : vector<1x32xf32> to vector<1x1xf32>
    %mul3A_169 = vector.broadcast %slice3A_168 : vector<1x1xf32> to vector<256x128xf32>
    %mul3A_170 = arith.mulf %sub3A_167, %mul3A_169 : vector<256x128xf32>
    %add3A_171 = arith.addf %mul3A_170, %slice3A_165 : vector<256x128xf32>
    %mul3A_172 = arith.mulf %add3A_171, %slice3A_165 : vector<256x128xf32>
    %add3A_173 = arith.addf %broadcast_in_dim3A_127, %mul3A_172 : vector<256x128xf32>
    %max3A_174 = arith.maximumf %broadcast_in_dim3A_131, %mul3A_172 : vector<256x128xf32>
    %slice3A_175 = vector.extract_strided_slice %add3A_164 {offsets = [0, 128], sizes = [256, 128], strides = [1, 1]} : vector<256x256xf32> to vector<256x128xf32>
    %add3A_176 = arith.addf %slice3A, %slice3A_175 : vector<256x128xf32>
    %mul3A_177 = arith.mulf %add3A_176, %slice3A_175 : vector<256x128xf32>
    %add3A_178 = arith.addf %broadcast_in_dim3A_129, %mul3A_177 : vector<256x128xf32>
    %max3A_179 = arith.maximumf %broadcast_in_dim3A_133, %mul3A_177 : vector<256x128xf32>
    %get3A_180 = arith.constant 0 : index
    %get3A_181 = arith.constant 1 : index
    %get3A_182 = arith.constant 0 : index
    %get3A_183 = arith.constant 0 : index
    %get3A_184 = vector.load %arg2[%get3A_180, %get3A_181, %get3A_182, %get3A_183] : memref<1x32x256x256xf32, #tpu.memory_space<vmem>>, vector<1x1x256x256xf32>
    %get3A_185 = vector.shape_cast %get3A_184 : vector<1x1x256x256xf32> to vector<256x256xf32>
    %slice3A_186 = vector.extract_strided_slice %get3A_185 {offsets = [0, 128], sizes = [256, 16], strides = [1, 1]} : vector<256x256xf32> to vector<256x16xf32>
    %sub3A_187 = arith.subf %slice3A_186, %slice3A_112 : vector<256x16xf32>
    %slice3A_188 = vector.extract_strided_slice %div3A_27 {offsets = [1, 0], sizes = [1, 1], strides = [1, 1]} : vector<32x1xf32> to vector<1x1xf32>
    %mul3A_189 = vector.broadcast %slice3A_188 : vector<1x1xf32> to vector<256x16xf32>
    %mul3A_190 = arith.mulf %sub3A_187, %mul3A_189 : vector<256x16xf32>
    %mul3A_191 = vector.broadcast %div3A_64 : f32 to vector<256x16xf32>
    %mul3A_192 = arith.mulf %mul3A_190, %mul3A_191 : vector<256x16xf32>
    %cos3A_193 = math.cos %mul3A_192 : vector<256x16xf32>
    %sin3A_194 = math.sin %mul3A_192 : vector<256x16xf32>
    %dot_general3A_195 = arith.constant dense<0.000000e+00> : vector<256x256xf32>
    %dot_general3A_196 = tpu.matmul %mul3A_192, %get3A_115, %dot_general3A_195 {dimension_numbers = #tpu.dot_dimension_numbers<[1], [0], [0], [1], [0, 0, 1, 1], [], []>, transpose_lhs_hint = false} : vector<256x16xf32>, vector<16x256xf32>, vector<256x256xf32> -> vector<256x256xf32>
    %sub3A_197 = vector.broadcast %mul3A_117 : vector<1x256xf32> to vector<256x256xf32>
    %sub3A_198 = arith.subf %dot_general3A_196, %sub3A_197 : vector<256x256xf32>
    %dot_general3A_199 = arith.constant dense<0.000000e+00> : vector<256x256xf32>
    %dot_general3A_200 = tpu.matmul %cos3A_193, %mul3A_121, %dot_general3A_199 {dimension_numbers = #tpu.dot_dimension_numbers<[1], [0], [0], [1], [0, 0, 1, 1], [], []>, transpose_lhs_hint = false} : vector<256x16xf32>, vector<16x256xf32>, vector<256x256xf32> -> vector<256x256xf32>
    %dot_general3A_201 = arith.constant dense<0.000000e+00> : vector<256x256xf32>
    %dot_general3A_202 = tpu.matmul %sin3A_194, %mul3A_125, %dot_general3A_201 {dimension_numbers = #tpu.dot_dimension_numbers<[1], [0], [0], [1], [0, 0, 1, 1], [], []>, transpose_lhs_hint = false} : vector<256x16xf32>, vector<16x256xf32>, vector<256x256xf32> -> vector<256x256xf32>
    %add3A_203 = arith.addf %dot_general3A_200, %dot_general3A_202 : vector<256x256xf32>
    %mul3A_204 = arith.mulf %sub3A_198, %sub3A_198 : vector<256x256xf32>
    %mul3A_205 = arith.constant -5.000000e-01 : f32
    %mul3A_206 = vector.broadcast %mul3A_205 : f32 to vector<256x256xf32>
    %mul3A_207 = arith.mulf %mul3A_206, %mul3A_204 : vector<256x256xf32>
    %exp3A_208 = math.exp %mul3A_207 : vector<256x256xf32>
    %mul3A_209 = vector.broadcast %div3A_73 : f32 to vector<256x256xf32>
    %mul3A_210 = arith.mulf %mul3A_209, %exp3A_208 : vector<256x256xf32>
    %add3A_211 = arith.addf %mul3A_210, %add3A_203 : vector<256x256xf32>
    %slice3A_212 = vector.extract_strided_slice %add3A_211 {offsets = [0, 0], sizes = [256, 128], strides = [1, 1]} : vector<256x256xf32> to vector<256x128xf32>
    %slice3A_213 = vector.extract_strided_slice %get3A_185 {offsets = [0, 0], sizes = [256, 128], strides = [1, 1]} : vector<256x256xf32> to vector<256x128xf32>
    %sub3A_214 = arith.subf %slice3A_213, %slice3A : vector<256x128xf32>
    %slice3A_215 = vector.extract_strided_slice %div3A_105 {offsets = [0, 1], sizes = [1, 1], strides = [1, 1]} : vector<1x32xf32> to vector<1x1xf32>
    %mul3A_216 = vector.broadcast %slice3A_215 : vector<1x1xf32> to vector<256x128xf32>
    %mul3A_217 = arith.mulf %sub3A_214, %mul3A_216 : vector<256x128xf32>
    %add3A_218 = arith.addf %mul3A_217, %slice3A_212 : vector<256x128xf32>
    %mul3A_219 = arith.mulf %add3A_218, %slice3A_212 : vector<256x128xf32>
    %add3A_220 = arith.addf %add3A_173, %mul3A_219 : vector<256x128xf32>
    %max3A_221 = arith.maximumf %max3A_174, %mul3A_219 : vector<256x128xf32>
    %slice3A_222 = vector.extract_strided_slice %add3A_211 {offsets = [0, 128], sizes = [256, 128], strides = [1, 1]} : vector<256x256xf32> to vector<256x128xf32>
    %add3A_223 = arith.addf %slice3A, %slice3A_222 : vector<256x128xf32>
    %mul3A_224 = arith.mulf %add3A_223, %slice3A_222 : vector<256x128xf32>
    %add3A_225 = arith.addf %add3A_178, %mul3A_224 : vector<256x128xf32>
    %max3A_226 = arith.maximumf %max3A_179, %mul3A_224 : vector<256x128xf32>
    %get3A_227 = arith.constant 0 : index
    %get3A_228 = arith.constant 2 : index
    %get3A_229 = arith.constant 0 : index
    %get3A_230 = arith.constant 0 : index
    %get3A_231 = vector.load %arg2[%get3A_227, %get3A_228, %get3A_229, %get3A_230] : memref<1x32x256x256xf32, #tpu.memory_space<vmem>>, vector<1x1x256x256xf32>
    %get3A_232 = vector.shape_cast %get3A_231 : vector<1x1x256x256xf32> to vector<256x256xf32>
    %slice3A_233 = vector.extract_strided_slice %get3A_232 {offsets = [0, 128], sizes = [256, 16], strides = [1, 1]} : vector<256x256xf32> to vector<256x16xf32>
    %sub3A_234 = arith.subf %slice3A_233, %slice3A_112 : vector<256x16xf32>
    %slice3A_235 = vector.extract_strided_slice %div3A_27 {offsets = [2, 0], sizes = [1, 1], strides = [1, 1]} : vector<32x1xf32> to vector<1x1xf32>
    %mul3A_236 = vector.broadcast %slice3A_235 : vector<1x1xf32> to vector<256x16xf32>
    %mul3A_237 = arith.mulf %sub3A_234, %mul3A_236 : vector<256x16xf32>
    %mul3A_238 = vector.broadcast %div3A_64 : f32 to vector<256x16xf32>
    %mul3A_239 = arith.mulf %mul3A_237, %mul3A_238 : vector<256x16xf32>
    %cos3A_240 = math.cos %mul3A_239 : vector<256x16xf32>
    %sin3A_241 = math.sin %mul3A_239 : vector<256x16xf32>
    %dot_general3A_242 = arith.constant dense<0.000000e+00> : vector<256x256xf32>
    %dot_general3A_243 = tpu.matmul %mul3A_239, %get3A_115, %dot_general3A_242 {dimension_numbers = #tpu.dot_dimension_numbers<[1], [0], [0], [1], [0, 0, 1, 1], [], []>, transpose_lhs_hint = false} : vector<256x16xf32>, vector<16x256xf32>, vector<256x256xf32> -> vector<256x256xf32>
    %sub3A_244 = vector.broadcast %mul3A_117 : vector<1x256xf32> to vector<256x256xf32>
    %sub3A_245 = arith.subf %dot_general3A_243, %sub3A_244 : vector<256x256xf32>
    %dot_general3A_246 = arith.constant dense<0.000000e+00> : vector<256x256xf32>
    %dot_general3A_247 = tpu.matmul %cos3A_240, %mul3A_121, %dot_general3A_246 {dimension_numbers = #tpu.dot_dimension_numbers<[1], [0], [0], [1], [0, 0, 1, 1], [], []>, transpose_lhs_hint = false} : vector<256x16xf32>, vector<16x256xf32>, vector<256x256xf32> -> vector<256x256xf32>
    %dot_general3A_248 = arith.constant dense<0.000000e+00> : vector<256x256xf32>
    %dot_general3A_249 = tpu.matmul %sin3A_241, %mul3A_125, %dot_general3A_248 {dimension_numbers = #tpu.dot_dimension_numbers<[1], [0], [0], [1], [0, 0, 1, 1], [], []>, transpose_lhs_hint = false} : vector<256x16xf32>, vector<16x256xf32>, vector<256x256xf32> -> vector<256x256xf32>
    %add3A_250 = arith.addf %dot_general3A_247, %dot_general3A_249 : vector<256x256xf32>
    %mul3A_251 = arith.mulf %sub3A_245, %sub3A_245 : vector<256x256xf32>
    %mul3A_252 = arith.constant -5.000000e-01 : f32
    %mul3A_253 = vector.broadcast %mul3A_252 : f32 to vector<256x256xf32>
    %mul3A_254 = arith.mulf %mul3A_253, %mul3A_251 : vector<256x256xf32>
    %exp3A_255 = math.exp %mul3A_254 : vector<256x256xf32>
    %mul3A_256 = vector.broadcast %div3A_73 : f32 to vector<256x256xf32>
    %mul3A_257 = arith.mulf %mul3A_256, %exp3A_255 : vector<256x256xf32>
    %add3A_258 = arith.addf %mul3A_257, %add3A_250 : vector<256x256xf32>
    %slice3A_259 = vector.extract_strided_slice %add3A_258 {offsets = [0, 0], sizes = [256, 128], strides = [1, 1]} : vector<256x256xf32> to vector<256x128xf32>
    %slice3A_260 = vector.extract_strided_slice %get3A_232 {offsets = [0, 0], sizes = [256, 128], strides = [1, 1]} : vector<256x256xf32> to vector<256x128xf32>
    %sub3A_261 = arith.subf %slice3A_260, %slice3A : vector<256x128xf32>
    %slice3A_262 = vector.extract_strided_slice %div3A_105 {offsets = [0, 2], sizes = [1, 1], strides = [1, 1]} : vector<1x32xf32> to vector<1x1xf32>
    %mul3A_263 = vector.broadcast %slice3A_262 : vector<1x1xf32> to vector<256x128xf32>
    %mul3A_264 = arith.mulf %sub3A_261, %mul3A_263 : vector<256x128xf32>
    %add3A_265 = arith.addf %mul3A_264, %slice3A_259 : vector<256x128xf32>
    %mul3A_266 = arith.mulf %add3A_265, %slice3A_259 : vector<256x128xf32>
    %add3A_267 = arith.addf %add3A_220, %mul3A_266 : vector<256x128xf32>
    %max3A_268 = arith.maximumf %max3A_221, %mul3A_266 : vector<256x128xf32>
    %slice3A_269 = vector.extract_strided_slice %add3A_258 {offsets = [0, 128], sizes = [256, 128], strides = [1, 1]} : vector<256x256xf32> to vector<256x128xf32>
    %add3A_270 = arith.addf %slice3A, %slice3A_269 : vector<256x128xf32>
    %mul3A_271 = arith.mulf %add3A_270, %slice3A_269 : vector<256x128xf32>
    %add3A_272 = arith.addf %add3A_225, %mul3A_271 : vector<256x128xf32>
    %max3A_273 = arith.maximumf %max3A_226, %mul3A_271 : vector<256x128xf32>
    %get3A_274 = arith.constant 0 : index
    %get3A_275 = arith.constant 3 : index
    %get3A_276 = arith.constant 0 : index
    %get3A_277 = arith.constant 0 : index
    %get3A_278 = vector.load %arg2[%get3A_274, %get3A_275, %get3A_276, %get3A_277] : memref<1x32x256x256xf32, #tpu.memory_space<vmem>>, vector<1x1x256x256xf32>
    %get3A_279 = vector.shape_cast %get3A_278 : vector<1x1x256x256xf32> to vector<256x256xf32>
    %slice3A_280 = vector.extract_strided_slice %get3A_279 {offsets = [0, 128], sizes = [256, 16], strides = [1, 1]} : vector<256x256xf32> to vector<256x16xf32>
    %sub3A_281 = arith.subf %slice3A_280, %slice3A_112 : vector<256x16xf32>
    %slice3A_282 = vector.extract_strided_slice %div3A_27 {offsets = [3, 0], sizes = [1, 1], strides = [1, 1]} : vector<32x1xf32> to vector<1x1xf32>
    %mul3A_283 = vector.broadcast %slice3A_282 : vector<1x1xf32> to vector<256x16xf32>
    %mul3A_284 = arith.mulf %sub3A_281, %mul3A_283 : vector<256x16xf32>
    %mul3A_285 = vector.broadcast %div3A_64 : f32 to vector<256x16xf32>
    %mul3A_286 = arith.mulf %mul3A_284, %mul3A_285 : vector<256x16xf32>
    %cos3A_287 = math.cos %mul3A_286 : vector<256x16xf32>
    %sin3A_288 = math.sin %mul3A_286 : vector<256x16xf32>
    %dot_general3A_289 = arith.constant dense<0.000000e+00> : vector<256x256xf32>
    %dot_general3A_290 = tpu.matmul %mul3A_286, %get3A_115, %dot_general3A_289 {dimension_numbers = #tpu.dot_dimension_numbers<[1], [0], [0], [1], [0, 0, 1, 1], [], []>, transpose_lhs_hint = false} : vector<256x16xf32>, vector<16x256xf32>, vector<256x256xf32> -> vector<256x256xf32>
    %sub3A_291 = vector.broadcast %mul3A_117 : vector<1x256xf32> to vector<256x256xf32>
    %sub3A_292 = arith.subf %dot_general3A_290, %sub3A_291 : vector<256x256xf32>
    %dot_general3A_293 = arith.constant dense<0.000000e+00> : vector<256x256xf32>
    %dot_general3A_294 = tpu.matmul %cos3A_287, %mul3A_121, %dot_general3A_293 {dimension_numbers = #tpu.dot_dimension_numbers<[1], [0], [0], [1], [0, 0, 1, 1], [], []>, transpose_lhs_hint = false} : vector<256x16xf32>, vector<16x256xf32>, vector<256x256xf32> -> vector<256x256xf32>
    %dot_general3A_295 = arith.constant dense<0.000000e+00> : vector<256x256xf32>
    %dot_general3A_296 = tpu.matmul %sin3A_288, %mul3A_125, %dot_general3A_295 {dimension_numbers = #tpu.dot_dimension_numbers<[1], [0], [0], [1], [0, 0, 1, 1], [], []>, transpose_lhs_hint = false} : vector<256x16xf32>, vector<16x256xf32>, vector<256x256xf32> -> vector<256x256xf32>
    %add3A_297 = arith.addf %dot_general3A_294, %dot_general3A_296 : vector<256x256xf32>
    %mul3A_298 = arith.mulf %sub3A_292, %sub3A_292 : vector<256x256xf32>
    %mul3A_299 = arith.constant -5.000000e-01 : f32
    %mul3A_300 = vector.broadcast %mul3A_299 : f32 to vector<256x256xf32>
    %mul3A_301 = arith.mulf %mul3A_300, %mul3A_298 : vector<256x256xf32>
    %exp3A_302 = math.exp %mul3A_301 : vector<256x256xf32>
    %mul3A_303 = vector.broadcast %div3A_73 : f32 to vector<256x256xf32>
    %mul3A_304 = arith.mulf %mul3A_303, %exp3A_302 : vector<256x256xf32>
    %add3A_305 = arith.addf %mul3A_304, %add3A_297 : vector<256x256xf32>
    %slice3A_306 = vector.extract_strided_slice %add3A_305 {offsets = [0, 0], sizes = [256, 128], strides = [1, 1]} : vector<256x256xf32> to vector<256x128xf32>
    %slice3A_307 = vector.extract_strided_slice %get3A_279 {offsets = [0, 0], sizes = [256, 128], strides = [1, 1]} : vector<256x256xf32> to vector<256x128xf32>
    %sub3A_308 = arith.subf %slice3A_307, %slice3A : vector<256x128xf32>
    %slice3A_309 = vector.extract_strided_slice %div3A_105 {offsets = [0, 3], sizes = [1, 1], strides = [1, 1]} : vector<1x32xf32> to vector<1x1xf32>
    %mul3A_310 = vector.broadcast %slice3A_309 : vector<1x1xf32> to vector<256x128xf32>
    %mul3A_311 = arith.mulf %sub3A_308, %mul3A_310 : vector<256x128xf32>
    %add3A_312 = arith.addf %mul3A_311, %slice3A_306 : vector<256x128xf32>
    %mul3A_313 = arith.mulf %add3A_312, %slice3A_306 : vector<256x128xf32>
    %add3A_314 = arith.addf %add3A_267, %mul3A_313 : vector<256x128xf32>
    %max3A_315 = arith.maximumf %max3A_268, %mul3A_313 : vector<256x128xf32>
    %slice3A_316 = vector.extract_strided_slice %add3A_305 {offsets = [0, 128], sizes = [256, 128], strides = [1, 1]} : vector<256x256xf32> to vector<256x128xf32>
    %add3A_317 = arith.addf %slice3A, %slice3A_316 : vector<256x128xf32>
    %mul3A_318 = arith.mulf %add3A_317, %slice3A_316 : vector<256x128xf32>
    %add3A_319 = arith.addf %add3A_272, %mul3A_318 : vector<256x128xf32>
    %max3A_320 = arith.maximumf %max3A_273, %mul3A_318 : vector<256x128xf32>
    %get3A_321 = arith.constant 0 : index
    %get3A_322 = arith.constant 4 : index
    %get3A_323 = arith.constant 0 : index
    %get3A_324 = arith.constant 0 : index
    %get3A_325 = vector.load %arg2[%get3A_321, %get3A_322, %get3A_323, %get3A_324] : memref<1x32x256x256xf32, #tpu.memory_space<vmem>>, vector<1x1x256x256xf32>
    %get3A_326 = vector.shape_cast %get3A_325 : vector<1x1x256x256xf32> to vector<256x256xf32>
    %slice3A_327 = vector.extract_strided_slice %get3A_326 {offsets = [0, 128], sizes = [256, 16], strides = [1, 1]} : vector<256x256xf32> to vector<256x16xf32>
    %sub3A_328 = arith.subf %slice3A_327, %slice3A_112 : vector<256x16xf32>
    %slice3A_329 = vector.extract_strided_slice %div3A_27 {offsets = [4, 0], sizes = [1, 1], strides = [1, 1]} : vector<32x1xf32> to vector<1x1xf32>
    %mul3A_330 = vector.broadcast %slice3A_329 : vector<1x1xf32> to vector<256x16xf32>
    %mul3A_331 = arith.mulf %sub3A_328, %mul3A_330 : vector<256x16xf32>
    %mul3A_332 = vector.broadcast %div3A_64 : f32 to vector<256x16xf32>
    %mul3A_333 = arith.mulf %mul3A_331, %mul3A_332 : vector<256x16xf32>
    %cos3A_334 = math.cos %mul3A_333 : vector<256x16xf32>
    %sin3A_335 = math.sin %mul3A_333 : vector<256x16xf32>
    %dot_general3A_336 = arith.constant dense<0.000000e+00> : vector<256x256xf32>
    %dot_general3A_337 = tpu.matmul %mul3A_333, %get3A_115, %dot_general3A_336 {dimension_numbers = #tpu.dot_dimension_numbers<[1], [0], [0], [1], [0, 0, 1, 1], [], []>, transpose_lhs_hint = false} : vector<256x16xf32>, vector<16x256xf32>, vector<256x256xf32> -> vector<256x256xf32>
    %sub3A_338 = vector.broadcast %mul3A_117 : vector<1x256xf32> to vector<256x256xf32>
    %sub3A_339 = arith.subf %dot_general3A_337, %sub3A_338 : vector<256x256xf32>
    %dot_general3A_340 = arith.constant dense<0.000000e+00> : vector<256x256xf32>
    %dot_general3A_341 = tpu.matmul %cos3A_334, %mul3A_121, %dot_general3A_340 {dimension_numbers = #tpu.dot_dimension_numbers<[1], [0], [0], [1], [0, 0, 1, 1], [], []>, transpose_lhs_hint = false} : vector<256x16xf32>, vector<16x256xf32>, vector<256x256xf32> -> vector<256x256xf32>
    %dot_general3A_342 = arith.constant dense<0.000000e+00> : vector<256x256xf32>
    %dot_general3A_343 = tpu.matmul %sin3A_335, %mul3A_125, %dot_general3A_342 {dimension_numbers = #tpu.dot_dimension_numbers<[1], [0], [0], [1], [0, 0, 1, 1], [], []>, transpose_lhs_hint = false} : vector<256x16xf32>, vector<16x256xf32>, vector<256x256xf32> -> vector<256x256xf32>
    %add3A_344 = arith.addf %dot_general3A_341, %dot_general3A_343 : vector<256x256xf32>
    %mul3A_345 = arith.mulf %sub3A_339, %sub3A_339 : vector<256x256xf32>
    %mul3A_346 = arith.constant -5.000000e-01 : f32
    %mul3A_347 = vector.broadcast %mul3A_346 : f32 to vector<256x256xf32>
    %mul3A_348 = arith.mulf %mul3A_347, %mul3A_345 : vector<256x256xf32>
    %exp3A_349 = math.exp %mul3A_348 : vector<256x256xf32>
    %mul3A_350 = vector.broadcast %div3A_73 : f32 to vector<256x256xf32>
    %mul3A_351 = arith.mulf %mul3A_350, %exp3A_349 : vector<256x256xf32>
    %add3A_352 = arith.addf %mul3A_351, %add3A_344 : vector<256x256xf32>
    %slice3A_353 = vector.extract_strided_slice %add3A_352 {offsets = [0, 0], sizes = [256, 128], strides = [1, 1]} : vector<256x256xf32> to vector<256x128xf32>
    %slice3A_354 = vector.extract_strided_slice %get3A_326 {offsets = [0, 0], sizes = [256, 128], strides = [1, 1]} : vector<256x256xf32> to vector<256x128xf32>
    %sub3A_355 = arith.subf %slice3A_354, %slice3A : vector<256x128xf32>
    %slice3A_356 = vector.extract_strided_slice %div3A_105 {offsets = [0, 4], sizes = [1, 1], strides = [1, 1]} : vector<1x32xf32> to vector<1x1xf32>
    %mul3A_357 = vector.broadcast %slice3A_356 : vector<1x1xf32> to vector<256x128xf32>
    %mul3A_358 = arith.mulf %sub3A_355, %mul3A_357 : vector<256x128xf32>
    %add3A_359 = arith.addf %mul3A_358, %slice3A_353 : vector<256x128xf32>
    %mul3A_360 = arith.mulf %add3A_359, %slice3A_353 : vector<256x128xf32>
    %add3A_361 = arith.addf %add3A_314, %mul3A_360 : vector<256x128xf32>
    %max3A_362 = arith.maximumf %max3A_315, %mul3A_360 : vector<256x128xf32>
    %slice3A_363 = vector.extract_strided_slice %add3A_352 {offsets = [0, 128], sizes = [256, 128], strides = [1, 1]} : vector<256x256xf32> to vector<256x128xf32>
    %add3A_364 = arith.addf %slice3A, %slice3A_363 : vector<256x128xf32>
    %mul3A_365 = arith.mulf %add3A_364, %slice3A_363 : vector<256x128xf32>
    %add3A_366 = arith.addf %add3A_319, %mul3A_365 : vector<256x128xf32>
    %max3A_367 = arith.maximumf %max3A_320, %mul3A_365 : vector<256x128xf32>
    %get3A_368 = arith.constant 0 : index
    %get3A_369 = arith.constant 5 : index
    %get3A_370 = arith.constant 0 : index
    %get3A_371 = arith.constant 0 : index
    %get3A_372 = vector.load %arg2[%get3A_368, %get3A_369, %get3A_370, %get3A_371] : memref<1x32x256x256xf32, #tpu.memory_space<vmem>>, vector<1x1x256x256xf32>
    %get3A_373 = vector.shape_cast %get3A_372 : vector<1x1x256x256xf32> to vector<256x256xf32>
    %slice3A_374 = vector.extract_strided_slice %get3A_373 {offsets = [0, 128], sizes = [256, 16], strides = [1, 1]} : vector<256x256xf32> to vector<256x16xf32>
    %sub3A_375 = arith.subf %slice3A_374, %slice3A_112 : vector<256x16xf32>
    %slice3A_376 = vector.extract_strided_slice %div3A_27 {offsets = [5, 0], sizes = [1, 1], strides = [1, 1]} : vector<32x1xf32> to vector<1x1xf32>
    %mul3A_377 = vector.broadcast %slice3A_376 : vector<1x1xf32> to vector<256x16xf32>
    %mul3A_378 = arith.mulf %sub3A_375, %mul3A_377 : vector<256x16xf32>
    %mul3A_379 = vector.broadcast %div3A_64 : f32 to vector<256x16xf32>
    %mul3A_380 = arith.mulf %mul3A_378, %mul3A_379 : vector<256x16xf32>
    %cos3A_381 = math.cos %mul3A_380 : vector<256x16xf32>
    %sin3A_382 = math.sin %mul3A_380 : vector<256x16xf32>
    %dot_general3A_383 = arith.constant dense<0.000000e+00> : vector<256x256xf32>
    %dot_general3A_384 = tpu.matmul %mul3A_380, %get3A_115, %dot_general3A_383 {dimension_numbers = #tpu.dot_dimension_numbers<[1], [0], [0], [1], [0, 0, 1, 1], [], []>, transpose_lhs_hint = false} : vector<256x16xf32>, vector<16x256xf32>, vector<256x256xf32> -> vector<256x256xf32>
    %sub3A_385 = vector.broadcast %mul3A_117 : vector<1x256xf32> to vector<256x256xf32>
    %sub3A_386 = arith.subf %dot_general3A_384, %sub3A_385 : vector<256x256xf32>
    %dot_general3A_387 = arith.constant dense<0.000000e+00> : vector<256x256xf32>
    %dot_general3A_388 = tpu.matmul %cos3A_381, %mul3A_121, %dot_general3A_387 {dimension_numbers = #tpu.dot_dimension_numbers<[1], [0], [0], [1], [0, 0, 1, 1], [], []>, transpose_lhs_hint = false} : vector<256x16xf32>, vector<16x256xf32>, vector<256x256xf32> -> vector<256x256xf32>
    %dot_general3A_389 = arith.constant dense<0.000000e+00> : vector<256x256xf32>
    %dot_general3A_390 = tpu.matmul %sin3A_382, %mul3A_125, %dot_general3A_389 {dimension_numbers = #tpu.dot_dimension_numbers<[1], [0], [0], [1], [0, 0, 1, 1], [], []>, transpose_lhs_hint = false} : vector<256x16xf32>, vector<16x256xf32>, vector<256x256xf32> -> vector<256x256xf32>
    %add3A_391 = arith.addf %dot_general3A_388, %dot_general3A_390 : vector<256x256xf32>
    %mul3A_392 = arith.mulf %sub3A_386, %sub3A_386 : vector<256x256xf32>
    %mul3A_393 = arith.constant -5.000000e-01 : f32
    %mul3A_394 = vector.broadcast %mul3A_393 : f32 to vector<256x256xf32>
    %mul3A_395 = arith.mulf %mul3A_394, %mul3A_392 : vector<256x256xf32>
    %exp3A_396 = math.exp %mul3A_395 : vector<256x256xf32>
    %mul3A_397 = vector.broadcast %div3A_73 : f32 to vector<256x256xf32>
    %mul3A_398 = arith.mulf %mul3A_397, %exp3A_396 : vector<256x256xf32>
    %add3A_399 = arith.addf %mul3A_398, %add3A_391 : vector<256x256xf32>
    %slice3A_400 = vector.extract_strided_slice %add3A_399 {offsets = [0, 0], sizes = [256, 128], strides = [1, 1]} : vector<256x256xf32> to vector<256x128xf32>
    %slice3A_401 = vector.extract_strided_slice %get3A_373 {offsets = [0, 0], sizes = [256, 128], strides = [1, 1]} : vector<256x256xf32> to vector<256x128xf32>
    %sub3A_402 = arith.subf %slice3A_401, %slice3A : vector<256x128xf32>
    %slice3A_403 = vector.extract_strided_slice %div3A_105 {offsets = [0, 5], sizes = [1, 1], strides = [1, 1]} : vector<1x32xf32> to vector<1x1xf32>
    %mul3A_404 = vector.broadcast %slice3A_403 : vector<1x1xf32> to vector<256x128xf32>
    %mul3A_405 = arith.mulf %sub3A_402, %mul3A_404 : vector<256x128xf32>
    %add3A_406 = arith.addf %mul3A_405, %slice3A_400 : vector<256x128xf32>
    %mul3A_407 = arith.mulf %add3A_406, %slice3A_400 : vector<256x128xf32>
    %add3A_408 = arith.addf %add3A_361, %mul3A_407 : vector<256x128xf32>
    %max3A_409 = arith.maximumf %max3A_362, %mul3A_407 : vector<256x128xf32>
    %slice3A_410 = vector.extract_strided_slice %add3A_399 {offsets = [0, 128], sizes = [256, 128], strides = [1, 1]} : vector<256x256xf32> to vector<256x128xf32>
    %add3A_411 = arith.addf %slice3A, %slice3A_410 : vector<256x128xf32>
    %mul3A_412 = arith.mulf %add3A_411, %slice3A_410 : vector<256x128xf32>
    %add3A_413 = arith.addf %add3A_366, %mul3A_412 : vector<256x128xf32>
    %max3A_414 = arith.maximumf %max3A_367, %mul3A_412 : vector<256x128xf32>
    %get3A_415 = arith.constant 0 : index
    %get3A_416 = arith.constant 6 : index
    %get3A_417 = arith.constant 0 : index
    %get3A_418 = arith.constant 0 : index
    %get3A_419 = vector.load %arg2[%get3A_415, %get3A_416, %get3A_417, %get3A_418] : memref<1x32x256x256xf32, #tpu.memory_space<vmem>>, vector<1x1x256x256xf32>
    %get3A_420 = vector.shape_cast %get3A_419 : vector<1x1x256x256xf32> to vector<256x256xf32>
    %slice3A_421 = vector.extract_strided_slice %get3A_420 {offsets = [0, 128], sizes = [256, 16], strides = [1, 1]} : vector<256x256xf32> to vector<256x16xf32>
    %sub3A_422 = arith.subf %slice3A_421, %slice3A_112 : vector<256x16xf32>
    %slice3A_423 = vector.extract_strided_slice %div3A_27 {offsets = [6, 0], sizes = [1, 1], strides = [1, 1]} : vector<32x1xf32> to vector<1x1xf32>
    %mul3A_424 = vector.broadcast %slice3A_423 : vector<1x1xf32> to vector<256x16xf32>
    %mul3A_425 = arith.mulf %sub3A_422, %mul3A_424 : vector<256x16xf32>
    %mul3A_426 = vector.broadcast %div3A_64 : f32 to vector<256x16xf32>
    %mul3A_427 = arith.mulf %mul3A_425, %mul3A_426 : vector<256x16xf32>
    %cos3A_428 = math.cos %mul3A_427 : vector<256x16xf32>
    %sin3A_429 = math.sin %mul3A_427 : vector<256x16xf32>
    %dot_general3A_430 = arith.constant dense<0.000000e+00> : vector<256x256xf32>
    %dot_general3A_431 = tpu.matmul %mul3A_427, %get3A_115, %dot_general3A_430 {dimension_numbers = #tpu.dot_dimension_numbers<[1], [0], [0], [1], [0, 0, 1, 1], [], []>, transpose_lhs_hint = false} : vector<256x16xf32>, vector<16x256xf32>, vector<256x256xf32> -> vector<256x256xf32>
    %sub3A_432 = vector.broadcast %mul3A_117 : vector<1x256xf32> to vector<256x256xf32>
    %sub3A_433 = arith.subf %dot_general3A_431, %sub3A_432 : vector<256x256xf32>
    %dot_general3A_434 = arith.constant dense<0.000000e+00> : vector<256x256xf32>
    %dot_general3A_435 = tpu.matmul %cos3A_428, %mul3A_121, %dot_general3A_434 {dimension_numbers = #tpu.dot_dimension_numbers<[1], [0], [0], [1], [0, 0, 1, 1], [], []>, transpose_lhs_hint = false} : vector<256x16xf32>, vector<16x256xf32>, vector<256x256xf32> -> vector<256x256xf32>
    %dot_general3A_436 = arith.constant dense<0.000000e+00> : vector<256x256xf32>
    %dot_general3A_437 = tpu.matmul %sin3A_429, %mul3A_125, %dot_general3A_436 {dimension_numbers = #tpu.dot_dimension_numbers<[1], [0], [0], [1], [0, 0, 1, 1], [], []>, transpose_lhs_hint = false} : vector<256x16xf32>, vector<16x256xf32>, vector<256x256xf32> -> vector<256x256xf32>
    %add3A_438 = arith.addf %dot_general3A_435, %dot_general3A_437 : vector<256x256xf32>
    %mul3A_439 = arith.mulf %sub3A_433, %sub3A_433 : vector<256x256xf32>
    %mul3A_440 = arith.constant -5.000000e-01 : f32
    %mul3A_441 = vector.broadcast %mul3A_440 : f32 to vector<256x256xf32>
    %mul3A_442 = arith.mulf %mul3A_441, %mul3A_439 : vector<256x256xf32>
    %exp3A_443 = math.exp %mul3A_442 : vector<256x256xf32>
    %mul3A_444 = vector.broadcast %div3A_73 : f32 to vector<256x256xf32>
    %mul3A_445 = arith.mulf %mul3A_444, %exp3A_443 : vector<256x256xf32>
    %add3A_446 = arith.addf %mul3A_445, %add3A_438 : vector<256x256xf32>
    %slice3A_447 = vector.extract_strided_slice %add3A_446 {offsets = [0, 0], sizes = [256, 128], strides = [1, 1]} : vector<256x256xf32> to vector<256x128xf32>
    %slice3A_448 = vector.extract_strided_slice %get3A_420 {offsets = [0, 0], sizes = [256, 128], strides = [1, 1]} : vector<256x256xf32> to vector<256x128xf32>
    %sub3A_449 = arith.subf %slice3A_448, %slice3A : vector<256x128xf32>
    %slice3A_450 = vector.extract_strided_slice %div3A_105 {offsets = [0, 6], sizes = [1, 1], strides = [1, 1]} : vector<1x32xf32> to vector<1x1xf32>
    %mul3A_451 = vector.broadcast %slice3A_450 : vector<1x1xf32> to vector<256x128xf32>
    %mul3A_452 = arith.mulf %sub3A_449, %mul3A_451 : vector<256x128xf32>
    %add3A_453 = arith.addf %mul3A_452, %slice3A_447 : vector<256x128xf32>
    %mul3A_454 = arith.mulf %add3A_453, %slice3A_447 : vector<256x128xf32>
    %add3A_455 = arith.addf %add3A_408, %mul3A_454 : vector<256x128xf32>
    %max3A_456 = arith.maximumf %max3A_409, %mul3A_454 : vector<256x128xf32>
    %slice3A_457 = vector.extract_strided_slice %add3A_446 {offsets = [0, 128], sizes = [256, 128], strides = [1, 1]} : vector<256x256xf32> to vector<256x128xf32>
    %add3A_458 = arith.addf %slice3A, %slice3A_457 : vector<256x128xf32>
    %mul3A_459 = arith.mulf %add3A_458, %slice3A_457 : vector<256x128xf32>
    %add3A_460 = arith.addf %add3A_413, %mul3A_459 : vector<256x128xf32>
    %max3A_461 = arith.maximumf %max3A_414, %mul3A_459 : vector<256x128xf32>
    %get3A_462 = arith.constant 0 : index
    %get3A_463 = arith.constant 7 : index
    %get3A_464 = arith.constant 0 : index
    %get3A_465 = arith.constant 0 : index
    %get3A_466 = vector.load %arg2[%get3A_462, %get3A_463, %get3A_464, %get3A_465] : memref<1x32x256x256xf32, #tpu.memory_space<vmem>>, vector<1x1x256x256xf32>
    %get3A_467 = vector.shape_cast %get3A_466 : vector<1x1x256x256xf32> to vector<256x256xf32>
    %slice3A_468 = vector.extract_strided_slice %get3A_467 {offsets = [0, 128], sizes = [256, 16], strides = [1, 1]} : vector<256x256xf32> to vector<256x16xf32>
    %sub3A_469 = arith.subf %slice3A_468, %slice3A_112 : vector<256x16xf32>
    %slice3A_470 = vector.extract_strided_slice %div3A_27 {offsets = [7, 0], sizes = [1, 1], strides = [1, 1]} : vector<32x1xf32> to vector<1x1xf32>
    %mul3A_471 = vector.broadcast %slice3A_470 : vector<1x1xf32> to vector<256x16xf32>
    %mul3A_472 = arith.mulf %sub3A_469, %mul3A_471 : vector<256x16xf32>
    %mul3A_473 = vector.broadcast %div3A_64 : f32 to vector<256x16xf32>
    %mul3A_474 = arith.mulf %mul3A_472, %mul3A_473 : vector<256x16xf32>
    %cos3A_475 = math.cos %mul3A_474 : vector<256x16xf32>
    %sin3A_476 = math.sin %mul3A_474 : vector<256x16xf32>
    %dot_general3A_477 = arith.constant dense<0.000000e+00> : vector<256x256xf32>
    %dot_general3A_478 = tpu.matmul %mul3A_474, %get3A_115, %dot_general3A_477 {dimension_numbers = #tpu.dot_dimension_numbers<[1], [0], [0], [1], [0, 0, 1, 1], [], []>, transpose_lhs_hint = false} : vector<256x16xf32>, vector<16x256xf32>, vector<256x256xf32> -> vector<256x256xf32>
    %sub3A_479 = vector.broadcast %mul3A_117 : vector<1x256xf32> to vector<256x256xf32>
    %sub3A_480 = arith.subf %dot_general3A_478, %sub3A_479 : vector<256x256xf32>
    %dot_general3A_481 = arith.constant dense<0.000000e+00> : vector<256x256xf32>
    %dot_general3A_482 = tpu.matmul %cos3A_475, %mul3A_121, %dot_general3A_481 {dimension_numbers = #tpu.dot_dimension_numbers<[1], [0], [0], [1], [0, 0, 1, 1], [], []>, transpose_lhs_hint = false} : vector<256x16xf32>, vector<16x256xf32>, vector<256x256xf32> -> vector<256x256xf32>
    %dot_general3A_483 = arith.constant dense<0.000000e+00> : vector<256x256xf32>
    %dot_general3A_484 = tpu.matmul %sin3A_476, %mul3A_125, %dot_general3A_483 {dimension_numbers = #tpu.dot_dimension_numbers<[1], [0], [0], [1], [0, 0, 1, 1], [], []>, transpose_lhs_hint = false} : vector<256x16xf32>, vector<16x256xf32>, vector<256x256xf32> -> vector<256x256xf32>
    %add3A_485 = arith.addf %dot_general3A_482, %dot_general3A_484 : vector<256x256xf32>
    %mul3A_486 = arith.mulf %sub3A_480, %sub3A_480 : vector<256x256xf32>
    %mul3A_487 = arith.constant -5.000000e-01 : f32
    %mul3A_488 = vector.broadcast %mul3A_487 : f32 to vector<256x256xf32>
    %mul3A_489 = arith.mulf %mul3A_488, %mul3A_486 : vector<256x256xf32>
    %exp3A_490 = math.exp %mul3A_489 : vector<256x256xf32>
    %mul3A_491 = vector.broadcast %div3A_73 : f32 to vector<256x256xf32>
    %mul3A_492 = arith.mulf %mul3A_491, %exp3A_490 : vector<256x256xf32>
    %add3A_493 = arith.addf %mul3A_492, %add3A_485 : vector<256x256xf32>
    %slice3A_494 = vector.extract_strided_slice %add3A_493 {offsets = [0, 0], sizes = [256, 128], strides = [1, 1]} : vector<256x256xf32> to vector<256x128xf32>
    %slice3A_495 = vector.extract_strided_slice %get3A_467 {offsets = [0, 0], sizes = [256, 128], strides = [1, 1]} : vector<256x256xf32> to vector<256x128xf32>
    %sub3A_496 = arith.subf %slice3A_495, %slice3A : vector<256x128xf32>
    %slice3A_497 = vector.extract_strided_slice %div3A_105 {offsets = [0, 7], sizes = [1, 1], strides = [1, 1]} : vector<1x32xf32> to vector<1x1xf32>
    %mul3A_498 = vector.broadcast %slice3A_497 : vector<1x1xf32> to vector<256x128xf32>
    %mul3A_499 = arith.mulf %sub3A_496, %mul3A_498 : vector<256x128xf32>
    %add3A_500 = arith.addf %mul3A_499, %slice3A_494 : vector<256x128xf32>
    %mul3A_501 = arith.mulf %add3A_500, %slice3A_494 : vector<256x128xf32>
    %add3A_502 = arith.addf %add3A_455, %mul3A_501 : vector<256x128xf32>
    %max3A_503 = arith.maximumf %max3A_456, %mul3A_501 : vector<256x128xf32>
    %slice3A_504 = vector.extract_strided_slice %add3A_493 {offsets = [0, 128], sizes = [256, 128], strides = [1, 1]} : vector<256x256xf32> to vector<256x128xf32>
    %add3A_505 = arith.addf %slice3A, %slice3A_504 : vector<256x128xf32>
    %mul3A_506 = arith.mulf %add3A_505, %slice3A_504 : vector<256x128xf32>
    %add3A_507 = arith.addf %add3A_460, %mul3A_506 : vector<256x128xf32>
    %max3A_508 = arith.maximumf %max3A_461, %mul3A_506 : vector<256x128xf32>
    %get3A_509 = arith.constant 0 : index
    %get3A_510 = arith.constant 8 : index
    %get3A_511 = arith.constant 0 : index
    %get3A_512 = arith.constant 0 : index
    %get3A_513 = vector.load %arg2[%get3A_509, %get3A_510, %get3A_511, %get3A_512] : memref<1x32x256x256xf32, #tpu.memory_space<vmem>>, vector<1x1x256x256xf32>
    %get3A_514 = vector.shape_cast %get3A_513 : vector<1x1x256x256xf32> to vector<256x256xf32>
    %slice3A_515 = vector.extract_strided_slice %get3A_514 {offsets = [0, 128], sizes = [256, 16], strides = [1, 1]} : vector<256x256xf32> to vector<256x16xf32>
    %sub3A_516 = arith.subf %slice3A_515, %slice3A_112 : vector<256x16xf32>
    %slice3A_517 = vector.extract_strided_slice %div3A_27 {offsets = [8, 0], sizes = [1, 1], strides = [1, 1]} : vector<32x1xf32> to vector<1x1xf32>
    %mul3A_518 = vector.broadcast %slice3A_517 : vector<1x1xf32> to vector<256x16xf32>
    %mul3A_519 = arith.mulf %sub3A_516, %mul3A_518 : vector<256x16xf32>
    %mul3A_520 = vector.broadcast %div3A_64 : f32 to vector<256x16xf32>
    %mul3A_521 = arith.mulf %mul3A_519, %mul3A_520 : vector<256x16xf32>
    %cos3A_522 = math.cos %mul3A_521 : vector<256x16xf32>
    %sin3A_523 = math.sin %mul3A_521 : vector<256x16xf32>
    %dot_general3A_524 = arith.constant dense<0.000000e+00> : vector<256x256xf32>
    %dot_general3A_525 = tpu.matmul %mul3A_521, %get3A_115, %dot_general3A_524 {dimension_numbers = #tpu.dot_dimension_numbers<[1], [0], [0], [1], [0, 0, 1, 1], [], []>, transpose_lhs_hint = false} : vector<256x16xf32>, vector<16x256xf32>, vector<256x256xf32> -> vector<256x256xf32>
    %sub3A_526 = vector.broadcast %mul3A_117 : vector<1x256xf32> to vector<256x256xf32>
    %sub3A_527 = arith.subf %dot_general3A_525, %sub3A_526 : vector<256x256xf32>
    %dot_general3A_528 = arith.constant dense<0.000000e+00> : vector<256x256xf32>
    %dot_general3A_529 = tpu.matmul %cos3A_522, %mul3A_121, %dot_general3A_528 {dimension_numbers = #tpu.dot_dimension_numbers<[1], [0], [0], [1], [0, 0, 1, 1], [], []>, transpose_lhs_hint = false} : vector<256x16xf32>, vector<16x256xf32>, vector<256x256xf32> -> vector<256x256xf32>
    %dot_general3A_530 = arith.constant dense<0.000000e+00> : vector<256x256xf32>
    %dot_general3A_531 = tpu.matmul %sin3A_523, %mul3A_125, %dot_general3A_530 {dimension_numbers = #tpu.dot_dimension_numbers<[1], [0], [0], [1], [0, 0, 1, 1], [], []>, transpose_lhs_hint = false} : vector<256x16xf32>, vector<16x256xf32>, vector<256x256xf32> -> vector<256x256xf32>
    %add3A_532 = arith.addf %dot_general3A_529, %dot_general3A_531 : vector<256x256xf32>
    %mul3A_533 = arith.mulf %sub3A_527, %sub3A_527 : vector<256x256xf32>
    %mul3A_534 = arith.constant -5.000000e-01 : f32
    %mul3A_535 = vector.broadcast %mul3A_534 : f32 to vector<256x256xf32>
    %mul3A_536 = arith.mulf %mul3A_535, %mul3A_533 : vector<256x256xf32>
    %exp3A_537 = math.exp %mul3A_536 : vector<256x256xf32>
    %mul3A_538 = vector.broadcast %div3A_73 : f32 to vector<256x256xf32>
    %mul3A_539 = arith.mulf %mul3A_538, %exp3A_537 : vector<256x256xf32>
    %add3A_540 = arith.addf %mul3A_539, %add3A_532 : vector<256x256xf32>
    %slice3A_541 = vector.extract_strided_slice %add3A_540 {offsets = [0, 0], sizes = [256, 128], strides = [1, 1]} : vector<256x256xf32> to vector<256x128xf32>
    %slice3A_542 = vector.extract_strided_slice %get3A_514 {offsets = [0, 0], sizes = [256, 128], strides = [1, 1]} : vector<256x256xf32> to vector<256x128xf32>
    %sub3A_543 = arith.subf %slice3A_542, %slice3A : vector<256x128xf32>
    %slice3A_544 = vector.extract_strided_slice %div3A_105 {offsets = [0, 8], sizes = [1, 1], strides = [1, 1]} : vector<1x32xf32> to vector<1x1xf32>
    %mul3A_545 = vector.broadcast %slice3A_544 : vector<1x1xf32> to vector<256x128xf32>
    %mul3A_546 = arith.mulf %sub3A_543, %mul3A_545 : vector<256x128xf32>
    %add3A_547 = arith.addf %mul3A_546, %slice3A_541 : vector<256x128xf32>
    %mul3A_548 = arith.mulf %add3A_547, %slice3A_541 : vector<256x128xf32>
    %add3A_549 = arith.addf %add3A_502, %mul3A_548 : vector<256x128xf32>
    %max3A_550 = arith.maximumf %max3A_503, %mul3A_548 : vector<256x128xf32>
    %slice3A_551 = vector.extract_strided_slice %add3A_540 {offsets = [0, 128], sizes = [256, 128], strides = [1, 1]} : vector<256x256xf32> to vector<256x128xf32>
    %add3A_552 = arith.addf %slice3A, %slice3A_551 : vector<256x128xf32>
    %mul3A_553 = arith.mulf %add3A_552, %slice3A_551 : vector<256x128xf32>
    %add3A_554 = arith.addf %add3A_507, %mul3A_553 : vector<256x128xf32>
    %max3A_555 = arith.maximumf %max3A_508, %mul3A_553 : vector<256x128xf32>
    %get3A_556 = arith.constant 0 : index
    %get3A_557 = arith.constant 9 : index
    %get3A_558 = arith.constant 0 : index
    %get3A_559 = arith.constant 0 : index
    %get3A_560 = vector.load %arg2[%get3A_556, %get3A_557, %get3A_558, %get3A_559] : memref<1x32x256x256xf32, #tpu.memory_space<vmem>>, vector<1x1x256x256xf32>
    %get3A_561 = vector.shape_cast %get3A_560 : vector<1x1x256x256xf32> to vector<256x256xf32>
    %slice3A_562 = vector.extract_strided_slice %get3A_561 {offsets = [0, 128], sizes = [256, 16], strides = [1, 1]} : vector<256x256xf32> to vector<256x16xf32>
    %sub3A_563 = arith.subf %slice3A_562, %slice3A_112 : vector<256x16xf32>
    %slice3A_564 = vector.extract_strided_slice %div3A_27 {offsets = [9, 0], sizes = [1, 1], strides = [1, 1]} : vector<32x1xf32> to vector<1x1xf32>
    %mul3A_565 = vector.broadcast %slice3A_564 : vector<1x1xf32> to vector<256x16xf32>
    %mul3A_566 = arith.mulf %sub3A_563, %mul3A_565 : vector<256x16xf32>
    %mul3A_567 = vector.broadcast %div3A_64 : f32 to vector<256x16xf32>
    %mul3A_568 = arith.mulf %mul3A_566, %mul3A_567 : vector<256x16xf32>
    %cos3A_569 = math.cos %mul3A_568 : vector<256x16xf32>
    %sin3A_570 = math.sin %mul3A_568 : vector<256x16xf32>
    %dot_general3A_571 = arith.constant dense<0.000000e+00> : vector<256x256xf32>
    %dot_general3A_572 = tpu.matmul %mul3A_568, %get3A_115, %dot_general3A_571 {dimension_numbers = #tpu.dot_dimension_numbers<[1], [0], [0], [1], [0, 0, 1, 1], [], []>, transpose_lhs_hint = false} : vector<256x16xf32>, vector<16x256xf32>, vector<256x256xf32> -> vector<256x256xf32>
    %sub3A_573 = vector.broadcast %mul3A_117 : vector<1x256xf32> to vector<256x256xf32>
    %sub3A_574 = arith.subf %dot_general3A_572, %sub3A_573 : vector<256x256xf32>
    %dot_general3A_575 = arith.constant dense<0.000000e+00> : vector<256x256xf32>
    %dot_general3A_576 = tpu.matmul %cos3A_569, %mul3A_121, %dot_general3A_575 {dimension_numbers = #tpu.dot_dimension_numbers<[1], [0], [0], [1], [0, 0, 1, 1], [], []>, transpose_lhs_hint = false} : vector<256x16xf32>, vector<16x256xf32>, vector<256x256xf32> -> vector<256x256xf32>
    %dot_general3A_577 = arith.constant dense<0.000000e+00> : vector<256x256xf32>
    %dot_general3A_578 = tpu.matmul %sin3A_570, %mul3A_125, %dot_general3A_577 {dimension_numbers = #tpu.dot_dimension_numbers<[1], [0], [0], [1], [0, 0, 1, 1], [], []>, transpose_lhs_hint = false} : vector<256x16xf32>, vector<16x256xf32>, vector<256x256xf32> -> vector<256x256xf32>
    %add3A_579 = arith.addf %dot_general3A_576, %dot_general3A_578 : vector<256x256xf32>
    %mul3A_580 = arith.mulf %sub3A_574, %sub3A_574 : vector<256x256xf32>
    %mul3A_581 = arith.constant -5.000000e-01 : f32
    %mul3A_582 = vector.broadcast %mul3A_581 : f32 to vector<256x256xf32>
    %mul3A_583 = arith.mulf %mul3A_582, %mul3A_580 : vector<256x256xf32>
    %exp3A_584 = math.exp %mul3A_583 : vector<256x256xf32>
    %mul3A_585 = vector.broadcast %div3A_73 : f32 to vector<256x256xf32>
    %mul3A_586 = arith.mulf %mul3A_585, %exp3A_584 : vector<256x256xf32>
    %add3A_587 = arith.addf %mul3A_586, %add3A_579 : vector<256x256xf32>
    %slice3A_588 = vector.extract_strided_slice %add3A_587 {offsets = [0, 0], sizes = [256, 128], strides = [1, 1]} : vector<256x256xf32> to vector<256x128xf32>
    %slice3A_589 = vector.extract_strided_slice %get3A_561 {offsets = [0, 0], sizes = [256, 128], strides = [1, 1]} : vector<256x256xf32> to vector<256x128xf32>
    %sub3A_590 = arith.subf %slice3A_589, %slice3A : vector<256x128xf32>
    %slice3A_591 = vector.extract_strided_slice %div3A_105 {offsets = [0, 9], sizes = [1, 1], strides = [1, 1]} : vector<1x32xf32> to vector<1x1xf32>
    %mul3A_592 = vector.broadcast %slice3A_591 : vector<1x1xf32> to vector<256x128xf32>
    %mul3A_593 = arith.mulf %sub3A_590, %mul3A_592 : vector<256x128xf32>
    %add3A_594 = arith.addf %mul3A_593, %slice3A_588 : vector<256x128xf32>
    %mul3A_595 = arith.mulf %add3A_594, %slice3A_588 : vector<256x128xf32>
    %add3A_596 = arith.addf %add3A_549, %mul3A_595 : vector<256x128xf32>
    %max3A_597 = arith.maximumf %max3A_550, %mul3A_595 : vector<256x128xf32>
    %slice3A_598 = vector.extract_strided_slice %add3A_587 {offsets = [0, 128], sizes = [256, 128], strides = [1, 1]} : vector<256x256xf32> to vector<256x128xf32>
    %add3A_599 = arith.addf %slice3A, %slice3A_598 : vector<256x128xf32>
    %mul3A_600 = arith.mulf %add3A_599, %slice3A_598 : vector<256x128xf32>
    %add3A_601 = arith.addf %add3A_554, %mul3A_600 : vector<256x128xf32>
    %max3A_602 = arith.maximumf %max3A_555, %mul3A_600 : vector<256x128xf32>
    %get3A_603 = arith.constant 0 : index
    %get3A_604 = arith.constant 10 : index
    %get3A_605 = arith.constant 0 : index
    %get3A_606 = arith.constant 0 : index
    %get3A_607 = vector.load %arg2[%get3A_603, %get3A_604, %get3A_605, %get3A_606] : memref<1x32x256x256xf32, #tpu.memory_space<vmem>>, vector<1x1x256x256xf32>
    %get3A_608 = vector.shape_cast %get3A_607 : vector<1x1x256x256xf32> to vector<256x256xf32>
    %slice3A_609 = vector.extract_strided_slice %get3A_608 {offsets = [0, 128], sizes = [256, 16], strides = [1, 1]} : vector<256x256xf32> to vector<256x16xf32>
    %sub3A_610 = arith.subf %slice3A_609, %slice3A_112 : vector<256x16xf32>
    %slice3A_611 = vector.extract_strided_slice %div3A_27 {offsets = [10, 0], sizes = [1, 1], strides = [1, 1]} : vector<32x1xf32> to vector<1x1xf32>
    %mul3A_612 = vector.broadcast %slice3A_611 : vector<1x1xf32> to vector<256x16xf32>
    %mul3A_613 = arith.mulf %sub3A_610, %mul3A_612 : vector<256x16xf32>
    %mul3A_614 = vector.broadcast %div3A_64 : f32 to vector<256x16xf32>
    %mul3A_615 = arith.mulf %mul3A_613, %mul3A_614 : vector<256x16xf32>
    %cos3A_616 = math.cos %mul3A_615 : vector<256x16xf32>
    %sin3A_617 = math.sin %mul3A_615 : vector<256x16xf32>
    %dot_general3A_618 = arith.constant dense<0.000000e+00> : vector<256x256xf32>
    %dot_general3A_619 = tpu.matmul %mul3A_615, %get3A_115, %dot_general3A_618 {dimension_numbers = #tpu.dot_dimension_numbers<[1], [0], [0], [1], [0, 0, 1, 1], [], []>, transpose_lhs_hint = false} : vector<256x16xf32>, vector<16x256xf32>, vector<256x256xf32> -> vector<256x256xf32>
    %sub3A_620 = vector.broadcast %mul3A_117 : vector<1x256xf32> to vector<256x256xf32>
    %sub3A_621 = arith.subf %dot_general3A_619, %sub3A_620 : vector<256x256xf32>
    %dot_general3A_622 = arith.constant dense<0.000000e+00> : vector<256x256xf32>
    %dot_general3A_623 = tpu.matmul %cos3A_616, %mul3A_121, %dot_general3A_622 {dimension_numbers = #tpu.dot_dimension_numbers<[1], [0], [0], [1], [0, 0, 1, 1], [], []>, transpose_lhs_hint = false} : vector<256x16xf32>, vector<16x256xf32>, vector<256x256xf32> -> vector<256x256xf32>
    %dot_general3A_624 = arith.constant dense<0.000000e+00> : vector<256x256xf32>
    %dot_general3A_625 = tpu.matmul %sin3A_617, %mul3A_125, %dot_general3A_624 {dimension_numbers = #tpu.dot_dimension_numbers<[1], [0], [0], [1], [0, 0, 1, 1], [], []>, transpose_lhs_hint = false} : vector<256x16xf32>, vector<16x256xf32>, vector<256x256xf32> -> vector<256x256xf32>
    %add3A_626 = arith.addf %dot_general3A_623, %dot_general3A_625 : vector<256x256xf32>
    %mul3A_627 = arith.mulf %sub3A_621, %sub3A_621 : vector<256x256xf32>
    %mul3A_628 = arith.constant -5.000000e-01 : f32
    %mul3A_629 = vector.broadcast %mul3A_628 : f32 to vector<256x256xf32>
    %mul3A_630 = arith.mulf %mul3A_629, %mul3A_627 : vector<256x256xf32>
    %exp3A_631 = math.exp %mul3A_630 : vector<256x256xf32>
    %mul3A_632 = vector.broadcast %div3A_73 : f32 to vector<256x256xf32>
    %mul3A_633 = arith.mulf %mul3A_632, %exp3A_631 : vector<256x256xf32>
    %add3A_634 = arith.addf %mul3A_633, %add3A_626 : vector<256x256xf32>
    %slice3A_635 = vector.extract_strided_slice %add3A_634 {offsets = [0, 0], sizes = [256, 128], strides = [1, 1]} : vector<256x256xf32> to vector<256x128xf32>
    %slice3A_636 = vector.extract_strided_slice %get3A_608 {offsets = [0, 0], sizes = [256, 128], strides = [1, 1]} : vector<256x256xf32> to vector<256x128xf32>
    %sub3A_637 = arith.subf %slice3A_636, %slice3A : vector<256x128xf32>
    %slice3A_638 = vector.extract_strided_slice %div3A_105 {offsets = [0, 10], sizes = [1, 1], strides = [1, 1]} : vector<1x32xf32> to vector<1x1xf32>
    %mul3A_639 = vector.broadcast %slice3A_638 : vector<1x1xf32> to vector<256x128xf32>
    %mul3A_640 = arith.mulf %sub3A_637, %mul3A_639 : vector<256x128xf32>
    %add3A_641 = arith.addf %mul3A_640, %slice3A_635 : vector<256x128xf32>
    %mul3A_642 = arith.mulf %add3A_641, %slice3A_635 : vector<256x128xf32>
    %add3A_643 = arith.addf %add3A_596, %mul3A_642 : vector<256x128xf32>
    %max3A_644 = arith.maximumf %max3A_597, %mul3A_642 : vector<256x128xf32>
    %slice3A_645 = vector.extract_strided_slice %add3A_634 {offsets = [0, 128], sizes = [256, 128], strides = [1, 1]} : vector<256x256xf32> to vector<256x128xf32>
    %add3A_646 = arith.addf %slice3A, %slice3A_645 : vector<256x128xf32>
    %mul3A_647 = arith.mulf %add3A_646, %slice3A_645 : vector<256x128xf32>
    %add3A_648 = arith.addf %add3A_601, %mul3A_647 : vector<256x128xf32>
    %max3A_649 = arith.maximumf %max3A_602, %mul3A_647 : vector<256x128xf32>
    %get3A_650 = arith.constant 0 : index
    %get3A_651 = arith.constant 11 : index
    %get3A_652 = arith.constant 0 : index
    %get3A_653 = arith.constant 0 : index
    %get3A_654 = vector.load %arg2[%get3A_650, %get3A_651, %get3A_652, %get3A_653] : memref<1x32x256x256xf32, #tpu.memory_space<vmem>>, vector<1x1x256x256xf32>
    %get3A_655 = vector.shape_cast %get3A_654 : vector<1x1x256x256xf32> to vector<256x256xf32>
    %slice3A_656 = vector.extract_strided_slice %get3A_655 {offsets = [0, 128], sizes = [256, 16], strides = [1, 1]} : vector<256x256xf32> to vector<256x16xf32>
    %sub3A_657 = arith.subf %slice3A_656, %slice3A_112 : vector<256x16xf32>
    %slice3A_658 = vector.extract_strided_slice %div3A_27 {offsets = [11, 0], sizes = [1, 1], strides = [1, 1]} : vector<32x1xf32> to vector<1x1xf32>
    %mul3A_659 = vector.broadcast %slice3A_658 : vector<1x1xf32> to vector<256x16xf32>
    %mul3A_660 = arith.mulf %sub3A_657, %mul3A_659 : vector<256x16xf32>
    %mul3A_661 = vector.broadcast %div3A_64 : f32 to vector<256x16xf32>
    %mul3A_662 = arith.mulf %mul3A_660, %mul3A_661 : vector<256x16xf32>
    %cos3A_663 = math.cos %mul3A_662 : vector<256x16xf32>
    %sin3A_664 = math.sin %mul3A_662 : vector<256x16xf32>
    %dot_general3A_665 = arith.constant dense<0.000000e+00> : vector<256x256xf32>
    %dot_general3A_666 = tpu.matmul %mul3A_662, %get3A_115, %dot_general3A_665 {dimension_numbers = #tpu.dot_dimension_numbers<[1], [0], [0], [1], [0, 0, 1, 1], [], []>, transpose_lhs_hint = false} : vector<256x16xf32>, vector<16x256xf32>, vector<256x256xf32> -> vector<256x256xf32>
    %sub3A_667 = vector.broadcast %mul3A_117 : vector<1x256xf32> to vector<256x256xf32>
    %sub3A_668 = arith.subf %dot_general3A_666, %sub3A_667 : vector<256x256xf32>
    %dot_general3A_669 = arith.constant dense<0.000000e+00> : vector<256x256xf32>
    %dot_general3A_670 = tpu.matmul %cos3A_663, %mul3A_121, %dot_general3A_669 {dimension_numbers = #tpu.dot_dimension_numbers<[1], [0], [0], [1], [0, 0, 1, 1], [], []>, transpose_lhs_hint = false} : vector<256x16xf32>, vector<16x256xf32>, vector<256x256xf32> -> vector<256x256xf32>
    %dot_general3A_671 = arith.constant dense<0.000000e+00> : vector<256x256xf32>
    %dot_general3A_672 = tpu.matmul %sin3A_664, %mul3A_125, %dot_general3A_671 {dimension_numbers = #tpu.dot_dimension_numbers<[1], [0], [0], [1], [0, 0, 1, 1], [], []>, transpose_lhs_hint = false} : vector<256x16xf32>, vector<16x256xf32>, vector<256x256xf32> -> vector<256x256xf32>
    %add3A_673 = arith.addf %dot_general3A_670, %dot_general3A_672 : vector<256x256xf32>
    %mul3A_674 = arith.mulf %sub3A_668, %sub3A_668 : vector<256x256xf32>
    %mul3A_675 = arith.constant -5.000000e-01 : f32
    %mul3A_676 = vector.broadcast %mul3A_675 : f32 to vector<256x256xf32>
    %mul3A_677 = arith.mulf %mul3A_676, %mul3A_674 : vector<256x256xf32>
    %exp3A_678 = math.exp %mul3A_677 : vector<256x256xf32>
    %mul3A_679 = vector.broadcast %div3A_73 : f32 to vector<256x256xf32>
    %mul3A_680 = arith.mulf %mul3A_679, %exp3A_678 : vector<256x256xf32>
    %add3A_681 = arith.addf %mul3A_680, %add3A_673 : vector<256x256xf32>
    %slice3A_682 = vector.extract_strided_slice %add3A_681 {offsets = [0, 0], sizes = [256, 128], strides = [1, 1]} : vector<256x256xf32> to vector<256x128xf32>
    %slice3A_683 = vector.extract_strided_slice %get3A_655 {offsets = [0, 0], sizes = [256, 128], strides = [1, 1]} : vector<256x256xf32> to vector<256x128xf32>
    %sub3A_684 = arith.subf %slice3A_683, %slice3A : vector<256x128xf32>
    %slice3A_685 = vector.extract_strided_slice %div3A_105 {offsets = [0, 11], sizes = [1, 1], strides = [1, 1]} : vector<1x32xf32> to vector<1x1xf32>
    %mul3A_686 = vector.broadcast %slice3A_685 : vector<1x1xf32> to vector<256x128xf32>
    %mul3A_687 = arith.mulf %sub3A_684, %mul3A_686 : vector<256x128xf32>
    %add3A_688 = arith.addf %mul3A_687, %slice3A_682 : vector<256x128xf32>
    %mul3A_689 = arith.mulf %add3A_688, %slice3A_682 : vector<256x128xf32>
    %add3A_690 = arith.addf %add3A_643, %mul3A_689 : vector<256x128xf32>
    %max3A_691 = arith.maximumf %max3A_644, %mul3A_689 : vector<256x128xf32>
    %slice3A_692 = vector.extract_strided_slice %add3A_681 {offsets = [0, 128], sizes = [256, 128], strides = [1, 1]} : vector<256x256xf32> to vector<256x128xf32>
    %add3A_693 = arith.addf %slice3A, %slice3A_692 : vector<256x128xf32>
    %mul3A_694 = arith.mulf %add3A_693, %slice3A_692 : vector<256x128xf32>
    %add3A_695 = arith.addf %add3A_648, %mul3A_694 : vector<256x128xf32>
    %max3A_696 = arith.maximumf %max3A_649, %mul3A_694 : vector<256x128xf32>
    %get3A_697 = arith.constant 0 : index
    %get3A_698 = arith.constant 12 : index
    %get3A_699 = arith.constant 0 : index
    %get3A_700 = arith.constant 0 : index
    %get3A_701 = vector.load %arg2[%get3A_697, %get3A_698, %get3A_699, %get3A_700] : memref<1x32x256x256xf32, #tpu.memory_space<vmem>>, vector<1x1x256x256xf32>
    %get3A_702 = vector.shape_cast %get3A_701 : vector<1x1x256x256xf32> to vector<256x256xf32>
    %slice3A_703 = vector.extract_strided_slice %get3A_702 {offsets = [0, 128], sizes = [256, 16], strides = [1, 1]} : vector<256x256xf32> to vector<256x16xf32>
    %sub3A_704 = arith.subf %slice3A_703, %slice3A_112 : vector<256x16xf32>
    %slice3A_705 = vector.extract_strided_slice %div3A_27 {offsets = [12, 0], sizes = [1, 1], strides = [1, 1]} : vector<32x1xf32> to vector<1x1xf32>
    %mul3A_706 = vector.broadcast %slice3A_705 : vector<1x1xf32> to vector<256x16xf32>
    %mul3A_707 = arith.mulf %sub3A_704, %mul3A_706 : vector<256x16xf32>
    %mul3A_708 = vector.broadcast %div3A_64 : f32 to vector<256x16xf32>
    %mul3A_709 = arith.mulf %mul3A_707, %mul3A_708 : vector<256x16xf32>
    %cos3A_710 = math.cos %mul3A_709 : vector<256x16xf32>
    %sin3A_711 = math.sin %mul3A_709 : vector<256x16xf32>
    %dot_general3A_712 = arith.constant dense<0.000000e+00> : vector<256x256xf32>
    %dot_general3A_713 = tpu.matmul %mul3A_709, %get3A_115, %dot_general3A_712 {dimension_numbers = #tpu.dot_dimension_numbers<[1], [0], [0], [1], [0, 0, 1, 1], [], []>, transpose_lhs_hint = false} : vector<256x16xf32>, vector<16x256xf32>, vector<256x256xf32> -> vector<256x256xf32>
    %sub3A_714 = vector.broadcast %mul3A_117 : vector<1x256xf32> to vector<256x256xf32>
    %sub3A_715 = arith.subf %dot_general3A_713, %sub3A_714 : vector<256x256xf32>
    %dot_general3A_716 = arith.constant dense<0.000000e+00> : vector<256x256xf32>
    %dot_general3A_717 = tpu.matmul %cos3A_710, %mul3A_121, %dot_general3A_716 {dimension_numbers = #tpu.dot_dimension_numbers<[1], [0], [0], [1], [0, 0, 1, 1], [], []>, transpose_lhs_hint = false} : vector<256x16xf32>, vector<16x256xf32>, vector<256x256xf32> -> vector<256x256xf32>
    %dot_general3A_718 = arith.constant dense<0.000000e+00> : vector<256x256xf32>
    %dot_general3A_719 = tpu.matmul %sin3A_711, %mul3A_125, %dot_general3A_718 {dimension_numbers = #tpu.dot_dimension_numbers<[1], [0], [0], [1], [0, 0, 1, 1], [], []>, transpose_lhs_hint = false} : vector<256x16xf32>, vector<16x256xf32>, vector<256x256xf32> -> vector<256x256xf32>
    %add3A_720 = arith.addf %dot_general3A_717, %dot_general3A_719 : vector<256x256xf32>
    %mul3A_721 = arith.mulf %sub3A_715, %sub3A_715 : vector<256x256xf32>
    %mul3A_722 = arith.constant -5.000000e-01 : f32
    %mul3A_723 = vector.broadcast %mul3A_722 : f32 to vector<256x256xf32>
    %mul3A_724 = arith.mulf %mul3A_723, %mul3A_721 : vector<256x256xf32>
    %exp3A_725 = math.exp %mul3A_724 : vector<256x256xf32>
    %mul3A_726 = vector.broadcast %div3A_73 : f32 to vector<256x256xf32>
    %mul3A_727 = arith.mulf %mul3A_726, %exp3A_725 : vector<256x256xf32>
    %add3A_728 = arith.addf %mul3A_727, %add3A_720 : vector<256x256xf32>
    %slice3A_729 = vector.extract_strided_slice %add3A_728 {offsets = [0, 0], sizes = [256, 128], strides = [1, 1]} : vector<256x256xf32> to vector<256x128xf32>
    %slice3A_730 = vector.extract_strided_slice %get3A_702 {offsets = [0, 0], sizes = [256, 128], strides = [1, 1]} : vector<256x256xf32> to vector<256x128xf32>
    %sub3A_731 = arith.subf %slice3A_730, %slice3A : vector<256x128xf32>
    %slice3A_732 = vector.extract_strided_slice %div3A_105 {offsets = [0, 12], sizes = [1, 1], strides = [1, 1]} : vector<1x32xf32> to vector<1x1xf32>
    %mul3A_733 = vector.broadcast %slice3A_732 : vector<1x1xf32> to vector<256x128xf32>
    %mul3A_734 = arith.mulf %sub3A_731, %mul3A_733 : vector<256x128xf32>
    %add3A_735 = arith.addf %mul3A_734, %slice3A_729 : vector<256x128xf32>
    %mul3A_736 = arith.mulf %add3A_735, %slice3A_729 : vector<256x128xf32>
    %add3A_737 = arith.addf %add3A_690, %mul3A_736 : vector<256x128xf32>
    %max3A_738 = arith.maximumf %max3A_691, %mul3A_736 : vector<256x128xf32>
    %slice3A_739 = vector.extract_strided_slice %add3A_728 {offsets = [0, 128], sizes = [256, 128], strides = [1, 1]} : vector<256x256xf32> to vector<256x128xf32>
    %add3A_740 = arith.addf %slice3A, %slice3A_739 : vector<256x128xf32>
    %mul3A_741 = arith.mulf %add3A_740, %slice3A_739 : vector<256x128xf32>
    %add3A_742 = arith.addf %add3A_695, %mul3A_741 : vector<256x128xf32>
    %max3A_743 = arith.maximumf %max3A_696, %mul3A_741 : vector<256x128xf32>
    %get3A_744 = arith.constant 0 : index
    %get3A_745 = arith.constant 13 : index
    %get3A_746 = arith.constant 0 : index
    %get3A_747 = arith.constant 0 : index
    %get3A_748 = vector.load %arg2[%get3A_744, %get3A_745, %get3A_746, %get3A_747] : memref<1x32x256x256xf32, #tpu.memory_space<vmem>>, vector<1x1x256x256xf32>
    %get3A_749 = vector.shape_cast %get3A_748 : vector<1x1x256x256xf32> to vector<256x256xf32>
    %slice3A_750 = vector.extract_strided_slice %get3A_749 {offsets = [0, 128], sizes = [256, 16], strides = [1, 1]} : vector<256x256xf32> to vector<256x16xf32>
    %sub3A_751 = arith.subf %slice3A_750, %slice3A_112 : vector<256x16xf32>
    %slice3A_752 = vector.extract_strided_slice %div3A_27 {offsets = [13, 0], sizes = [1, 1], strides = [1, 1]} : vector<32x1xf32> to vector<1x1xf32>
    %mul3A_753 = vector.broadcast %slice3A_752 : vector<1x1xf32> to vector<256x16xf32>
    %mul3A_754 = arith.mulf %sub3A_751, %mul3A_753 : vector<256x16xf32>
    %mul3A_755 = vector.broadcast %div3A_64 : f32 to vector<256x16xf32>
    %mul3A_756 = arith.mulf %mul3A_754, %mul3A_755 : vector<256x16xf32>
    %cos3A_757 = math.cos %mul3A_756 : vector<256x16xf32>
    %sin3A_758 = math.sin %mul3A_756 : vector<256x16xf32>
    %dot_general3A_759 = arith.constant dense<0.000000e+00> : vector<256x256xf32>
    %dot_general3A_760 = tpu.matmul %mul3A_756, %get3A_115, %dot_general3A_759 {dimension_numbers = #tpu.dot_dimension_numbers<[1], [0], [0], [1], [0, 0, 1, 1], [], []>, transpose_lhs_hint = false} : vector<256x16xf32>, vector<16x256xf32>, vector<256x256xf32> -> vector<256x256xf32>
    %sub3A_761 = vector.broadcast %mul3A_117 : vector<1x256xf32> to vector<256x256xf32>
    %sub3A_762 = arith.subf %dot_general3A_760, %sub3A_761 : vector<256x256xf32>
    %dot_general3A_763 = arith.constant dense<0.000000e+00> : vector<256x256xf32>
    %dot_general3A_764 = tpu.matmul %cos3A_757, %mul3A_121, %dot_general3A_763 {dimension_numbers = #tpu.dot_dimension_numbers<[1], [0], [0], [1], [0, 0, 1, 1], [], []>, transpose_lhs_hint = false} : vector<256x16xf32>, vector<16x256xf32>, vector<256x256xf32> -> vector<256x256xf32>
    %dot_general3A_765 = arith.constant dense<0.000000e+00> : vector<256x256xf32>
    %dot_general3A_766 = tpu.matmul %sin3A_758, %mul3A_125, %dot_general3A_765 {dimension_numbers = #tpu.dot_dimension_numbers<[1], [0], [0], [1], [0, 0, 1, 1], [], []>, transpose_lhs_hint = false} : vector<256x16xf32>, vector<16x256xf32>, vector<256x256xf32> -> vector<256x256xf32>
    %add3A_767 = arith.addf %dot_general3A_764, %dot_general3A_766 : vector<256x256xf32>
    %mul3A_768 = arith.mulf %sub3A_762, %sub3A_762 : vector<256x256xf32>
    %mul3A_769 = arith.constant -5.000000e-01 : f32
    %mul3A_770 = vector.broadcast %mul3A_769 : f32 to vector<256x256xf32>
    %mul3A_771 = arith.mulf %mul3A_770, %mul3A_768 : vector<256x256xf32>
    %exp3A_772 = math.exp %mul3A_771 : vector<256x256xf32>
    %mul3A_773 = vector.broadcast %div3A_73 : f32 to vector<256x256xf32>
    %mul3A_774 = arith.mulf %mul3A_773, %exp3A_772 : vector<256x256xf32>
    %add3A_775 = arith.addf %mul3A_774, %add3A_767 : vector<256x256xf32>
    %slice3A_776 = vector.extract_strided_slice %add3A_775 {offsets = [0, 0], sizes = [256, 128], strides = [1, 1]} : vector<256x256xf32> to vector<256x128xf32>
    %slice3A_777 = vector.extract_strided_slice %get3A_749 {offsets = [0, 0], sizes = [256, 128], strides = [1, 1]} : vector<256x256xf32> to vector<256x128xf32>
    %sub3A_778 = arith.subf %slice3A_777, %slice3A : vector<256x128xf32>
    %slice3A_779 = vector.extract_strided_slice %div3A_105 {offsets = [0, 13], sizes = [1, 1], strides = [1, 1]} : vector<1x32xf32> to vector<1x1xf32>
    %mul3A_780 = vector.broadcast %slice3A_779 : vector<1x1xf32> to vector<256x128xf32>
    %mul3A_781 = arith.mulf %sub3A_778, %mul3A_780 : vector<256x128xf32>
    %add3A_782 = arith.addf %mul3A_781, %slice3A_776 : vector<256x128xf32>
    %mul3A_783 = arith.mulf %add3A_782, %slice3A_776 : vector<256x128xf32>
    %add3A_784 = arith.addf %add3A_737, %mul3A_783 : vector<256x128xf32>
    %max3A_785 = arith.maximumf %max3A_738, %mul3A_783 : vector<256x128xf32>
    %slice3A_786 = vector.extract_strided_slice %add3A_775 {offsets = [0, 128], sizes = [256, 128], strides = [1, 1]} : vector<256x256xf32> to vector<256x128xf32>
    %add3A_787 = arith.addf %slice3A, %slice3A_786 : vector<256x128xf32>
    %mul3A_788 = arith.mulf %add3A_787, %slice3A_786 : vector<256x128xf32>
    %add3A_789 = arith.addf %add3A_742, %mul3A_788 : vector<256x128xf32>
    %max3A_790 = arith.maximumf %max3A_743, %mul3A_788 : vector<256x128xf32>
    %get3A_791 = arith.constant 0 : index
    %get3A_792 = arith.constant 14 : index
    %get3A_793 = arith.constant 0 : index
    %get3A_794 = arith.constant 0 : index
    %get3A_795 = vector.load %arg2[%get3A_791, %get3A_792, %get3A_793, %get3A_794] : memref<1x32x256x256xf32, #tpu.memory_space<vmem>>, vector<1x1x256x256xf32>
    %get3A_796 = vector.shape_cast %get3A_795 : vector<1x1x256x256xf32> to vector<256x256xf32>
    %slice3A_797 = vector.extract_strided_slice %get3A_796 {offsets = [0, 128], sizes = [256, 16], strides = [1, 1]} : vector<256x256xf32> to vector<256x16xf32>
    %sub3A_798 = arith.subf %slice3A_797, %slice3A_112 : vector<256x16xf32>
    %slice3A_799 = vector.extract_strided_slice %div3A_27 {offsets = [14, 0], sizes = [1, 1], strides = [1, 1]} : vector<32x1xf32> to vector<1x1xf32>
    %mul3A_800 = vector.broadcast %slice3A_799 : vector<1x1xf32> to vector<256x16xf32>
    %mul3A_801 = arith.mulf %sub3A_798, %mul3A_800 : vector<256x16xf32>
    %mul3A_802 = vector.broadcast %div3A_64 : f32 to vector<256x16xf32>
    %mul3A_803 = arith.mulf %mul3A_801, %mul3A_802 : vector<256x16xf32>
    %cos3A_804 = math.cos %mul3A_803 : vector<256x16xf32>
    %sin3A_805 = math.sin %mul3A_803 : vector<256x16xf32>
    %dot_general3A_806 = arith.constant dense<0.000000e+00> : vector<256x256xf32>
    %dot_general3A_807 = tpu.matmul %mul3A_803, %get3A_115, %dot_general3A_806 {dimension_numbers = #tpu.dot_dimension_numbers<[1], [0], [0], [1], [0, 0, 1, 1], [], []>, transpose_lhs_hint = false} : vector<256x16xf32>, vector<16x256xf32>, vector<256x256xf32> -> vector<256x256xf32>
    %sub3A_808 = vector.broadcast %mul3A_117 : vector<1x256xf32> to vector<256x256xf32>
    %sub3A_809 = arith.subf %dot_general3A_807, %sub3A_808 : vector<256x256xf32>
    %dot_general3A_810 = arith.constant dense<0.000000e+00> : vector<256x256xf32>
    %dot_general3A_811 = tpu.matmul %cos3A_804, %mul3A_121, %dot_general3A_810 {dimension_numbers = #tpu.dot_dimension_numbers<[1], [0], [0], [1], [0, 0, 1, 1], [], []>, transpose_lhs_hint = false} : vector<256x16xf32>, vector<16x256xf32>, vector<256x256xf32> -> vector<256x256xf32>
    %dot_general3A_812 = arith.constant dense<0.000000e+00> : vector<256x256xf32>
    %dot_general3A_813 = tpu.matmul %sin3A_805, %mul3A_125, %dot_general3A_812 {dimension_numbers = #tpu.dot_dimension_numbers<[1], [0], [0], [1], [0, 0, 1, 1], [], []>, transpose_lhs_hint = false} : vector<256x16xf32>, vector<16x256xf32>, vector<256x256xf32> -> vector<256x256xf32>
    %add3A_814 = arith.addf %dot_general3A_811, %dot_general3A_813 : vector<256x256xf32>
    %mul3A_815 = arith.mulf %sub3A_809, %sub3A_809 : vector<256x256xf32>
    %mul3A_816 = arith.constant -5.000000e-01 : f32
    %mul3A_817 = vector.broadcast %mul3A_816 : f32 to vector<256x256xf32>
    %mul3A_818 = arith.mulf %mul3A_817, %mul3A_815 : vector<256x256xf32>
    %exp3A_819 = math.exp %mul3A_818 : vector<256x256xf32>
    %mul3A_820 = vector.broadcast %div3A_73 : f32 to vector<256x256xf32>
    %mul3A_821 = arith.mulf %mul3A_820, %exp3A_819 : vector<256x256xf32>
    %add3A_822 = arith.addf %mul3A_821, %add3A_814 : vector<256x256xf32>
    %slice3A_823 = vector.extract_strided_slice %add3A_822 {offsets = [0, 0], sizes = [256, 128], strides = [1, 1]} : vector<256x256xf32> to vector<256x128xf32>
    %slice3A_824 = vector.extract_strided_slice %get3A_796 {offsets = [0, 0], sizes = [256, 128], strides = [1, 1]} : vector<256x256xf32> to vector<256x128xf32>
    %sub3A_825 = arith.subf %slice3A_824, %slice3A : vector<256x128xf32>
    %slice3A_826 = vector.extract_strided_slice %div3A_105 {offsets = [0, 14], sizes = [1, 1], strides = [1, 1]} : vector<1x32xf32> to vector<1x1xf32>
    %mul3A_827 = vector.broadcast %slice3A_826 : vector<1x1xf32> to vector<256x128xf32>
    %mul3A_828 = arith.mulf %sub3A_825, %mul3A_827 : vector<256x128xf32>
    %add3A_829 = arith.addf %mul3A_828, %slice3A_823 : vector<256x128xf32>
    %mul3A_830 = arith.mulf %add3A_829, %slice3A_823 : vector<256x128xf32>
    %add3A_831 = arith.addf %add3A_784, %mul3A_830 : vector<256x128xf32>
    %max3A_832 = arith.maximumf %max3A_785, %mul3A_830 : vector<256x128xf32>
    %slice3A_833 = vector.extract_strided_slice %add3A_822 {offsets = [0, 128], sizes = [256, 128], strides = [1, 1]} : vector<256x256xf32> to vector<256x128xf32>
    %add3A_834 = arith.addf %slice3A, %slice3A_833 : vector<256x128xf32>
    %mul3A_835 = arith.mulf %add3A_834, %slice3A_833 : vector<256x128xf32>
    %add3A_836 = arith.addf %add3A_789, %mul3A_835 : vector<256x128xf32>
    %max3A_837 = arith.maximumf %max3A_790, %mul3A_835 : vector<256x128xf32>
    %get3A_838 = arith.constant 0 : index
    %get3A_839 = arith.constant 15 : index
    %get3A_840 = arith.constant 0 : index
    %get3A_841 = arith.constant 0 : index
    %get3A_842 = vector.load %arg2[%get3A_838, %get3A_839, %get3A_840, %get3A_841] : memref<1x32x256x256xf32, #tpu.memory_space<vmem>>, vector<1x1x256x256xf32>
    %get3A_843 = vector.shape_cast %get3A_842 : vector<1x1x256x256xf32> to vector<256x256xf32>
    %slice3A_844 = vector.extract_strided_slice %get3A_843 {offsets = [0, 128], sizes = [256, 16], strides = [1, 1]} : vector<256x256xf32> to vector<256x16xf32>
    %sub3A_845 = arith.subf %slice3A_844, %slice3A_112 : vector<256x16xf32>
    %slice3A_846 = vector.extract_strided_slice %div3A_27 {offsets = [15, 0], sizes = [1, 1], strides = [1, 1]} : vector<32x1xf32> to vector<1x1xf32>
    %mul3A_847 = vector.broadcast %slice3A_846 : vector<1x1xf32> to vector<256x16xf32>
    %mul3A_848 = arith.mulf %sub3A_845, %mul3A_847 : vector<256x16xf32>
    %mul3A_849 = vector.broadcast %div3A_64 : f32 to vector<256x16xf32>
    %mul3A_850 = arith.mulf %mul3A_848, %mul3A_849 : vector<256x16xf32>
    %cos3A_851 = math.cos %mul3A_850 : vector<256x16xf32>
    %sin3A_852 = math.sin %mul3A_850 : vector<256x16xf32>
    %dot_general3A_853 = arith.constant dense<0.000000e+00> : vector<256x256xf32>
    %dot_general3A_854 = tpu.matmul %mul3A_850, %get3A_115, %dot_general3A_853 {dimension_numbers = #tpu.dot_dimension_numbers<[1], [0], [0], [1], [0, 0, 1, 1], [], []>, transpose_lhs_hint = false} : vector<256x16xf32>, vector<16x256xf32>, vector<256x256xf32> -> vector<256x256xf32>
    %sub3A_855 = vector.broadcast %mul3A_117 : vector<1x256xf32> to vector<256x256xf32>
    %sub3A_856 = arith.subf %dot_general3A_854, %sub3A_855 : vector<256x256xf32>
    %dot_general3A_857 = arith.constant dense<0.000000e+00> : vector<256x256xf32>
    %dot_general3A_858 = tpu.matmul %cos3A_851, %mul3A_121, %dot_general3A_857 {dimension_numbers = #tpu.dot_dimension_numbers<[1], [0], [0], [1], [0, 0, 1, 1], [], []>, transpose_lhs_hint = false} : vector<256x16xf32>, vector<16x256xf32>, vector<256x256xf32> -> vector<256x256xf32>
    %dot_general3A_859 = arith.constant dense<0.000000e+00> : vector<256x256xf32>
    %dot_general3A_860 = tpu.matmul %sin3A_852, %mul3A_125, %dot_general3A_859 {dimension_numbers = #tpu.dot_dimension_numbers<[1], [0], [0], [1], [0, 0, 1, 1], [], []>, transpose_lhs_hint = false} : vector<256x16xf32>, vector<16x256xf32>, vector<256x256xf32> -> vector<256x256xf32>
    %add3A_861 = arith.addf %dot_general3A_858, %dot_general3A_860 : vector<256x256xf32>
    %mul3A_862 = arith.mulf %sub3A_856, %sub3A_856 : vector<256x256xf32>
    %mul3A_863 = arith.constant -5.000000e-01 : f32
    %mul3A_864 = vector.broadcast %mul3A_863 : f32 to vector<256x256xf32>
    %mul3A_865 = arith.mulf %mul3A_864, %mul3A_862 : vector<256x256xf32>
    %exp3A_866 = math.exp %mul3A_865 : vector<256x256xf32>
    %mul3A_867 = vector.broadcast %div3A_73 : f32 to vector<256x256xf32>
    %mul3A_868 = arith.mulf %mul3A_867, %exp3A_866 : vector<256x256xf32>
    %add3A_869 = arith.addf %mul3A_868, %add3A_861 : vector<256x256xf32>
    %slice3A_870 = vector.extract_strided_slice %add3A_869 {offsets = [0, 0], sizes = [256, 128], strides = [1, 1]} : vector<256x256xf32> to vector<256x128xf32>
    %slice3A_871 = vector.extract_strided_slice %get3A_843 {offsets = [0, 0], sizes = [256, 128], strides = [1, 1]} : vector<256x256xf32> to vector<256x128xf32>
    %sub3A_872 = arith.subf %slice3A_871, %slice3A : vector<256x128xf32>
    %slice3A_873 = vector.extract_strided_slice %div3A_105 {offsets = [0, 15], sizes = [1, 1], strides = [1, 1]} : vector<1x32xf32> to vector<1x1xf32>
    %mul3A_874 = vector.broadcast %slice3A_873 : vector<1x1xf32> to vector<256x128xf32>
    %mul3A_875 = arith.mulf %sub3A_872, %mul3A_874 : vector<256x128xf32>
    %add3A_876 = arith.addf %mul3A_875, %slice3A_870 : vector<256x128xf32>
    %mul3A_877 = arith.mulf %add3A_876, %slice3A_870 : vector<256x128xf32>
    %add3A_878 = arith.addf %add3A_831, %mul3A_877 : vector<256x128xf32>
    %max3A_879 = arith.maximumf %max3A_832, %mul3A_877 : vector<256x128xf32>
    %slice3A_880 = vector.extract_strided_slice %add3A_869 {offsets = [0, 128], sizes = [256, 128], strides = [1, 1]} : vector<256x256xf32> to vector<256x128xf32>
    %add3A_881 = arith.addf %slice3A, %slice3A_880 : vector<256x128xf32>
    %mul3A_882 = arith.mulf %add3A_881, %slice3A_880 : vector<256x128xf32>
    %add3A_883 = arith.addf %add3A_836, %mul3A_882 : vector<256x128xf32>
    %max3A_884 = arith.maximumf %max3A_837, %mul3A_882 : vector<256x128xf32>
    %get3A_885 = arith.constant 0 : index
    %get3A_886 = arith.constant 16 : index
    %get3A_887 = arith.constant 0 : index
    %get3A_888 = arith.constant 0 : index
    %get3A_889 = vector.load %arg2[%get3A_885, %get3A_886, %get3A_887, %get3A_888] : memref<1x32x256x256xf32, #tpu.memory_space<vmem>>, vector<1x1x256x256xf32>
    %get3A_890 = vector.shape_cast %get3A_889 : vector<1x1x256x256xf32> to vector<256x256xf32>
    %slice3A_891 = vector.extract_strided_slice %get3A_890 {offsets = [0, 128], sizes = [256, 16], strides = [1, 1]} : vector<256x256xf32> to vector<256x16xf32>
    %sub3A_892 = arith.subf %slice3A_891, %slice3A_112 : vector<256x16xf32>
    %slice3A_893 = vector.extract_strided_slice %div3A_27 {offsets = [16, 0], sizes = [1, 1], strides = [1, 1]} : vector<32x1xf32> to vector<1x1xf32>
    %mul3A_894 = vector.broadcast %slice3A_893 : vector<1x1xf32> to vector<256x16xf32>
    %mul3A_895 = arith.mulf %sub3A_892, %mul3A_894 : vector<256x16xf32>
    %mul3A_896 = vector.broadcast %div3A_64 : f32 to vector<256x16xf32>
    %mul3A_897 = arith.mulf %mul3A_895, %mul3A_896 : vector<256x16xf32>
    %cos3A_898 = math.cos %mul3A_897 : vector<256x16xf32>
    %sin3A_899 = math.sin %mul3A_897 : vector<256x16xf32>
    %dot_general3A_900 = arith.constant dense<0.000000e+00> : vector<256x256xf32>
    %dot_general3A_901 = tpu.matmul %mul3A_897, %get3A_115, %dot_general3A_900 {dimension_numbers = #tpu.dot_dimension_numbers<[1], [0], [0], [1], [0, 0, 1, 1], [], []>, transpose_lhs_hint = false} : vector<256x16xf32>, vector<16x256xf32>, vector<256x256xf32> -> vector<256x256xf32>
    %sub3A_902 = vector.broadcast %mul3A_117 : vector<1x256xf32> to vector<256x256xf32>
    %sub3A_903 = arith.subf %dot_general3A_901, %sub3A_902 : vector<256x256xf32>
    %dot_general3A_904 = arith.constant dense<0.000000e+00> : vector<256x256xf32>
    %dot_general3A_905 = tpu.matmul %cos3A_898, %mul3A_121, %dot_general3A_904 {dimension_numbers = #tpu.dot_dimension_numbers<[1], [0], [0], [1], [0, 0, 1, 1], [], []>, transpose_lhs_hint = false} : vector<256x16xf32>, vector<16x256xf32>, vector<256x256xf32> -> vector<256x256xf32>
    %dot_general3A_906 = arith.constant dense<0.000000e+00> : vector<256x256xf32>
    %dot_general3A_907 = tpu.matmul %sin3A_899, %mul3A_125, %dot_general3A_906 {dimension_numbers = #tpu.dot_dimension_numbers<[1], [0], [0], [1], [0, 0, 1, 1], [], []>, transpose_lhs_hint = false} : vector<256x16xf32>, vector<16x256xf32>, vector<256x256xf32> -> vector<256x256xf32>
    %add3A_908 = arith.addf %dot_general3A_905, %dot_general3A_907 : vector<256x256xf32>
    %mul3A_909 = arith.mulf %sub3A_903, %sub3A_903 : vector<256x256xf32>
    %mul3A_910 = arith.constant -5.000000e-01 : f32
    %mul3A_911 = vector.broadcast %mul3A_910 : f32 to vector<256x256xf32>
    %mul3A_912 = arith.mulf %mul3A_911, %mul3A_909 : vector<256x256xf32>
    %exp3A_913 = math.exp %mul3A_912 : vector<256x256xf32>
    %mul3A_914 = vector.broadcast %div3A_73 : f32 to vector<256x256xf32>
    %mul3A_915 = arith.mulf %mul3A_914, %exp3A_913 : vector<256x256xf32>
    %add3A_916 = arith.addf %mul3A_915, %add3A_908 : vector<256x256xf32>
    %slice3A_917 = vector.extract_strided_slice %add3A_916 {offsets = [0, 0], sizes = [256, 128], strides = [1, 1]} : vector<256x256xf32> to vector<256x128xf32>
    %slice3A_918 = vector.extract_strided_slice %get3A_890 {offsets = [0, 0], sizes = [256, 128], strides = [1, 1]} : vector<256x256xf32> to vector<256x128xf32>
    %sub3A_919 = arith.subf %slice3A_918, %slice3A : vector<256x128xf32>
    %slice3A_920 = vector.extract_strided_slice %div3A_105 {offsets = [0, 16], sizes = [1, 1], strides = [1, 1]} : vector<1x32xf32> to vector<1x1xf32>
    %mul3A_921 = vector.broadcast %slice3A_920 : vector<1x1xf32> to vector<256x128xf32>
    %mul3A_922 = arith.mulf %sub3A_919, %mul3A_921 : vector<256x128xf32>
    %add3A_923 = arith.addf %mul3A_922, %slice3A_917 : vector<256x128xf32>
    %mul3A_924 = arith.mulf %add3A_923, %slice3A_917 : vector<256x128xf32>
    %add3A_925 = arith.addf %add3A_878, %mul3A_924 : vector<256x128xf32>
    %max3A_926 = arith.maximumf %max3A_879, %mul3A_924 : vector<256x128xf32>
    %slice3A_927 = vector.extract_strided_slice %add3A_916 {offsets = [0, 128], sizes = [256, 128], strides = [1, 1]} : vector<256x256xf32> to vector<256x128xf32>
    %add3A_928 = arith.addf %slice3A, %slice3A_927 : vector<256x128xf32>
    %mul3A_929 = arith.mulf %add3A_928, %slice3A_927 : vector<256x128xf32>
    %add3A_930 = arith.addf %add3A_883, %mul3A_929 : vector<256x128xf32>
    %max3A_931 = arith.maximumf %max3A_884, %mul3A_929 : vector<256x128xf32>
    %get3A_932 = arith.constant 0 : index
    %get3A_933 = arith.constant 17 : index
    %get3A_934 = arith.constant 0 : index
    %get3A_935 = arith.constant 0 : index
    %get3A_936 = vector.load %arg2[%get3A_932, %get3A_933, %get3A_934, %get3A_935] : memref<1x32x256x256xf32, #tpu.memory_space<vmem>>, vector<1x1x256x256xf32>
    %get3A_937 = vector.shape_cast %get3A_936 : vector<1x1x256x256xf32> to vector<256x256xf32>
    %slice3A_938 = vector.extract_strided_slice %get3A_937 {offsets = [0, 128], sizes = [256, 16], strides = [1, 1]} : vector<256x256xf32> to vector<256x16xf32>
    %sub3A_939 = arith.subf %slice3A_938, %slice3A_112 : vector<256x16xf32>
    %slice3A_940 = vector.extract_strided_slice %div3A_27 {offsets = [17, 0], sizes = [1, 1], strides = [1, 1]} : vector<32x1xf32> to vector<1x1xf32>
    %mul3A_941 = vector.broadcast %slice3A_940 : vector<1x1xf32> to vector<256x16xf32>
    %mul3A_942 = arith.mulf %sub3A_939, %mul3A_941 : vector<256x16xf32>
    %mul3A_943 = vector.broadcast %div3A_64 : f32 to vector<256x16xf32>
    %mul3A_944 = arith.mulf %mul3A_942, %mul3A_943 : vector<256x16xf32>
    %cos3A_945 = math.cos %mul3A_944 : vector<256x16xf32>
    %sin3A_946 = math.sin %mul3A_944 : vector<256x16xf32>
    %dot_general3A_947 = arith.constant dense<0.000000e+00> : vector<256x256xf32>
    %dot_general3A_948 = tpu.matmul %mul3A_944, %get3A_115, %dot_general3A_947 {dimension_numbers = #tpu.dot_dimension_numbers<[1], [0], [0], [1], [0, 0, 1, 1], [], []>, transpose_lhs_hint = false} : vector<256x16xf32>, vector<16x256xf32>, vector<256x256xf32> -> vector<256x256xf32>
    %sub3A_949 = vector.broadcast %mul3A_117 : vector<1x256xf32> to vector<256x256xf32>
    %sub3A_950 = arith.subf %dot_general3A_948, %sub3A_949 : vector<256x256xf32>
    %dot_general3A_951 = arith.constant dense<0.000000e+00> : vector<256x256xf32>
    %dot_general3A_952 = tpu.matmul %cos3A_945, %mul3A_121, %dot_general3A_951 {dimension_numbers = #tpu.dot_dimension_numbers<[1], [0], [0], [1], [0, 0, 1, 1], [], []>, transpose_lhs_hint = false} : vector<256x16xf32>, vector<16x256xf32>, vector<256x256xf32> -> vector<256x256xf32>
    %dot_general3A_953 = arith.constant dense<0.000000e+00> : vector<256x256xf32>
    %dot_general3A_954 = tpu.matmul %sin3A_946, %mul3A_125, %dot_general3A_953 {dimension_numbers = #tpu.dot_dimension_numbers<[1], [0], [0], [1], [0, 0, 1, 1], [], []>, transpose_lhs_hint = false} : vector<256x16xf32>, vector<16x256xf32>, vector<256x256xf32> -> vector<256x256xf32>
    %add3A_955 = arith.addf %dot_general3A_952, %dot_general3A_954 : vector<256x256xf32>
    %mul3A_956 = arith.mulf %sub3A_950, %sub3A_950 : vector<256x256xf32>
    %mul3A_957 = arith.constant -5.000000e-01 : f32
    %mul3A_958 = vector.broadcast %mul3A_957 : f32 to vector<256x256xf32>
    %mul3A_959 = arith.mulf %mul3A_958, %mul3A_956 : vector<256x256xf32>
    %exp3A_960 = math.exp %mul3A_959 : vector<256x256xf32>
    %mul3A_961 = vector.broadcast %div3A_73 : f32 to vector<256x256xf32>
    %mul3A_962 = arith.mulf %mul3A_961, %exp3A_960 : vector<256x256xf32>
    %add3A_963 = arith.addf %mul3A_962, %add3A_955 : vector<256x256xf32>
    %slice3A_964 = vector.extract_strided_slice %add3A_963 {offsets = [0, 0], sizes = [256, 128], strides = [1, 1]} : vector<256x256xf32> to vector<256x128xf32>
    %slice3A_965 = vector.extract_strided_slice %get3A_937 {offsets = [0, 0], sizes = [256, 128], strides = [1, 1]} : vector<256x256xf32> to vector<256x128xf32>
    %sub3A_966 = arith.subf %slice3A_965, %slice3A : vector<256x128xf32>
    %slice3A_967 = vector.extract_strided_slice %div3A_105 {offsets = [0, 17], sizes = [1, 1], strides = [1, 1]} : vector<1x32xf32> to vector<1x1xf32>
    %mul3A_968 = vector.broadcast %slice3A_967 : vector<1x1xf32> to vector<256x128xf32>
    %mul3A_969 = arith.mulf %sub3A_966, %mul3A_968 : vector<256x128xf32>
    %add3A_970 = arith.addf %mul3A_969, %slice3A_964 : vector<256x128xf32>
    %mul3A_971 = arith.mulf %add3A_970, %slice3A_964 : vector<256x128xf32>
    %add3A_972 = arith.addf %add3A_925, %mul3A_971 : vector<256x128xf32>
    %max3A_973 = arith.maximumf %max3A_926, %mul3A_971 : vector<256x128xf32>
    %slice3A_974 = vector.extract_strided_slice %add3A_963 {offsets = [0, 128], sizes = [256, 128], strides = [1, 1]} : vector<256x256xf32> to vector<256x128xf32>
    %add3A_975 = arith.addf %slice3A, %slice3A_974 : vector<256x128xf32>
    %mul3A_976 = arith.mulf %add3A_975, %slice3A_974 : vector<256x128xf32>
    %add3A_977 = arith.addf %add3A_930, %mul3A_976 : vector<256x128xf32>
    %max3A_978 = arith.maximumf %max3A_931, %mul3A_976 : vector<256x128xf32>
    %get3A_979 = arith.constant 0 : index
    %get3A_980 = arith.constant 18 : index
    %get3A_981 = arith.constant 0 : index
    %get3A_982 = arith.constant 0 : index
    %get3A_983 = vector.load %arg2[%get3A_979, %get3A_980, %get3A_981, %get3A_982] : memref<1x32x256x256xf32, #tpu.memory_space<vmem>>, vector<1x1x256x256xf32>
    %get3A_984 = vector.shape_cast %get3A_983 : vector<1x1x256x256xf32> to vector<256x256xf32>
    %slice3A_985 = vector.extract_strided_slice %get3A_984 {offsets = [0, 128], sizes = [256, 16], strides = [1, 1]} : vector<256x256xf32> to vector<256x16xf32>
    %sub3A_986 = arith.subf %slice3A_985, %slice3A_112 : vector<256x16xf32>
    %slice3A_987 = vector.extract_strided_slice %div3A_27 {offsets = [18, 0], sizes = [1, 1], strides = [1, 1]} : vector<32x1xf32> to vector<1x1xf32>
    %mul3A_988 = vector.broadcast %slice3A_987 : vector<1x1xf32> to vector<256x16xf32>
    %mul3A_989 = arith.mulf %sub3A_986, %mul3A_988 : vector<256x16xf32>
    %mul3A_990 = vector.broadcast %div3A_64 : f32 to vector<256x16xf32>
    %mul3A_991 = arith.mulf %mul3A_989, %mul3A_990 : vector<256x16xf32>
    %cos3A_992 = math.cos %mul3A_991 : vector<256x16xf32>
    %sin3A_993 = math.sin %mul3A_991 : vector<256x16xf32>
    %dot_general3A_994 = arith.constant dense<0.000000e+00> : vector<256x256xf32>
    %dot_general3A_995 = tpu.matmul %mul3A_991, %get3A_115, %dot_general3A_994 {dimension_numbers = #tpu.dot_dimension_numbers<[1], [0], [0], [1], [0, 0, 1, 1], [], []>, transpose_lhs_hint = false} : vector<256x16xf32>, vector<16x256xf32>, vector<256x256xf32> -> vector<256x256xf32>
    %sub3A_996 = vector.broadcast %mul3A_117 : vector<1x256xf32> to vector<256x256xf32>
    %sub3A_997 = arith.subf %dot_general3A_995, %sub3A_996 : vector<256x256xf32>
    %dot_general3A_998 = arith.constant dense<0.000000e+00> : vector<256x256xf32>
    %dot_general3A_999 = tpu.matmul %cos3A_992, %mul3A_121, %dot_general3A_998 {dimension_numbers = #tpu.dot_dimension_numbers<[1], [0], [0], [1], [0, 0, 1, 1], [], []>, transpose_lhs_hint = false} : vector<256x16xf32>, vector<16x256xf32>, vector<256x256xf32> -> vector<256x256xf32>
    %dot_general3A_1000 = arith.constant dense<0.000000e+00> : vector<256x256xf32>
    %dot_general3A_1001 = tpu.matmul %sin3A_993, %mul3A_125, %dot_general3A_1000 {dimension_numbers = #tpu.dot_dimension_numbers<[1], [0], [0], [1], [0, 0, 1, 1], [], []>, transpose_lhs_hint = false} : vector<256x16xf32>, vector<16x256xf32>, vector<256x256xf32> -> vector<256x256xf32>
    %add3A_1002 = arith.addf %dot_general3A_999, %dot_general3A_1001 : vector<256x256xf32>
    %mul3A_1003 = arith.mulf %sub3A_997, %sub3A_997 : vector<256x256xf32>
    %mul3A_1004 = arith.constant -5.000000e-01 : f32
    %mul3A_1005 = vector.broadcast %mul3A_1004 : f32 to vector<256x256xf32>
    %mul3A_1006 = arith.mulf %mul3A_1005, %mul3A_1003 : vector<256x256xf32>
    %exp3A_1007 = math.exp %mul3A_1006 : vector<256x256xf32>
    %mul3A_1008 = vector.broadcast %div3A_73 : f32 to vector<256x256xf32>
    %mul3A_1009 = arith.mulf %mul3A_1008, %exp3A_1007 : vector<256x256xf32>
    %add3A_1010 = arith.addf %mul3A_1009, %add3A_1002 : vector<256x256xf32>
    %slice3A_1011 = vector.extract_strided_slice %add3A_1010 {offsets = [0, 0], sizes = [256, 128], strides = [1, 1]} : vector<256x256xf32> to vector<256x128xf32>
    %slice3A_1012 = vector.extract_strided_slice %get3A_984 {offsets = [0, 0], sizes = [256, 128], strides = [1, 1]} : vector<256x256xf32> to vector<256x128xf32>
    %sub3A_1013 = arith.subf %slice3A_1012, %slice3A : vector<256x128xf32>
    %slice3A_1014 = vector.extract_strided_slice %div3A_105 {offsets = [0, 18], sizes = [1, 1], strides = [1, 1]} : vector<1x32xf32> to vector<1x1xf32>
    %mul3A_1015 = vector.broadcast %slice3A_1014 : vector<1x1xf32> to vector<256x128xf32>
    %mul3A_1016 = arith.mulf %sub3A_1013, %mul3A_1015 : vector<256x128xf32>
    %add3A_1017 = arith.addf %mul3A_1016, %slice3A_1011 : vector<256x128xf32>
    %mul3A_1018 = arith.mulf %add3A_1017, %slice3A_1011 : vector<256x128xf32>
    %add3A_1019 = arith.addf %add3A_972, %mul3A_1018 : vector<256x128xf32>
    %max3A_1020 = arith.maximumf %max3A_973, %mul3A_1018 : vector<256x128xf32>
    %slice3A_1021 = vector.extract_strided_slice %add3A_1010 {offsets = [0, 128], sizes = [256, 128], strides = [1, 1]} : vector<256x256xf32> to vector<256x128xf32>
    %add3A_1022 = arith.addf %slice3A, %slice3A_1021 : vector<256x128xf32>
    %mul3A_1023 = arith.mulf %add3A_1022, %slice3A_1021 : vector<256x128xf32>
    %add3A_1024 = arith.addf %add3A_977, %mul3A_1023 : vector<256x128xf32>
    %max3A_1025 = arith.maximumf %max3A_978, %mul3A_1023 : vector<256x128xf32>
    %get3A_1026 = arith.constant 0 : index
    %get3A_1027 = arith.constant 19 : index
    %get3A_1028 = arith.constant 0 : index
    %get3A_1029 = arith.constant 0 : index
    %get3A_1030 = vector.load %arg2[%get3A_1026, %get3A_1027, %get3A_1028, %get3A_1029] : memref<1x32x256x256xf32, #tpu.memory_space<vmem>>, vector<1x1x256x256xf32>
    %get3A_1031 = vector.shape_cast %get3A_1030 : vector<1x1x256x256xf32> to vector<256x256xf32>
    %slice3A_1032 = vector.extract_strided_slice %get3A_1031 {offsets = [0, 128], sizes = [256, 16], strides = [1, 1]} : vector<256x256xf32> to vector<256x16xf32>
    %sub3A_1033 = arith.subf %slice3A_1032, %slice3A_112 : vector<256x16xf32>
    %slice3A_1034 = vector.extract_strided_slice %div3A_27 {offsets = [19, 0], sizes = [1, 1], strides = [1, 1]} : vector<32x1xf32> to vector<1x1xf32>
    %mul3A_1035 = vector.broadcast %slice3A_1034 : vector<1x1xf32> to vector<256x16xf32>
    %mul3A_1036 = arith.mulf %sub3A_1033, %mul3A_1035 : vector<256x16xf32>
    %mul3A_1037 = vector.broadcast %div3A_64 : f32 to vector<256x16xf32>
    %mul3A_1038 = arith.mulf %mul3A_1036, %mul3A_1037 : vector<256x16xf32>
    %cos3A_1039 = math.cos %mul3A_1038 : vector<256x16xf32>
    %sin3A_1040 = math.sin %mul3A_1038 : vector<256x16xf32>
    %dot_general3A_1041 = arith.constant dense<0.000000e+00> : vector<256x256xf32>
    %dot_general3A_1042 = tpu.matmul %mul3A_1038, %get3A_115, %dot_general3A_1041 {dimension_numbers = #tpu.dot_dimension_numbers<[1], [0], [0], [1], [0, 0, 1, 1], [], []>, transpose_lhs_hint = false} : vector<256x16xf32>, vector<16x256xf32>, vector<256x256xf32> -> vector<256x256xf32>
    %sub3A_1043 = vector.broadcast %mul3A_117 : vector<1x256xf32> to vector<256x256xf32>
    %sub3A_1044 = arith.subf %dot_general3A_1042, %sub3A_1043 : vector<256x256xf32>
    %dot_general3A_1045 = arith.constant dense<0.000000e+00> : vector<256x256xf32>
    %dot_general3A_1046 = tpu.matmul %cos3A_1039, %mul3A_121, %dot_general3A_1045 {dimension_numbers = #tpu.dot_dimension_numbers<[1], [0], [0], [1], [0, 0, 1, 1], [], []>, transpose_lhs_hint = false} : vector<256x16xf32>, vector<16x256xf32>, vector<256x256xf32> -> vector<256x256xf32>
    %dot_general3A_1047 = arith.constant dense<0.000000e+00> : vector<256x256xf32>
    %dot_general3A_1048 = tpu.matmul %sin3A_1040, %mul3A_125, %dot_general3A_1047 {dimension_numbers = #tpu.dot_dimension_numbers<[1], [0], [0], [1], [0, 0, 1, 1], [], []>, transpose_lhs_hint = false} : vector<256x16xf32>, vector<16x256xf32>, vector<256x256xf32> -> vector<256x256xf32>
    %add3A_1049 = arith.addf %dot_general3A_1046, %dot_general3A_1048 : vector<256x256xf32>
    %mul3A_1050 = arith.mulf %sub3A_1044, %sub3A_1044 : vector<256x256xf32>
    %mul3A_1051 = arith.constant -5.000000e-01 : f32
    %mul3A_1052 = vector.broadcast %mul3A_1051 : f32 to vector<256x256xf32>
    %mul3A_1053 = arith.mulf %mul3A_1052, %mul3A_1050 : vector<256x256xf32>
    %exp3A_1054 = math.exp %mul3A_1053 : vector<256x256xf32>
    %mul3A_1055 = vector.broadcast %div3A_73 : f32 to vector<256x256xf32>
    %mul3A_1056 = arith.mulf %mul3A_1055, %exp3A_1054 : vector<256x256xf32>
    %add3A_1057 = arith.addf %mul3A_1056, %add3A_1049 : vector<256x256xf32>
    %slice3A_1058 = vector.extract_strided_slice %add3A_1057 {offsets = [0, 0], sizes = [256, 128], strides = [1, 1]} : vector<256x256xf32> to vector<256x128xf32>
    %slice3A_1059 = vector.extract_strided_slice %get3A_1031 {offsets = [0, 0], sizes = [256, 128], strides = [1, 1]} : vector<256x256xf32> to vector<256x128xf32>
    %sub3A_1060 = arith.subf %slice3A_1059, %slice3A : vector<256x128xf32>
    %slice3A_1061 = vector.extract_strided_slice %div3A_105 {offsets = [0, 19], sizes = [1, 1], strides = [1, 1]} : vector<1x32xf32> to vector<1x1xf32>
    %mul3A_1062 = vector.broadcast %slice3A_1061 : vector<1x1xf32> to vector<256x128xf32>
    %mul3A_1063 = arith.mulf %sub3A_1060, %mul3A_1062 : vector<256x128xf32>
    %add3A_1064 = arith.addf %mul3A_1063, %slice3A_1058 : vector<256x128xf32>
    %mul3A_1065 = arith.mulf %add3A_1064, %slice3A_1058 : vector<256x128xf32>
    %add3A_1066 = arith.addf %add3A_1019, %mul3A_1065 : vector<256x128xf32>
    %max3A_1067 = arith.maximumf %max3A_1020, %mul3A_1065 : vector<256x128xf32>
    %slice3A_1068 = vector.extract_strided_slice %add3A_1057 {offsets = [0, 128], sizes = [256, 128], strides = [1, 1]} : vector<256x256xf32> to vector<256x128xf32>
    %add3A_1069 = arith.addf %slice3A, %slice3A_1068 : vector<256x128xf32>
    %mul3A_1070 = arith.mulf %add3A_1069, %slice3A_1068 : vector<256x128xf32>
    %add3A_1071 = arith.addf %add3A_1024, %mul3A_1070 : vector<256x128xf32>
    %max3A_1072 = arith.maximumf %max3A_1025, %mul3A_1070 : vector<256x128xf32>
    %get3A_1073 = arith.constant 0 : index
    %get3A_1074 = arith.constant 20 : index
    %get3A_1075 = arith.constant 0 : index
    %get3A_1076 = arith.constant 0 : index
    %get3A_1077 = vector.load %arg2[%get3A_1073, %get3A_1074, %get3A_1075, %get3A_1076] : memref<1x32x256x256xf32, #tpu.memory_space<vmem>>, vector<1x1x256x256xf32>
    %get3A_1078 = vector.shape_cast %get3A_1077 : vector<1x1x256x256xf32> to vector<256x256xf32>
    %slice3A_1079 = vector.extract_strided_slice %get3A_1078 {offsets = [0, 128], sizes = [256, 16], strides = [1, 1]} : vector<256x256xf32> to vector<256x16xf32>
    %sub3A_1080 = arith.subf %slice3A_1079, %slice3A_112 : vector<256x16xf32>
    %slice3A_1081 = vector.extract_strided_slice %div3A_27 {offsets = [20, 0], sizes = [1, 1], strides = [1, 1]} : vector<32x1xf32> to vector<1x1xf32>
    %mul3A_1082 = vector.broadcast %slice3A_1081 : vector<1x1xf32> to vector<256x16xf32>
    %mul3A_1083 = arith.mulf %sub3A_1080, %mul3A_1082 : vector<256x16xf32>
    %mul3A_1084 = vector.broadcast %div3A_64 : f32 to vector<256x16xf32>
    %mul3A_1085 = arith.mulf %mul3A_1083, %mul3A_1084 : vector<256x16xf32>
    %cos3A_1086 = math.cos %mul3A_1085 : vector<256x16xf32>
    %sin3A_1087 = math.sin %mul3A_1085 : vector<256x16xf32>
    %dot_general3A_1088 = arith.constant dense<0.000000e+00> : vector<256x256xf32>
    %dot_general3A_1089 = tpu.matmul %mul3A_1085, %get3A_115, %dot_general3A_1088 {dimension_numbers = #tpu.dot_dimension_numbers<[1], [0], [0], [1], [0, 0, 1, 1], [], []>, transpose_lhs_hint = false} : vector<256x16xf32>, vector<16x256xf32>, vector<256x256xf32> -> vector<256x256xf32>
    %sub3A_1090 = vector.broadcast %mul3A_117 : vector<1x256xf32> to vector<256x256xf32>
    %sub3A_1091 = arith.subf %dot_general3A_1089, %sub3A_1090 : vector<256x256xf32>
    %dot_general3A_1092 = arith.constant dense<0.000000e+00> : vector<256x256xf32>
    %dot_general3A_1093 = tpu.matmul %cos3A_1086, %mul3A_121, %dot_general3A_1092 {dimension_numbers = #tpu.dot_dimension_numbers<[1], [0], [0], [1], [0, 0, 1, 1], [], []>, transpose_lhs_hint = false} : vector<256x16xf32>, vector<16x256xf32>, vector<256x256xf32> -> vector<256x256xf32>
    %dot_general3A_1094 = arith.constant dense<0.000000e+00> : vector<256x256xf32>
    %dot_general3A_1095 = tpu.matmul %sin3A_1087, %mul3A_125, %dot_general3A_1094 {dimension_numbers = #tpu.dot_dimension_numbers<[1], [0], [0], [1], [0, 0, 1, 1], [], []>, transpose_lhs_hint = false} : vector<256x16xf32>, vector<16x256xf32>, vector<256x256xf32> -> vector<256x256xf32>
    %add3A_1096 = arith.addf %dot_general3A_1093, %dot_general3A_1095 : vector<256x256xf32>
    %mul3A_1097 = arith.mulf %sub3A_1091, %sub3A_1091 : vector<256x256xf32>
    %mul3A_1098 = arith.constant -5.000000e-01 : f32
    %mul3A_1099 = vector.broadcast %mul3A_1098 : f32 to vector<256x256xf32>
    %mul3A_1100 = arith.mulf %mul3A_1099, %mul3A_1097 : vector<256x256xf32>
    %exp3A_1101 = math.exp %mul3A_1100 : vector<256x256xf32>
    %mul3A_1102 = vector.broadcast %div3A_73 : f32 to vector<256x256xf32>
    %mul3A_1103 = arith.mulf %mul3A_1102, %exp3A_1101 : vector<256x256xf32>
    %add3A_1104 = arith.addf %mul3A_1103, %add3A_1096 : vector<256x256xf32>
    %slice3A_1105 = vector.extract_strided_slice %add3A_1104 {offsets = [0, 0], sizes = [256, 128], strides = [1, 1]} : vector<256x256xf32> to vector<256x128xf32>
    %slice3A_1106 = vector.extract_strided_slice %get3A_1078 {offsets = [0, 0], sizes = [256, 128], strides = [1, 1]} : vector<256x256xf32> to vector<256x128xf32>
    %sub3A_1107 = arith.subf %slice3A_1106, %slice3A : vector<256x128xf32>
    %slice3A_1108 = vector.extract_strided_slice %div3A_105 {offsets = [0, 20], sizes = [1, 1], strides = [1, 1]} : vector<1x32xf32> to vector<1x1xf32>
    %mul3A_1109 = vector.broadcast %slice3A_1108 : vector<1x1xf32> to vector<256x128xf32>
    %mul3A_1110 = arith.mulf %sub3A_1107, %mul3A_1109 : vector<256x128xf32>
    %add3A_1111 = arith.addf %mul3A_1110, %slice3A_1105 : vector<256x128xf32>
    %mul3A_1112 = arith.mulf %add3A_1111, %slice3A_1105 : vector<256x128xf32>
    %add3A_1113 = arith.addf %add3A_1066, %mul3A_1112 : vector<256x128xf32>
    %max3A_1114 = arith.maximumf %max3A_1067, %mul3A_1112 : vector<256x128xf32>
    %slice3A_1115 = vector.extract_strided_slice %add3A_1104 {offsets = [0, 128], sizes = [256, 128], strides = [1, 1]} : vector<256x256xf32> to vector<256x128xf32>
    %add3A_1116 = arith.addf %slice3A, %slice3A_1115 : vector<256x128xf32>
    %mul3A_1117 = arith.mulf %add3A_1116, %slice3A_1115 : vector<256x128xf32>
    %add3A_1118 = arith.addf %add3A_1071, %mul3A_1117 : vector<256x128xf32>
    %max3A_1119 = arith.maximumf %max3A_1072, %mul3A_1117 : vector<256x128xf32>
    %get3A_1120 = arith.constant 0 : index
    %get3A_1121 = arith.constant 21 : index
    %get3A_1122 = arith.constant 0 : index
    %get3A_1123 = arith.constant 0 : index
    %get3A_1124 = vector.load %arg2[%get3A_1120, %get3A_1121, %get3A_1122, %get3A_1123] : memref<1x32x256x256xf32, #tpu.memory_space<vmem>>, vector<1x1x256x256xf32>
    %get3A_1125 = vector.shape_cast %get3A_1124 : vector<1x1x256x256xf32> to vector<256x256xf32>
    %slice3A_1126 = vector.extract_strided_slice %get3A_1125 {offsets = [0, 128], sizes = [256, 16], strides = [1, 1]} : vector<256x256xf32> to vector<256x16xf32>
    %sub3A_1127 = arith.subf %slice3A_1126, %slice3A_112 : vector<256x16xf32>
    %slice3A_1128 = vector.extract_strided_slice %div3A_27 {offsets = [21, 0], sizes = [1, 1], strides = [1, 1]} : vector<32x1xf32> to vector<1x1xf32>
    %mul3A_1129 = vector.broadcast %slice3A_1128 : vector<1x1xf32> to vector<256x16xf32>
    %mul3A_1130 = arith.mulf %sub3A_1127, %mul3A_1129 : vector<256x16xf32>
    %mul3A_1131 = vector.broadcast %div3A_64 : f32 to vector<256x16xf32>
    %mul3A_1132 = arith.mulf %mul3A_1130, %mul3A_1131 : vector<256x16xf32>
    %cos3A_1133 = math.cos %mul3A_1132 : vector<256x16xf32>
    %sin3A_1134 = math.sin %mul3A_1132 : vector<256x16xf32>
    %dot_general3A_1135 = arith.constant dense<0.000000e+00> : vector<256x256xf32>
    %dot_general3A_1136 = tpu.matmul %mul3A_1132, %get3A_115, %dot_general3A_1135 {dimension_numbers = #tpu.dot_dimension_numbers<[1], [0], [0], [1], [0, 0, 1, 1], [], []>, transpose_lhs_hint = false} : vector<256x16xf32>, vector<16x256xf32>, vector<256x256xf32> -> vector<256x256xf32>
    %sub3A_1137 = vector.broadcast %mul3A_117 : vector<1x256xf32> to vector<256x256xf32>
    %sub3A_1138 = arith.subf %dot_general3A_1136, %sub3A_1137 : vector<256x256xf32>
    %dot_general3A_1139 = arith.constant dense<0.000000e+00> : vector<256x256xf32>
    %dot_general3A_1140 = tpu.matmul %cos3A_1133, %mul3A_121, %dot_general3A_1139 {dimension_numbers = #tpu.dot_dimension_numbers<[1], [0], [0], [1], [0, 0, 1, 1], [], []>, transpose_lhs_hint = false} : vector<256x16xf32>, vector<16x256xf32>, vector<256x256xf32> -> vector<256x256xf32>
    %dot_general3A_1141 = arith.constant dense<0.000000e+00> : vector<256x256xf32>
    %dot_general3A_1142 = tpu.matmul %sin3A_1134, %mul3A_125, %dot_general3A_1141 {dimension_numbers = #tpu.dot_dimension_numbers<[1], [0], [0], [1], [0, 0, 1, 1], [], []>, transpose_lhs_hint = false} : vector<256x16xf32>, vector<16x256xf32>, vector<256x256xf32> -> vector<256x256xf32>
    %add3A_1143 = arith.addf %dot_general3A_1140, %dot_general3A_1142 : vector<256x256xf32>
    %mul3A_1144 = arith.mulf %sub3A_1138, %sub3A_1138 : vector<256x256xf32>
    %mul3A_1145 = arith.constant -5.000000e-01 : f32
    %mul3A_1146 = vector.broadcast %mul3A_1145 : f32 to vector<256x256xf32>
    %mul3A_1147 = arith.mulf %mul3A_1146, %mul3A_1144 : vector<256x256xf32>
    %exp3A_1148 = math.exp %mul3A_1147 : vector<256x256xf32>
    %mul3A_1149 = vector.broadcast %div3A_73 : f32 to vector<256x256xf32>
    %mul3A_1150 = arith.mulf %mul3A_1149, %exp3A_1148 : vector<256x256xf32>
    %add3A_1151 = arith.addf %mul3A_1150, %add3A_1143 : vector<256x256xf32>
    %slice3A_1152 = vector.extract_strided_slice %add3A_1151 {offsets = [0, 0], sizes = [256, 128], strides = [1, 1]} : vector<256x256xf32> to vector<256x128xf32>
    %slice3A_1153 = vector.extract_strided_slice %get3A_1125 {offsets = [0, 0], sizes = [256, 128], strides = [1, 1]} : vector<256x256xf32> to vector<256x128xf32>
    %sub3A_1154 = arith.subf %slice3A_1153, %slice3A : vector<256x128xf32>
    %slice3A_1155 = vector.extract_strided_slice %div3A_105 {offsets = [0, 21], sizes = [1, 1], strides = [1, 1]} : vector<1x32xf32> to vector<1x1xf32>
    %mul3A_1156 = vector.broadcast %slice3A_1155 : vector<1x1xf32> to vector<256x128xf32>
    %mul3A_1157 = arith.mulf %sub3A_1154, %mul3A_1156 : vector<256x128xf32>
    %add3A_1158 = arith.addf %mul3A_1157, %slice3A_1152 : vector<256x128xf32>
    %mul3A_1159 = arith.mulf %add3A_1158, %slice3A_1152 : vector<256x128xf32>
    %add3A_1160 = arith.addf %add3A_1113, %mul3A_1159 : vector<256x128xf32>
    %max3A_1161 = arith.maximumf %max3A_1114, %mul3A_1159 : vector<256x128xf32>
    %slice3A_1162 = vector.extract_strided_slice %add3A_1151 {offsets = [0, 128], sizes = [256, 128], strides = [1, 1]} : vector<256x256xf32> to vector<256x128xf32>
    %add3A_1163 = arith.addf %slice3A, %slice3A_1162 : vector<256x128xf32>
    %mul3A_1164 = arith.mulf %add3A_1163, %slice3A_1162 : vector<256x128xf32>
    %add3A_1165 = arith.addf %add3A_1118, %mul3A_1164 : vector<256x128xf32>
    %max3A_1166 = arith.maximumf %max3A_1119, %mul3A_1164 : vector<256x128xf32>
    %get3A_1167 = arith.constant 0 : index
    %get3A_1168 = arith.constant 22 : index
    %get3A_1169 = arith.constant 0 : index
    %get3A_1170 = arith.constant 0 : index
    %get3A_1171 = vector.load %arg2[%get3A_1167, %get3A_1168, %get3A_1169, %get3A_1170] : memref<1x32x256x256xf32, #tpu.memory_space<vmem>>, vector<1x1x256x256xf32>
    %get3A_1172 = vector.shape_cast %get3A_1171 : vector<1x1x256x256xf32> to vector<256x256xf32>
    %slice3A_1173 = vector.extract_strided_slice %get3A_1172 {offsets = [0, 128], sizes = [256, 16], strides = [1, 1]} : vector<256x256xf32> to vector<256x16xf32>
    %sub3A_1174 = arith.subf %slice3A_1173, %slice3A_112 : vector<256x16xf32>
    %slice3A_1175 = vector.extract_strided_slice %div3A_27 {offsets = [22, 0], sizes = [1, 1], strides = [1, 1]} : vector<32x1xf32> to vector<1x1xf32>
    %mul3A_1176 = vector.broadcast %slice3A_1175 : vector<1x1xf32> to vector<256x16xf32>
    %mul3A_1177 = arith.mulf %sub3A_1174, %mul3A_1176 : vector<256x16xf32>
    %mul3A_1178 = vector.broadcast %div3A_64 : f32 to vector<256x16xf32>
    %mul3A_1179 = arith.mulf %mul3A_1177, %mul3A_1178 : vector<256x16xf32>
    %cos3A_1180 = math.cos %mul3A_1179 : vector<256x16xf32>
    %sin3A_1181 = math.sin %mul3A_1179 : vector<256x16xf32>
    %dot_general3A_1182 = arith.constant dense<0.000000e+00> : vector<256x256xf32>
    %dot_general3A_1183 = tpu.matmul %mul3A_1179, %get3A_115, %dot_general3A_1182 {dimension_numbers = #tpu.dot_dimension_numbers<[1], [0], [0], [1], [0, 0, 1, 1], [], []>, transpose_lhs_hint = false} : vector<256x16xf32>, vector<16x256xf32>, vector<256x256xf32> -> vector<256x256xf32>
    %sub3A_1184 = vector.broadcast %mul3A_117 : vector<1x256xf32> to vector<256x256xf32>
    %sub3A_1185 = arith.subf %dot_general3A_1183, %sub3A_1184 : vector<256x256xf32>
    %dot_general3A_1186 = arith.constant dense<0.000000e+00> : vector<256x256xf32>
    %dot_general3A_1187 = tpu.matmul %cos3A_1180, %mul3A_121, %dot_general3A_1186 {dimension_numbers = #tpu.dot_dimension_numbers<[1], [0], [0], [1], [0, 0, 1, 1], [], []>, transpose_lhs_hint = false} : vector<256x16xf32>, vector<16x256xf32>, vector<256x256xf32> -> vector<256x256xf32>
    %dot_general3A_1188 = arith.constant dense<0.000000e+00> : vector<256x256xf32>
    %dot_general3A_1189 = tpu.matmul %sin3A_1181, %mul3A_125, %dot_general3A_1188 {dimension_numbers = #tpu.dot_dimension_numbers<[1], [0], [0], [1], [0, 0, 1, 1], [], []>, transpose_lhs_hint = false} : vector<256x16xf32>, vector<16x256xf32>, vector<256x256xf32> -> vector<256x256xf32>
    %add3A_1190 = arith.addf %dot_general3A_1187, %dot_general3A_1189 : vector<256x256xf32>
    %mul3A_1191 = arith.mulf %sub3A_1185, %sub3A_1185 : vector<256x256xf32>
    %mul3A_1192 = arith.constant -5.000000e-01 : f32
    %mul3A_1193 = vector.broadcast %mul3A_1192 : f32 to vector<256x256xf32>
    %mul3A_1194 = arith.mulf %mul3A_1193, %mul3A_1191 : vector<256x256xf32>
    %exp3A_1195 = math.exp %mul3A_1194 : vector<256x256xf32>
    %mul3A_1196 = vector.broadcast %div3A_73 : f32 to vector<256x256xf32>
    %mul3A_1197 = arith.mulf %mul3A_1196, %exp3A_1195 : vector<256x256xf32>
    %add3A_1198 = arith.addf %mul3A_1197, %add3A_1190 : vector<256x256xf32>
    %slice3A_1199 = vector.extract_strided_slice %add3A_1198 {offsets = [0, 0], sizes = [256, 128], strides = [1, 1]} : vector<256x256xf32> to vector<256x128xf32>
    %slice3A_1200 = vector.extract_strided_slice %get3A_1172 {offsets = [0, 0], sizes = [256, 128], strides = [1, 1]} : vector<256x256xf32> to vector<256x128xf32>
    %sub3A_1201 = arith.subf %slice3A_1200, %slice3A : vector<256x128xf32>
    %slice3A_1202 = vector.extract_strided_slice %div3A_105 {offsets = [0, 22], sizes = [1, 1], strides = [1, 1]} : vector<1x32xf32> to vector<1x1xf32>
    %mul3A_1203 = vector.broadcast %slice3A_1202 : vector<1x1xf32> to vector<256x128xf32>
    %mul3A_1204 = arith.mulf %sub3A_1201, %mul3A_1203 : vector<256x128xf32>
    %add3A_1205 = arith.addf %mul3A_1204, %slice3A_1199 : vector<256x128xf32>
    %mul3A_1206 = arith.mulf %add3A_1205, %slice3A_1199 : vector<256x128xf32>
    %add3A_1207 = arith.addf %add3A_1160, %mul3A_1206 : vector<256x128xf32>
    %max3A_1208 = arith.maximumf %max3A_1161, %mul3A_1206 : vector<256x128xf32>
    %slice3A_1209 = vector.extract_strided_slice %add3A_1198 {offsets = [0, 128], sizes = [256, 128], strides = [1, 1]} : vector<256x256xf32> to vector<256x128xf32>
    %add3A_1210 = arith.addf %slice3A, %slice3A_1209 : vector<256x128xf32>
    %mul3A_1211 = arith.mulf %add3A_1210, %slice3A_1209 : vector<256x128xf32>
    %add3A_1212 = arith.addf %add3A_1165, %mul3A_1211 : vector<256x128xf32>
    %max3A_1213 = arith.maximumf %max3A_1166, %mul3A_1211 : vector<256x128xf32>
    %get3A_1214 = arith.constant 0 : index
    %get3A_1215 = arith.constant 23 : index
    %get3A_1216 = arith.constant 0 : index
    %get3A_1217 = arith.constant 0 : index
    %get3A_1218 = vector.load %arg2[%get3A_1214, %get3A_1215, %get3A_1216, %get3A_1217] : memref<1x32x256x256xf32, #tpu.memory_space<vmem>>, vector<1x1x256x256xf32>
    %get3A_1219 = vector.shape_cast %get3A_1218 : vector<1x1x256x256xf32> to vector<256x256xf32>
    %slice3A_1220 = vector.extract_strided_slice %get3A_1219 {offsets = [0, 128], sizes = [256, 16], strides = [1, 1]} : vector<256x256xf32> to vector<256x16xf32>
    %sub3A_1221 = arith.subf %slice3A_1220, %slice3A_112 : vector<256x16xf32>
    %slice3A_1222 = vector.extract_strided_slice %div3A_27 {offsets = [23, 0], sizes = [1, 1], strides = [1, 1]} : vector<32x1xf32> to vector<1x1xf32>
    %mul3A_1223 = vector.broadcast %slice3A_1222 : vector<1x1xf32> to vector<256x16xf32>
    %mul3A_1224 = arith.mulf %sub3A_1221, %mul3A_1223 : vector<256x16xf32>
    %mul3A_1225 = vector.broadcast %div3A_64 : f32 to vector<256x16xf32>
    %mul3A_1226 = arith.mulf %mul3A_1224, %mul3A_1225 : vector<256x16xf32>
    %cos3A_1227 = math.cos %mul3A_1226 : vector<256x16xf32>
    %sin3A_1228 = math.sin %mul3A_1226 : vector<256x16xf32>
    %dot_general3A_1229 = arith.constant dense<0.000000e+00> : vector<256x256xf32>
    %dot_general3A_1230 = tpu.matmul %mul3A_1226, %get3A_115, %dot_general3A_1229 {dimension_numbers = #tpu.dot_dimension_numbers<[1], [0], [0], [1], [0, 0, 1, 1], [], []>, transpose_lhs_hint = false} : vector<256x16xf32>, vector<16x256xf32>, vector<256x256xf32> -> vector<256x256xf32>
    %sub3A_1231 = vector.broadcast %mul3A_117 : vector<1x256xf32> to vector<256x256xf32>
    %sub3A_1232 = arith.subf %dot_general3A_1230, %sub3A_1231 : vector<256x256xf32>
    %dot_general3A_1233 = arith.constant dense<0.000000e+00> : vector<256x256xf32>
    %dot_general3A_1234 = tpu.matmul %cos3A_1227, %mul3A_121, %dot_general3A_1233 {dimension_numbers = #tpu.dot_dimension_numbers<[1], [0], [0], [1], [0, 0, 1, 1], [], []>, transpose_lhs_hint = false} : vector<256x16xf32>, vector<16x256xf32>, vector<256x256xf32> -> vector<256x256xf32>
    %dot_general3A_1235 = arith.constant dense<0.000000e+00> : vector<256x256xf32>
    %dot_general3A_1236 = tpu.matmul %sin3A_1228, %mul3A_125, %dot_general3A_1235 {dimension_numbers = #tpu.dot_dimension_numbers<[1], [0], [0], [1], [0, 0, 1, 1], [], []>, transpose_lhs_hint = false} : vector<256x16xf32>, vector<16x256xf32>, vector<256x256xf32> -> vector<256x256xf32>
    %add3A_1237 = arith.addf %dot_general3A_1234, %dot_general3A_1236 : vector<256x256xf32>
    %mul3A_1238 = arith.mulf %sub3A_1232, %sub3A_1232 : vector<256x256xf32>
    %mul3A_1239 = arith.constant -5.000000e-01 : f32
    %mul3A_1240 = vector.broadcast %mul3A_1239 : f32 to vector<256x256xf32>
    %mul3A_1241 = arith.mulf %mul3A_1240, %mul3A_1238 : vector<256x256xf32>
    %exp3A_1242 = math.exp %mul3A_1241 : vector<256x256xf32>
    %mul3A_1243 = vector.broadcast %div3A_73 : f32 to vector<256x256xf32>
    %mul3A_1244 = arith.mulf %mul3A_1243, %exp3A_1242 : vector<256x256xf32>
    %add3A_1245 = arith.addf %mul3A_1244, %add3A_1237 : vector<256x256xf32>
    %slice3A_1246 = vector.extract_strided_slice %add3A_1245 {offsets = [0, 0], sizes = [256, 128], strides = [1, 1]} : vector<256x256xf32> to vector<256x128xf32>
    %slice3A_1247 = vector.extract_strided_slice %get3A_1219 {offsets = [0, 0], sizes = [256, 128], strides = [1, 1]} : vector<256x256xf32> to vector<256x128xf32>
    %sub3A_1248 = arith.subf %slice3A_1247, %slice3A : vector<256x128xf32>
    %slice3A_1249 = vector.extract_strided_slice %div3A_105 {offsets = [0, 23], sizes = [1, 1], strides = [1, 1]} : vector<1x32xf32> to vector<1x1xf32>
    %mul3A_1250 = vector.broadcast %slice3A_1249 : vector<1x1xf32> to vector<256x128xf32>
    %mul3A_1251 = arith.mulf %sub3A_1248, %mul3A_1250 : vector<256x128xf32>
    %add3A_1252 = arith.addf %mul3A_1251, %slice3A_1246 : vector<256x128xf32>
    %mul3A_1253 = arith.mulf %add3A_1252, %slice3A_1246 : vector<256x128xf32>
    %add3A_1254 = arith.addf %add3A_1207, %mul3A_1253 : vector<256x128xf32>
    %max3A_1255 = arith.maximumf %max3A_1208, %mul3A_1253 : vector<256x128xf32>
    %slice3A_1256 = vector.extract_strided_slice %add3A_1245 {offsets = [0, 128], sizes = [256, 128], strides = [1, 1]} : vector<256x256xf32> to vector<256x128xf32>
    %add3A_1257 = arith.addf %slice3A, %slice3A_1256 : vector<256x128xf32>
    %mul3A_1258 = arith.mulf %add3A_1257, %slice3A_1256 : vector<256x128xf32>
    %add3A_1259 = arith.addf %add3A_1212, %mul3A_1258 : vector<256x128xf32>
    %max3A_1260 = arith.maximumf %max3A_1213, %mul3A_1258 : vector<256x128xf32>
    %get3A_1261 = arith.constant 0 : index
    %get3A_1262 = arith.constant 24 : index
    %get3A_1263 = arith.constant 0 : index
    %get3A_1264 = arith.constant 0 : index
    %get3A_1265 = vector.load %arg2[%get3A_1261, %get3A_1262, %get3A_1263, %get3A_1264] : memref<1x32x256x256xf32, #tpu.memory_space<vmem>>, vector<1x1x256x256xf32>
    %get3A_1266 = vector.shape_cast %get3A_1265 : vector<1x1x256x256xf32> to vector<256x256xf32>
    %slice3A_1267 = vector.extract_strided_slice %get3A_1266 {offsets = [0, 128], sizes = [256, 16], strides = [1, 1]} : vector<256x256xf32> to vector<256x16xf32>
    %sub3A_1268 = arith.subf %slice3A_1267, %slice3A_112 : vector<256x16xf32>
    %slice3A_1269 = vector.extract_strided_slice %div3A_27 {offsets = [24, 0], sizes = [1, 1], strides = [1, 1]} : vector<32x1xf32> to vector<1x1xf32>
    %mul3A_1270 = vector.broadcast %slice3A_1269 : vector<1x1xf32> to vector<256x16xf32>
    %mul3A_1271 = arith.mulf %sub3A_1268, %mul3A_1270 : vector<256x16xf32>
    %mul3A_1272 = vector.broadcast %div3A_64 : f32 to vector<256x16xf32>
    %mul3A_1273 = arith.mulf %mul3A_1271, %mul3A_1272 : vector<256x16xf32>
    %cos3A_1274 = math.cos %mul3A_1273 : vector<256x16xf32>
    %sin3A_1275 = math.sin %mul3A_1273 : vector<256x16xf32>
    %dot_general3A_1276 = arith.constant dense<0.000000e+00> : vector<256x256xf32>
    %dot_general3A_1277 = tpu.matmul %mul3A_1273, %get3A_115, %dot_general3A_1276 {dimension_numbers = #tpu.dot_dimension_numbers<[1], [0], [0], [1], [0, 0, 1, 1], [], []>, transpose_lhs_hint = false} : vector<256x16xf32>, vector<16x256xf32>, vector<256x256xf32> -> vector<256x256xf32>
    %sub3A_1278 = vector.broadcast %mul3A_117 : vector<1x256xf32> to vector<256x256xf32>
    %sub3A_1279 = arith.subf %dot_general3A_1277, %sub3A_1278 : vector<256x256xf32>
    %dot_general3A_1280 = arith.constant dense<0.000000e+00> : vector<256x256xf32>
    %dot_general3A_1281 = tpu.matmul %cos3A_1274, %mul3A_121, %dot_general3A_1280 {dimension_numbers = #tpu.dot_dimension_numbers<[1], [0], [0], [1], [0, 0, 1, 1], [], []>, transpose_lhs_hint = false} : vector<256x16xf32>, vector<16x256xf32>, vector<256x256xf32> -> vector<256x256xf32>
    %dot_general3A_1282 = arith.constant dense<0.000000e+00> : vector<256x256xf32>
    %dot_general3A_1283 = tpu.matmul %sin3A_1275, %mul3A_125, %dot_general3A_1282 {dimension_numbers = #tpu.dot_dimension_numbers<[1], [0], [0], [1], [0, 0, 1, 1], [], []>, transpose_lhs_hint = false} : vector<256x16xf32>, vector<16x256xf32>, vector<256x256xf32> -> vector<256x256xf32>
    %add3A_1284 = arith.addf %dot_general3A_1281, %dot_general3A_1283 : vector<256x256xf32>
    %mul3A_1285 = arith.mulf %sub3A_1279, %sub3A_1279 : vector<256x256xf32>
    %mul3A_1286 = arith.constant -5.000000e-01 : f32
    %mul3A_1287 = vector.broadcast %mul3A_1286 : f32 to vector<256x256xf32>
    %mul3A_1288 = arith.mulf %mul3A_1287, %mul3A_1285 : vector<256x256xf32>
    %exp3A_1289 = math.exp %mul3A_1288 : vector<256x256xf32>
    %mul3A_1290 = vector.broadcast %div3A_73 : f32 to vector<256x256xf32>
    %mul3A_1291 = arith.mulf %mul3A_1290, %exp3A_1289 : vector<256x256xf32>
    %add3A_1292 = arith.addf %mul3A_1291, %add3A_1284 : vector<256x256xf32>
    %slice3A_1293 = vector.extract_strided_slice %add3A_1292 {offsets = [0, 0], sizes = [256, 128], strides = [1, 1]} : vector<256x256xf32> to vector<256x128xf32>
    %slice3A_1294 = vector.extract_strided_slice %get3A_1266 {offsets = [0, 0], sizes = [256, 128], strides = [1, 1]} : vector<256x256xf32> to vector<256x128xf32>
    %sub3A_1295 = arith.subf %slice3A_1294, %slice3A : vector<256x128xf32>
    %slice3A_1296 = vector.extract_strided_slice %div3A_105 {offsets = [0, 24], sizes = [1, 1], strides = [1, 1]} : vector<1x32xf32> to vector<1x1xf32>
    %mul3A_1297 = vector.broadcast %slice3A_1296 : vector<1x1xf32> to vector<256x128xf32>
    %mul3A_1298 = arith.mulf %sub3A_1295, %mul3A_1297 : vector<256x128xf32>
    %add3A_1299 = arith.addf %mul3A_1298, %slice3A_1293 : vector<256x128xf32>
    %mul3A_1300 = arith.mulf %add3A_1299, %slice3A_1293 : vector<256x128xf32>
    %add3A_1301 = arith.addf %add3A_1254, %mul3A_1300 : vector<256x128xf32>
    %max3A_1302 = arith.maximumf %max3A_1255, %mul3A_1300 : vector<256x128xf32>
    %slice3A_1303 = vector.extract_strided_slice %add3A_1292 {offsets = [0, 128], sizes = [256, 128], strides = [1, 1]} : vector<256x256xf32> to vector<256x128xf32>
    %add3A_1304 = arith.addf %slice3A, %slice3A_1303 : vector<256x128xf32>
    %mul3A_1305 = arith.mulf %add3A_1304, %slice3A_1303 : vector<256x128xf32>
    %add3A_1306 = arith.addf %add3A_1259, %mul3A_1305 : vector<256x128xf32>
    %max3A_1307 = arith.maximumf %max3A_1260, %mul3A_1305 : vector<256x128xf32>
    %get3A_1308 = arith.constant 0 : index
    %get3A_1309 = arith.constant 25 : index
    %get3A_1310 = arith.constant 0 : index
    %get3A_1311 = arith.constant 0 : index
    %get3A_1312 = vector.load %arg2[%get3A_1308, %get3A_1309, %get3A_1310, %get3A_1311] : memref<1x32x256x256xf32, #tpu.memory_space<vmem>>, vector<1x1x256x256xf32>
    %get3A_1313 = vector.shape_cast %get3A_1312 : vector<1x1x256x256xf32> to vector<256x256xf32>
    %slice3A_1314 = vector.extract_strided_slice %get3A_1313 {offsets = [0, 128], sizes = [256, 16], strides = [1, 1]} : vector<256x256xf32> to vector<256x16xf32>
    %sub3A_1315 = arith.subf %slice3A_1314, %slice3A_112 : vector<256x16xf32>
    %slice3A_1316 = vector.extract_strided_slice %div3A_27 {offsets = [25, 0], sizes = [1, 1], strides = [1, 1]} : vector<32x1xf32> to vector<1x1xf32>
    %mul3A_1317 = vector.broadcast %slice3A_1316 : vector<1x1xf32> to vector<256x16xf32>
    %mul3A_1318 = arith.mulf %sub3A_1315, %mul3A_1317 : vector<256x16xf32>
    %mul3A_1319 = vector.broadcast %div3A_64 : f32 to vector<256x16xf32>
    %mul3A_1320 = arith.mulf %mul3A_1318, %mul3A_1319 : vector<256x16xf32>
    %cos3A_1321 = math.cos %mul3A_1320 : vector<256x16xf32>
    %sin3A_1322 = math.sin %mul3A_1320 : vector<256x16xf32>
    %dot_general3A_1323 = arith.constant dense<0.000000e+00> : vector<256x256xf32>
    %dot_general3A_1324 = tpu.matmul %mul3A_1320, %get3A_115, %dot_general3A_1323 {dimension_numbers = #tpu.dot_dimension_numbers<[1], [0], [0], [1], [0, 0, 1, 1], [], []>, transpose_lhs_hint = false} : vector<256x16xf32>, vector<16x256xf32>, vector<256x256xf32> -> vector<256x256xf32>
    %sub3A_1325 = vector.broadcast %mul3A_117 : vector<1x256xf32> to vector<256x256xf32>
    %sub3A_1326 = arith.subf %dot_general3A_1324, %sub3A_1325 : vector<256x256xf32>
    %dot_general3A_1327 = arith.constant dense<0.000000e+00> : vector<256x256xf32>
    %dot_general3A_1328 = tpu.matmul %cos3A_1321, %mul3A_121, %dot_general3A_1327 {dimension_numbers = #tpu.dot_dimension_numbers<[1], [0], [0], [1], [0, 0, 1, 1], [], []>, transpose_lhs_hint = false} : vector<256x16xf32>, vector<16x256xf32>, vector<256x256xf32> -> vector<256x256xf32>
    %dot_general3A_1329 = arith.constant dense<0.000000e+00> : vector<256x256xf32>
    %dot_general3A_1330 = tpu.matmul %sin3A_1322, %mul3A_125, %dot_general3A_1329 {dimension_numbers = #tpu.dot_dimension_numbers<[1], [0], [0], [1], [0, 0, 1, 1], [], []>, transpose_lhs_hint = false} : vector<256x16xf32>, vector<16x256xf32>, vector<256x256xf32> -> vector<256x256xf32>
    %add3A_1331 = arith.addf %dot_general3A_1328, %dot_general3A_1330 : vector<256x256xf32>
    %mul3A_1332 = arith.mulf %sub3A_1326, %sub3A_1326 : vector<256x256xf32>
    %mul3A_1333 = arith.constant -5.000000e-01 : f32
    %mul3A_1334 = vector.broadcast %mul3A_1333 : f32 to vector<256x256xf32>
    %mul3A_1335 = arith.mulf %mul3A_1334, %mul3A_1332 : vector<256x256xf32>
    %exp3A_1336 = math.exp %mul3A_1335 : vector<256x256xf32>
    %mul3A_1337 = vector.broadcast %div3A_73 : f32 to vector<256x256xf32>
    %mul3A_1338 = arith.mulf %mul3A_1337, %exp3A_1336 : vector<256x256xf32>
    %add3A_1339 = arith.addf %mul3A_1338, %add3A_1331 : vector<256x256xf32>
    %slice3A_1340 = vector.extract_strided_slice %add3A_1339 {offsets = [0, 0], sizes = [256, 128], strides = [1, 1]} : vector<256x256xf32> to vector<256x128xf32>
    %slice3A_1341 = vector.extract_strided_slice %get3A_1313 {offsets = [0, 0], sizes = [256, 128], strides = [1, 1]} : vector<256x256xf32> to vector<256x128xf32>
    %sub3A_1342 = arith.subf %slice3A_1341, %slice3A : vector<256x128xf32>
    %slice3A_1343 = vector.extract_strided_slice %div3A_105 {offsets = [0, 25], sizes = [1, 1], strides = [1, 1]} : vector<1x32xf32> to vector<1x1xf32>
    %mul3A_1344 = vector.broadcast %slice3A_1343 : vector<1x1xf32> to vector<256x128xf32>
    %mul3A_1345 = arith.mulf %sub3A_1342, %mul3A_1344 : vector<256x128xf32>
    %add3A_1346 = arith.addf %mul3A_1345, %slice3A_1340 : vector<256x128xf32>
    %mul3A_1347 = arith.mulf %add3A_1346, %slice3A_1340 : vector<256x128xf32>
    %add3A_1348 = arith.addf %add3A_1301, %mul3A_1347 : vector<256x128xf32>
    %max3A_1349 = arith.maximumf %max3A_1302, %mul3A_1347 : vector<256x128xf32>
    %slice3A_1350 = vector.extract_strided_slice %add3A_1339 {offsets = [0, 128], sizes = [256, 128], strides = [1, 1]} : vector<256x256xf32> to vector<256x128xf32>
    %add3A_1351 = arith.addf %slice3A, %slice3A_1350 : vector<256x128xf32>
    %mul3A_1352 = arith.mulf %add3A_1351, %slice3A_1350 : vector<256x128xf32>
    %add3A_1353 = arith.addf %add3A_1306, %mul3A_1352 : vector<256x128xf32>
    %max3A_1354 = arith.maximumf %max3A_1307, %mul3A_1352 : vector<256x128xf32>
    %get3A_1355 = arith.constant 0 : index
    %get3A_1356 = arith.constant 26 : index
    %get3A_1357 = arith.constant 0 : index
    %get3A_1358 = arith.constant 0 : index
    %get3A_1359 = vector.load %arg2[%get3A_1355, %get3A_1356, %get3A_1357, %get3A_1358] : memref<1x32x256x256xf32, #tpu.memory_space<vmem>>, vector<1x1x256x256xf32>
    %get3A_1360 = vector.shape_cast %get3A_1359 : vector<1x1x256x256xf32> to vector<256x256xf32>
    %slice3A_1361 = vector.extract_strided_slice %get3A_1360 {offsets = [0, 128], sizes = [256, 16], strides = [1, 1]} : vector<256x256xf32> to vector<256x16xf32>
    %sub3A_1362 = arith.subf %slice3A_1361, %slice3A_112 : vector<256x16xf32>
    %slice3A_1363 = vector.extract_strided_slice %div3A_27 {offsets = [26, 0], sizes = [1, 1], strides = [1, 1]} : vector<32x1xf32> to vector<1x1xf32>
    %mul3A_1364 = vector.broadcast %slice3A_1363 : vector<1x1xf32> to vector<256x16xf32>
    %mul3A_1365 = arith.mulf %sub3A_1362, %mul3A_1364 : vector<256x16xf32>
    %mul3A_1366 = vector.broadcast %div3A_64 : f32 to vector<256x16xf32>
    %mul3A_1367 = arith.mulf %mul3A_1365, %mul3A_1366 : vector<256x16xf32>
    %cos3A_1368 = math.cos %mul3A_1367 : vector<256x16xf32>
    %sin3A_1369 = math.sin %mul3A_1367 : vector<256x16xf32>
    %dot_general3A_1370 = arith.constant dense<0.000000e+00> : vector<256x256xf32>
    %dot_general3A_1371 = tpu.matmul %mul3A_1367, %get3A_115, %dot_general3A_1370 {dimension_numbers = #tpu.dot_dimension_numbers<[1], [0], [0], [1], [0, 0, 1, 1], [], []>, transpose_lhs_hint = false} : vector<256x16xf32>, vector<16x256xf32>, vector<256x256xf32> -> vector<256x256xf32>
    %sub3A_1372 = vector.broadcast %mul3A_117 : vector<1x256xf32> to vector<256x256xf32>
    %sub3A_1373 = arith.subf %dot_general3A_1371, %sub3A_1372 : vector<256x256xf32>
    %dot_general3A_1374 = arith.constant dense<0.000000e+00> : vector<256x256xf32>
    %dot_general3A_1375 = tpu.matmul %cos3A_1368, %mul3A_121, %dot_general3A_1374 {dimension_numbers = #tpu.dot_dimension_numbers<[1], [0], [0], [1], [0, 0, 1, 1], [], []>, transpose_lhs_hint = false} : vector<256x16xf32>, vector<16x256xf32>, vector<256x256xf32> -> vector<256x256xf32>
    %dot_general3A_1376 = arith.constant dense<0.000000e+00> : vector<256x256xf32>
    %dot_general3A_1377 = tpu.matmul %sin3A_1369, %mul3A_125, %dot_general3A_1376 {dimension_numbers = #tpu.dot_dimension_numbers<[1], [0], [0], [1], [0, 0, 1, 1], [], []>, transpose_lhs_hint = false} : vector<256x16xf32>, vector<16x256xf32>, vector<256x256xf32> -> vector<256x256xf32>
    %add3A_1378 = arith.addf %dot_general3A_1375, %dot_general3A_1377 : vector<256x256xf32>
    %mul3A_1379 = arith.mulf %sub3A_1373, %sub3A_1373 : vector<256x256xf32>
    %mul3A_1380 = arith.constant -5.000000e-01 : f32
    %mul3A_1381 = vector.broadcast %mul3A_1380 : f32 to vector<256x256xf32>
    %mul3A_1382 = arith.mulf %mul3A_1381, %mul3A_1379 : vector<256x256xf32>
    %exp3A_1383 = math.exp %mul3A_1382 : vector<256x256xf32>
    %mul3A_1384 = vector.broadcast %div3A_73 : f32 to vector<256x256xf32>
    %mul3A_1385 = arith.mulf %mul3A_1384, %exp3A_1383 : vector<256x256xf32>
    %add3A_1386 = arith.addf %mul3A_1385, %add3A_1378 : vector<256x256xf32>
    %slice3A_1387 = vector.extract_strided_slice %add3A_1386 {offsets = [0, 0], sizes = [256, 128], strides = [1, 1]} : vector<256x256xf32> to vector<256x128xf32>
    %slice3A_1388 = vector.extract_strided_slice %get3A_1360 {offsets = [0, 0], sizes = [256, 128], strides = [1, 1]} : vector<256x256xf32> to vector<256x128xf32>
    %sub3A_1389 = arith.subf %slice3A_1388, %slice3A : vector<256x128xf32>
    %slice3A_1390 = vector.extract_strided_slice %div3A_105 {offsets = [0, 26], sizes = [1, 1], strides = [1, 1]} : vector<1x32xf32> to vector<1x1xf32>
    %mul3A_1391 = vector.broadcast %slice3A_1390 : vector<1x1xf32> to vector<256x128xf32>
    %mul3A_1392 = arith.mulf %sub3A_1389, %mul3A_1391 : vector<256x128xf32>
    %add3A_1393 = arith.addf %mul3A_1392, %slice3A_1387 : vector<256x128xf32>
    %mul3A_1394 = arith.mulf %add3A_1393, %slice3A_1387 : vector<256x128xf32>
    %add3A_1395 = arith.addf %add3A_1348, %mul3A_1394 : vector<256x128xf32>
    %max3A_1396 = arith.maximumf %max3A_1349, %mul3A_1394 : vector<256x128xf32>
    %slice3A_1397 = vector.extract_strided_slice %add3A_1386 {offsets = [0, 128], sizes = [256, 128], strides = [1, 1]} : vector<256x256xf32> to vector<256x128xf32>
    %add3A_1398 = arith.addf %slice3A, %slice3A_1397 : vector<256x128xf32>
    %mul3A_1399 = arith.mulf %add3A_1398, %slice3A_1397 : vector<256x128xf32>
    %add3A_1400 = arith.addf %add3A_1353, %mul3A_1399 : vector<256x128xf32>
    %max3A_1401 = arith.maximumf %max3A_1354, %mul3A_1399 : vector<256x128xf32>
    %get3A_1402 = arith.constant 0 : index
    %get3A_1403 = arith.constant 27 : index
    %get3A_1404 = arith.constant 0 : index
    %get3A_1405 = arith.constant 0 : index
    %get3A_1406 = vector.load %arg2[%get3A_1402, %get3A_1403, %get3A_1404, %get3A_1405] : memref<1x32x256x256xf32, #tpu.memory_space<vmem>>, vector<1x1x256x256xf32>
    %get3A_1407 = vector.shape_cast %get3A_1406 : vector<1x1x256x256xf32> to vector<256x256xf32>
    %slice3A_1408 = vector.extract_strided_slice %get3A_1407 {offsets = [0, 128], sizes = [256, 16], strides = [1, 1]} : vector<256x256xf32> to vector<256x16xf32>
    %sub3A_1409 = arith.subf %slice3A_1408, %slice3A_112 : vector<256x16xf32>
    %slice3A_1410 = vector.extract_strided_slice %div3A_27 {offsets = [27, 0], sizes = [1, 1], strides = [1, 1]} : vector<32x1xf32> to vector<1x1xf32>
    %mul3A_1411 = vector.broadcast %slice3A_1410 : vector<1x1xf32> to vector<256x16xf32>
    %mul3A_1412 = arith.mulf %sub3A_1409, %mul3A_1411 : vector<256x16xf32>
    %mul3A_1413 = vector.broadcast %div3A_64 : f32 to vector<256x16xf32>
    %mul3A_1414 = arith.mulf %mul3A_1412, %mul3A_1413 : vector<256x16xf32>
    %cos3A_1415 = math.cos %mul3A_1414 : vector<256x16xf32>
    %sin3A_1416 = math.sin %mul3A_1414 : vector<256x16xf32>
    %dot_general3A_1417 = arith.constant dense<0.000000e+00> : vector<256x256xf32>
    %dot_general3A_1418 = tpu.matmul %mul3A_1414, %get3A_115, %dot_general3A_1417 {dimension_numbers = #tpu.dot_dimension_numbers<[1], [0], [0], [1], [0, 0, 1, 1], [], []>, transpose_lhs_hint = false} : vector<256x16xf32>, vector<16x256xf32>, vector<256x256xf32> -> vector<256x256xf32>
    %sub3A_1419 = vector.broadcast %mul3A_117 : vector<1x256xf32> to vector<256x256xf32>
    %sub3A_1420 = arith.subf %dot_general3A_1418, %sub3A_1419 : vector<256x256xf32>
    %dot_general3A_1421 = arith.constant dense<0.000000e+00> : vector<256x256xf32>
    %dot_general3A_1422 = tpu.matmul %cos3A_1415, %mul3A_121, %dot_general3A_1421 {dimension_numbers = #tpu.dot_dimension_numbers<[1], [0], [0], [1], [0, 0, 1, 1], [], []>, transpose_lhs_hint = false} : vector<256x16xf32>, vector<16x256xf32>, vector<256x256xf32> -> vector<256x256xf32>
    %dot_general3A_1423 = arith.constant dense<0.000000e+00> : vector<256x256xf32>
    %dot_general3A_1424 = tpu.matmul %sin3A_1416, %mul3A_125, %dot_general3A_1423 {dimension_numbers = #tpu.dot_dimension_numbers<[1], [0], [0], [1], [0, 0, 1, 1], [], []>, transpose_lhs_hint = false} : vector<256x16xf32>, vector<16x256xf32>, vector<256x256xf32> -> vector<256x256xf32>
    %add3A_1425 = arith.addf %dot_general3A_1422, %dot_general3A_1424 : vector<256x256xf32>
    %mul3A_1426 = arith.mulf %sub3A_1420, %sub3A_1420 : vector<256x256xf32>
    %mul3A_1427 = arith.constant -5.000000e-01 : f32
    %mul3A_1428 = vector.broadcast %mul3A_1427 : f32 to vector<256x256xf32>
    %mul3A_1429 = arith.mulf %mul3A_1428, %mul3A_1426 : vector<256x256xf32>
    %exp3A_1430 = math.exp %mul3A_1429 : vector<256x256xf32>
    %mul3A_1431 = vector.broadcast %div3A_73 : f32 to vector<256x256xf32>
    %mul3A_1432 = arith.mulf %mul3A_1431, %exp3A_1430 : vector<256x256xf32>
    %add3A_1433 = arith.addf %mul3A_1432, %add3A_1425 : vector<256x256xf32>
    %slice3A_1434 = vector.extract_strided_slice %add3A_1433 {offsets = [0, 0], sizes = [256, 128], strides = [1, 1]} : vector<256x256xf32> to vector<256x128xf32>
    %slice3A_1435 = vector.extract_strided_slice %get3A_1407 {offsets = [0, 0], sizes = [256, 128], strides = [1, 1]} : vector<256x256xf32> to vector<256x128xf32>
    %sub3A_1436 = arith.subf %slice3A_1435, %slice3A : vector<256x128xf32>
    %slice3A_1437 = vector.extract_strided_slice %div3A_105 {offsets = [0, 27], sizes = [1, 1], strides = [1, 1]} : vector<1x32xf32> to vector<1x1xf32>
    %mul3A_1438 = vector.broadcast %slice3A_1437 : vector<1x1xf32> to vector<256x128xf32>
    %mul3A_1439 = arith.mulf %sub3A_1436, %mul3A_1438 : vector<256x128xf32>
    %add3A_1440 = arith.addf %mul3A_1439, %slice3A_1434 : vector<256x128xf32>
    %mul3A_1441 = arith.mulf %add3A_1440, %slice3A_1434 : vector<256x128xf32>
    %add3A_1442 = arith.addf %add3A_1395, %mul3A_1441 : vector<256x128xf32>
    %max3A_1443 = arith.maximumf %max3A_1396, %mul3A_1441 : vector<256x128xf32>
    %slice3A_1444 = vector.extract_strided_slice %add3A_1433 {offsets = [0, 128], sizes = [256, 128], strides = [1, 1]} : vector<256x256xf32> to vector<256x128xf32>
    %add3A_1445 = arith.addf %slice3A, %slice3A_1444 : vector<256x128xf32>
    %mul3A_1446 = arith.mulf %add3A_1445, %slice3A_1444 : vector<256x128xf32>
    %add3A_1447 = arith.addf %add3A_1400, %mul3A_1446 : vector<256x128xf32>
    %max3A_1448 = arith.maximumf %max3A_1401, %mul3A_1446 : vector<256x128xf32>
    %get3A_1449 = arith.constant 0 : index
    %get3A_1450 = arith.constant 28 : index
    %get3A_1451 = arith.constant 0 : index
    %get3A_1452 = arith.constant 0 : index
    %get3A_1453 = vector.load %arg2[%get3A_1449, %get3A_1450, %get3A_1451, %get3A_1452] : memref<1x32x256x256xf32, #tpu.memory_space<vmem>>, vector<1x1x256x256xf32>
    %get3A_1454 = vector.shape_cast %get3A_1453 : vector<1x1x256x256xf32> to vector<256x256xf32>
    %slice3A_1455 = vector.extract_strided_slice %get3A_1454 {offsets = [0, 128], sizes = [256, 16], strides = [1, 1]} : vector<256x256xf32> to vector<256x16xf32>
    %sub3A_1456 = arith.subf %slice3A_1455, %slice3A_112 : vector<256x16xf32>
    %slice3A_1457 = vector.extract_strided_slice %div3A_27 {offsets = [28, 0], sizes = [1, 1], strides = [1, 1]} : vector<32x1xf32> to vector<1x1xf32>
    %mul3A_1458 = vector.broadcast %slice3A_1457 : vector<1x1xf32> to vector<256x16xf32>
    %mul3A_1459 = arith.mulf %sub3A_1456, %mul3A_1458 : vector<256x16xf32>
    %mul3A_1460 = vector.broadcast %div3A_64 : f32 to vector<256x16xf32>
    %mul3A_1461 = arith.mulf %mul3A_1459, %mul3A_1460 : vector<256x16xf32>
    %cos3A_1462 = math.cos %mul3A_1461 : vector<256x16xf32>
    %sin3A_1463 = math.sin %mul3A_1461 : vector<256x16xf32>
    %dot_general3A_1464 = arith.constant dense<0.000000e+00> : vector<256x256xf32>
    %dot_general3A_1465 = tpu.matmul %mul3A_1461, %get3A_115, %dot_general3A_1464 {dimension_numbers = #tpu.dot_dimension_numbers<[1], [0], [0], [1], [0, 0, 1, 1], [], []>, transpose_lhs_hint = false} : vector<256x16xf32>, vector<16x256xf32>, vector<256x256xf32> -> vector<256x256xf32>
    %sub3A_1466 = vector.broadcast %mul3A_117 : vector<1x256xf32> to vector<256x256xf32>
    %sub3A_1467 = arith.subf %dot_general3A_1465, %sub3A_1466 : vector<256x256xf32>
    %dot_general3A_1468 = arith.constant dense<0.000000e+00> : vector<256x256xf32>
    %dot_general3A_1469 = tpu.matmul %cos3A_1462, %mul3A_121, %dot_general3A_1468 {dimension_numbers = #tpu.dot_dimension_numbers<[1], [0], [0], [1], [0, 0, 1, 1], [], []>, transpose_lhs_hint = false} : vector<256x16xf32>, vector<16x256xf32>, vector<256x256xf32> -> vector<256x256xf32>
    %dot_general3A_1470 = arith.constant dense<0.000000e+00> : vector<256x256xf32>
    %dot_general3A_1471 = tpu.matmul %sin3A_1463, %mul3A_125, %dot_general3A_1470 {dimension_numbers = #tpu.dot_dimension_numbers<[1], [0], [0], [1], [0, 0, 1, 1], [], []>, transpose_lhs_hint = false} : vector<256x16xf32>, vector<16x256xf32>, vector<256x256xf32> -> vector<256x256xf32>
    %add3A_1472 = arith.addf %dot_general3A_1469, %dot_general3A_1471 : vector<256x256xf32>
    %mul3A_1473 = arith.mulf %sub3A_1467, %sub3A_1467 : vector<256x256xf32>
    %mul3A_1474 = arith.constant -5.000000e-01 : f32
    %mul3A_1475 = vector.broadcast %mul3A_1474 : f32 to vector<256x256xf32>
    %mul3A_1476 = arith.mulf %mul3A_1475, %mul3A_1473 : vector<256x256xf32>
    %exp3A_1477 = math.exp %mul3A_1476 : vector<256x256xf32>
    %mul3A_1478 = vector.broadcast %div3A_73 : f32 to vector<256x256xf32>
    %mul3A_1479 = arith.mulf %mul3A_1478, %exp3A_1477 : vector<256x256xf32>
    %add3A_1480 = arith.addf %mul3A_1479, %add3A_1472 : vector<256x256xf32>
    %slice3A_1481 = vector.extract_strided_slice %add3A_1480 {offsets = [0, 0], sizes = [256, 128], strides = [1, 1]} : vector<256x256xf32> to vector<256x128xf32>
    %slice3A_1482 = vector.extract_strided_slice %get3A_1454 {offsets = [0, 0], sizes = [256, 128], strides = [1, 1]} : vector<256x256xf32> to vector<256x128xf32>
    %sub3A_1483 = arith.subf %slice3A_1482, %slice3A : vector<256x128xf32>
    %slice3A_1484 = vector.extract_strided_slice %div3A_105 {offsets = [0, 28], sizes = [1, 1], strides = [1, 1]} : vector<1x32xf32> to vector<1x1xf32>
    %mul3A_1485 = vector.broadcast %slice3A_1484 : vector<1x1xf32> to vector<256x128xf32>
    %mul3A_1486 = arith.mulf %sub3A_1483, %mul3A_1485 : vector<256x128xf32>
    %add3A_1487 = arith.addf %mul3A_1486, %slice3A_1481 : vector<256x128xf32>
    %mul3A_1488 = arith.mulf %add3A_1487, %slice3A_1481 : vector<256x128xf32>
    %add3A_1489 = arith.addf %add3A_1442, %mul3A_1488 : vector<256x128xf32>
    %max3A_1490 = arith.maximumf %max3A_1443, %mul3A_1488 : vector<256x128xf32>
    %slice3A_1491 = vector.extract_strided_slice %add3A_1480 {offsets = [0, 128], sizes = [256, 128], strides = [1, 1]} : vector<256x256xf32> to vector<256x128xf32>
    %add3A_1492 = arith.addf %slice3A, %slice3A_1491 : vector<256x128xf32>
    %mul3A_1493 = arith.mulf %add3A_1492, %slice3A_1491 : vector<256x128xf32>
    %add3A_1494 = arith.addf %add3A_1447, %mul3A_1493 : vector<256x128xf32>
    %max3A_1495 = arith.maximumf %max3A_1448, %mul3A_1493 : vector<256x128xf32>
    %get3A_1496 = arith.constant 0 : index
    %get3A_1497 = arith.constant 29 : index
    %get3A_1498 = arith.constant 0 : index
    %get3A_1499 = arith.constant 0 : index
    %get3A_1500 = vector.load %arg2[%get3A_1496, %get3A_1497, %get3A_1498, %get3A_1499] : memref<1x32x256x256xf32, #tpu.memory_space<vmem>>, vector<1x1x256x256xf32>
    %get3A_1501 = vector.shape_cast %get3A_1500 : vector<1x1x256x256xf32> to vector<256x256xf32>
    %slice3A_1502 = vector.extract_strided_slice %get3A_1501 {offsets = [0, 128], sizes = [256, 16], strides = [1, 1]} : vector<256x256xf32> to vector<256x16xf32>
    %sub3A_1503 = arith.subf %slice3A_1502, %slice3A_112 : vector<256x16xf32>
    %slice3A_1504 = vector.extract_strided_slice %div3A_27 {offsets = [29, 0], sizes = [1, 1], strides = [1, 1]} : vector<32x1xf32> to vector<1x1xf32>
    %mul3A_1505 = vector.broadcast %slice3A_1504 : vector<1x1xf32> to vector<256x16xf32>
    %mul3A_1506 = arith.mulf %sub3A_1503, %mul3A_1505 : vector<256x16xf32>
    %mul3A_1507 = vector.broadcast %div3A_64 : f32 to vector<256x16xf32>
    %mul3A_1508 = arith.mulf %mul3A_1506, %mul3A_1507 : vector<256x16xf32>
    %cos3A_1509 = math.cos %mul3A_1508 : vector<256x16xf32>
    %sin3A_1510 = math.sin %mul3A_1508 : vector<256x16xf32>
    %dot_general3A_1511 = arith.constant dense<0.000000e+00> : vector<256x256xf32>
    %dot_general3A_1512 = tpu.matmul %mul3A_1508, %get3A_115, %dot_general3A_1511 {dimension_numbers = #tpu.dot_dimension_numbers<[1], [0], [0], [1], [0, 0, 1, 1], [], []>, transpose_lhs_hint = false} : vector<256x16xf32>, vector<16x256xf32>, vector<256x256xf32> -> vector<256x256xf32>
    %sub3A_1513 = vector.broadcast %mul3A_117 : vector<1x256xf32> to vector<256x256xf32>
    %sub3A_1514 = arith.subf %dot_general3A_1512, %sub3A_1513 : vector<256x256xf32>
    %dot_general3A_1515 = arith.constant dense<0.000000e+00> : vector<256x256xf32>
    %dot_general3A_1516 = tpu.matmul %cos3A_1509, %mul3A_121, %dot_general3A_1515 {dimension_numbers = #tpu.dot_dimension_numbers<[1], [0], [0], [1], [0, 0, 1, 1], [], []>, transpose_lhs_hint = false} : vector<256x16xf32>, vector<16x256xf32>, vector<256x256xf32> -> vector<256x256xf32>
    %dot_general3A_1517 = arith.constant dense<0.000000e+00> : vector<256x256xf32>
    %dot_general3A_1518 = tpu.matmul %sin3A_1510, %mul3A_125, %dot_general3A_1517 {dimension_numbers = #tpu.dot_dimension_numbers<[1], [0], [0], [1], [0, 0, 1, 1], [], []>, transpose_lhs_hint = false} : vector<256x16xf32>, vector<16x256xf32>, vector<256x256xf32> -> vector<256x256xf32>
    %add3A_1519 = arith.addf %dot_general3A_1516, %dot_general3A_1518 : vector<256x256xf32>
    %mul3A_1520 = arith.mulf %sub3A_1514, %sub3A_1514 : vector<256x256xf32>
    %mul3A_1521 = arith.constant -5.000000e-01 : f32
    %mul3A_1522 = vector.broadcast %mul3A_1521 : f32 to vector<256x256xf32>
    %mul3A_1523 = arith.mulf %mul3A_1522, %mul3A_1520 : vector<256x256xf32>
    %exp3A_1524 = math.exp %mul3A_1523 : vector<256x256xf32>
    %mul3A_1525 = vector.broadcast %div3A_73 : f32 to vector<256x256xf32>
    %mul3A_1526 = arith.mulf %mul3A_1525, %exp3A_1524 : vector<256x256xf32>
    %add3A_1527 = arith.addf %mul3A_1526, %add3A_1519 : vector<256x256xf32>
    %slice3A_1528 = vector.extract_strided_slice %add3A_1527 {offsets = [0, 0], sizes = [256, 128], strides = [1, 1]} : vector<256x256xf32> to vector<256x128xf32>
    %slice3A_1529 = vector.extract_strided_slice %get3A_1501 {offsets = [0, 0], sizes = [256, 128], strides = [1, 1]} : vector<256x256xf32> to vector<256x128xf32>
    %sub3A_1530 = arith.subf %slice3A_1529, %slice3A : vector<256x128xf32>
    %slice3A_1531 = vector.extract_strided_slice %div3A_105 {offsets = [0, 29], sizes = [1, 1], strides = [1, 1]} : vector<1x32xf32> to vector<1x1xf32>
    %mul3A_1532 = vector.broadcast %slice3A_1531 : vector<1x1xf32> to vector<256x128xf32>
    %mul3A_1533 = arith.mulf %sub3A_1530, %mul3A_1532 : vector<256x128xf32>
    %add3A_1534 = arith.addf %mul3A_1533, %slice3A_1528 : vector<256x128xf32>
    %mul3A_1535 = arith.mulf %add3A_1534, %slice3A_1528 : vector<256x128xf32>
    %add3A_1536 = arith.addf %add3A_1489, %mul3A_1535 : vector<256x128xf32>
    %max3A_1537 = arith.maximumf %max3A_1490, %mul3A_1535 : vector<256x128xf32>
    %slice3A_1538 = vector.extract_strided_slice %add3A_1527 {offsets = [0, 128], sizes = [256, 128], strides = [1, 1]} : vector<256x256xf32> to vector<256x128xf32>
    %add3A_1539 = arith.addf %slice3A, %slice3A_1538 : vector<256x128xf32>
    %mul3A_1540 = arith.mulf %add3A_1539, %slice3A_1538 : vector<256x128xf32>
    %add3A_1541 = arith.addf %add3A_1494, %mul3A_1540 : vector<256x128xf32>
    %max3A_1542 = arith.maximumf %max3A_1495, %mul3A_1540 : vector<256x128xf32>
    %get3A_1543 = arith.constant 0 : index
    %get3A_1544 = arith.constant 30 : index
    %get3A_1545 = arith.constant 0 : index
    %get3A_1546 = arith.constant 0 : index
    %get3A_1547 = vector.load %arg2[%get3A_1543, %get3A_1544, %get3A_1545, %get3A_1546] : memref<1x32x256x256xf32, #tpu.memory_space<vmem>>, vector<1x1x256x256xf32>
    %get3A_1548 = vector.shape_cast %get3A_1547 : vector<1x1x256x256xf32> to vector<256x256xf32>
    %slice3A_1549 = vector.extract_strided_slice %get3A_1548 {offsets = [0, 128], sizes = [256, 16], strides = [1, 1]} : vector<256x256xf32> to vector<256x16xf32>
    %sub3A_1550 = arith.subf %slice3A_1549, %slice3A_112 : vector<256x16xf32>
    %slice3A_1551 = vector.extract_strided_slice %div3A_27 {offsets = [30, 0], sizes = [1, 1], strides = [1, 1]} : vector<32x1xf32> to vector<1x1xf32>
    %mul3A_1552 = vector.broadcast %slice3A_1551 : vector<1x1xf32> to vector<256x16xf32>
    %mul3A_1553 = arith.mulf %sub3A_1550, %mul3A_1552 : vector<256x16xf32>
    %mul3A_1554 = vector.broadcast %div3A_64 : f32 to vector<256x16xf32>
    %mul3A_1555 = arith.mulf %mul3A_1553, %mul3A_1554 : vector<256x16xf32>
    %cos3A_1556 = math.cos %mul3A_1555 : vector<256x16xf32>
    %sin3A_1557 = math.sin %mul3A_1555 : vector<256x16xf32>
    %dot_general3A_1558 = arith.constant dense<0.000000e+00> : vector<256x256xf32>
    %dot_general3A_1559 = tpu.matmul %mul3A_1555, %get3A_115, %dot_general3A_1558 {dimension_numbers = #tpu.dot_dimension_numbers<[1], [0], [0], [1], [0, 0, 1, 1], [], []>, transpose_lhs_hint = false} : vector<256x16xf32>, vector<16x256xf32>, vector<256x256xf32> -> vector<256x256xf32>
    %sub3A_1560 = vector.broadcast %mul3A_117 : vector<1x256xf32> to vector<256x256xf32>
    %sub3A_1561 = arith.subf %dot_general3A_1559, %sub3A_1560 : vector<256x256xf32>
    %dot_general3A_1562 = arith.constant dense<0.000000e+00> : vector<256x256xf32>
    %dot_general3A_1563 = tpu.matmul %cos3A_1556, %mul3A_121, %dot_general3A_1562 {dimension_numbers = #tpu.dot_dimension_numbers<[1], [0], [0], [1], [0, 0, 1, 1], [], []>, transpose_lhs_hint = false} : vector<256x16xf32>, vector<16x256xf32>, vector<256x256xf32> -> vector<256x256xf32>
    %dot_general3A_1564 = arith.constant dense<0.000000e+00> : vector<256x256xf32>
    %dot_general3A_1565 = tpu.matmul %sin3A_1557, %mul3A_125, %dot_general3A_1564 {dimension_numbers = #tpu.dot_dimension_numbers<[1], [0], [0], [1], [0, 0, 1, 1], [], []>, transpose_lhs_hint = false} : vector<256x16xf32>, vector<16x256xf32>, vector<256x256xf32> -> vector<256x256xf32>
    %add3A_1566 = arith.addf %dot_general3A_1563, %dot_general3A_1565 : vector<256x256xf32>
    %mul3A_1567 = arith.mulf %sub3A_1561, %sub3A_1561 : vector<256x256xf32>
    %mul3A_1568 = arith.constant -5.000000e-01 : f32
    %mul3A_1569 = vector.broadcast %mul3A_1568 : f32 to vector<256x256xf32>
    %mul3A_1570 = arith.mulf %mul3A_1569, %mul3A_1567 : vector<256x256xf32>
    %exp3A_1571 = math.exp %mul3A_1570 : vector<256x256xf32>
    %mul3A_1572 = vector.broadcast %div3A_73 : f32 to vector<256x256xf32>
    %mul3A_1573 = arith.mulf %mul3A_1572, %exp3A_1571 : vector<256x256xf32>
    %add3A_1574 = arith.addf %mul3A_1573, %add3A_1566 : vector<256x256xf32>
    %slice3A_1575 = vector.extract_strided_slice %add3A_1574 {offsets = [0, 0], sizes = [256, 128], strides = [1, 1]} : vector<256x256xf32> to vector<256x128xf32>
    %slice3A_1576 = vector.extract_strided_slice %get3A_1548 {offsets = [0, 0], sizes = [256, 128], strides = [1, 1]} : vector<256x256xf32> to vector<256x128xf32>
    %sub3A_1577 = arith.subf %slice3A_1576, %slice3A : vector<256x128xf32>
    %slice3A_1578 = vector.extract_strided_slice %div3A_105 {offsets = [0, 30], sizes = [1, 1], strides = [1, 1]} : vector<1x32xf32> to vector<1x1xf32>
    %mul3A_1579 = vector.broadcast %slice3A_1578 : vector<1x1xf32> to vector<256x128xf32>
    %mul3A_1580 = arith.mulf %sub3A_1577, %mul3A_1579 : vector<256x128xf32>
    %add3A_1581 = arith.addf %mul3A_1580, %slice3A_1575 : vector<256x128xf32>
    %mul3A_1582 = arith.mulf %add3A_1581, %slice3A_1575 : vector<256x128xf32>
    %add3A_1583 = arith.addf %add3A_1536, %mul3A_1582 : vector<256x128xf32>
    %max3A_1584 = arith.maximumf %max3A_1537, %mul3A_1582 : vector<256x128xf32>
    %slice3A_1585 = vector.extract_strided_slice %add3A_1574 {offsets = [0, 128], sizes = [256, 128], strides = [1, 1]} : vector<256x256xf32> to vector<256x128xf32>
    %add3A_1586 = arith.addf %slice3A, %slice3A_1585 : vector<256x128xf32>
    %mul3A_1587 = arith.mulf %add3A_1586, %slice3A_1585 : vector<256x128xf32>
    %add3A_1588 = arith.addf %add3A_1541, %mul3A_1587 : vector<256x128xf32>
    %max3A_1589 = arith.maximumf %max3A_1542, %mul3A_1587 : vector<256x128xf32>
    %get3A_1590 = arith.constant 0 : index
    %get3A_1591 = arith.constant 31 : index
    %get3A_1592 = arith.constant 0 : index
    %get3A_1593 = arith.constant 0 : index
    %get3A_1594 = vector.load %arg2[%get3A_1590, %get3A_1591, %get3A_1592, %get3A_1593] : memref<1x32x256x256xf32, #tpu.memory_space<vmem>>, vector<1x1x256x256xf32>
    %get3A_1595 = vector.shape_cast %get3A_1594 : vector<1x1x256x256xf32> to vector<256x256xf32>
    %slice3A_1596 = vector.extract_strided_slice %get3A_1595 {offsets = [0, 128], sizes = [256, 16], strides = [1, 1]} : vector<256x256xf32> to vector<256x16xf32>
    %sub3A_1597 = arith.subf %slice3A_1596, %slice3A_112 : vector<256x16xf32>
    %slice3A_1598 = vector.extract_strided_slice %div3A_27 {offsets = [31, 0], sizes = [1, 1], strides = [1, 1]} : vector<32x1xf32> to vector<1x1xf32>
    %mul3A_1599 = vector.broadcast %slice3A_1598 : vector<1x1xf32> to vector<256x16xf32>
    %mul3A_1600 = arith.mulf %sub3A_1597, %mul3A_1599 : vector<256x16xf32>
    %mul3A_1601 = vector.broadcast %div3A_64 : f32 to vector<256x16xf32>
    %mul3A_1602 = arith.mulf %mul3A_1600, %mul3A_1601 : vector<256x16xf32>
    %cos3A_1603 = math.cos %mul3A_1602 : vector<256x16xf32>
    %sin3A_1604 = math.sin %mul3A_1602 : vector<256x16xf32>
    %dot_general3A_1605 = arith.constant dense<0.000000e+00> : vector<256x256xf32>
    %dot_general3A_1606 = tpu.matmul %mul3A_1602, %get3A_115, %dot_general3A_1605 {dimension_numbers = #tpu.dot_dimension_numbers<[1], [0], [0], [1], [0, 0, 1, 1], [], []>, transpose_lhs_hint = false} : vector<256x16xf32>, vector<16x256xf32>, vector<256x256xf32> -> vector<256x256xf32>
    %sub3A_1607 = vector.broadcast %mul3A_117 : vector<1x256xf32> to vector<256x256xf32>
    %sub3A_1608 = arith.subf %dot_general3A_1606, %sub3A_1607 : vector<256x256xf32>
    %dot_general3A_1609 = arith.constant dense<0.000000e+00> : vector<256x256xf32>
    %dot_general3A_1610 = tpu.matmul %cos3A_1603, %mul3A_121, %dot_general3A_1609 {dimension_numbers = #tpu.dot_dimension_numbers<[1], [0], [0], [1], [0, 0, 1, 1], [], []>, transpose_lhs_hint = false} : vector<256x16xf32>, vector<16x256xf32>, vector<256x256xf32> -> vector<256x256xf32>
    %dot_general3A_1611 = arith.constant dense<0.000000e+00> : vector<256x256xf32>
    %dot_general3A_1612 = tpu.matmul %sin3A_1604, %mul3A_125, %dot_general3A_1611 {dimension_numbers = #tpu.dot_dimension_numbers<[1], [0], [0], [1], [0, 0, 1, 1], [], []>, transpose_lhs_hint = false} : vector<256x16xf32>, vector<16x256xf32>, vector<256x256xf32> -> vector<256x256xf32>
    %add3A_1613 = arith.addf %dot_general3A_1610, %dot_general3A_1612 : vector<256x256xf32>
    %mul3A_1614 = arith.mulf %sub3A_1608, %sub3A_1608 : vector<256x256xf32>
    %mul3A_1615 = arith.constant -5.000000e-01 : f32
    %mul3A_1616 = vector.broadcast %mul3A_1615 : f32 to vector<256x256xf32>
    %mul3A_1617 = arith.mulf %mul3A_1616, %mul3A_1614 : vector<256x256xf32>
    %exp3A_1618 = math.exp %mul3A_1617 : vector<256x256xf32>
    %mul3A_1619 = vector.broadcast %div3A_73 : f32 to vector<256x256xf32>
    %mul3A_1620 = arith.mulf %mul3A_1619, %exp3A_1618 : vector<256x256xf32>
    %add3A_1621 = arith.addf %mul3A_1620, %add3A_1613 : vector<256x256xf32>
    %slice3A_1622 = vector.extract_strided_slice %add3A_1621 {offsets = [0, 0], sizes = [256, 128], strides = [1, 1]} : vector<256x256xf32> to vector<256x128xf32>
    %slice3A_1623 = vector.extract_strided_slice %get3A_1595 {offsets = [0, 0], sizes = [256, 128], strides = [1, 1]} : vector<256x256xf32> to vector<256x128xf32>
    %sub3A_1624 = arith.subf %slice3A_1623, %slice3A : vector<256x128xf32>
    %slice3A_1625 = vector.extract_strided_slice %div3A_105 {offsets = [0, 31], sizes = [1, 1], strides = [1, 1]} : vector<1x32xf32> to vector<1x1xf32>
    %mul3A_1626 = vector.broadcast %slice3A_1625 : vector<1x1xf32> to vector<256x128xf32>
    %mul3A_1627 = arith.mulf %sub3A_1624, %mul3A_1626 : vector<256x128xf32>
    %add3A_1628 = arith.addf %mul3A_1627, %slice3A_1622 : vector<256x128xf32>
    %mul3A_1629 = arith.mulf %add3A_1628, %slice3A_1622 : vector<256x128xf32>
    %add3A_1630 = arith.addf %add3A_1583, %mul3A_1629 : vector<256x128xf32>
    %max3A_1631 = arith.maximumf %max3A_1584, %mul3A_1629 : vector<256x128xf32>
    %slice3A_1632 = vector.extract_strided_slice %add3A_1621 {offsets = [0, 128], sizes = [256, 128], strides = [1, 1]} : vector<256x256xf32> to vector<256x128xf32>
    %add3A_1633 = arith.addf %slice3A, %slice3A_1632 : vector<256x128xf32>
    %mul3A_1634 = arith.mulf %add3A_1633, %slice3A_1632 : vector<256x128xf32>
    %add3A_1635 = arith.addf %add3A_1588, %mul3A_1634 : vector<256x128xf32>
    %max3A_1636 = arith.maximumf %max3A_1589, %mul3A_1634 : vector<256x128xf32>
    %mul3A_1637 = arith.constant 3.125000e-02 : f32
    %mul3A_1638 = vector.broadcast %mul3A_1637 : f32 to vector<256x128xf32>
    %mul3A_1639 = arith.mulf %add3A_1630, %mul3A_1638 : vector<256x128xf32>
    %add3A_1640 = arith.addf %mul3A_1639, %max3A_1631 : vector<256x128xf32>
    %mul3A_1641 = arith.constant 5.000000e-01 : f32
    %mul3A_1642 = vector.broadcast %mul3A_1641 : f32 to vector<256x128xf32>
    %mul3A_1643 = arith.mulf %mul3A_1642, %add3A_1640 : vector<256x128xf32>
    %mul3A_1644 = arith.constant 0.707106769 : f32
    %mul3A_1645 = vector.broadcast %mul3A_1644 : f32 to vector<256x128xf32>
    %mul3A_1646 = arith.mulf %add3A_1640, %mul3A_1645 : vector<256x128xf32>
    %abs3A = math.absf %mul3A_1646 : vector<256x128xf32>
    %mul3A_1647 = arith.constant 0.327591091 : f32
    %mul3A_1648 = vector.broadcast %mul3A_1647 : f32 to vector<256x128xf32>
    %mul3A_1649 = arith.mulf %mul3A_1648, %abs3A : vector<256x128xf32>
    %add3A_1650 = arith.constant 1.000000e+00 : f32
    %add3A_1651 = vector.broadcast %add3A_1650 : f32 to vector<256x128xf32>
    %add3A_1652 = arith.addf %add3A_1651, %mul3A_1649 : vector<256x128xf32>
    %div3A_1653 = arith.constant 1.000000e+00 : f32
    %div3A_1654 = vector.broadcast %div3A_1653 : f32 to vector<256x128xf32>
    %div3A_1655 = arith.divf %div3A_1654, %add3A_1652 : vector<256x128xf32>
    %mul3A_1656 = arith.constant 1.06140542 : f32
    %mul3A_1657 = vector.broadcast %mul3A_1656 : f32 to vector<256x128xf32>
    %mul3A_1658 = arith.mulf %div3A_1655, %mul3A_1657 : vector<256x128xf32>
    %add3A_1659 = arith.constant -1.45315206 : f32
    %add3A_1660 = vector.broadcast %add3A_1659 : f32 to vector<256x128xf32>
    %add3A_1661 = arith.addf %add3A_1660, %mul3A_1658 : vector<256x128xf32>
    %mul3A_1662 = arith.mulf %div3A_1655, %add3A_1661 : vector<256x128xf32>
    %add3A_1663 = arith.constant 1.42141378 : f32
    %add3A_1664 = vector.broadcast %add3A_1663 : f32 to vector<256x128xf32>
    %add3A_1665 = arith.addf %add3A_1664, %mul3A_1662 : vector<256x128xf32>
    %mul3A_1666 = arith.mulf %div3A_1655, %add3A_1665 : vector<256x128xf32>
    %add3A_1667 = arith.constant -0.284496725 : f32
    %add3A_1668 = vector.broadcast %add3A_1667 : f32 to vector<256x128xf32>
    %add3A_1669 = arith.addf %add3A_1668, %mul3A_1666 : vector<256x128xf32>
    %mul3A_1670 = arith.mulf %div3A_1655, %add3A_1669 : vector<256x128xf32>
    %add3A_1671 = arith.constant 0.254829586 : f32
    %add3A_1672 = vector.broadcast %add3A_1671 : f32 to vector<256x128xf32>
    %add3A_1673 = arith.addf %add3A_1672, %mul3A_1670 : vector<256x128xf32>
    %mul3A_1674 = arith.mulf %div3A_1655, %add3A_1673 : vector<256x128xf32>
    %neg3A_1675 = arith.constant 0.000000e+00 : f32
    %neg3A_1676 = vector.broadcast %neg3A_1675 : f32 to vector<256x128xf32>
    %neg3A_1677 = arith.subf %neg3A_1676, %abs3A : vector<256x128xf32>
    %mul3A_1678 = arith.mulf %neg3A_1677, %abs3A : vector<256x128xf32>
    %exp3A_1679 = math.exp %mul3A_1678 : vector<256x128xf32>
    %mul3A_1680 = arith.mulf %mul3A_1674, %exp3A_1679 : vector<256x128xf32>
    %sub3A_1681 = arith.constant 1.000000e+00 : f32
    %sub3A_1682 = vector.broadcast %sub3A_1681 : f32 to vector<256x128xf32>
    %sub3A_1683 = arith.subf %sub3A_1682, %mul3A_1680 : vector<256x128xf32>
    %sign3A = tpu.bitcast %mul3A_1646 : vector<256x128xf32> -> vector<256x128xi32>
    %sign3A_1684 = arith.constant -2147483648 : i32
    %sign3A_1685 = vector.broadcast %sign3A_1684 : i32 to vector<256x128xi32>
    %sign3A_1686 = arith.andi %sign3A, %sign3A_1685 : vector<256x128xi32>
    %sign3A_1687 = arith.constant 1065353216 : i32
    %sign3A_1688 = vector.broadcast %sign3A_1687 : i32 to vector<256x128xi32>
    %sign3A_1689 = arith.ori %sign3A_1688, %sign3A_1686 : vector<256x128xi32>
    %sign3A_1690 = tpu.bitcast %sign3A_1689 : vector<256x128xi32> -> vector<256x128xf32>
    %sign3A_1691 = math.absf %mul3A_1646 : vector<256x128xf32>
    %sign3A_1692 = arith.constant 0.000000e+00 : f32
    %sign3A_1693 = vector.broadcast %sign3A_1692 : f32 to vector<256x128xf32>
    %sign3A_1694 = arith.cmpf ogt, %sign3A_1691, %sign3A_1693 : vector<256x128xf32>
    %sign3A_1695 = arith.select %sign3A_1694, %sign3A_1690, %mul3A_1646 : vector<256x128xi1>, vector<256x128xf32>
    %mul3A_1696 = arith.mulf %sign3A_1695, %sub3A_1683 : vector<256x128xf32>
    %add3A_1697 = arith.constant 1.000000e+00 : f32
    %add3A_1698 = vector.broadcast %add3A_1697 : f32 to vector<256x128xf32>
    %add3A_1699 = arith.addf %add3A_1698, %mul3A_1696 : vector<256x128xf32>
    %mul3A_1700 = arith.mulf %mul3A_1643, %add3A_1699 : vector<256x128xf32>
    %swap3A = arith.constant 0 : index
    %swap3A_1701 = arith.constant 0 : index
    %swap3A_1702 = arith.constant 0 : index
    %swap3A_1703 = vector.load %arg10[%swap3A, %swap3A_1701, %swap3A_1702] : memref<1x256x256xf32, #tpu.memory_space<vmem>>, vector<1x256x128xf32>
    %swap3A_1704 = vector.shape_cast %swap3A_1703 : vector<1x256x128xf32> to vector<256x128xf32>
    %swap3A_1705 = vector.shape_cast %mul3A_1700 : vector<256x128xf32> to vector<1x256x128xf32>
    tpu.vector_store %arg10[%swap3A, %swap3A_1701, %swap3A_1702], %swap3A_1705 {strides = array<i32>} : memref<1x256x256xf32, #tpu.memory_space<vmem>>, vector<1x256x128xf32>,
    %mul3A_1706 = arith.constant 3.125000e-02 : f32
    %mul3A_1707 = vector.broadcast %mul3A_1706 : f32 to vector<256x128xf32>
    %mul3A_1708 = arith.mulf %add3A_1635, %mul3A_1707 : vector<256x128xf32>
    %add3A_1709 = arith.addf %mul3A_1708, %max3A_1636 : vector<256x128xf32>
    %mul3A_1710 = arith.constant 5.000000e-01 : f32
    %mul3A_1711 = vector.broadcast %mul3A_1710 : f32 to vector<256x128xf32>
    %mul3A_1712 = arith.mulf %mul3A_1711, %add3A_1709 : vector<256x128xf32>
    %mul3A_1713 = arith.constant 0.707106769 : f32
    %mul3A_1714 = vector.broadcast %mul3A_1713 : f32 to vector<256x128xf32>
    %mul3A_1715 = arith.mulf %add3A_1709, %mul3A_1714 : vector<256x128xf32>
    %abs3A_1716 = math.absf %mul3A_1715 : vector<256x128xf32>
    %mul3A_1717 = arith.constant 0.327591091 : f32
    %mul3A_1718 = vector.broadcast %mul3A_1717 : f32 to vector<256x128xf32>
    %mul3A_1719 = arith.mulf %mul3A_1718, %abs3A_1716 : vector<256x128xf32>
    %add3A_1720 = arith.constant 1.000000e+00 : f32
    %add3A_1721 = vector.broadcast %add3A_1720 : f32 to vector<256x128xf32>
    %add3A_1722 = arith.addf %add3A_1721, %mul3A_1719 : vector<256x128xf32>
    %div3A_1723 = arith.constant 1.000000e+00 : f32
    %div3A_1724 = vector.broadcast %div3A_1723 : f32 to vector<256x128xf32>
    %div3A_1725 = arith.divf %div3A_1724, %add3A_1722 : vector<256x128xf32>
    %mul3A_1726 = arith.constant 1.06140542 : f32
    %mul3A_1727 = vector.broadcast %mul3A_1726 : f32 to vector<256x128xf32>
    %mul3A_1728 = arith.mulf %div3A_1725, %mul3A_1727 : vector<256x128xf32>
    %add3A_1729 = arith.constant -1.45315206 : f32
    %add3A_1730 = vector.broadcast %add3A_1729 : f32 to vector<256x128xf32>
    %add3A_1731 = arith.addf %add3A_1730, %mul3A_1728 : vector<256x128xf32>
    %mul3A_1732 = arith.mulf %div3A_1725, %add3A_1731 : vector<256x128xf32>
    %add3A_1733 = arith.constant 1.42141378 : f32
    %add3A_1734 = vector.broadcast %add3A_1733 : f32 to vector<256x128xf32>
    %add3A_1735 = arith.addf %add3A_1734, %mul3A_1732 : vector<256x128xf32>
    %mul3A_1736 = arith.mulf %div3A_1725, %add3A_1735 : vector<256x128xf32>
    %add3A_1737 = arith.constant -0.284496725 : f32
    %add3A_1738 = vector.broadcast %add3A_1737 : f32 to vector<256x128xf32>
    %add3A_1739 = arith.addf %add3A_1738, %mul3A_1736 : vector<256x128xf32>
    %mul3A_1740 = arith.mulf %div3A_1725, %add3A_1739 : vector<256x128xf32>
    %add3A_1741 = arith.constant 0.254829586 : f32
    %add3A_1742 = vector.broadcast %add3A_1741 : f32 to vector<256x128xf32>
    %add3A_1743 = arith.addf %add3A_1742, %mul3A_1740 : vector<256x128xf32>
    %mul3A_1744 = arith.mulf %div3A_1725, %add3A_1743 : vector<256x128xf32>
    %neg3A_1745 = arith.constant 0.000000e+00 : f32
    %neg3A_1746 = vector.broadcast %neg3A_1745 : f32 to vector<256x128xf32>
    %neg3A_1747 = arith.subf %neg3A_1746, %abs3A_1716 : vector<256x128xf32>
    %mul3A_1748 = arith.mulf %neg3A_1747, %abs3A_1716 : vector<256x128xf32>
    %exp3A_1749 = math.exp %mul3A_1748 : vector<256x128xf32>
    %mul3A_1750 = arith.mulf %mul3A_1744, %exp3A_1749 : vector<256x128xf32>
    %sub3A_1751 = arith.constant 1.000000e+00 : f32
    %sub3A_1752 = vector.broadcast %sub3A_1751 : f32 to vector<256x128xf32>
    %sub3A_1753 = arith.subf %sub3A_1752, %mul3A_1750 : vector<256x128xf32>
    %sign3A_1754 = tpu.bitcast %mul3A_1715 : vector<256x128xf32> -> vector<256x128xi32>
    %sign3A_1755 = arith.constant -2147483648 : i32
    %sign3A_1756 = vector.broadcast %sign3A_1755 : i32 to vector<256x128xi32>
    %sign3A_1757 = arith.andi %sign3A_1754, %sign3A_1756 : vector<256x128xi32>
    %sign3A_1758 = arith.constant 1065353216 : i32
    %sign3A_1759 = vector.broadcast %sign3A_1758 : i32 to vector<256x128xi32>
    %sign3A_1760 = arith.ori %sign3A_1759, %sign3A_1757 : vector<256x128xi32>
    %sign3A_1761 = tpu.bitcast %sign3A_1760 : vector<256x128xi32> -> vector<256x128xf32>
    %sign3A_1762 = math.absf %mul3A_1715 : vector<256x128xf32>
    %sign3A_1763 = arith.constant 0.000000e+00 : f32
    %sign3A_1764 = vector.broadcast %sign3A_1763 : f32 to vector<256x128xf32>
    %sign3A_1765 = arith.cmpf ogt, %sign3A_1762, %sign3A_1764 : vector<256x128xf32>
    %sign3A_1766 = arith.select %sign3A_1765, %sign3A_1761, %mul3A_1715 : vector<256x128xi1>, vector<256x128xf32>
    %mul3A_1767 = arith.mulf %sign3A_1766, %sub3A_1753 : vector<256x128xf32>
    %add3A_1768 = arith.constant 1.000000e+00 : f32
    %add3A_1769 = vector.broadcast %add3A_1768 : f32 to vector<256x128xf32>
    %add3A_1770 = arith.addf %add3A_1769, %mul3A_1767 : vector<256x128xf32>
    %mul3A_1771 = arith.mulf %mul3A_1712, %add3A_1770 : vector<256x128xf32>
    %swap3A_1772 = arith.constant 0 : index
    %swap3A_1773 = arith.constant 0 : index
    %swap3A_1774 = arith.constant 128 : index
    %swap3A_1775 = vector.load %arg10[%swap3A_1772, %swap3A_1773, %swap3A_1774] : memref<1x256x256xf32, #tpu.memory_space<vmem>>, vector<1x256x128xf32>
    %swap3A_1776 = vector.shape_cast %swap3A_1775 : vector<1x256x128xf32> to vector<256x128xf32>
    %swap3A_1777 = vector.shape_cast %mul3A_1771 : vector<256x128xf32> to vector<1x256x128xf32>
    tpu.vector_store %arg10[%swap3A_1772, %swap3A_1773, %swap3A_1774], %swap3A_1777 {strides = array<i32>} : memref<1x256x256xf32, #tpu.memory_space<vmem>>, vector<1x256x128xf32>,
    return
  }
  func.func @transform_0(%arg0: i32, %arg1: i32) -> (i32, i32, i32, i32) {
    %c0_i32 = arith.constant 0 : i32
    %c0_i32_0 = arith.constant 0 : i32
    %c0_i32_1 = arith.constant 0 : i32
    return %arg0, %c0_i32, %arg1, %c0_i32_0 : i32, i32, i32, i32
  }
  func.func @transform_1(%arg0: i32, %arg1: i32) -> (i32, i32) {
    %mul3A = arith.constant 4 : i32
    %mul3A_0 = arith.muli %arg0, %mul3A : i32
    %add3A = arith.addi %mul3A_0, %arg1 : i32
    %c0_i32 = arith.constant 0 : i32
    %c0_i32_1 = arith.constant 0 : i32
    return %add3A, %c0_i32 : i32, i32
  }
  func.func @transform_2(%arg0: i32, %arg1: i32) -> (i32, i32, i32) {
    %c0_i32 = arith.constant 0 : i32
    %c0_i32_0 = arith.constant 0 : i32
    %c0_i32_1 = arith.constant 0 : i32
    %c0_i32_2 = arith.constant 0 : i32
    return %c0_i32, %c0_i32_0, %c0_i32_1 : i32, i32, i32
  }
  func.func @transform_3(%arg0: i32, %arg1: i32) -> (i32, i32, i32) {
    %c0_i32 = arith.constant 0 : i32
    %c0_i32_0 = arith.constant 0 : i32
    %c0_i32_1 = arith.constant 0 : i32
    %c0_i32_2 = arith.constant 0 : i32
    return %c0_i32, %c0_i32_0, %c0_i32_1 : i32, i32, i32
  }
  func.func @transform_4(%arg0: i32, %arg1: i32) -> (i32, i32, i32) {
    %c0_i32 = arith.constant 0 : i32
    %c0_i32_0 = arith.constant 0 : i32
    %c0_i32_1 = arith.constant 0 : i32
    %c0_i32_2 = arith.constant 0 : i32
    return %c0_i32, %c0_i32_0, %c0_i32_1 : i32, i32, i32
  }
  func.func @transform_5(%arg0: i32, %arg1: i32) -> (i32, i32, i32) {
    %c0_i32 = arith.constant 0 : i32
    %c0_i32_0 = arith.constant 0 : i32
    %c0_i32_1 = arith.constant 0 : i32
    %c0_i32_2 = arith.constant 0 : i32
    return %c0_i32, %c0_i32_0, %c0_i32_1 : i32, i32, i32
  }
  func.func @transform_6(%arg0: i32, %arg1: i32) -> (i32, i32) {
    %c0_i32 = arith.constant 0 : i32
    %c0_i32_0 = arith.constant 0 : i32
    %c0_i32_1 = arith.constant 0 : i32
    return %c0_i32, %c0_i32_0 : i32, i32
  }
  func.func @transform_7(%arg0: i32, %arg1: i32) -> (i32, i32) {
    %c0_i32 = arith.constant 0 : i32
    %c0_i32_0 = arith.constant 0 : i32
    %c0_i32_1 = arith.constant 0 : i32
    return %c0_i32, %c0_i32_0 : i32, i32
  }
  func.func @transform_8(%arg0: i32, %arg1: i32) -> (i32, i32, i32) {
    %c0_i32 = arith.constant 0 : i32
    %c0_i32_0 = arith.constant 0 : i32
    return %arg0, %arg1, %c0_i32 : i32, i32, i32
  }
}

</mosaic_0001>

<sc_bundles>
// kernel: kernel.11.cloned.1.call-start
scs
__scs_entry_jumppad:
0x0: {  	(pc) =	sbr.rel $0x88, $3  }
0x1: {  	(tag) =	ssettag $0x0;
	lr =	simm.s32 $0x1  }
0x2: {  	[smem:$0x3F9F] =	sst lr;
	_ =	strace $0xD0000000  }
0x3: {  	_ = 	snop  }
0x4: {  	_ = 	snop  }
0x5: {  	_ = 	snop  }
0x6: {  	_ = 	snop  }
0x7: {  	_ = 	snop  }
__scs_overlays_trampoline_lowered:
0x8: {  	[smem:$0x3FAE] =	sst s0  }
0x9: {  	[smem:$0x3FAF] =	sst s1  }
0xa: {  	[smem:$0x3FB0] =	sst s2  }
0xb: {  	[smem:$0x3FB1] =	sst s3  }
0xc: {  	[smem:$0x3FB2] =	sst s4  }
0xd: {  	[smem:$0x3FB3] =	sst s5  }
0xe: {  	[smem:$0x3FB4] =	sst s6  }
0xf: {  	[smem:$0x3FB5] =	sst s7  }
0x10: {  	[smem:$0x3FB6] =	sst s8  }
0x11: {  	[smem:$0x3FB7] =	sst s9;
	s0 =	simm.s32 @!p0 $0x0  }
0x12: {  	s1 =	sld [smem:$0x3F9D];
	s0 =	simm.s32 @p0 $0x1  }
0x13: {  	[smem:$0x3FB8] =	sst s0;
	s0 =	simm.s32 @!p1 $0x0  }
0x14: {  	s2 =	sld [smem:$0x3F9C];
	s0 =	simm.s32 @p1 $0x1  }
0x15: {  	[smem:$0x3FB9] =	sst s0;
	s0 =	simm.s32 @!p2 $0x0  }
0x16: {  	s3 =	sld [smem:$0x3FDB];
	s0 =	simm.s32 @p2 $0x1  }
0x17: {  	s4 =	simm.s32 $0x1BF5;
	[smem:$0x3FBB] =	sst s0  }
0x18: {  	s0 =	sld [smem:$0x3F9E];
	_ =	swait.ge [sflag:s4], $0x0  }
0x19: {  	s7 =	sld [smem:$0x3F9F]  }
0x1a: {  	s8 =	sadd.s32 $0xFFFFE003, lr  }
0x1b: {  	s9 =	sadd.s32 $0xFFFFFEF7, lr;
	s5 =	simm.s32 $0xFFFFFFFF;
	p2 =	slt.u32 s8, $0xFFFFF086  }
0x1c: {  	p1 =	slt.u32 s9, $0xF7A;
	s5 =	simm.s32 @!p2 $0x0  }
0x1d: {  	s5 =	simm.s32 @p1 $0x1;
	p0 =	seq.s32 s7, s2  }
0x1e: {  	s7 =	smul.u32 @!p0 $0xF7A, s2;
	p2 =	seq.s32 @!p0 s5, $0x0  }
0x1f: {  	s9 =	smul.u32 $0xF7A, s1;
	s8 =	simm.s32 @!p0 $0x1BF5;
	p2 =	por !p2, p0  }
0x20: {  	[sflag:s8] =	ssyncset.s32 @!p0 $0xFFFFF086;
	s6 =	sadd.s32 @!p0 s3, s7;
	s7 =	simm.s32 @!p0 $0x108  }
0x21: {  	s3 =	sadd.s32 s3, s9;
	s6 =	sadd.s32 @!p0 $0x88, s6;
	s7 =	simm.s32 @p2 $0x1082  }
0x22: {  	[simem:s7], [sflag:s8] =	dma.local @!p0 [hbm:s6], $0xF7A  }
0x23: {  	s9 =	sor.u32 $0xD0000000, s2;
	s6 =	simm.s32 $0x108;
	_ =	swait.ge @!p0 [sflag:s8], $0x0  }
0x24: {  	s3 =	sadd.s32 $0x88, s3;
	s6 =	simm.s32 @!p1 $0x1082;
	[sflag:s4] =	ssyncset.s32 $0xFFFFF086  }
0x25: {  	[simem:s6], [sflag:s4] =	dma.local [hbm:s3], $0xF7A  }
0x26: {  	[smem:$0x3F9F] =	sst s1;
	(tag) =	ssettag s2;
	_ =	strace s9  }
0x27: {  	s1 =	sld [smem:$0x3FAF]  }
0x28: {  	s2 =	sld [smem:$0x3FB0]  }
0x29: {  	s4 =	sld [smem:$0x3FB2]  }
0x2a: {  	p0 =	seq.s32 s5, $0x0;
	s5 =	sld [smem:$0x3FB3]  }
0x2b: {  	s6 =	sld [smem:$0x3FB4]  }
0x2c: {  	s7 =	sld [smem:$0x3FB5]  }
0x2d: {  	s3 =	simm.s32 $0x108;
	s8 =	sld [smem:$0x3FB6]  }
0x2e: {  	s3 =	simm.s32 @!p0 $0x1082;
	s9 =	sld [smem:$0x3FB7]  }
0x2f: {  	lr =	sadd.s32 s0, s3;
	s0 =	sld [smem:$0x3FAE]  }
0x30: {  	s3 =	sld [smem:$0x3FB1]  }
0x31: {  	[smem:$0x3FBA] =	sst s10  }
0x32: {  	s10 =	sld [smem:$0x3FB8];
	_ =	sdelay $0x3  }
0x33: {  	p0 =	seq.s32 s10, $0x1;
	s10 =	sld [smem:$0x3FBA];
	_ =	sdelay $0x3  }
0x34: {  	[smem:$0x3FBA] =	sst s10  }
0x35: {  	s10 =	sld [smem:$0x3FB9];
	_ =	sdelay $0x3  }
0x36: {  	p1 =	seq.s32 s10, $0x1;
	s10 =	sld [smem:$0x3FBA];
	_ =	sdelay $0x3  }
0x37: {  	[smem:$0x3FBA] =	sst s10  }
0x38: {  	s10 =	sld [smem:$0x3FBB]  }
0x39: {  	_ = 	snop;
	(pc) =	sbr.ind lr, $3  }
0x3a: {  	_ = 	snop  }
0x3b: {  	_ = 	snop  }
0x3c: {  	p2 =	seq.s32 s10, $0x1;
	s10 =	sld [smem:$0x3FBA]  }
0x3d: {  	_ =	shalt  }
0x3e: {  	_ =	shalt  }
0x3f: {  	_ =	shalt  }
0x40: {  	_ =	shalt  }
0x41: {  	_ =	shalt  }
0x42: {  	_ =	shalt  }
0x43: {  	_ =	shalt  }
0x44: {  	_ =	shalt  }
0x45: {  	_ =	shalt  }
0x46: {  	_ =	shalt  }
0x47: {  	_ =	shalt  }
0x48: {  	_ =	shalt  }
0x49: {  	_ =	shalt  }
0x4a: {  	_ =	shalt  }
0x4b: {  	_ =	shalt  }
0x4c: {  	_ =	shalt  }
0x4d: {  	_ =	shalt  }
0x4e: {  	_ =	shalt  }
0x4f: {  	_ =	shalt  }
0x50: {  	_ =	shalt  }
0x51: {  	_ =	shalt  }
0x52: {  	_ =	shalt  }
0x53: {  	_ =	shalt  }
0x54: {  	_ =	shalt  }
0x55: {  	_ =	shalt  }
0x56: {  	_ =	shalt  }
0x57: {  	_ =	shalt  }
0x58: {  	_ =	shalt  }
0x59: {  	_ =	shalt  }
0x5a: {  	_ =	shalt  }
0x5b: {  	_ =	shalt  }
0x5c: {  	_ =	shalt  }
0x5d: {  	_ =	shalt  }
0x5e: {  	_ =	shalt  }
0x5f: {  	_ =	shalt  }
0x60: {  	_ =	shalt  }
0x61: {  	_ =	shalt  }
0x62: {  	_ =	shalt  }
0x63: {  	_ =	shalt  }
0x64: {  	_ =	shalt  }
0x65: {  	_ =	shalt  }
0x66: {  	_ =	shalt  }
0x67: {  	_ =	shalt  }
0x68: {  	_ =	shalt  }
0x69: {  	_ =	shalt  }
0x6a: {  	_ =	shalt  }
0x6b: {  	_ =	shalt  }
0x6c: {  	_ =	shalt  }
0x6d: {  	_ =	shalt  }
0x6e: {  	_ =	shalt  }
0x6f: {  	_ =	shalt  }
0x70: {  	_ =	shalt  }
0x71: {  	_ =	shalt  }
0x72: {  	_ =	shalt  }
0x73: {  	_ =	shalt  }
0x74: {  	_ =	shalt  }
0x75: {  	_ =	shalt  }
0x76: {  	_ =	shalt  }
0x77: {  	_ =	shalt  }
0x78: {  	_ =	shalt  }
0x79: {  	_ =	shalt  }
0x7a: {  	_ =	shalt  }
0x7b: {  	_ =	shalt  }
0x7c: {  	_ =	shalt  }
0x7d: {  	_ =	shalt  }
0x7e: {  	_ =	shalt  }
0x7f: {  	_ =	shalt  }
0x80: {  	_ =	shalt  }
0x81: {  	_ =	shalt  }
0x82: {  	_ =	shalt  }
0x83: {  	_ =	shalt  }
0x84: {  	_ =	shalt  }
0x85: {  	_ =	shalt  }
0x86: {  	_ =	shalt  }
0x87: {  	_ =	shalt  }
.Lfunc_end0:
.L_simem_size_0:
called_computation.1_lowered:
.L_overlay_start_0:
0x88: {  	s2 =	sld [smem:$0x3FD9]  }
0x89: {  	s3 =	sld [smem:$0x3FFE];
	_ =	sdelay $0x1  }
0x8a: {  	s1 =	srdreg.scid  }
0x8b: {  	s0 =	sand.u32 $0x1, s1  }
0x8c: {  	s16 =	sshll.u32 s0, $0xA;
	s2 =	sadd.s32 s3, s2  }
0x8d: {  	s2 =	sadd.s32 s2, s16  }
0x8e: {  	[smem:$0x3FC6] =	sst s2  }
0x8f: {  	_ = 	snop  }
0x90: {  	(tm) =	ssettm $0x1  }
0x91: {  	s17 =	sld [smem:$0x3FFB];
	_ =	sdelay $0x3  }
0x92: {  	_ =	strace s17  }
0x93: {  	s2 =	sld [smem:$0x3FFC];
	_ =	sdelay $0x3  }
0x94: {  	_ =	strace s2  }
0x95: {  	s2 =	sld [smem:$0x3FFD];
	_ =	sdelay $0x3  }
0x96: {  	_ =	strace s2  }
0x97: {  	_ =	strace $0x8FFFFFFF  }
0x98: {  	s18 =	sld [smem:$0x3FDB];
	_ =	sdelay $0x1  }
0x99: {  	s19 =	simm.s32 $_scs_section_size  }
0x9a: {  	s4 =	simm.s32 $_size__tile_overlayer_lowered;
	s5 =	simm.s32 $_tile_overlayer_lowered  }
0x9b: {  	s22 =	simm.s32 $0x1BFF;
	s21 =	sshll.u32 s5, $0x1;
	s2 =	sadd.s32 s19, s18  }
0x9c: {  	s6 =	simm.s32 $0x0;
	s20 =	sshll.u32 s4, $0x1;
	s4 =	sadd.s32 s21, s2  }
0x9d: {  	[timem:s6], [sflag:s22] =	dma.local [hbm:s4], s20  }
0x9e: {  	_ =	swait.ge [sflag:s22], s20  }
0x9f: {  	s3 =	ssub.s32 $0x0, s20;
	[sflag:s22] =	ssyncset.done $0x0  }
0xa0: {  	[sflag:s22] =	ssyncadd.s32 s3;
	_ =	sdelay $0x1  }
0xa1: {  	s23 =	simm.s32 $0x1B8B  }
0xa2: {  	_ =	swait.ge [sflag:s23], $0x1  }
0xa3: {  	[sflag:s23] =	ssyncset.done $0x0  }
0xa4: {  	s25 =	simm.s32 $0x1B8E;
	s24 =	sld [smem:$0x3FFE];
	[sflag:s23] =	ssyncadd.s32 $0xFFFFFFFF  }
0xa5: {  	s26 =	simm.s32 $execute0_lowered;
	[smem:$0x3FD2] =	sst s25  }
0xa6: {  	s4 =	sshll.u32 s26, $0x1;
	_ =	strace $0x80000049;
	[dreg:$0x1] =	wrdreg $0xFFFFFFFF  }
0xa7: {  	s28 =	simm.s32 $_size_execute0_lowered;
	s2 =	sadd.s32 s2, s4;
	[dreg:$0x0] =	wrdreg $0x0  }
0xa8: {  	s4 =	sshll.u32 s28, $0x1;
	[dreg:$0x2] =	wrdreg s2  }
0xa9: {  	[dreg:$0x3] =	wrdreg s4  }
0xaa: {  	[dreg:$0x4] =	wrdreg $0xC0  }
0xab: {  	_ =	task [dreg:s6], $0x5FFFF  }
0xac: {  	[dreg:$0x1] =	wrdreg $0xFFFFFFFF  }
0xad: {  	[dreg:$0x0] =	wrdreg $0x60  }
0xae: {  	[dreg:$0x2] =	wrdreg s24  }
0xaf: {  	[dreg:$0x3] =	wrdreg $0x9  }
0xb0: {  	_ =	task.clear_ibuf [dreg:s6], $0x4FFFF;
	_ =	strace $0x90000049  }
0xb1: {  	s29 =	simm.s32 $0x9;
	_ =	strace $0x8000004B  }
0xb2: {  	_ =	swait.ge [sflag:s29], $0x1  }
0xb3: {  	[sflag:s29] =	ssyncadd.s32 $0xFFFFFFFF  }
0xb4: {  	_ =	strace $0x9000004B  }
0xb5: {  	_ =	sfence  }
0xb6: {  	s30 =	sld [smem:$0x0];
	_ =	sdelay $0x2  }
0xb7: {  	s31 =	sshll.u32 s1, $0xD;
	s1 =	sshrl.u32 s1, $0x2  }
0xb8: {  	s3 =	sand.u32 $0x4000, s31;
	s1 =	sadd.s32 s1, s30  }
0xb9: {  	s0 =	sor.u32 s3, s0;
	s1 =	sshll.u32 s1, $0x11  }
0xba: {  	s0 =	sor.u32 s1, s0  }
0xbb: {  	s0 =	sadd.s32 $0x8F2B, s0  }
0xbc: {  	[sflag:s0] =	ssyncadd.remote.s32 $0x1  }
0xbd: {  	_ =	sfence.sel $0xFFFF  }
0xbe: {  	[dreg:$0x0] =	wrdreg $0xFFFFFFFF;
	(pc) =	sbr.abs _section_cstart, $3  }
0xbf: {  	[dreg:$0x1] =	wrdreg $0xFFFFFFFF  }
0xc0: {  	_ =	task.clear_ibuf [dreg:s6], $0x2FFFF;
	_ =	strace $0x9FFFFFFF  }
0xc1: {  	(tm) =	ssettm $0x7FFFFFFF  }
tec
execute0_lowered:
.L_overlay_start_1:
0x0: {  	(tag) =	ssettag $0x1  }
0x1: {  	s1 =	srdreg.scid  }
0x2: {  	s0 =	stileid.u32;
	s5 =	sand.u32 $0x1, s1  }
0x3: {  	s9 =	sshll.u32 s0, $0xE;
	s2 =	sshll.u32 s5, $0xD  }
0x4: {  	s4 =	rddreg [dreg:$0x0];
	s3 =	sor.u32 s2, s9;
	s2 =	simm.s32 $0x0  }
0x5: {  	s10 =	simm.s32 $0x900;
	[smem:$0x7FF] =	sst s2  }
0x6: {  	s11 =	simm.s32 $0x1100;
	_ =	strace $0x8000004A;
	[dreg:$0x4] =	wrdreg s10  }
0x7: {  	s12 =	simm.s32 $0x1900;
	[dreg:$0x5] =	wrdreg s11  }
0x8: {  	s13 =	simm.s32 $0x2100;
	[dreg:$0x6] =	wrdreg s12  }
0x9: {  	s14 =	simm.s32 $0x2900;
	[dreg:$0x7] =	wrdreg s13  }
0xa: {  	s15 =	simm.s32 $0x3100;
	[dreg:$0x8] =	wrdreg s14  }
0xb: {  	s16 =	simm.s32 $0x3900;
	s18 =	simm.s32 $0x4100;
	[dreg:$0x9] =	wrdreg s15  }
0xc: {  	s19 =	simm.s32 $0x4900;
	s21 =	simm.s32 $0x5100;
	[dreg:$0xa] =	wrdreg s16  }
0xd: {  	s22 =	simm.s32 $0x5900;
	s23 =	simm.s32 $0x6100;
	[dreg:$0xb] =	wrdreg s18  }
0xe: {  	s25 =	simm.s32 $0x6900;
	s26 =	simm.s32 $0x7100;
	[dreg:$0xc] =	wrdreg s19  }
0xf: {  	s30 =	simm.s32 $0x7900;
	s31 =	simm.s32 $0x80;
	[dreg:$0xd] =	wrdreg s21  }
0x10: {  	s28 =	simm.s32 $0x4;
	s29 =	simm.s32 $0x0;
	[dreg:$0xe] =	wrdreg s22  }
0x11: {  	s7 =	sadd.s32 $0x101A00, s4;
	s17 =	sshll.u32 s0, $0x13;
	[dreg:$0xf] =	wrdreg s23  }
0x12: {  	s20 =	ssub.s32 $0x2, s5;
	s5 =	sshll.u32 s5, $0x12;
	[dreg:$0x10] =	wrdreg s25  }
0x13: {  	s8 =	sshrl.u32 s20, $0x1;
	s9 =	simm.s32 $0x8900;
	[dreg:$0x11] =	wrdreg s26  }
0x14: {  	s6 =	sor.u32 $0x80, s3;
	s3 =	sshrl.u32 s3, $0x3;
	[dreg:$0x12] =	wrdreg s30  }
0x15: {  	s6 =	sshrl.u32 s6, $0x3;
	s3 =	sadd.s32 s3, s7;
	[dreg:$0x13] =	wrdreg s31  }
0x16: {  	s10 =	simm.s32 $0x9100;
	s11 =	simm.s32 $0x9900;
	s12 =	simm.s32 $0xA100  }
0x17: {  	s13 =	simm.s32 $0xA900;
	s14 =	simm.s32 $0xB100;
	s15 =	simm.s32 $0xB900  }
0x18: {  	s16 =	simm.s32 $0xC100;
	s18 =	simm.s32 $0xD100;
	s19 =	simm.s32 $0xD900  }
0x19: {  	s21 =	simm.s32 $0xE900;
	s22 =	simm.s32 $0xF100;
	s23 =	simm.s32 $0xF900  }
0x1a: {  	s25 =	simm.s32 $0x2;
	s26 =	simm.s32 $0x3;
	s6 =	sadd.s32 s6, s7  }
0x1b: {  	[dreg:$0x3] =	wrdreg s3;
	s3 =	sadd.s32 $0x1A00, s4;
	s7 =	sadd.s32 s17, s4  }
0x1c: {  	s17 =	simm.s32 $0xC900;
	[dreg:$0x2] =	wrdreg s6;
	s6 =	ssub.s32 s20, s8  }
0x1d: {  	v2 =	vlaneseq.u32;
	s5 =	sadd.s32 s5, s7;
	s7 =	simm.s32 $0x100;
	s8 =	simm.s32 $0x8100  }
0x1e: {  	vm0 =	vmmov $0xffff;
	v1 =	vshrl.u32 v2, $0x3;
	s20 =	simm.s32 $0xE100;
	s24 =	smax.u32 s6, $0x1;
	s5 =	sadd.s32 $0x10AA00, s5  }
0x1f: {  	v0 =	vand.u32 $0x7, v2;
	v2 =	vor.u32 $0x8, v2;
	v1 =	vmul.u32 $0x8, v1;
	s6 =	simm.s32 $0x5;
	[dreg:$0x14] =	wrdreg s24;
	s24 =	simm.s32 $0x1  }
.LBB2_1:
0x20: {  	s30 =	smov.u32 s5;
	s31 =	simm.s32 $0x0  }
.LBB2_2:
0x21: {  	s1 =	rddreg [dreg:$0x3]  }
0x22: {  	s1 =	sadd.s32 s31, s1  }
0x23: {  	[tilespmem:s2], [sflag:$0x5] =	stream.linear.gather [hbm4b:s1+s2], $0x80, $0x38;
	[tilespmem:$0x10100] =	vst v63  }
0x24: {  	_ =	swait.ge [sflag:s6], $0x80  }
0x25: {  	[sflag:s6] =	ssyncset.done $0x0  }
0x26: {  	[sflag:s6] =	ssyncadd.s32 $0xFFFFFF80  }
0x27: {  	v3 =	vld [tilespmem:$0x0];
	_ =	sdelay $0x4  }
0x28: {  	v4 =	vshll.u32 v3, $0x1  }
0x29: {  	v3 =	vand.u32 $0x7, v3;
	v4 =	vand.u32 $0xFFFFFFF0, v4  }
0x2a: {  	v3 =	vor.u32 v3, v4  }
0x2b: {  	v4 =	vperm.xlane v3, v0;
	_ =	sdelay $0x1  }
0x2c: {  	v3 =	vperm.xlane v3, v2;
	v4 =	vadd.s32 v1, v4;
	_ =	sdelay $0x1  }
0x2d: {  	v3 =	vadd.s32 v1, v3;
	_ =	sdelay $0x2  }
0x2e: {  	[tilespmem:s7], [sflag:$0x1] =	stream.indirect_vreg.gather [hbm4b:s3+s2], $0x80, v4, vm0, $0xb8;
	[tilespmem:$0x10100] =	vst v63  }
0x2f: {  	s0 =	rddreg [dreg:$0x4]  }
0x30: {  	[tilespmem:s0], [sflag:$0x1] =	stream.indirect_vreg.gather [hbm4b:s3+s2], $0x80, v3, vm0, $0xb8;
	[tilespmem:$0x10100] =	vst v63  }
0x31: {  	v3 =	vld [tilespmem:$0x10];
	_ =	sdelay $0x4  }
0x32: {  	v49 =	vshll.u32 v3, $0x1  }
0x33: {  	v3 =	vand.u32 $0x7, v3;
	v4 =	vand.u32 $0xFFFFFFF0, v49  }
0x34: {  	v3 =	vor.u32 v3, v4  }
0x35: {  	v4 =	vperm.xlane v3, v0;
	_ =	sdelay $0x1  }
0x36: {  	v3 =	vperm.xlane v3, v2;
	v4 =	vadd.s32 v1, v4;
	_ =	sdelay $0x1  }
0x37: {  	v3 =	vadd.s32 v1, v3;
	_ =	sdelay $0x1  }
0x38: {  	s4 =	rddreg [dreg:$0x5]  }
0x39: {  	[tilespmem:s4], [sflag:$0x1] =	stream.indirect_vreg.gather [hbm4b:s3+s2], $0x80, v4, vm0, $0xb8;
	[tilespmem:$0x10100] =	vst v63  }
0x3a: {  	s0 =	rddreg [dreg:$0x6]  }
0x3b: {  	[tilespmem:s0], [sflag:$0x1] =	stream.indirect_vreg.gather [hbm4b:s3+s2], $0x80, v3, vm0, $0xb8;
	[tilespmem:$0x10100] =	vst v63  }
0x3c: {  	v3 =	vld [tilespmem:$0x20];
	_ =	sdelay $0x4  }
0x3d: {  	v50 =	vshll.u32 v3, $0x1  }
0x3e: {  	v3 =	vand.u32 $0x7, v3;
	v4 =	vand.u32 $0xFFFFFFF0, v50  }
0x3f: {  	v3 =	vor.u32 v3, v4  }
0x40: {  	v4 =	vperm.xlane v3, v0;
	_ =	sdelay $0x1  }
0x41: {  	v3 =	vperm.xlane v3, v2;
	v4 =	vadd.s32 v1, v4;
	_ =	sdelay $0x1  }
0x42: {  	v3 =	vadd.s32 v1, v3;
	_ =	sdelay $0x1  }
0x43: {  	s1 =	rddreg [dreg:$0x7]  }
0x44: {  	[tilespmem:s1], [sflag:$0x1] =	stream.indirect_vreg.gather [hbm4b:s3+s2], $0x80, v4, vm0, $0xb8;
	[tilespmem:$0x10100] =	vst v63  }
0x45: {  	s4 =	rddreg [dreg:$0x8]  }
0x46: {  	[tilespmem:s4], [sflag:$0x1] =	stream.indirect_vreg.gather [hbm4b:s3+s2], $0x80, v3, vm0, $0xb8;
	[tilespmem:$0x10100] =	vst v63  }
0x47: {  	v3 =	vld [tilespmem:$0x30];
	_ =	sdelay $0x4  }
0x48: {  	v51 =	vshll.u32 v3, $0x1  }
0x49: {  	v3 =	vand.u32 $0x7, v3;
	v4 =	vand.u32 $0xFFFFFFF0, v51  }
0x4a: {  	v3 =	vor.u32 v3, v4  }
0x4b: {  	v4 =	vperm.xlane v3, v0;
	_ =	sdelay $0x1  }
0x4c: {  	v3 =	vperm.xlane v3, v2;
	v4 =	vadd.s32 v1, v4;
	_ =	sdelay $0x1  }
0x4d: {  	v3 =	vadd.s32 v1, v3;
	_ =	sdelay $0x1  }
0x4e: {  	s1 =	rddreg [dreg:$0x9]  }
0x4f: {  	[tilespmem:s1], [sflag:$0x1] =	stream.indirect_vreg.gather [hbm4b:s3+s2], $0x80, v4, vm0, $0xb8;
	[tilespmem:$0x10100] =	vst v63  }
0x50: {  	s4 =	rddreg [dreg:$0xa]  }
0x51: {  	[tilespmem:s4], [sflag:$0x1] =	stream.indirect_vreg.gather [hbm4b:s3+s2], $0x80, v3, vm0, $0xb8;
	[tilespmem:$0x10100] =	vst v63  }
0x52: {  	v3 =	vld [tilespmem:$0x40];
	_ =	sdelay $0x4  }
0x53: {  	v52 =	vshll.u32 v3, $0x1  }
0x54: {  	v3 =	vand.u32 $0x7, v3;
	v4 =	vand.u32 $0xFFFFFFF0, v52  }
0x55: {  	v3 =	vor.u32 v3, v4  }
0x56: {  	v4 =	vperm.xlane v3, v0;
	_ =	sdelay $0x1  }
0x57: {  	v3 =	vperm.xlane v3, v2;
	v4 =	vadd.s32 v1, v4;
	_ =	sdelay $0x1  }
0x58: {  	v3 =	vadd.s32 v1, v3;
	_ =	sdelay $0x1  }
0x59: {  	s1 =	rddreg [dreg:$0xb]  }
0x5a: {  	[tilespmem:s1], [sflag:$0x1] =	stream.indirect_vreg.gather [hbm4b:s3+s2], $0x80, v4, vm0, $0xb8;
	[tilespmem:$0x10100] =	vst v63  }
0x5b: {  	s4 =	rddreg [dreg:$0xc]  }
0x5c: {  	[tilespmem:s4], [sflag:$0x1] =	stream.indirect_vreg.gather [hbm4b:s3+s2], $0x80, v3, vm0, $0xb8;
	[tilespmem:$0x10100] =	vst v63  }
0x5d: {  	v3 =	vld [tilespmem:$0x50];
	_ =	sdelay $0x4  }
0x5e: {  	v53 =	vshll.u32 v3, $0x1  }
0x5f: {  	v3 =	vand.u32 $0x7, v3;
	v4 =	vand.u32 $0xFFFFFFF0, v53  }
0x60: {  	v3 =	vor.u32 v3, v4  }
0x61: {  	v4 =	vperm.xlane v3, v0;
	_ =	sdelay $0x1  }
0x62: {  	v3 =	vperm.xlane v3, v2;
	v4 =	vadd.s32 v1, v4;
	_ =	sdelay $0x1  }
0x63: {  	v3 =	vadd.s32 v1, v3;
	_ =	sdelay $0x1  }
0x64: {  	s1 =	rddreg [dreg:$0xd]  }
0x65: {  	[tilespmem:s1], [sflag:$0x1] =	stream.indirect_vreg.gather [hbm4b:s3+s2], $0x80, v4, vm0, $0xb8;
	[tilespmem:$0x10100] =	vst v63  }
0x66: {  	s4 =	rddreg [dreg:$0xe]  }
0x67: {  	[tilespmem:s4], [sflag:$0x1] =	stream.indirect_vreg.gather [hbm4b:s3+s2], $0x80, v3, vm0, $0xb8;
	[tilespmem:$0x10100] =	vst v63  }
0x68: {  	v3 =	vld [tilespmem:$0x60];
	_ =	sdelay $0x4  }
0x69: {  	v54 =	vshll.u32 v3, $0x1  }
0x6a: {  	v3 =	vand.u32 $0x7, v3;
	v4 =	vand.u32 $0xFFFFFFF0, v54  }
0x6b: {  	v3 =	vor.u32 v3, v4  }
0x6c: {  	v4 =	vperm.xlane v3, v0;
	_ =	sdelay $0x1  }
0x6d: {  	v3 =	vperm.xlane v3, v2;
	v4 =	vadd.s32 v1, v4;
	_ =	sdelay $0x1  }
0x6e: {  	v3 =	vadd.s32 v1, v3;
	_ =	sdelay $0x1  }
0x6f: {  	s1 =	rddreg [dreg:$0xf]  }
0x70: {  	[tilespmem:s1], [sflag:$0x1] =	stream.indirect_vreg.gather [hbm4b:s3+s2], $0x80, v4, vm0, $0xb8;
	[tilespmem:$0x10100] =	vst v63  }
0x71: {  	s4 =	rddreg [dreg:$0x10]  }
0x72: {  	[tilespmem:s4], [sflag:$0x1] =	stream.indirect_vreg.gather [hbm4b:s3+s2], $0x80, v3, vm0, $0xb8;
	[tilespmem:$0x10100] =	vst v63  }
0x73: {  	v3 =	vld [tilespmem:$0x70];
	_ =	sdelay $0x4  }
0x74: {  	v55 =	vshll.u32 v3, $0x1  }
0x75: {  	v3 =	vand.u32 $0x7, v3;
	v4 =	vand.u32 $0xFFFFFFF0, v55  }
0x76: {  	v3 =	vor.u32 v3, v4  }
0x77: {  	v4 =	vperm.xlane v3, v0;
	_ =	sdelay $0x1  }
0x78: {  	v3 =	vperm.xlane v3, v2;
	v4 =	vadd.s32 v1, v4;
	_ =	sdelay $0x1  }
0x79: {  	v3 =	vadd.s32 v1, v3  }
0x7a: {  	s0 =	rddreg [dreg:$0x12]  }
0x7b: {  	s4 =	rddreg [dreg:$0x11]  }
0x7c: {  	[tilespmem:s4], [sflag:$0x1] =	stream.indirect_vreg.gather [hbm4b:s3+s2], $0x80, v4, vm0, $0xb8;
	[tilespmem:$0x10100] =	vst v63  }
0x7d: {  	s1 =	rddreg [dreg:$0x2]  }
0x7e: {  	[tilespmem:s0], [sflag:$0x1] =	stream.indirect_vreg.gather [hbm4b:s3+s2], $0x80, v3, vm0, $0xb8;
	[tilespmem:$0x10100] =	vst v63  }
0x7f: {  	s1 =	sadd.s32 s31, s1;
	s4 =	rddreg [dreg:$0x13]  }
0x80: {  	[tilespmem:s4], [sflag:$0x5] =	stream.linear.gather [hbm4b:s1+s2], $0x80, $0x38;
	[tilespmem:$0x10100] =	vst v63  }
0x81: {  	_ =	swait.ge [sflag:s6], $0x80  }
0x82: {  	[sflag:s6] =	ssyncset.done $0x0  }
0x83: {  	[sflag:s6] =	ssyncadd.s32 $0xFFFFFF80  }
0x84: {  	v3 =	vld [tilespmem:$0x80];
	_ =	sdelay $0x4  }
0x85: {  	v56 =	vshll.u32 v3, $0x1  }
0x86: {  	v3 =	vand.u32 $0x7, v3;
	v4 =	vand.u32 $0xFFFFFFF0, v56  }
0x87: {  	v3 =	vor.u32 v3, v4  }
0x88: {  	v4 =	vperm.xlane v3, v0;
	_ =	sdelay $0x1  }
0x89: {  	v3 =	vperm.xlane v3, v2;
	v4 =	vadd.s32 v1, v4;
	_ =	sdelay $0x1  }
0x8a: {  	v3 =	vadd.s32 v1, v3;
	_ =	sdelay $0x2  }
0x8b: {  	[tilespmem:s8], [sflag:$0x2] =	stream.indirect_vreg.gather [hbm4b:s3+s2], $0x80, v4, vm0, $0xb8;
	[tilespmem:$0x10100] =	vst v63  }
0x8c: {  	_ = 	snop  }
0x8d: {  	[tilespmem:s9], [sflag:$0x2] =	stream.indirect_vreg.gather [hbm4b:s3+s2], $0x80, v3, vm0, $0xb8;
	[tilespmem:$0x10100] =	vst v63  }
0x8e: {  	v3 =	vld [tilespmem:$0x90];
	_ =	sdelay $0x4  }
0x8f: {  	v57 =	vshll.u32 v3, $0x1  }
0x90: {  	v3 =	vand.u32 $0x7, v3;
	v4 =	vand.u32 $0xFFFFFFF0, v57  }
0x91: {  	v3 =	vor.u32 v3, v4  }
0x92: {  	v4 =	vperm.xlane v3, v0;
	_ =	sdelay $0x1  }
0x93: {  	v3 =	vperm.xlane v3, v2;
	v4 =	vadd.s32 v1, v4;
	_ =	sdelay $0x1  }
0x94: {  	v3 =	vadd.s32 v1, v3;
	_ =	sdelay $0x2  }
0x95: {  	[tilespmem:s10], [sflag:$0x2] =	stream.indirect_vreg.gather [hbm4b:s3+s2], $0x80, v4, vm0, $0xb8;
	[tilespmem:$0x10100] =	vst v63  }
0x96: {  	_ = 	snop  }
0x97: {  	[tilespmem:s11], [sflag:$0x2] =	stream.indirect_vreg.gather [hbm4b:s3+s2], $0x80, v3, vm0, $0xb8;
	[tilespmem:$0x10100] =	vst v63  }
0x98: {  	v3 =	vld [tilespmem:$0xA0];
	_ =	sdelay $0x4  }
0x99: {  	v58 =	vshll.u32 v3, $0x1  }
0x9a: {  	v3 =	vand.u32 $0x7, v3;
	v4 =	vand.u32 $0xFFFFFFF0, v58  }
0x9b: {  	v3 =	vor.u32 v3, v4  }
0x9c: {  	v4 =	vperm.xlane v3, v0;
	_ =	sdelay $0x1  }
0x9d: {  	v3 =	vperm.xlane v3, v2;
	v4 =	vadd.s32 v1, v4;
	_ =	sdelay $0x1  }
0x9e: {  	v3 =	vadd.s32 v1, v3;
	_ =	sdelay $0x2  }
0x9f: {  	[tilespmem:s12], [sflag:$0x2] =	stream.indirect_vreg.gather [hbm4b:s3+s2], $0x80, v4, vm0, $0xb8;
	[tilespmem:$0x10100] =	vst v63  }
0xa0: {  	_ = 	snop  }
0xa1: {  	[tilespmem:s13], [sflag:$0x2] =	stream.indirect_vreg.gather [hbm4b:s3+s2], $0x80, v3, vm0, $0xb8;
	[tilespmem:$0x10100] =	vst v63  }
0xa2: {  	v3 =	vld [tilespmem:$0xB0];
	_ =	sdelay $0x4  }
0xa3: {  	v59 =	vshll.u32 v3, $0x1  }
0xa4: {  	v3 =	vand.u32 $0x7, v3;
	v4 =	vand.u32 $0xFFFFFFF0, v59  }
0xa5: {  	v3 =	vor.u32 v3, v4  }
0xa6: {  	v4 =	vperm.xlane v3, v0;
	_ =	sdelay $0x1  }
0xa7: {  	v3 =	vperm.xlane v3, v2;
	v4 =	vadd.s32 v1, v4;
	_ =	sdelay $0x1  }
0xa8: {  	v3 =	vadd.s32 v1, v3;
	_ =	sdelay $0x2  }
0xa9: {  	[tilespmem:s14], [sflag:$0x2] =	stream.indirect_vreg.gather [hbm4b:s3+s2], $0x80, v4, vm0, $0xb8;
	[tilespmem:$0x10100] =	vst v63  }
0xaa: {  	_ = 	snop  }
0xab: {  	[tilespmem:s15], [sflag:$0x2] =	stream.indirect_vreg.gather [hbm4b:s3+s2], $0x80, v3, vm0, $0xb8;
	[tilespmem:$0x10100] =	vst v63  }
0xac: {  	v3 =	vld [tilespmem:$0xC0];
	_ =	sdelay $0x4  }
0xad: {  	v60 =	vshll.u32 v3, $0x1  }
0xae: {  	v3 =	vand.u32 $0x7, v3;
	v4 =	vand.u32 $0xFFFFFFF0, v60  }
0xaf: {  	v3 =	vor.u32 v3, v4  }
0xb0: {  	v4 =	vperm.xlane v3, v0;
	_ =	sdelay $0x1  }
0xb1: {  	v3 =	vperm.xlane v3, v2;
	v4 =	vadd.s32 v1, v4;
	_ =	sdelay $0x1  }
0xb2: {  	v3 =	vadd.s32 v1, v3;
	_ =	sdelay $0x2  }
0xb3: {  	[tilespmem:s16], [sflag:$0x2] =	stream.indirect_vreg.gather [hbm4b:s3+s2], $0x80, v4, vm0, $0xb8;
	[tilespmem:$0x10100] =	vst v63  }
0xb4: {  	_ = 	snop  }
0xb5: {  	[tilespmem:s17], [sflag:$0x2] =	stream.indirect_vreg.gather [hbm4b:s3+s2], $0x80, v3, vm0, $0xb8;
	[tilespmem:$0x10100] =	vst v63  }
0xb6: {  	v3 =	vld [tilespmem:$0xD0];
	_ =	sdelay $0x4  }
0xb7: {  	v61 =	vshll.u32 v3, $0x1  }
0xb8: {  	v3 =	vand.u32 $0x7, v3;
	v4 =	vand.u32 $0xFFFFFFF0, v61  }
0xb9: {  	v3 =	vor.u32 v3, v4  }
0xba: {  	v4 =	vperm.xlane v3, v0;
	_ =	sdelay $0x1  }
0xbb: {  	v3 =	vperm.xlane v3, v2;
	v4 =	vadd.s32 v1, v4;
	_ =	sdelay $0x1  }
0xbc: {  	v3 =	vadd.s32 v1, v3;
	_ =	sdelay $0x2  }
0xbd: {  	[tilespmem:s18], [sflag:$0x2] =	stream.indirect_vreg.gather [hbm4b:s3+s2], $0x80, v4, vm0, $0xb8;
	[tilespmem:$0x10100] =	vst v63  }
0xbe: {  	_ = 	snop  }
0xbf: {  	[tilespmem:s19], [sflag:$0x2] =	stream.indirect_vreg.gather [hbm4b:s3+s2], $0x80, v3, vm0, $0xb8;
	[tilespmem:$0x10100] =	vst v63  }
0xc0: {  	v3 =	vld [tilespmem:$0xE0];
	_ =	sdelay $0x4  }
0xc1: {  	v62 =	vshll.u32 v3, $0x1  }
0xc2: {  	v3 =	vand.u32 $0x7, v3;
	v4 =	vand.u32 $0xFFFFFFF0, v62  }
0xc3: {  	v3 =	vor.u32 v3, v4  }
0xc4: {  	v4 =	vperm.xlane v3, v0;
	_ =	sdelay $0x1  }
0xc5: {  	v3 =	vperm.xlane v3, v2;
	v4 =	vadd.s32 v1, v4;
	_ =	sdelay $0x1  }
0xc6: {  	v3 =	vadd.s32 v1, v3;
	_ =	sdelay $0x2  }
0xc7: {  	[tilespmem:s20], [sflag:$0x2] =	stream.indirect_vreg.gather [hbm4b:s3+s2], $0x80, v4, vm0, $0xb8;
	[tilespmem:$0x10100] =	vst v63  }
0xc8: {  	_ = 	snop  }
0xc9: {  	[tilespmem:s21], [sflag:$0x2] =	stream.indirect_vreg.gather [hbm4b:s3+s2], $0x80, v3, vm0, $0xb8;
	[tilespmem:$0x10100] =	vst v63  }
0xca: {  	v3 =	vld [tilespmem:$0xF0];
	_ =	sdelay $0x4  }
0xcb: {  	v63 =	vshll.u32 v3, $0x1  }
0xcc: {  	v3 =	vand.u32 $0x7, v3;
	v4 =	vand.u32 $0xFFFFFFF0, v63  }
0xcd: {  	v3 =	vor.u32 v3, v4  }
0xce: {  	v4 =	vperm.xlane v3, v0;
	_ =	sdelay $0x1  }
0xcf: {  	v3 =	vperm.xlane v3, v2;
	v4 =	vadd.s32 v1, v4;
	_ =	sdelay $0x1  }
0xd0: {  	v3 =	vadd.s32 v1, v3;
	_ =	sdelay $0x2  }
0xd1: {  	[tilespmem:s22], [sflag:$0x2] =	stream.indirect_vreg.gather [hbm4b:s3+s2], $0x80, v4, vm0, $0xb8;
	[tilespmem:$0x10100] =	vst v63  }
0xd2: {  	_ = 	snop  }
0xd3: {  	[tilespmem:s23], [sflag:$0x2] =	stream.indirect_vreg.gather [hbm4b:s3+s2], $0x80, v3, vm0, $0xb8;
	[tilespmem:$0x10100] =	vst v63  }
0xd4: {  	_ =	swait.ge [sflag:s24], $0x8000  }
0xd5: {  	[sflag:s24] =	ssyncset.done $0x0  }
0xd6: {  	s4 =	sadd.s32 $0xFFFFF000, s30;
	[sflag:s24] =	ssyncadd.s32 $0xFFFF8000  }
0xd7: {  	[hbm4b:s4+s2] =	stream.linear.scatter [tilespmem:s7], [sflag:$0x3], $0x8000, $0x38;
	[tilespmem:$0x10100] =	vst v63  }
0xd8: {  	_ =	swait.ge [sflag:s25], $0x8000  }
0xd9: {  	[sflag:s25] =	ssyncset.done $0x0  }
0xda: {  	[sflag:s25] =	ssyncadd.s32 $0xFFFF8000  }
0xdb: {  	[hbm4b:s30+s2] =	stream.linear.scatter [tilespmem:s8], [sflag:$0x4], $0x8000, $0x38;
	[tilespmem:$0x10100] =	vst v63  }
0xdc: {  	p0 =	sne.s32 s31, $0x3E0;
	_ =	swait.ge [sflag:s26], $0x8000  }
.Ltmp0:
0xdd: {  	[sflag:s26] =	ssyncset.done $0x0;
	(pc) =	sbr.rel @p0 .LBB2_2-.Ltmp0, $4  }
0xde: {  	[sflag:s26] =	ssyncadd.s32 $0xFFFF8000  }
0xdf: {  	_ =	swait.ge [sflag:s28], $0x8000  }
0xe0: {  	[sflag:s28] =	ssyncset.done $0x0  }
0xe1: {  	s31 =	sadd.s32 $0x20, s31;
	s30 =	sadd.s32 $0x2000, s30;
	[sflag:s28] =	ssyncadd.s32 $0xFFFF8000  }
0xe2: {  	s29 =	sadd.s32 $0x1, s29;
	s0 =	rddreg [dreg:$0x14]  }
0xe3: {  	p0 =	sne.s32 s29, s0  }
.Ltmp1:
0xe4: {  	_ = 	snop;
	(pc) =	sbr.rel @p0 .LBB2_1-.Ltmp1, $1  }
0xe5: {  	_ =	sdelay $0x3  }
0xe6: {  	_ =	sfence.sel $0x180000  }
0xe7: {  	[bflag:$0x0] =	sbarrier.arrive $0xFFFF  }
0xe8: {  	_ =	strace $0x9000004A  }
0xe9: {  	s0 =	stileid.u32;
	[bflag:$0x2] =	sbarrier.arrive $0xFFFF  }
0xea: {  	p0 =	sne.s32 s0, $0x0;
	s0 =	rddreg [dreg:$0x1]  }
0xeb: {  	s0 =	sadd.s32 @!p0 $0x100000, s0  }
0xec: {  	[sflag:s0] =	ssyncadd.tile.s32 @!p0 $0x1;
	_ =	shalt  }
.Lfunc_end2:
_tile_overlayer_lowered:
.L_overlay_start_2:
0xed: {  	(tag) =	ssettag $0x2  }
0xee: {  	s0 =	rddreg [dreg:$0x0];
	s2 =	stileid.u32  }
0xef: {  	s1 =	rddreg [dreg:$0x1];
	p0 =	sne.s32 s2, $0x0  }
0xf0: {  	s3 =	rddreg [dreg:$0x2];
	[bflag:$0x3] =	sbarrier.arrive $0xFFFF;
	s2 =	simm.s32 @!p0 $0x1C05  }
0xf1: {  	[timem:s3], [sflag:s2] =	dma.local @!p0 [hbm:s0], s1  }
0xf2: {  	s0 =	simm.s32 @!p0 $0x5  }
0xf3: {  	_ =	swait.ge @!p0 [sflag:s0], s1  }
0xf4: {  	s1 =	ssub.s32 @!p0 $0x0, s1;
	[sflag:s0] =	ssyncset.done @!p0 $0x0  }
0xf5: {  	[sflag:s0] =	ssyncadd.s32 @!p0 s1  }
0xf6: {  	[bflag:$0x3] =	sbarrier.arrive $0xFFFF  }
0xf7: {  	_ =	shalt  }

// kernel: kernel.8.cloned.1.call-start
scs
__scs_entry_jumppad:
0x0: {  	(pc) =	sbr.rel $0x88, $3  }
0x1: {  	(tag) =	ssettag $0x0;
	lr =	simm.s32 $0x1  }
0x2: {  	[smem:$0x3F9F] =	sst lr;
	_ =	strace $0xD0000000  }
0x3: {  	_ = 	snop  }
0x4: {  	_ = 	snop  }
0x5: {  	_ = 	snop  }
0x6: {  	_ = 	snop  }
0x7: {  	_ = 	snop  }
__scs_overlays_trampoline_lowered:
0x8: {  	[smem:$0x3FAE] =	sst s0  }
0x9: {  	[smem:$0x3FAF] =	sst s1  }
0xa: {  	[smem:$0x3FB0] =	sst s2  }
0xb: {  	[smem:$0x3FB1] =	sst s3  }
0xc: {  	[smem:$0x3FB2] =	sst s4  }
0xd: {  	[smem:$0x3FB3] =	sst s5  }
0xe: {  	[smem:$0x3FB4] =	sst s6  }
0xf: {  	[smem:$0x3FB5] =	sst s7  }
0x10: {  	[smem:$0x3FB6] =	sst s8  }
0x11: {  	[smem:$0x3FB7] =	sst s9;
	s0 =	simm.s32 @!p0 $0x0  }
0x12: {  	s1 =	sld [smem:$0x3F9D];
	s0 =	simm.s32 @p0 $0x1  }
0x13: {  	[smem:$0x3FB8] =	sst s0;
	s0 =	simm.s32 @!p1 $0x0  }
0x14: {  	s2 =	sld [smem:$0x3F9C];
	s0 =	simm.s32 @p1 $0x1  }
0x15: {  	[smem:$0x3FB9] =	sst s0;
	s0 =	simm.s32 @!p2 $0x0  }
0x16: {  	s3 =	sld [smem:$0x3FDB];
	s0 =	simm.s32 @p2 $0x1  }
0x17: {  	s4 =	simm.s32 $0x1BF5;
	[smem:$0x3FBB] =	sst s0  }
0x18: {  	s0 =	sld [smem:$0x3F9E];
	_ =	swait.ge [sflag:s4], $0x0  }
0x19: {  	s7 =	sld [smem:$0x3F9F]  }
0x1a: {  	s8 =	sadd.s32 $0xFFFFE003, lr  }
0x1b: {  	s9 =	sadd.s32 $0xFFFFFEF7, lr;
	s5 =	simm.s32 $0xFFFFFFFF;
	p2 =	slt.u32 s8, $0xFFFFF086  }
0x1c: {  	p1 =	slt.u32 s9, $0xF7A;
	s5 =	simm.s32 @!p2 $0x0  }
0x1d: {  	s5 =	simm.s32 @p1 $0x1;
	p0 =	seq.s32 s7, s2  }
0x1e: {  	s7 =	smul.u32 @!p0 $0xF7A, s2;
	p2 =	seq.s32 @!p0 s5, $0x0  }
0x1f: {  	s9 =	smul.u32 $0xF7A, s1;
	s8 =	simm.s32 @!p0 $0x1BF5;
	p2 =	por !p2, p0  }
0x20: {  	[sflag:s8] =	ssyncset.s32 @!p0 $0xFFFFF086;
	s6 =	sadd.s32 @!p0 s3, s7;
	s7 =	simm.s32 @!p0 $0x108  }
0x21: {  	s3 =	sadd.s32 s3, s9;
	s6 =	sadd.s32 @!p0 $0x88, s6;
	s7 =	simm.s32 @p2 $0x1082  }
0x22: {  	[simem:s7], [sflag:s8] =	dma.local @!p0 [hbm:s6], $0xF7A  }
0x23: {  	s9 =	sor.u32 $0xD0000000, s2;
	s6 =	simm.s32 $0x108;
	_ =	swait.ge @!p0 [sflag:s8], $0x0  }
0x24: {  	s3 =	sadd.s32 $0x88, s3;
	s6 =	simm.s32 @!p1 $0x1082;
	[sflag:s4] =	ssyncset.s32 $0xFFFFF086  }
0x25: {  	[simem:s6], [sflag:s4] =	dma.local [hbm:s3], $0xF7A  }
0x26: {  	[smem:$0x3F9F] =	sst s1;
	(tag) =	ssettag s2;
	_ =	strace s9  }
0x27: {  	s1 =	sld [smem:$0x3FAF]  }
0x28: {  	s2 =	sld [smem:$0x3FB0]  }
0x29: {  	s4 =	sld [smem:$0x3FB2]  }
0x2a: {  	p0 =	seq.s32 s5, $0x0;
	s5 =	sld [smem:$0x3FB3]  }
0x2b: {  	s6 =	sld [smem:$0x3FB4]  }
0x2c: {  	s7 =	sld [smem:$0x3FB5]  }
0x2d: {  	s3 =	simm.s32 $0x108;
	s8 =	sld [smem:$0x3FB6]  }
0x2e: {  	s3 =	simm.s32 @!p0 $0x1082;
	s9 =	sld [smem:$0x3FB7]  }
0x2f: {  	lr =	sadd.s32 s0, s3;
	s0 =	sld [smem:$0x3FAE]  }
0x30: {  	s3 =	sld [smem:$0x3FB1]  }
0x31: {  	[smem:$0x3FBA] =	sst s10  }
0x32: {  	s10 =	sld [smem:$0x3FB8];
	_ =	sdelay $0x3  }
0x33: {  	p0 =	seq.s32 s10, $0x1;
	s10 =	sld [smem:$0x3FBA];
	_ =	sdelay $0x3  }
0x34: {  	[smem:$0x3FBA] =	sst s10  }
0x35: {  	s10 =	sld [smem:$0x3FB9];
	_ =	sdelay $0x3  }
0x36: {  	p1 =	seq.s32 s10, $0x1;
	s10 =	sld [smem:$0x3FBA];
	_ =	sdelay $0x3  }
0x37: {  	[smem:$0x3FBA] =	sst s10  }
0x38: {  	s10 =	sld [smem:$0x3FBB]  }
0x39: {  	_ = 	snop;
	(pc) =	sbr.ind lr, $3  }
0x3a: {  	_ = 	snop  }
0x3b: {  	_ = 	snop  }
0x3c: {  	p2 =	seq.s32 s10, $0x1;
	s10 =	sld [smem:$0x3FBA]  }
0x3d: {  	_ =	shalt  }
0x3e: {  	_ =	shalt  }
0x3f: {  	_ =	shalt  }
0x40: {  	_ =	shalt  }
0x41: {  	_ =	shalt  }
0x42: {  	_ =	shalt  }
0x43: {  	_ =	shalt  }
0x44: {  	_ =	shalt  }
0x45: {  	_ =	shalt  }
0x46: {  	_ =	shalt  }
0x47: {  	_ =	shalt  }
0x48: {  	_ =	shalt  }
0x49: {  	_ =	shalt  }
0x4a: {  	_ =	shalt  }
0x4b: {  	_ =	shalt  }
0x4c: {  	_ =	shalt  }
0x4d: {  	_ =	shalt  }
0x4e: {  	_ =	shalt  }
0x4f: {  	_ =	shalt  }
0x50: {  	_ =	shalt  }
0x51: {  	_ =	shalt  }
0x52: {  	_ =	shalt  }
0x53: {  	_ =	shalt  }
0x54: {  	_ =	shalt  }
0x55: {  	_ =	shalt  }
0x56: {  	_ =	shalt  }
0x57: {  	_ =	shalt  }
0x58: {  	_ =	shalt  }
0x59: {  	_ =	shalt  }
0x5a: {  	_ =	shalt  }
0x5b: {  	_ =	shalt  }
0x5c: {  	_ =	shalt  }
0x5d: {  	_ =	shalt  }
0x5e: {  	_ =	shalt  }
0x5f: {  	_ =	shalt  }
0x60: {  	_ =	shalt  }
0x61: {  	_ =	shalt  }
0x62: {  	_ =	shalt  }
0x63: {  	_ =	shalt  }
0x64: {  	_ =	shalt  }
0x65: {  	_ =	shalt  }
0x66: {  	_ =	shalt  }
0x67: {  	_ =	shalt  }
0x68: {  	_ =	shalt  }
0x69: {  	_ =	shalt  }
0x6a: {  	_ =	shalt  }
0x6b: {  	_ =	shalt  }
0x6c: {  	_ =	shalt  }
0x6d: {  	_ =	shalt  }
0x6e: {  	_ =	shalt  }
0x6f: {  	_ =	shalt  }
0x70: {  	_ =	shalt  }
0x71: {  	_ =	shalt  }
0x72: {  	_ =	shalt  }
0x73: {  	_ =	shalt  }
0x74: {  	_ =	shalt  }
0x75: {  	_ =	shalt  }
0x76: {  	_ =	shalt  }
0x77: {  	_ =	shalt  }
0x78: {  	_ =	shalt  }
0x79: {  	_ =	shalt  }
0x7a: {  	_ =	shalt  }
0x7b: {  	_ =	shalt  }
0x7c: {  	_ =	shalt  }
0x7d: {  	_ =	shalt  }
0x7e: {  	_ =	shalt  }
0x7f: {  	_ =	shalt  }
0x80: {  	_ =	shalt  }
0x81: {  	_ =	shalt  }
0x82: {  	_ =	shalt  }
0x83: {  	_ =	shalt  }
0x84: {  	_ =	shalt  }
0x85: {  	_ =	shalt  }
0x86: {  	_ =	shalt  }
0x87: {  	_ =	shalt  }
.Lfunc_end0:
.L_simem_size_0:
called_computation_lowered:
.L_overlay_start_0:
0x88: {  	s2 =	sld [smem:$0x3FD9]  }
0x89: {  	s3 =	sld [smem:$0x3FFE];
	_ =	sdelay $0x1  }
0x8a: {  	s1 =	srdreg.scid  }
0x8b: {  	s0 =	sand.u32 $0x1, s1  }
0x8c: {  	s17 =	sshll.u32 s0, $0xA;
	s2 =	sadd.s32 s3, s2  }
0x8d: {  	s2 =	sadd.s32 s2, s17  }
0x8e: {  	[smem:$0x3FC6] =	sst s2  }
0x8f: {  	_ = 	snop  }
0x90: {  	s2 =	sld [smem:$0x3FD0];
	(tm) =	ssettm $0x1  }
0x91: {  	s18 =	sld [smem:$0x3FFB];
	_ =	sdelay $0x3  }
0x92: {  	_ =	strace s18  }
0x93: {  	s3 =	sld [smem:$0x3FFC];
	_ =	sdelay $0x3  }
0x94: {  	_ =	strace s3  }
0x95: {  	s3 =	sld [smem:$0x3FFD];
	_ =	sdelay $0x3  }
0x96: {  	_ =	strace s3  }
0x97: {  	_ =	strace $0x8FFFFFFF  }
0x98: {  	s19 =	sld [smem:$0x3FDB];
	_ =	sdelay $0x1  }
0x99: {  	s4 =	simm.s32 $_scs_section_size  }
0x9a: {  	s5 =	simm.s32 $_size__tile_overlayer_lowered;
	s6 =	simm.s32 $_tile_overlayer_lowered  }
0x9b: {  	s22 =	simm.s32 $0x1BFF;
	s21 =	sshll.u32 s6, $0x1;
	s3 =	sadd.s32 s4, s19  }
0x9c: {  	s7 =	simm.s32 $0x0;
	s20 =	sshll.u32 s5, $0x1;
	s5 =	sadd.s32 s21, s3  }
0x9d: {  	[timem:s7], [sflag:s22] =	dma.local [hbm:s5], s20  }
0x9e: {  	_ =	swait.ge [sflag:s22], s20  }
0x9f: {  	s4 =	ssub.s32 $0x0, s20;
	[sflag:s22] =	ssyncset.done $0x0  }
0xa0: {  	[sflag:s22] =	ssyncadd.s32 s4;
	_ =	sdelay $0x1  }
0xa1: {  	s23 =	simm.s32 $0x1B8B  }
0xa2: {  	_ =	swait.ge [sflag:s23], $0x1  }
0xa3: {  	[sflag:s23] =	ssyncset.done $0x0  }
0xa4: {  	s25 =	simm.s32 $0x1B8E;
	s24 =	sld [smem:$0x3FFE];
	[sflag:s23] =	ssyncadd.s32 $0xFFFFFFFF  }
0xa5: {  	s26 =	simm.s32 $execute0_lowered;
	[smem:$0x3FD2] =	sst s25  }
0xa6: {  	s5 =	sshll.u32 s26, $0x1;
	_ =	strace $0x80000046;
	[dreg:$0x1] =	wrdreg $0xFFFFFFFF  }
0xa7: {  	s28 =	simm.s32 $_size_execute0_lowered;
	s3 =	sadd.s32 s3, s5;
	[dreg:$0x0] =	wrdreg $0x0  }
0xa8: {  	s5 =	sshll.u32 s28, $0x1;
	[dreg:$0x2] =	wrdreg s3  }
0xa9: {  	[dreg:$0x3] =	wrdreg s5  }
0xaa: {  	[dreg:$0x4] =	wrdreg $0xC0  }
0xab: {  	_ =	task [dreg:s7], $0x5FFFF  }
0xac: {  	[dreg:$0x1] =	wrdreg $0xFFFFFFFF  }
0xad: {  	[dreg:$0x0] =	wrdreg $0x60  }
0xae: {  	[dreg:$0x2] =	wrdreg s24  }
0xaf: {  	[dreg:$0x3] =	wrdreg s2  }
0xb0: {  	[dreg:$0x4] =	wrdreg $0x9  }
0xb1: {  	_ =	task.clear_ibuf [dreg:s7], $0x5FFFF;
	_ =	strace $0x90000046  }
0xb2: {  	s29 =	simm.s32 $0x9;
	_ =	strace $0x80000048  }
0xb3: {  	_ =	swait.ge [sflag:s29], $0x1  }
0xb4: {  	[sflag:s29] =	ssyncadd.s32 $0xFFFFFFFF  }
0xb5: {  	_ =	strace $0x90000048  }
0xb6: {  	_ =	sfence  }
0xb7: {  	s30 =	sld [smem:$0x0];
	_ =	sdelay $0x2  }
0xb8: {  	s31 =	sshll.u32 s1, $0xD;
	s1 =	sshrl.u32 s1, $0x2  }
0xb9: {  	s3 =	sand.u32 $0x4000, s31;
	s1 =	sadd.s32 s1, s30  }
0xba: {  	s0 =	sor.u32 s3, s0;
	s1 =	sshll.u32 s1, $0x11  }
0xbb: {  	s0 =	sor.u32 s1, s0  }
0xbc: {  	s0 =	sadd.s32 $0x8F2B, s0  }
0xbd: {  	[sflag:s0] =	ssyncadd.remote.s32 $0x1  }
0xbe: {  	_ =	sfence.sel $0xFFFF  }
0xbf: {  	[dreg:$0x0] =	wrdreg $0xFFFFFFFF;
	(pc) =	sbr.abs _section_cstart, $3  }
0xc0: {  	[dreg:$0x1] =	wrdreg $0xFFFFFFFF  }
0xc1: {  	_ =	task.clear_ibuf [dreg:s7], $0x2FFFF;
	_ =	strace $0x9FFFFFFF  }
0xc2: {  	(tm) =	ssettm $0x7FFFFFFF  }
0xc3: {  	_ =	shalt  }
tec
execute0_lowered:
.L_overlay_start_1:
0x0: {  	(tag) =	ssettag $0x1  }
0x1: {  	s0 =	rddreg [dreg:$0x0]  }
0x2: {  	s3 =	rddreg [dreg:$0x1];
	s2 =	srdreg.scid  }
0x3: {  	s1 =	stileid.u32;
	s15 =	simm.s32 $0x900;
	s16 =	simm.s32 $0x1100  }
0x4: {  	s17 =	simm.s32 $0x1900;
	s4 =	sand.u32 $0x1, s2;
	s2 =	simm.s32 $0x0  }
0x5: {  	s18 =	simm.s32 $0x2100;
	s19 =	simm.s32 $0x2900;
	[smem:$0x7FF] =	sst s2  }
0x6: {  	s20 =	simm.s32 $0x3100;
	_ =	strace $0x80000047;
	[dreg:$0x7] =	wrdreg s15  }
0x7: {  	s21 =	simm.s32 $0x3900;
	s23 =	simm.s32 $0x4100;
	[dreg:$0x8] =	wrdreg s16  }
0x8: {  	s24 =	simm.s32 $0x4900;
	s25 =	simm.s32 $0x5100;
	[dreg:$0x9] =	wrdreg s17  }
0x9: {  	s26 =	simm.s32 $0x5900;
	s10 =	simm.s32 $0x7900;
	[dreg:$0xa] =	wrdreg s18  }
0xa: {  	s11 =	simm.s32 $0x80;
	s12 =	simm.s32 $0x8100;
	[dreg:$0xb] =	wrdreg s19  }
0xb: {  	s28 =	simm.s32 $0xF900;
	s29 =	simm.s32 $0x1;
	[dreg:$0xc] =	wrdreg s20  }
0xc: {  	s30 =	simm.s32 $0x2;
	s31 =	simm.s32 $0x3;
	[dreg:$0xd] =	wrdreg s21  }
0xd: {  	s5 =	sshll.u32 s1, $0x9;
	s13 =	sadd.s32 $0x1600, s0;
	[dreg:$0xe] =	wrdreg s23  }
0xe: {  	s6 =	sshll.u32 s4, $0x8;
	s4 =	ssub.s32 $0x2, s4;
	[dreg:$0xf] =	wrdreg s24  }
0xf: {  	s5 =	sor.u32 s6, s5;
	s22 =	sshrl.u32 s4, $0x1;
	[dreg:$0x10] =	wrdreg s25  }
0x10: {  	[dreg:$0x11] =	wrdreg s26;
	s15 =	simm.s32 $0x9900;
	s16 =	simm.s32 $0xA100  }
0x11: {  	s17 =	simm.s32 $0xA900;
	s18 =	simm.s32 $0xB100;
	s19 =	simm.s32 $0xB900  }
0x12: {  	s20 =	simm.s32 $0xC100;
	s21 =	simm.s32 $0xC900;
	s23 =	simm.s32 $0xD900  }
0x13: {  	s24 =	simm.s32 $0xE100;
	s25 =	simm.s32 $0xE900;
	s26 =	simm.s32 $0xF100  }
0x14: {  	s7 =	sshrl.u32 s5, $0x3;
	s8 =	sor.u32 $0x80, s5;
	s5 =	sshll.u32 s5, $0x5  }
0x15: {  	s4 =	ssub.s32 s4, s22;
	s22 =	simm.s32 $0xD100;
	s7 =	sadd.s32 s13, s7  }
0x16: {  	s9 =	sshrl.u32 s8, $0x3;
	s5 =	sadd.s32 s3, s5;
	s14 =	sshll.u32 s8, $0x5  }
0x17: {  	s4 =	smax.u32 s4, $0x1;
	s8 =	simm.s32 $0x6900;
	[dreg:$0x3] =	wrdreg s7  }
0x18: {  	s6 =	sadd.s32 s13, s9;
	[dreg:$0x5] =	wrdreg s5;
	s3 =	sadd.s32 s3, s14  }
0x19: {  	v2 =	vlaneseq.u32;
	s5 =	simm.s32 $0x5;
	s9 =	simm.s32 $0x7100;
	[dreg:$0x4] =	wrdreg s6  }
0x1a: {  	vm0 =	vmmov $0xffff;
	v1 =	vshrl.u32 v2, $0x3;
	s13 =	simm.s32 $0x8900;
	s14 =	simm.s32 $0x9100;
	[dreg:$0x6] =	wrdreg s3  }
0x1b: {  	v0 =	vand.u32 $0x7, v2;
	v2 =	vor.u32 $0x8, v2;
	v1 =	vmul.u32 $0x8, v1;
	s3 =	sadd.s32 $0x1A00, s0;
	s6 =	simm.s32 $0x100;
	s0 =	simm.s32 $0x4  }
.LBB2_1:
0x1c: {  	s1 =	rddreg [dreg:$0x3]  }
0x1d: {  	[tilespmem:s2], [sflag:$0x5] =	stream.linear.gather [hbm4b:s1+s2], $0x80, $0x38;
	[tilespmem:$0x10100] =	vst v63  }
0x1e: {  	_ =	swait.ge [sflag:s5], $0x80  }
0x1f: {  	[sflag:s5] =	ssyncset.done $0x0  }
0x20: {  	[sflag:s5] =	ssyncadd.s32 $0xFFFFFF80  }
0x21: {  	v3 =	vld [tilespmem:$0x0];
	_ =	sdelay $0x4  }
0x22: {  	v4 =	vshll.u32 v3, $0x1  }
0x23: {  	v3 =	vand.u32 $0x7, v3;
	v4 =	vand.u32 $0xFFFFFFF0, v4  }
0x24: {  	v3 =	vor.u32 v3, v4  }
0x25: {  	v4 =	vperm.xlane v3, v0;
	_ =	sdelay $0x1  }
0x26: {  	v3 =	vperm.xlane v3, v2;
	v4 =	vadd.s32 v1, v4;
	_ =	sdelay $0x1  }
0x27: {  	v3 =	vadd.s32 v1, v3;
	_ =	sdelay $0x2  }
0x28: {  	[tilespmem:s6], [sflag:$0x1] =	stream.indirect_vreg.gather [hbm4b:s3+s2], $0x80, v4, vm0, $0xb8;
	[tilespmem:$0x10100] =	vst v63  }
0x29: {  	s7 =	rddreg [dreg:$0x7]  }
0x2a: {  	[tilespmem:s7], [sflag:$0x1] =	stream.indirect_vreg.gather [hbm4b:s3+s2], $0x80, v3, vm0, $0xb8;
	[tilespmem:$0x10100] =	vst v63  }
0x2b: {  	v3 =	vld [tilespmem:$0x10];
	_ =	sdelay $0x4  }
0x2c: {  	v49 =	vshll.u32 v3, $0x1  }
0x2d: {  	v3 =	vand.u32 $0x7, v3;
	v4 =	vand.u32 $0xFFFFFFF0, v49  }
0x2e: {  	v3 =	vor.u32 v3, v4  }
0x2f: {  	v4 =	vperm.xlane v3, v0;
	_ =	sdelay $0x1  }
0x30: {  	v3 =	vperm.xlane v3, v2;
	v4 =	vadd.s32 v1, v4;
	_ =	sdelay $0x1  }
0x31: {  	v3 =	vadd.s32 v1, v3;
	_ =	sdelay $0x1  }
0x32: {  	s1 =	rddreg [dreg:$0x8]  }
0x33: {  	[tilespmem:s1], [sflag:$0x1] =	stream.indirect_vreg.gather [hbm4b:s3+s2], $0x80, v4, vm0, $0xb8;
	[tilespmem:$0x10100] =	vst v63  }
0x34: {  	s7 =	rddreg [dreg:$0x9]  }
0x35: {  	[tilespmem:s7], [sflag:$0x1] =	stream.indirect_vreg.gather [hbm4b:s3+s2], $0x80, v3, vm0, $0xb8;
	[tilespmem:$0x10100] =	vst v63  }
0x36: {  	v3 =	vld [tilespmem:$0x20];
	_ =	sdelay $0x4  }
0x37: {  	v50 =	vshll.u32 v3, $0x1  }
0x38: {  	v3 =	vand.u32 $0x7, v3;
	v4 =	vand.u32 $0xFFFFFFF0, v50  }
0x39: {  	v3 =	vor.u32 v3, v4  }
0x3a: {  	v4 =	vperm.xlane v3, v0;
	_ =	sdelay $0x1  }
0x3b: {  	v3 =	vperm.xlane v3, v2;
	v4 =	vadd.s32 v1, v4;
	_ =	sdelay $0x1  }
0x3c: {  	v3 =	vadd.s32 v1, v3;
	_ =	sdelay $0x1  }
0x3d: {  	s1 =	rddreg [dreg:$0xa]  }
0x3e: {  	[tilespmem:s1], [sflag:$0x1] =	stream.indirect_vreg.gather [hbm4b:s3+s2], $0x80, v4, vm0, $0xb8;
	[tilespmem:$0x10100] =	vst v63  }
0x3f: {  	s7 =	rddreg [dreg:$0xb]  }
0x40: {  	[tilespmem:s7], [sflag:$0x1] =	stream.indirect_vreg.gather [hbm4b:s3+s2], $0x80, v3, vm0, $0xb8;
	[tilespmem:$0x10100] =	vst v63  }
0x41: {  	v3 =	vld [tilespmem:$0x30];
	_ =	sdelay $0x4  }
0x42: {  	v51 =	vshll.u32 v3, $0x1  }
0x43: {  	v3 =	vand.u32 $0x7, v3;
	v4 =	vand.u32 $0xFFFFFFF0, v51  }
0x44: {  	v3 =	vor.u32 v3, v4  }
0x45: {  	v4 =	vperm.xlane v3, v0;
	_ =	sdelay $0x1  }
0x46: {  	v3 =	vperm.xlane v3, v2;
	v4 =	vadd.s32 v1, v4;
	_ =	sdelay $0x1  }
0x47: {  	v3 =	vadd.s32 v1, v3;
	_ =	sdelay $0x1  }
0x48: {  	s1 =	rddreg [dreg:$0xc]  }
0x49: {  	[tilespmem:s1], [sflag:$0x1] =	stream.indirect_vreg.gather [hbm4b:s3+s2], $0x80, v4, vm0, $0xb8;
	[tilespmem:$0x10100] =	vst v63  }
0x4a: {  	s7 =	rddreg [dreg:$0xd]  }
0x4b: {  	[tilespmem:s7], [sflag:$0x1] =	stream.indirect_vreg.gather [hbm4b:s3+s2], $0x80, v3, vm0, $0xb8;
	[tilespmem:$0x10100] =	vst v63  }
0x4c: {  	v3 =	vld [tilespmem:$0x40];
	_ =	sdelay $0x4  }
0x4d: {  	v52 =	vshll.u32 v3, $0x1  }
0x4e: {  	v3 =	vand.u32 $0x7, v3;
	v4 =	vand.u32 $0xFFFFFFF0, v52  }
0x4f: {  	v3 =	vor.u32 v3, v4  }
0x50: {  	v4 =	vperm.xlane v3, v0;
	_ =	sdelay $0x1  }
0x51: {  	v3 =	vperm.xlane v3, v2;
	v4 =	vadd.s32 v1, v4;
	_ =	sdelay $0x1  }
0x52: {  	v3 =	vadd.s32 v1, v3;
	_ =	sdelay $0x1  }
0x53: {  	s1 =	rddreg [dreg:$0xe]  }
0x54: {  	[tilespmem:s1], [sflag:$0x1] =	stream.indirect_vreg.gather [hbm4b:s3+s2], $0x80, v4, vm0, $0xb8;
	[tilespmem:$0x10100] =	vst v63  }
0x55: {  	s7 =	rddreg [dreg:$0xf]  }
0x56: {  	[tilespmem:s7], [sflag:$0x1] =	stream.indirect_vreg.gather [hbm4b:s3+s2], $0x80, v3, vm0, $0xb8;
	[tilespmem:$0x10100] =	vst v63  }
0x57: {  	v3 =	vld [tilespmem:$0x50];
	_ =	sdelay $0x4  }
0x58: {  	v53 =	vshll.u32 v3, $0x1  }
0x59: {  	v3 =	vand.u32 $0x7, v3;
	v4 =	vand.u32 $0xFFFFFFF0, v53  }
0x5a: {  	v3 =	vor.u32 v3, v4  }
0x5b: {  	v4 =	vperm.xlane v3, v0;
	_ =	sdelay $0x1  }
0x5c: {  	v3 =	vperm.xlane v3, v2;
	v4 =	vadd.s32 v1, v4;
	_ =	sdelay $0x1  }
0x5d: {  	v3 =	vadd.s32 v1, v3;
	_ =	sdelay $0x1  }
0x5e: {  	s1 =	rddreg [dreg:$0x10]  }
0x5f: {  	[tilespmem:s1], [sflag:$0x1] =	stream.indirect_vreg.gather [hbm4b:s3+s2], $0x80, v4, vm0, $0xb8;
	[tilespmem:$0x10100] =	vst v63  }
0x60: {  	s7 =	rddreg [dreg:$0x11]  }
0x61: {  	[tilespmem:s7], [sflag:$0x1] =	stream.indirect_vreg.gather [hbm4b:s3+s2], $0x80, v3, vm0, $0xb8;
	[tilespmem:$0x10100] =	vst v63  }
0x62: {  	v3 =	vld [tilespmem:$0x60];
	_ =	sdelay $0x4  }
0x63: {  	v54 =	vshll.u32 v3, $0x1  }
0x64: {  	v3 =	vand.u32 $0x7, v3;
	v4 =	vand.u32 $0xFFFFFFF0, v54  }
0x65: {  	v3 =	vor.u32 v3, v4  }
0x66: {  	v4 =	vperm.xlane v3, v0;
	_ =	sdelay $0x1  }
0x67: {  	v3 =	vperm.xlane v3, v2;
	v4 =	vadd.s32 v1, v4;
	_ =	sdelay $0x1  }
0x68: {  	v3 =	vadd.s32 v1, v3;
	_ =	sdelay $0x1  }
0x69: {  	s7 =	simm.s32 $0x6100  }
0x6a: {  	[tilespmem:s7], [sflag:$0x1] =	stream.indirect_vreg.gather [hbm4b:s3+s2], $0x80, v4, vm0, $0xb8;
	[tilespmem:$0x10100] =	vst v63  }
0x6b: {  	_ = 	snop  }
0x6c: {  	[tilespmem:s8], [sflag:$0x1] =	stream.indirect_vreg.gather [hbm4b:s3+s2], $0x80, v3, vm0, $0xb8;
	[tilespmem:$0x10100] =	vst v63  }
0x6d: {  	v3 =	vld [tilespmem:$0x70];
	_ =	sdelay $0x4  }
0x6e: {  	v55 =	vshll.u32 v3, $0x1  }
0x6f: {  	v3 =	vand.u32 $0x7, v3;
	v4 =	vand.u32 $0xFFFFFFF0, v55  }
0x70: {  	v3 =	vor.u32 v3, v4  }
0x71: {  	v4 =	vperm.xlane v3, v0;
	_ =	sdelay $0x1  }
0x72: {  	v3 =	vperm.xlane v3, v2;
	v4 =	vadd.s32 v1, v4;
	_ =	sdelay $0x1  }
0x73: {  	v3 =	vadd.s32 v1, v3;
	_ =	sdelay $0x2  }
0x74: {  	[tilespmem:s9], [sflag:$0x1] =	stream.indirect_vreg.gather [hbm4b:s3+s2], $0x80, v4, vm0, $0xb8;
	[tilespmem:$0x10100] =	vst v63  }
0x75: {  	_ = 	snop  }
0x76: {  	[tilespmem:s10], [sflag:$0x1] =	stream.indirect_vreg.gather [hbm4b:s3+s2], $0x80, v3, vm0, $0xb8;
	[tilespmem:$0x10100] =	vst v63  }
0x77: {  	s7 =	rddreg [dreg:$0x4]  }
0x78: {  	[tilespmem:s11], [sflag:$0x5] =	stream.linear.gather [hbm4b:s7+s2], $0x80, $0x38;
	[tilespmem:$0x10100] =	vst v63  }
0x79: {  	_ =	swait.ge [sflag:s5], $0x80  }
0x7a: {  	[sflag:s5] =	ssyncset.done $0x0  }
0x7b: {  	[sflag:s5] =	ssyncadd.s32 $0xFFFFFF80  }
0x7c: {  	v3 =	vld [tilespmem:$0x80];
	_ =	sdelay $0x4  }
0x7d: {  	v56 =	vshll.u32 v3, $0x1  }
0x7e: {  	v3 =	vand.u32 $0x7, v3;
	v4 =	vand.u32 $0xFFFFFFF0, v56  }
0x7f: {  	v3 =	vor.u32 v3, v4  }
0x80: {  	v4 =	vperm.xlane v3, v0;
	_ =	sdelay $0x1  }
0x81: {  	v3 =	vperm.xlane v3, v2;
	v4 =	vadd.s32 v1, v4;
	_ =	sdelay $0x1  }
0x82: {  	v3 =	vadd.s32 v1, v3;
	_ =	sdelay $0x2  }
0x83: {  	[tilespmem:s12], [sflag:$0x2] =	stream.indirect_vreg.gather [hbm4b:s3+s2], $0x80, v4, vm0, $0xb8;
	[tilespmem:$0x10100] =	vst v63  }
0x84: {  	_ = 	snop  }
0x85: {  	[tilespmem:s13], [sflag:$0x2] =	stream.indirect_vreg.gather [hbm4b:s3+s2], $0x80, v3, vm0, $0xb8;
	[tilespmem:$0x10100] =	vst v63  }
0x86: {  	v3 =	vld [tilespmem:$0x90];
	_ =	sdelay $0x4  }
0x87: {  	v57 =	vshll.u32 v3, $0x1  }
0x88: {  	v3 =	vand.u32 $0x7, v3;
	v4 =	vand.u32 $0xFFFFFFF0, v57  }
0x89: {  	v3 =	vor.u32 v3, v4  }
0x8a: {  	v4 =	vperm.xlane v3, v0;
	_ =	sdelay $0x1  }
0x8b: {  	v3 =	vperm.xlane v3, v2;
	v4 =	vadd.s32 v1, v4;
	_ =	sdelay $0x1  }
0x8c: {  	v3 =	vadd.s32 v1, v3;
	_ =	sdelay $0x2  }
0x8d: {  	[tilespmem:s14], [sflag:$0x2] =	stream.indirect_vreg.gather [hbm4b:s3+s2], $0x80, v4, vm0, $0xb8;
	[tilespmem:$0x10100] =	vst v63  }
0x8e: {  	_ = 	snop  }
0x8f: {  	[tilespmem:s15], [sflag:$0x2] =	stream.indirect_vreg.gather [hbm4b:s3+s2], $0x80, v3, vm0, $0xb8;
	[tilespmem:$0x10100] =	vst v63  }
0x90: {  	v3 =	vld [tilespmem:$0xA0];
	_ =	sdelay $0x4  }
0x91: {  	v58 =	vshll.u32 v3, $0x1  }
0x92: {  	v3 =	vand.u32 $0x7, v3;
	v4 =	vand.u32 $0xFFFFFFF0, v58  }
0x93: {  	v3 =	vor.u32 v3, v4  }
0x94: {  	v4 =	vperm.xlane v3, v0;
	_ =	sdelay $0x1  }
0x95: {  	v3 =	vperm.xlane v3, v2;
	v4 =	vadd.s32 v1, v4;
	_ =	sdelay $0x1  }
0x96: {  	v3 =	vadd.s32 v1, v3;
	_ =	sdelay $0x2  }
0x97: {  	[tilespmem:s16], [sflag:$0x2] =	stream.indirect_vreg.gather [hbm4b:s3+s2], $0x80, v4, vm0, $0xb8;
	[tilespmem:$0x10100] =	vst v63  }
0x98: {  	_ = 	snop  }
0x99: {  	[tilespmem:s17], [sflag:$0x2] =	stream.indirect_vreg.gather [hbm4b:s3+s2], $0x80, v3, vm0, $0xb8;
	[tilespmem:$0x10100] =	vst v63  }
0x9a: {  	v3 =	vld [tilespmem:$0xB0];
	_ =	sdelay $0x4  }
0x9b: {  	v59 =	vshll.u32 v3, $0x1  }
0x9c: {  	v3 =	vand.u32 $0x7, v3;
	v4 =	vand.u32 $0xFFFFFFF0, v59  }
0x9d: {  	v3 =	vor.u32 v3, v4  }
0x9e: {  	v4 =	vperm.xlane v3, v0;
	_ =	sdelay $0x1  }
0x9f: {  	v3 =	vperm.xlane v3, v2;
	v4 =	vadd.s32 v1, v4;
	_ =	sdelay $0x1  }
0xa0: {  	v3 =	vadd.s32 v1, v3;
	_ =	sdelay $0x2  }
0xa1: {  	[tilespmem:s18], [sflag:$0x2] =	stream.indirect_vreg.gather [hbm4b:s3+s2], $0x80, v4, vm0, $0xb8;
	[tilespmem:$0x10100] =	vst v63  }
0xa2: {  	_ = 	snop  }
0xa3: {  	[tilespmem:s19], [sflag:$0x2] =	stream.indirect_vreg.gather [hbm4b:s3+s2], $0x80, v3, vm0, $0xb8;
	[tilespmem:$0x10100] =	vst v63  }
0xa4: {  	v3 =	vld [tilespmem:$0xC0];
	_ =	sdelay $0x4  }
0xa5: {  	v60 =	vshll.u32 v3, $0x1  }
0xa6: {  	v3 =	vand.u32 $0x7, v3;
	v4 =	vand.u32 $0xFFFFFFF0, v60  }
0xa7: {  	v3 =	vor.u32 v3, v4  }
0xa8: {  	v4 =	vperm.xlane v3, v0;
	_ =	sdelay $0x1  }
0xa9: {  	v3 =	vperm.xlane v3, v2;
	v4 =	vadd.s32 v1, v4;
	_ =	sdelay $0x1  }
0xaa: {  	v3 =	vadd.s32 v1, v3;
	_ =	sdelay $0x2  }
0xab: {  	[tilespmem:s20], [sflag:$0x2] =	stream.indirect_vreg.gather [hbm4b:s3+s2], $0x80, v4, vm0, $0xb8;
	[tilespmem:$0x10100] =	vst v63  }
0xac: {  	_ = 	snop  }
0xad: {  	[tilespmem:s21], [sflag:$0x2] =	stream.indirect_vreg.gather [hbm4b:s3+s2], $0x80, v3, vm0, $0xb8;
	[tilespmem:$0x10100] =	vst v63  }
0xae: {  	v3 =	vld [tilespmem:$0xD0];
	_ =	sdelay $0x4  }
0xaf: {  	v61 =	vshll.u32 v3, $0x1  }
0xb0: {  	v3 =	vand.u32 $0x7, v3;
	v4 =	vand.u32 $0xFFFFFFF0, v61  }
0xb1: {  	v3 =	vor.u32 v3, v4  }
0xb2: {  	v4 =	vperm.xlane v3, v0;
	_ =	sdelay $0x1  }
0xb3: {  	v3 =	vperm.xlane v3, v2;
	v4 =	vadd.s32 v1, v4;
	_ =	sdelay $0x1  }
0xb4: {  	v3 =	vadd.s32 v1, v3;
	_ =	sdelay $0x2  }
0xb5: {  	[tilespmem:s22], [sflag:$0x2] =	stream.indirect_vreg.gather [hbm4b:s3+s2], $0x80, v4, vm0, $0xb8;
	[tilespmem:$0x10100] =	vst v63  }
0xb6: {  	_ = 	snop  }
0xb7: {  	[tilespmem:s23], [sflag:$0x2] =	stream.indirect_vreg.gather [hbm4b:s3+s2], $0x80, v3, vm0, $0xb8;
	[tilespmem:$0x10100] =	vst v63  }
0xb8: {  	v3 =	vld [tilespmem:$0xE0];
	_ =	sdelay $0x4  }
0xb9: {  	v62 =	vshll.u32 v3, $0x1  }
0xba: {  	v3 =	vand.u32 $0x7, v3;
	v4 =	vand.u32 $0xFFFFFFF0, v62  }
0xbb: {  	v3 =	vor.u32 v3, v4  }
0xbc: {  	v4 =	vperm.xlane v3, v0;
	_ =	sdelay $0x1  }
0xbd: {  	v3 =	vperm.xlane v3, v2;
	v4 =	vadd.s32 v1, v4;
	_ =	sdelay $0x1  }
0xbe: {  	v3 =	vadd.s32 v1, v3;
	_ =	sdelay $0x2  }
0xbf: {  	[tilespmem:s24], [sflag:$0x2] =	stream.indirect_vreg.gather [hbm4b:s3+s2], $0x80, v4, vm0, $0xb8;
	[tilespmem:$0x10100] =	vst v63  }
0xc0: {  	_ = 	snop  }
0xc1: {  	[tilespmem:s25], [sflag:$0x2] =	stream.indirect_vreg.gather [hbm4b:s3+s2], $0x80, v3, vm0, $0xb8;
	[tilespmem:$0x10100] =	vst v63  }
0xc2: {  	v3 =	vld [tilespmem:$0xF0];
	_ =	sdelay $0x4  }
0xc3: {  	v63 =	vshll.u32 v3, $0x1  }
0xc4: {  	v3 =	vand.u32 $0x7, v3;
	v4 =	vand.u32 $0xFFFFFFF0, v63  }
0xc5: {  	v3 =	vor.u32 v3, v4  }
0xc6: {  	v4 =	vperm.xlane v3, v0;
	_ =	sdelay $0x1  }
0xc7: {  	v3 =	vperm.xlane v3, v2;
	v4 =	vadd.s32 v1, v4;
	_ =	sdelay $0x1  }
0xc8: {  	v3 =	vadd.s32 v1, v3;
	_ =	sdelay $0x2  }
0xc9: {  	[tilespmem:s26], [sflag:$0x2] =	stream.indirect_vreg.gather [hbm4b:s3+s2], $0x80, v4, vm0, $0xb8;
	[tilespmem:$0x10100] =	vst v63  }
0xca: {  	_ = 	snop  }
0xcb: {  	[tilespmem:s28], [sflag:$0x2] =	stream.indirect_vreg.gather [hbm4b:s3+s2], $0x80, v3, vm0, $0xb8;
	[tilespmem:$0x10100] =	vst v63  }
0xcc: {  	_ =	swait.ge [sflag:s29], $0x8000  }
0xcd: {  	[sflag:s29] =	ssyncset.done $0x0  }
0xce: {  	s7 =	rddreg [dreg:$0x5];
	[sflag:s29] =	ssyncadd.s32 $0xFFFF8000  }
0xcf: {  	[hbm4b:s7+s2] =	stream.linear.scatter [tilespmem:s6], [sflag:$0x3], $0x8000, $0x38;
	[tilespmem:$0x10100] =	vst v63  }
0xd0: {  	_ =	swait.ge [sflag:s30], $0x8000  }
0xd1: {  	[sflag:s30] =	ssyncset.done $0x0  }
0xd2: {  	s7 =	rddreg [dreg:$0x6];
	[sflag:s30] =	ssyncadd.s32 $0xFFFF8000  }
0xd3: {  	[hbm4b:s7+s2] =	stream.linear.scatter [tilespmem:s12], [sflag:$0x4], $0x8000, $0x38;
	[tilespmem:$0x10100] =	vst v63  }
0xd4: {  	p0 =	sne.s32 s4, $0x1;
	_ =	swait.ge [sflag:s31], $0x8000  }
.Ltmp0:
0xd5: {  	[sflag:s31] =	ssyncset.done $0x0;
	(pc) =	sbr.rel @p0 .LBB2_1-.Ltmp0, $4  }
0xd6: {  	[sflag:s31] =	ssyncadd.s32 $0xFFFF8000  }
0xd7: {  	_ =	swait.ge [sflag:s0], $0x8000  }
0xd8: {  	[sflag:s0] =	ssyncset.done $0x0  }
0xd9: {  	s4 =	sadd.s32 $0xFFFFFFFF, s4;
	[sflag:s0] =	ssyncadd.s32 $0xFFFF8000  }
0xda: {  	_ =	sfence.sel $0x180000  }
0xdb: {  	[bflag:$0x0] =	sbarrier.arrive $0xFFFF  }
0xdc: {  	_ =	strace $0x90000047  }
0xdd: {  	s0 =	stileid.u32;
	[bflag:$0x2] =	sbarrier.arrive $0xFFFF  }
0xde: {  	p0 =	sne.s32 s0, $0x0;
	s0 =	rddreg [dreg:$0x2]  }
0xdf: {  	s0 =	sadd.s32 @!p0 $0x100000, s0  }
0xe0: {  	[sflag:s0] =	ssyncadd.tile.s32 @!p0 $0x1;
	_ =	shalt  }
.Lfunc_end2:
_tile_overlayer_lowered:
.L_overlay_start_2:
0xe1: {  	(tag) =	ssettag $0x2  }
0xe2: {  	s0 =	rddreg [dreg:$0x0];
	s2 =	stileid.u32  }
0xe3: {  	s1 =	rddreg [dreg:$0x1];
	p0 =	sne.s32 s2, $0x0  }
0xe4: {  	s3 =	rddreg [dreg:$0x2];
	[bflag:$0x3] =	sbarrier.arrive $0xFFFF;
	s2 =	simm.s32 @!p0 $0x1C05  }
0xe5: {  	[timem:s3], [sflag:s2] =	dma.local @!p0 [hbm:s0], s1  }
0xe6: {  	s0 =	simm.s32 @!p0 $0x5  }
0xe7: {  	_ =	swait.ge @!p0 [sflag:s0], s1  }
0xe8: {  	s1 =	ssub.s32 @!p0 $0x0, s1;
	[sflag:s0] =	ssyncset.done @!p0 $0x0  }
0xe9: {  	[sflag:s0] =	ssyncadd.s32 @!p0 s1  }
0xea: {  	[bflag:$0x3] =	sbarrier.arrive $0xFFFF  }
0xeb: {  	_ =	shalt  }

</sc_bundles>
